<compile_context>
chip_gen: v7x
topology: tpu7x:2x2x1
jax: 0.10.2.dev20260603
libtpu: 0.0.44.dev20260713+nightly
codegen_flags: <defaults>
</compile_context>

<pallas_src>
import jax
import jax.numpy as jnp
from jax import lax
from jax.experimental import pallas as pl
from jax.experimental.pallas import tpu as pltpu
from jax.experimental.pallas import tpu_sc as plsc

VOCAB_ = 1000
EMB_ = 64
NW = 32
B_ = 1024
QR = 20 * 20
CR = 50 * 20
NBLK = B_ // 128
NS = 7
TV = EMB_ * B_


def _run_rows(idx_hbm, out_hbm, tv, idxv, stg, isem, ssem, lo, hi, cnt0,
              drain_dst):

    def row(r, cnt):
        h = pl.multiple_of((r % 2) * B_, B_)
        @pl.when(r + 1 < hi)
        def _():
            nh = ((r + 1) % 2) * B_
            pltpu.async_copy(
                idx_hbm.at[pl.ds(pl.multiple_of((r + 1) * B_, B_), B_)],
                idxv.at[pl.ds(pl.multiple_of(nh, B_), B_)],
                isem.at[(r + 1) % 2])

        pltpu.make_async_copy(
            idx_hbm.at[pl.ds(pl.multiple_of(r * B_, B_), B_)],
            idxv.at[pl.ds(h, B_)], isem.at[r % 2]).wait()

        def blk(k, cnt):
            s = cnt % NS
            b0 = pl.multiple_of(k * 128, 128)
            iv = [idxv[pl.ds(h + k * 128 + 16 * j, 16)] for j in range(8)]

            @pl.when(cnt >= NS)
            def _():
                pltpu.make_async_copy(stg.at[s], drain_dst, ssem.at[s]).wait()

            def erow(e, c):
                rowref = tv.at[pl.ds(pl.multiple_of(e * B_, B_), B_)]
                for j in range(8):
                    stg[s, e, pl.ds(16 * j, 16)] = plsc.load_gather(
                        rowref, [iv[j]])
                return c

            lax.fori_loop(0, EMB_, erow, 0, unroll=8)
            pltpu.async_copy(stg.at[s], out_hbm.at[r, :, pl.ds(b0, 128)],
                             ssem.at[s])
            return cnt + 1

        return lax.fori_loop(0, NBLK, blk, cnt)

    @pl.when(lo < hi)
    def _():
        pltpu.async_copy(
            idx_hbm.at[pl.ds(pl.multiple_of(lo * B_, B_), B_)],
            idxv.at[pl.ds(pl.multiple_of((lo % 2) * B_, B_), B_)],
            isem.at[lo % 2])
    return lax.fori_loop(lo, hi, row, cnt0)


def _body(qT_hbm, cT_hbm, tT_hbm, qout_hbm, cout_hbm,
          tv, idxv, stg, isem, ssem):
    wid = lax.axis_index("s") * 2 + lax.axis_index("c")

    pltpu.sync_copy(tT_hbm, tv)

    lo = (wid * (QR + CR)) // NW
    hi = ((wid + 1) * (QR + CR)) // NW
    drain = qout_hbm.at[0, :, pl.ds(0, 128)]
    cnt = _run_rows(qT_hbm, qout_hbm, tv, idxv, stg, isem, ssem,
                    jnp.minimum(lo, QR), jnp.minimum(hi, QR), 0, drain)
    cnt = _run_rows(cT_hbm, cout_hbm, tv, idxv, stg, isem, ssem,
                    jnp.maximum(lo, QR) - QR, jnp.maximum(hi, QR) - QR,
                    cnt, drain)

    for s in range(NS):
        pltpu.make_async_copy(stg.at[s], drain, ssem.at[s]).wait()


@jax.jit
def _run(qT, cT, tT):
    mesh = plsc.VectorSubcoreMesh(core_axis_name="c", subcore_axis_name="s")
    f = pl.kernel(
        _body,
        out_type=(
            jax.ShapeDtypeStruct((QR, EMB_, B_), jnp.float32),
            jax.ShapeDtypeStruct((CR, EMB_, B_), jnp.float32),
        ),
        mesh=mesh,
        scratch_types=[
            pltpu.VMEM((TV,), jnp.float32),
            pltpu.VMEM((2 * B_,), jnp.int32),
            pltpu.VMEM((NS, EMB_, 128), jnp.float32),
            pltpu.SemaphoreType.DMA((2,)),
            pltpu.SemaphoreType.DMA((NS,)),
        ],
        compiler_params=pltpu.CompilerParams(use_tc_tiling_on_sc=True,
                                             needs_layout_passes=False),
    )
    return f(qT, cT, tT)


def kernel(question, context, char_table):
    qT = jnp.transpose(question, (1, 2, 0)).reshape(-1).astype(jnp.int32)
    cT = jnp.transpose(context, (1, 2, 0)).reshape(-1).astype(jnp.int32)
    tT = jnp.pad(char_table.T, ((0, 0), (0, B_ - VOCAB_))).reshape(-1)
    qoT, coT = _run(qT, cT, tT)
    q_emb = qoT.reshape(20, 20, EMB_, B_).transpose(3, 0, 1, 2)
    c_emb = coT.reshape(50, 20, EMB_, B_).transpose(3, 0, 1, 2)
    return (q_emb, c_emb)

# --- scband reference (transcript-rebuilt; emitter-appended) ---
"""Pipeline reference for scband-char-embedding-layer-45621142618126 (READ-ONLY COPY).

The authoritative reference and input builder live on the scoring server;
editing this copy changes nothing except your own understanding.
"""

import jax, jax.numpy as jnp
import numpy as np

VOCAB = 1000
EMB = 64

def setup_inputs(seed: int = 0) -> dict:
    key = jax.random.key(seed)
    kq, kc, kt = jax.random.split(key, 3)
    question = jax.random.randint(kq, (1024, 20, 20), 0, VOCAB, dtype=jnp.int64 if jax.config.read('jax_enable_x64') else jnp.int32)
    context = jax.random.randint(kc, (1024, 50, 20), 0, VOCAB, dtype=jnp.int64 if jax.config.read('jax_enable_x64') else jnp.int32)
    char_table = jax.random.normal(kt, (VOCAB, EMB), dtype=jnp.float32)
    return {"question": question, "context": context, "char_table": char_table}

def reference(question, context, char_table):
    # TimeDistributed(Embedding): embedding lookup applied independently per word position;
    # functionally identical to a plain gather over the last index axis.
    q_emb = jnp.take(char_table, question, axis=0)  # [B, Qw, L, EMB]
    c_emb = jnp.take(char_table, context, axis=0)   # [B, Cw, L, EMB]
    return (q_emb, c_emb)

if __name__ == "__main__":
    import jax
    _d = setup_inputs()
    print(jax.jit(kernel)(*tuple(_d.values())))

</pallas_src>

<mosaic_0001>
#map = affine_map<(d0, d1) -> (0)>
#map1 = affine_map<(d0, d1) -> (0, 0, 0)>
module attributes {stable_mosaic.version = 14 : i64} {
  func.func @_body(%arg0: i32, %arg1: i32, %arg2: memref<409600xi32, #tpu.memory_space<hbm>>, %arg3: memref<1024000xi32, #tpu.memory_space<hbm>>, %arg4: memref<65536xf32, #tpu.memory_space<hbm>>, %arg5: memref<400x64x1024xf32, #tpu.memory_space<hbm>>, %arg6: memref<1000x64x1024xf32, #tpu.memory_space<hbm>>, %arg7: memref<65536xf32, #tpu.memory_space<vmem>>, %arg8: memref<2048xi32, #tpu.memory_space<vmem>>, %arg9: memref<7x64x128xf32, #tpu.memory_space<vmem>>, %arg10: memref<2x!tpu.dma_semaphore, #tpu.memory_space<semaphore_mem>>, %arg11: memref<7x!tpu.dma_semaphore, #tpu.memory_space<semaphore_mem>>) attributes {dimension_semantics = [#tpu.dimension_semantics<core_parallel>, #tpu.dimension_semantics<subcore_parallel>], iteration_bounds = array<i64: 2, 16>, scalar_prefetch = 0 : i64, scratch_operands = 5 : i64, tpu.core_type = #tpu.core_type<sc_vector_subcore>, window_params = [{transform_indices = #map}, {transform_indices = #map}, {transform_indices = #map}, {transform_indices = #map1}, {transform_indices = #map1}]} {
    %mul3A = arith.constant 2 : i32
    %mul3A_0 = arith.muli %arg1, %mul3A : i32
    %add3A = arith.addi %mul3A_0, %arg0 : i32
    "tpu.region"() ({
      %run_scoped3A = tpu.sem_alloc : memref<!tpu.dma_semaphore, #tpu.memory_space<semaphore_mem>>
      tpu.enqueue_dma source(%arg4 : memref<65536xf32, #tpu.memory_space<hbm>>) target(%arg7 : memref<65536xf32, #tpu.memory_space<vmem>>) target_semaphore(%run_scoped3A : memref<!tpu.dma_semaphore, #tpu.memory_space<semaphore_mem>>)
      tpu.wait_dma2 semaphore(%run_scoped3A : memref<!tpu.dma_semaphore, #tpu.memory_space<semaphore_mem>>) src(%arg4 : memref<65536xf32, #tpu.memory_space<hbm>>) dst(%arg7 : memref<65536xf32, #tpu.memory_space<vmem>>)
      tpu.yield
    }) : () -> ()
    %mul3A_1 = arith.constant 1400 : i32
    %mul3A_2 = arith.muli %add3A, %mul3A_1 : i32
    %jit3A = arith.constant 32 : i32
    %div3A = arith.divsi %mul3A_2, %jit3A : i32
    %sign3A = arith.constant 0 : i32
    %sign3A_3 = arith.cmpi sgt, %mul3A_2, %sign3A : i32
    %sign3A_4 = arith.extui %sign3A_3 : i1 to i32
    %sign3A_5 = arith.constant 0 : i32
    %sign3A_6 = arith.cmpi slt, %mul3A_2, %sign3A_5 : i32
    %sign3A_7 = arith.extui %sign3A_6 : i1 to i32
    %sign3A_8 = arith.subi %sign3A_4, %sign3A_7 : i32
    %sign3A_9 = arith.constant 0 : i32
    %sign3A_10 = arith.cmpi sgt, %jit3A, %sign3A_9 : i32
    %sign3A_11 = arith.extui %sign3A_10 : i1 to i32
    %sign3A_12 = arith.constant 0 : i32
    %sign3A_13 = arith.cmpi slt, %jit3A, %sign3A_12 : i32
    %sign3A_14 = arith.extui %sign3A_13 : i1 to i32
    %sign3A_15 = arith.subi %sign3A_11, %sign3A_14 : i32
    %ne3A = arith.cmpi ne, %sign3A_8, %sign3A_15 : i32
    %rem3A = arith.remsi %mul3A_2, %jit3A : i32
    %ne3A_16 = arith.constant 0 : i32
    %ne3A_17 = arith.cmpi ne, %rem3A, %ne3A_16 : i32
    %and3A = arith.andi %ne3A, %ne3A_17 : i1
    %sub3A = arith.constant 1 : i32
    %sub3A_18 = arith.subi %div3A, %sub3A : i32
    %select_n3A = arith.select %and3A, %sub3A_18, %div3A : i32
    %add3A_19 = arith.constant 1 : i32
    %add3A_20 = arith.addi %add3A, %add3A_19 : i32
    %mul3A_21 = arith.constant 1400 : i32
    %mul3A_22 = arith.muli %add3A_20, %mul3A_21 : i32
    %jit3A_23 = arith.constant 32 : i32
    %div3A_24 = arith.divsi %mul3A_22, %jit3A_23 : i32
    %sign3A_25 = arith.constant 0 : i32
    %sign3A_26 = arith.cmpi sgt, %mul3A_22, %sign3A_25 : i32
    %sign3A_27 = arith.extui %sign3A_26 : i1 to i32
    %sign3A_28 = arith.constant 0 : i32
    %sign3A_29 = arith.cmpi slt, %mul3A_22, %sign3A_28 : i32
    %sign3A_30 = arith.extui %sign3A_29 : i1 to i32
    %sign3A_31 = arith.subi %sign3A_27, %sign3A_30 : i32
    %sign3A_32 = arith.constant 0 : i32
    %sign3A_33 = arith.cmpi sgt, %jit3A_23, %sign3A_32 : i32
    %sign3A_34 = arith.extui %sign3A_33 : i1 to i32
    %sign3A_35 = arith.constant 0 : i32
    %sign3A_36 = arith.cmpi slt, %jit3A_23, %sign3A_35 : i32
    %sign3A_37 = arith.extui %sign3A_36 : i1 to i32
    %sign3A_38 = arith.subi %sign3A_34, %sign3A_37 : i32
    %ne3A_39 = arith.cmpi ne, %sign3A_31, %sign3A_38 : i32
    %rem3A_40 = arith.remsi %mul3A_22, %jit3A_23 : i32
    %ne3A_41 = arith.constant 0 : i32
    %ne3A_42 = arith.cmpi ne, %rem3A_40, %ne3A_41 : i32
    %and3A_43 = arith.andi %ne3A_39, %ne3A_42 : i1
    %sub3A_44 = arith.constant 1 : i32
    %sub3A_45 = arith.subi %div3A_24, %sub3A_44 : i32
    %select_n3A_46 = arith.select %and3A_43, %sub3A_45, %div3A_24 : i32
    %min3A = arith.constant 400 : i32
    %min3A_47 = arith.minsi %select_n3A, %min3A : i32
    %min3A_48 = arith.constant 400 : i32
    %min3A_49 = arith.minsi %select_n3A_46, %min3A_48 : i32
    %lt3A = arith.cmpi slt, %min3A_47, %min3A_49 : i32
    %convert_element_type3A = arith.extui %lt3A : i1 to i32
    %cond3A = arith.constant 0 : i32
    %cond3A_50 = arith.cmpi ne, %convert_element_type3A, %cond3A : i32
    scf.if %cond3A_50 {
      %mul3A_230 = arith.constant 1024 : i32
      %mul3A_231 = arith.muli %min3A_47, %mul3A_230 : i32
      %multiple_of3A = tpu.assume_multiple %mul3A_231, 1024 : i32
      %jit3A_232 = arith.constant 2 : i32
      %eq3A = arith.constant 0 : i32
      %eq3A_233 = arith.cmpi eq, %jit3A_232, %eq3A : i32
      %jit3A_234 = arith.constant 1 : i32
      %select_n3A_235 = arith.select %eq3A_233, %jit3A_234, %jit3A_232 : i32
      %rem3A_236 = arith.remsi %min3A_47, %select_n3A_235 : i32
      %ne3A_237 = arith.constant 0 : i32
      %ne3A_238 = arith.cmpi ne, %rem3A_236, %ne3A_237 : i32
      %lt3A_239 = arith.constant 0 : i32
      %lt3A_240 = arith.cmpi slt, %rem3A_236, %lt3A_239 : i32
      %lt3A_241 = arith.constant 0 : i32
      %lt3A_242 = arith.cmpi slt, %select_n3A_235, %lt3A_241 : i32
      %ne3A_243 = arith.xori %lt3A_240, %lt3A_242 : i1
      %and3A_244 = arith.andi %ne3A_243, %ne3A_238 : i1
      %add3A_245 = arith.addi %rem3A_236, %select_n3A_235 : i32
      %select_n3A_246 = arith.select %and3A_244, %add3A_245, %rem3A_236 : i32
      %mul3A_247 = arith.constant 1024 : i32
      %mul3A_248 = arith.muli %select_n3A_246, %mul3A_247 : i32
      %multiple_of3A_249 = tpu.assume_multiple %mul3A_248, 1024 : i32
      %jit3A_250 = arith.constant 2 : i32
      %eq3A_251 = arith.constant 0 : i32
      %eq3A_252 = arith.cmpi eq, %jit3A_250, %eq3A_251 : i32
      %jit3A_253 = arith.constant 1 : i32
      %select_n3A_254 = arith.select %eq3A_252, %jit3A_253, %jit3A_250 : i32
      %rem3A_255 = arith.remsi %min3A_47, %select_n3A_254 : i32
      %ne3A_256 = arith.constant 0 : i32
      %ne3A_257 = arith.cmpi ne, %rem3A_255, %ne3A_256 : i32
      %lt3A_258 = arith.constant 0 : i32
      %lt3A_259 = arith.cmpi slt, %rem3A_255, %lt3A_258 : i32
      %lt3A_260 = arith.constant 0 : i32
      %lt3A_261 = arith.cmpi slt, %select_n3A_254, %lt3A_260 : i32
      %ne3A_262 = arith.xori %lt3A_259, %lt3A_261 : i1
      %and3A_263 = arith.andi %ne3A_262, %ne3A_257 : i1
      %add3A_264 = arith.addi %rem3A_255, %select_n3A_254 : i32
      %select_n3A_265 = arith.select %and3A_263, %add3A_264, %rem3A_255 : i32
      %dma_start3A = tpu.memref_slice %arg8[%multiple_of3A_249] : memref<2048xi32, #tpu.memory_space<vmem>> -> memref<1024xi32, #tpu.memory_space<vmem>>
      %dma_start3A_266 = tpu.memref_slice %arg2[%multiple_of3A] : memref<409600xi32, #tpu.memory_space<hbm>> -> memref<1024xi32, #tpu.memory_space<hbm>>
      %dma_start3A_267 = tpu.memref_slice %arg10[%select_n3A_265] : memref<2x!tpu.dma_semaphore, #tpu.memory_space<semaphore_mem>> -> memref<1x!tpu.dma_semaphore, #tpu.memory_space<semaphore_mem>>
      %dma_start3A_268 = tpu.memref_squeeze %dma_start3A_267 : memref<1x!tpu.dma_semaphore, #tpu.memory_space<semaphore_mem>> -> memref<!tpu.dma_semaphore, #tpu.memory_space<semaphore_mem>>
      %dma_start3A_269 = tpu.memref_slice %arg8[%multiple_of3A_249] : memref<2048xi32, #tpu.memory_space<vmem>> -> memref<1024xi32, #tpu.memory_space<vmem>>
      %dma_start3A_270 = tpu.memref_slice %arg2[%multiple_of3A] : memref<409600xi32, #tpu.memory_space<hbm>> -> memref<1024xi32, #tpu.memory_space<hbm>>
      tpu.enqueue_dma source(%dma_start3A_270 : memref<1024xi32, #tpu.memory_space<hbm>>) target(%dma_start3A_269 : memref<1024xi32, #tpu.memory_space<vmem>>) target_semaphore(%dma_start3A_268 : memref<!tpu.dma_semaphore, #tpu.memory_space<semaphore_mem>>)
    } else {
    }
    %while3A = arith.constant 0 : i32
    %while3A_51 = arith.constant 0 : i32
    %while3A_52 = arith.subi %min3A_49, %min3A_47 : i32
    %while3A_53 = arith.addi %min3A_47, %while3A_52 : i32
    %while3A_54 = arith.constant 1 : i32
    %while3A_55 = arith.divsi %while3A_52, %while3A_54 : i32
    %while3A_56 = arith.muli %while3A_55, %while3A_54 : i32
    %while3A_57 = arith.addi %min3A_47, %while3A_56 : i32
    %while3A_58 = arith.constant 1 : i32
    %while3A_59 = scf.for %while3A_230 = %min3A_47 to %while3A_57 step %while3A_58 iter_args(%while3A_231 = %while3A_51) -> (i32)  : i32 {
      %jit3A_232 = arith.constant 2 : i32
      %eq3A = arith.constant 0 : i32
      %eq3A_233 = arith.cmpi eq, %jit3A_232, %eq3A : i32
      %jit3A_234 = arith.constant 1 : i32
      %select_n3A_235 = arith.select %eq3A_233, %jit3A_234, %jit3A_232 : i32
      %rem3A_236 = arith.remsi %while3A_230, %select_n3A_235 : i32
      %ne3A_237 = arith.constant 0 : i32
      %ne3A_238 = arith.cmpi ne, %rem3A_236, %ne3A_237 : i32
      %lt3A_239 = arith.constant 0 : i32
      %lt3A_240 = arith.cmpi slt, %rem3A_236, %lt3A_239 : i32
      %lt3A_241 = arith.constant 0 : i32
      %lt3A_242 = arith.cmpi slt, %select_n3A_235, %lt3A_241 : i32
      %ne3A_243 = arith.xori %lt3A_240, %lt3A_242 : i1
      %and3A_244 = arith.andi %ne3A_243, %ne3A_238 : i1
      %add3A_245 = arith.addi %rem3A_236, %select_n3A_235 : i32
      %select_n3A_246 = arith.select %and3A_244, %add3A_245, %rem3A_236 : i32
      %mul3A_247 = arith.constant 1024 : i32
      %mul3A_248 = arith.muli %select_n3A_246, %mul3A_247 : i32
      %multiple_of3A = tpu.assume_multiple %mul3A_248, 1024 : i32
      %add3A_249 = arith.constant 1 : i32
      %add3A_250 = arith.addi %while3A_230, %add3A_249 : i32
      %lt3A_251 = arith.cmpi slt, %add3A_250, %min3A_49 : i32
      %convert_element_type3A_252 = arith.extui %lt3A_251 : i1 to i32
      %cond3A_253 = arith.constant 0 : i32
      %cond3A_254 = arith.cmpi ne, %convert_element_type3A_252, %cond3A_253 : i32
      scf.if %cond3A_254 {
        %add3A_285 = arith.constant 1 : i32
        %add3A_286 = arith.addi %while3A_230, %add3A_285 : i32
        %jit3A_287 = arith.constant 2 : i32
        %eq3A_288 = arith.constant 0 : i32
        %eq3A_289 = arith.cmpi eq, %jit3A_287, %eq3A_288 : i32
        %jit3A_290 = arith.constant 1 : i32
        %select_n3A_291 = arith.select %eq3A_289, %jit3A_290, %jit3A_287 : i32
        %rem3A_292 = arith.remsi %add3A_286, %select_n3A_291 : i32
        %ne3A_293 = arith.constant 0 : i32
        %ne3A_294 = arith.cmpi ne, %rem3A_292, %ne3A_293 : i32
        %lt3A_295 = arith.constant 0 : i32
        %lt3A_296 = arith.cmpi slt, %rem3A_292, %lt3A_295 : i32
        %lt3A_297 = arith.constant 0 : i32
        %lt3A_298 = arith.cmpi slt, %select_n3A_291, %lt3A_297 : i32
        %ne3A_299 = arith.xori %lt3A_296, %lt3A_298 : i1
        %and3A_300 = arith.andi %ne3A_299, %ne3A_294 : i1
        %add3A_301 = arith.addi %rem3A_292, %select_n3A_291 : i32
        %select_n3A_302 = arith.select %and3A_300, %add3A_301, %rem3A_292 : i32
        %mul3A_303 = arith.constant 1024 : i32
        %mul3A_304 = arith.muli %select_n3A_302, %mul3A_303 : i32
        %add3A_305 = arith.constant 1 : i32
        %add3A_306 = arith.addi %while3A_230, %add3A_305 : i32
        %mul3A_307 = arith.constant 1024 : i32
        %mul3A_308 = arith.muli %add3A_306, %mul3A_307 : i32
        %multiple_of3A_309 = tpu.assume_multiple %mul3A_308, 1024 : i32
        %multiple_of3A_310 = tpu.assume_multiple %mul3A_304, 1024 : i32
        %add3A_311 = arith.constant 1 : i32
        %add3A_312 = arith.addi %while3A_230, %add3A_311 : i32
        %jit3A_313 = arith.constant 2 : i32
        %eq3A_314 = arith.constant 0 : i32
        %eq3A_315 = arith.cmpi eq, %jit3A_313, %eq3A_314 : i32
        %jit3A_316 = arith.constant 1 : i32
        %select_n3A_317 = arith.select %eq3A_315, %jit3A_316, %jit3A_313 : i32
        %rem3A_318 = arith.remsi %add3A_312, %select_n3A_317 : i32
        %ne3A_319 = arith.constant 0 : i32
        %ne3A_320 = arith.cmpi ne, %rem3A_318, %ne3A_319 : i32
        %lt3A_321 = arith.constant 0 : i32
        %lt3A_322 = arith.cmpi slt, %rem3A_318, %lt3A_321 : i32
        %lt3A_323 = arith.constant 0 : i32
        %lt3A_324 = arith.cmpi slt, %select_n3A_317, %lt3A_323 : i32
        %ne3A_325 = arith.xori %lt3A_322, %lt3A_324 : i1
        %and3A_326 = arith.andi %ne3A_325, %ne3A_320 : i1
        %add3A_327 = arith.addi %rem3A_318, %select_n3A_317 : i32
        %select_n3A_328 = arith.select %and3A_326, %add3A_327, %rem3A_318 : i32
        %dma_start3A = tpu.memref_slice %arg8[%multiple_of3A_310] : memref<2048xi32, #tpu.memory_space<vmem>> -> memref<1024xi32, #tpu.memory_space<vmem>>
        %dma_start3A_329 = tpu.memref_slice %arg2[%multiple_of3A_309] : memref<409600xi32, #tpu.memory_space<hbm>> -> memref<1024xi32, #tpu.memory_space<hbm>>
        %dma_start3A_330 = tpu.memref_slice %arg10[%select_n3A_328] : memref<2x!tpu.dma_semaphore, #tpu.memory_space<semaphore_mem>> -> memref<1x!tpu.dma_semaphore, #tpu.memory_space<semaphore_mem>>
        %dma_start3A_331 = tpu.memref_squeeze %dma_start3A_330 : memref<1x!tpu.dma_semaphore, #tpu.memory_space<semaphore_mem>> -> memref<!tpu.dma_semaphore, #tpu.memory_space<semaphore_mem>>
        %dma_start3A_332 = tpu.memref_slice %arg8[%multiple_of3A_310] : memref<2048xi32, #tpu.memory_space<vmem>> -> memref<1024xi32, #tpu.memory_space<vmem>>
        %dma_start3A_333 = tpu.memref_slice %arg2[%multiple_of3A_309] : memref<409600xi32, #tpu.memory_space<hbm>> -> memref<1024xi32, #tpu.memory_space<hbm>>
        tpu.enqueue_dma source(%dma_start3A_333 : memref<1024xi32, #tpu.memory_space<hbm>>) target(%dma_start3A_332 : memref<1024xi32, #tpu.memory_space<vmem>>) target_semaphore(%dma_start3A_331 : memref<!tpu.dma_semaphore, #tpu.memory_space<semaphore_mem>>)
      } else {
      }
      %mul3A_255 = arith.constant 1024 : i32
      %mul3A_256 = arith.muli %while3A_230, %mul3A_255 : i32
      %multiple_of3A_257 = tpu.assume_multiple %mul3A_256, 1024 : i32
      %jit3A_258 = arith.constant 2 : i32
      %eq3A_259 = arith.constant 0 : i32
      %eq3A_260 = arith.cmpi eq, %jit3A_258, %eq3A_259 : i32
      %jit3A_261 = arith.constant 1 : i32
      %select_n3A_262 = arith.select %eq3A_260, %jit3A_261, %jit3A_258 : i32
      %rem3A_263 = arith.remsi %while3A_230, %select_n3A_262 : i32
      %ne3A_264 = arith.constant 0 : i32
      %ne3A_265 = arith.cmpi ne, %rem3A_263, %ne3A_264 : i32
      %lt3A_266 = arith.constant 0 : i32
      %lt3A_267 = arith.cmpi slt, %rem3A_263, %lt3A_266 : i32
      %lt3A_268 = arith.constant 0 : i32
      %lt3A_269 = arith.cmpi slt, %select_n3A_262, %lt3A_268 : i32
      %ne3A_270 = arith.xori %lt3A_267, %lt3A_269 : i1
      %and3A_271 = arith.andi %ne3A_270, %ne3A_265 : i1
      %add3A_272 = arith.addi %rem3A_263, %select_n3A_262 : i32
      %select_n3A_273 = arith.select %and3A_271, %add3A_272, %rem3A_263 : i32
      %dma_wait3A_274 = tpu.memref_slice %arg8[%multiple_of3A] : memref<2048xi32, #tpu.memory_space<vmem>> -> memref<1024xi32, #tpu.memory_space<vmem>>
      %dma_wait3A_275 = tpu.memref_slice %arg2[%multiple_of3A_257] : memref<409600xi32, #tpu.memory_space<hbm>> -> memref<1024xi32, #tpu.memory_space<hbm>>
      %dma_wait3A_276 = tpu.memref_slice %arg10[%select_n3A_273] : memref<2x!tpu.dma_semaphore, #tpu.memory_space<semaphore_mem>> -> memref<1x!tpu.dma_semaphore, #tpu.memory_space<semaphore_mem>>
      %dma_wait3A_277 = tpu.memref_squeeze %dma_wait3A_276 : memref<1x!tpu.dma_semaphore, #tpu.memory_space<semaphore_mem>> -> memref<!tpu.dma_semaphore, #tpu.memory_space<semaphore_mem>>
      %dma_wait3A_278 = tpu.memref_slice %arg8[%multiple_of3A] : memref<2048xi32, #tpu.memory_space<vmem>> -> memref<1024xi32, #tpu.memory_space<vmem>>
      %dma_wait3A_279 = tpu.memref_slice %arg2[%multiple_of3A_257] : memref<409600xi32, #tpu.memory_space<hbm>> -> memref<1024xi32, #tpu.memory_space<hbm>>
      tpu.wait_dma2 semaphore(%dma_wait3A_277 : memref<!tpu.dma_semaphore, #tpu.memory_space<semaphore_mem>>) src(%dma_wait3A_279 : memref<1024xi32, #tpu.memory_space<hbm>>) dst(%dma_wait3A_278 : memref<1024xi32, #tpu.memory_space<vmem>>)
      %scan3A = arith.constant 0 : i32
      %scan3A_280 = arith.constant 8 : i32
      %scan3A_281 = arith.addi %scan3A, %scan3A_280 : i32
      %scan3A_282 = arith.constant 1 : i32
      %scan3A_283 = scf.for %scan3A_285 = %scan3A to %scan3A_281 step %scan3A_282 iter_args(%scan3A_286 = %while3A_231) -> (i32)  : i32 {
        %jit3A_287 = arith.constant 7 : i32
        %eq3A_288 = arith.constant 0 : i32
        %eq3A_289 = arith.cmpi eq, %jit3A_287, %eq3A_288 : i32
        %jit3A_290 = arith.constant 1 : i32
        %select_n3A_291 = arith.select %eq3A_289, %jit3A_290, %jit3A_287 : i32
        %rem3A_292 = arith.remsi %scan3A_286, %select_n3A_291 : i32
        %ne3A_293 = arith.constant 0 : i32
        %ne3A_294 = arith.cmpi ne, %rem3A_292, %ne3A_293 : i32
        %lt3A_295 = arith.constant 0 : i32
        %lt3A_296 = arith.cmpi slt, %rem3A_292, %lt3A_295 : i32
        %lt3A_297 = arith.constant 0 : i32
        %lt3A_298 = arith.cmpi slt, %select_n3A_291, %lt3A_297 : i32
        %ne3A_299 = arith.xori %lt3A_296, %lt3A_298 : i1
        %and3A_300 = arith.andi %ne3A_299, %ne3A_294 : i1
        %add3A_301 = arith.addi %rem3A_292, %select_n3A_291 : i32
        %select_n3A_302 = arith.select %and3A_300, %add3A_301, %rem3A_292 : i32
        %mul3A_303 = arith.constant 128 : i32
        %mul3A_304 = arith.muli %scan3A_285, %mul3A_303 : i32
        %multiple_of3A_305 = tpu.assume_multiple %mul3A_304, 128 : i32
        %mul3A_306 = arith.constant 128 : i32
        %mul3A_307 = arith.muli %scan3A_285, %mul3A_306 : i32
        %add3A_308 = arith.addi %multiple_of3A, %mul3A_307 : i32
        %add3A_309 = arith.constant 0 : i32
        %add3A_310 = arith.addi %add3A_308, %add3A_309 : i32
        %get3A = arith.index_cast %add3A_310 : i32 to index
        %get3A_311 = tpu.vector_load %arg8[%get3A] {strides = array<i32>} : memref<2048xi32, #tpu.memory_space<vmem>>, vector<16xi32>,
        %mul3A_312 = arith.constant 128 : i32
        %mul3A_313 = arith.muli %scan3A_285, %mul3A_312 : i32
        %add3A_314 = arith.addi %multiple_of3A, %mul3A_313 : i32
        %add3A_315 = arith.constant 16 : i32
        %add3A_316 = arith.addi %add3A_314, %add3A_315 : i32
        %get3A_317 = arith.index_cast %add3A_316 : i32 to index
        %get3A_318 = tpu.vector_load %arg8[%get3A_317] {strides = array<i32>} : memref<2048xi32, #tpu.memory_space<vmem>>, vector<16xi32>,
        %mul3A_319 = arith.constant 128 : i32
        %mul3A_320 = arith.muli %scan3A_285, %mul3A_319 : i32
        %add3A_321 = arith.addi %multiple_of3A, %mul3A_320 : i32
        %add3A_322 = arith.constant 32 : i32
        %add3A_323 = arith.addi %add3A_321, %add3A_322 : i32
        %get3A_324 = arith.index_cast %add3A_323 : i32 to index
        %get3A_325 = tpu.vector_load %arg8[%get3A_324] {strides = array<i32>} : memref<2048xi32, #tpu.memory_space<vmem>>, vector<16xi32>,
        %mul3A_326 = arith.constant 128 : i32
        %mul3A_327 = arith.muli %scan3A_285, %mul3A_326 : i32
        %add3A_328 = arith.addi %multiple_of3A, %mul3A_327 : i32
        %add3A_329 = arith.constant 48 : i32
        %add3A_330 = arith.addi %add3A_328, %add3A_329 : i32
        %get3A_331 = arith.index_cast %add3A_330 : i32 to index
        %get3A_332 = tpu.vector_load %arg8[%get3A_331] {strides = array<i32>} : memref<2048xi32, #tpu.memory_space<vmem>>, vector<16xi32>,
        %mul3A_333 = arith.constant 128 : i32
        %mul3A_334 = arith.muli %scan3A_285, %mul3A_333 : i32
        %add3A_335 = arith.addi %multiple_of3A, %mul3A_334 : i32
        %add3A_336 = arith.constant 64 : i32
        %add3A_337 = arith.addi %add3A_335, %add3A_336 : i32
        %get3A_338 = arith.index_cast %add3A_337 : i32 to index
        %get3A_339 = tpu.vector_load %arg8[%get3A_338] {strides = array<i32>} : memref<2048xi32, #tpu.memory_space<vmem>>, vector<16xi32>,
        %mul3A_340 = arith.constant 128 : i32
        %mul3A_341 = arith.muli %scan3A_285, %mul3A_340 : i32
        %add3A_342 = arith.addi %multiple_of3A, %mul3A_341 : i32
        %add3A_343 = arith.constant 80 : i32
        %add3A_344 = arith.addi %add3A_342, %add3A_343 : i32
        %get3A_345 = arith.index_cast %add3A_344 : i32 to index
        %get3A_346 = tpu.vector_load %arg8[%get3A_345] {strides = array<i32>} : memref<2048xi32, #tpu.memory_space<vmem>>, vector<16xi32>,
        %mul3A_347 = arith.constant 128 : i32
        %mul3A_348 = arith.muli %scan3A_285, %mul3A_347 : i32
        %add3A_349 = arith.addi %multiple_of3A, %mul3A_348 : i32
        %add3A_350 = arith.constant 96 : i32
        %add3A_351 = arith.addi %add3A_349, %add3A_350 : i32
        %get3A_352 = arith.index_cast %add3A_351 : i32 to index
        %get3A_353 = tpu.vector_load %arg8[%get3A_352] {strides = array<i32>} : memref<2048xi32, #tpu.memory_space<vmem>>, vector<16xi32>,
        %mul3A_354 = arith.constant 128 : i32
        %mul3A_355 = arith.muli %scan3A_285, %mul3A_354 : i32
        %add3A_356 = arith.addi %multiple_of3A, %mul3A_355 : i32
        %add3A_357 = arith.constant 112 : i32
        %add3A_358 = arith.addi %add3A_356, %add3A_357 : i32
        %get3A_359 = arith.index_cast %add3A_358 : i32 to index
        %get3A_360 = tpu.vector_load %arg8[%get3A_359] {strides = array<i32>} : memref<2048xi32, #tpu.memory_space<vmem>>, vector<16xi32>,
        %ge3A = arith.constant 7 : i32
        %ge3A_361 = arith.cmpi sge, %scan3A_286, %ge3A : i32
        %convert_element_type3A_362 = arith.extui %ge3A_361 : i1 to i32
        %cond3A_363 = arith.constant 0 : i32
        %cond3A_364 = arith.cmpi ne, %convert_element_type3A_362, %cond3A_363 : i32
        scf.if %cond3A_364 {
          %dma_wait3A_388 = arith.constant 0 : i32
          %dma_wait3A_389 = arith.constant 0 : i32
          %dma_wait3A_390 = tpu.memref_slice %arg9[%select_n3A_302, %dma_wait3A_388, %dma_wait3A_389] : memref<7x64x128xf32, #tpu.memory_space<vmem>> -> memref<1x64x128xf32, #tpu.memory_space<vmem>>
          %dma_wait3A_391 = tpu.memref_squeeze %dma_wait3A_390 : memref<1x64x128xf32, #tpu.memory_space<vmem>> -> memref<64x128xf32, #tpu.memory_space<vmem>>
          %dma_wait3A_392 = arith.constant 0 : i32
          %dma_wait3A_393 = arith.constant 0 : i32
          %dma_wait3A_394 = tpu.memref_slice %arg5[%while3A, %dma_wait3A_392, %dma_wait3A_393] : memref<400x64x1024xf32, #tpu.memory_space<hbm>> -> memref<1x64x128xf32, #tpu.memory_space<hbm>>
          %dma_wait3A_395 = tpu.memref_squeeze %dma_wait3A_394 : memref<1x64x128xf32, #tpu.memory_space<hbm>> -> memref<64x128xf32, #tpu.memory_space<hbm>>
          %dma_wait3A_396 = tpu.memref_slice %arg11[%select_n3A_302] : memref<7x!tpu.dma_semaphore, #tpu.memory_space<semaphore_mem>> -> memref<1x!tpu.dma_semaphore, #tpu.memory_space<semaphore_mem>>
          %dma_wait3A_397 = tpu.memref_squeeze %dma_wait3A_396 : memref<1x!tpu.dma_semaphore, #tpu.memory_space<semaphore_mem>> -> memref<!tpu.dma_semaphore, #tpu.memory_space<semaphore_mem>>
          %dma_wait3A_398 = arith.constant 0 : i32
          %dma_wait3A_399 = arith.constant 0 : i32
          %dma_wait3A_400 = tpu.memref_slice %arg5[%while3A, %dma_wait3A_398, %dma_wait3A_399] : memref<400x64x1024xf32, #tpu.memory_space<hbm>> -> memref<1x64x128xf32, #tpu.memory_space<hbm>>
          %dma_wait3A_401 = tpu.memref_squeeze %dma_wait3A_400 : memref<1x64x128xf32, #tpu.memory_space<hbm>> -> memref<64x128xf32, #tpu.memory_space<hbm>>
          %dma_wait3A_402 = arith.constant 0 : i32
          %dma_wait3A_403 = arith.constant 0 : i32
          %dma_wait3A_404 = tpu.memref_slice %arg9[%select_n3A_302, %dma_wait3A_402, %dma_wait3A_403] : memref<7x64x128xf32, #tpu.memory_space<vmem>> -> memref<1x64x128xf32, #tpu.memory_space<vmem>>
          %dma_wait3A_405 = tpu.memref_squeeze %dma_wait3A_404 : memref<1x64x128xf32, #tpu.memory_space<vmem>> -> memref<64x128xf32, #tpu.memory_space<vmem>>
          tpu.wait_dma2 semaphore(%dma_wait3A_397 : memref<!tpu.dma_semaphore, #tpu.memory_space<semaphore_mem>>) src(%dma_wait3A_405 : memref<64x128xf32, #tpu.memory_space<vmem>>) dst(%dma_wait3A_401 : memref<64x128xf32, #tpu.memory_space<hbm>>)
        } else {
        }
        %scan3A_365 = arith.constant 0 : i32
        %scan3A_366 = arith.constant 0 : i32
        %scan3A_367 = arith.constant 64 : i32
        %scan3A_368 = arith.addi %scan3A_366, %scan3A_367 : i32
        %scan3A_369 = arith.constant 8 : i32
        scf.for %scan3A_388 = %scan3A_366 to %scan3A_368 step %scan3A_369  : i32 {
          %mul3A_389 = arith.constant 1024 : i32
          %mul3A_390 = arith.muli %scan3A_388, %mul3A_389 : i32
          %multiple_of3A_391 = tpu.assume_multiple %mul3A_390, 1024 : i32
          %gather3A = tpu.memref_slice %arg7[%multiple_of3A_391] : memref<65536xf32, #tpu.memory_space<vmem>> -> memref<1024xf32, #tpu.memory_space<vmem>>
          %gather3A_392 = tpu.vector_load_idx %gather3A[%get3A_311] : memref<1024xf32, #tpu.memory_space<vmem>>[vector<16xi32>], vector<16xf32>,
          %swap3A = arith.index_cast %select_n3A_302 : i32 to index
          %swap3A_393 = arith.index_cast %scan3A_388 : i32 to index
          %swap3A_394 = arith.constant 0 : index
          %swap3A_395 = tpu.vector_load %arg9[%swap3A, %swap3A_393, %swap3A_394] {strides = array<i32>} : memref<7x64x128xf32, #tpu.memory_space<vmem>>, vector<16xf32>,
          tpu.vector_store %arg9[%swap3A, %swap3A_393, %swap3A_394], %gather3A_392 {strides = array<i32>} : memref<7x64x128xf32, #tpu.memory_space<vmem>>, vector<16xf32>,
          %gather3A_396 = tpu.memref_slice %arg7[%multiple_of3A_391] : memref<65536xf32, #tpu.memory_space<vmem>> -> memref<1024xf32, #tpu.memory_space<vmem>>
          %gather3A_397 = tpu.vector_load_idx %gather3A_396[%get3A_318] : memref<1024xf32, #tpu.memory_space<vmem>>[vector<16xi32>], vector<16xf32>,
          %swap3A_398 = arith.index_cast %select_n3A_302 : i32 to index
          %swap3A_399 = arith.index_cast %scan3A_388 : i32 to index
          %swap3A_400 = arith.constant 16 : index
          %swap3A_401 = tpu.vector_load %arg9[%swap3A_398, %swap3A_399, %swap3A_400] {strides = array<i32>} : memref<7x64x128xf32, #tpu.memory_space<vmem>>, vector<16xf32>,
          tpu.vector_store %arg9[%swap3A_398, %swap3A_399, %swap3A_400], %gather3A_397 {strides = array<i32>} : memref<7x64x128xf32, #tpu.memory_space<vmem>>, vector<16xf32>,
          %gather3A_402 = tpu.memref_slice %arg7[%multiple_of3A_391] : memref<65536xf32, #tpu.memory_space<vmem>> -> memref<1024xf32, #tpu.memory_space<vmem>>
          %gather3A_403 = tpu.vector_load_idx %gather3A_402[%get3A_325] : memref<1024xf32, #tpu.memory_space<vmem>>[vector<16xi32>], vector<16xf32>,
          %swap3A_404 = arith.index_cast %select_n3A_302 : i32 to index
          %swap3A_405 = arith.index_cast %scan3A_388 : i32 to index
          %swap3A_406 = arith.constant 32 : index
          %swap3A_407 = tpu.vector_load %arg9[%swap3A_404, %swap3A_405, %swap3A_406] {strides = array<i32>} : memref<7x64x128xf32, #tpu.memory_space<vmem>>, vector<16xf32>,
          tpu.vector_store %arg9[%swap3A_404, %swap3A_405, %swap3A_406], %gather3A_403 {strides = array<i32>} : memref<7x64x128xf32, #tpu.memory_space<vmem>>, vector<16xf32>,
          %gather3A_408 = tpu.memref_slice %arg7[%multiple_of3A_391] : memref<65536xf32, #tpu.memory_space<vmem>> -> memref<1024xf32, #tpu.memory_space<vmem>>
          %gather3A_409 = tpu.vector_load_idx %gather3A_408[%get3A_332] : memref<1024xf32, #tpu.memory_space<vmem>>[vector<16xi32>], vector<16xf32>,
          %swap3A_410 = arith.index_cast %select_n3A_302 : i32 to index
          %swap3A_411 = arith.index_cast %scan3A_388 : i32 to index
          %swap3A_412 = arith.constant 48 : index
          %swap3A_413 = tpu.vector_load %arg9[%swap3A_410, %swap3A_411, %swap3A_412] {strides = array<i32>} : memref<7x64x128xf32, #tpu.memory_space<vmem>>, vector<16xf32>,
          tpu.vector_store %arg9[%swap3A_410, %swap3A_411, %swap3A_412], %gather3A_409 {strides = array<i32>} : memref<7x64x128xf32, #tpu.memory_space<vmem>>, vector<16xf32>,
          %gather3A_414 = tpu.memref_slice %arg7[%multiple_of3A_391] : memref<65536xf32, #tpu.memory_space<vmem>> -> memref<1024xf32, #tpu.memory_space<vmem>>
          %gather3A_415 = tpu.vector_load_idx %gather3A_414[%get3A_339] : memref<1024xf32, #tpu.memory_space<vmem>>[vector<16xi32>], vector<16xf32>,
          %swap3A_416 = arith.index_cast %select_n3A_302 : i32 to index
          %swap3A_417 = arith.index_cast %scan3A_388 : i32 to index
          %swap3A_418 = arith.constant 64 : index
          %swap3A_419 = tpu.vector_load %arg9[%swap3A_416, %swap3A_417, %swap3A_418] {strides = array<i32>} : memref<7x64x128xf32, #tpu.memory_space<vmem>>, vector<16xf32>,
          tpu.vector_store %arg9[%swap3A_416, %swap3A_417, %swap3A_418], %gather3A_415 {strides = array<i32>} : memref<7x64x128xf32, #tpu.memory_space<vmem>>, vector<16xf32>,
          %gather3A_420 = tpu.memref_slice %arg7[%multiple_of3A_391] : memref<65536xf32, #tpu.memory_space<vmem>> -> memref<1024xf32, #tpu.memory_space<vmem>>
          %gather3A_421 = tpu.vector_load_idx %gather3A_420[%get3A_346] : memref<1024xf32, #tpu.memory_space<vmem>>[vector<16xi32>], vector<16xf32>,
          %swap3A_422 = arith.index_cast %select_n3A_302 : i32 to index
          %swap3A_423 = arith.index_cast %scan3A_388 : i32 to index
          %swap3A_424 = arith.constant 80 : index
          %swap3A_425 = tpu.vector_load %arg9[%swap3A_422, %swap3A_423, %swap3A_424] {strides = array<i32>} : memref<7x64x128xf32, #tpu.memory_space<vmem>>, vector<16xf32>,
          tpu.vector_store %arg9[%swap3A_422, %swap3A_423, %swap3A_424], %gather3A_421 {strides = array<i32>} : memref<7x64x128xf32, #tpu.memory_space<vmem>>, vector<16xf32>,
          %gather3A_426 = tpu.memref_slice %arg7[%multiple_of3A_391] : memref<65536xf32, #tpu.memory_space<vmem>> -> memref<1024xf32, #tpu.memory_space<vmem>>
          %gather3A_427 = tpu.vector_load_idx %gather3A_426[%get3A_353] : memref<1024xf32, #tpu.memory_space<vmem>>[vector<16xi32>], vector<16xf32>,
          %swap3A_428 = arith.index_cast %select_n3A_302 : i32 to index
          %swap3A_429 = arith.index_cast %scan3A_388 : i32 to index
          %swap3A_430 = arith.constant 96 : index
          %swap3A_431 = tpu.vector_load %arg9[%swap3A_428, %swap3A_429, %swap3A_430] {strides = array<i32>} : memref<7x64x128xf32, #tpu.memory_space<vmem>>, vector<16xf32>,
          tpu.vector_store %arg9[%swap3A_428, %swap3A_429, %swap3A_430], %gather3A_427 {strides = array<i32>} : memref<7x64x128xf32, #tpu.memory_space<vmem>>, vector<16xf32>,
          %gather3A_432 = tpu.memref_slice %arg7[%multiple_of3A_391] : memref<65536xf32, #tpu.memory_space<vmem>> -> memref<1024xf32, #tpu.memory_space<vmem>>
          %gather3A_433 = tpu.vector_load_idx %gather3A_432[%get3A_360] : memref<1024xf32, #tpu.memory_space<vmem>>[vector<16xi32>], vector<16xf32>,
          %swap3A_434 = arith.index_cast %select_n3A_302 : i32 to index
          %swap3A_435 = arith.index_cast %scan3A_388 : i32 to index
          %swap3A_436 = arith.constant 112 : index
          %swap3A_437 = tpu.vector_load %arg9[%swap3A_434, %swap3A_435, %swap3A_436] {strides = array<i32>} : memref<7x64x128xf32, #tpu.memory_space<vmem>>, vector<16xf32>,
          tpu.vector_store %arg9[%swap3A_434, %swap3A_435, %swap3A_436], %gather3A_433 {strides = array<i32>} : memref<7x64x128xf32, #tpu.memory_space<vmem>>, vector<16xf32>,
          %scan3A_438 = arith.constant 1 : i32
          %scan3A_439 = arith.addi %scan3A_388, %scan3A_438 : i32
          %mul3A_440 = arith.constant 1024 : i32
          %mul3A_441 = arith.muli %scan3A_439, %mul3A_440 : i32
          %multiple_of3A_442 = tpu.assume_multiple %mul3A_441, 1024 : i32
          %gather3A_443 = tpu.memref_slice %arg7[%multiple_of3A_442] : memref<65536xf32, #tpu.memory_space<vmem>> -> memref<1024xf32, #tpu.memory_space<vmem>>
          %gather3A_444 = tpu.vector_load_idx %gather3A_443[%get3A_311] : memref<1024xf32, #tpu.memory_space<vmem>>[vector<16xi32>], vector<16xf32>,
          %swap3A_445 = arith.index_cast %select_n3A_302 : i32 to index
          %swap3A_446 = arith.index_cast %scan3A_439 : i32 to index
          %swap3A_447 = arith.constant 0 : index
          %swap3A_448 = tpu.vector_load %arg9[%swap3A_445, %swap3A_446, %swap3A_447] {strides = array<i32>} : memref<7x64x128xf32, #tpu.memory_space<vmem>>, vector<16xf32>,
          tpu.vector_store %arg9[%swap3A_445, %swap3A_446, %swap3A_447], %gather3A_444 {strides = array<i32>} : memref<7x64x128xf32, #tpu.memory_space<vmem>>, vector<16xf32>,
          %gather3A_449 = tpu.memref_slice %arg7[%multiple_of3A_442] : memref<65536xf32, #tpu.memory_space<vmem>> -> memref<1024xf32, #tpu.memory_space<vmem>>
          %gather3A_450 = tpu.vector_load_idx %gather3A_449[%get3A_318] : memref<1024xf32, #tpu.memory_space<vmem>>[vector<16xi32>], vector<16xf32>,
          %swap3A_451 = arith.index_cast %select_n3A_302 : i32 to index
          %swap3A_452 = arith.index_cast %scan3A_439 : i32 to index
          %swap3A_453 = arith.constant 16 : index
          %swap3A_454 = tpu.vector_load %arg9[%swap3A_451, %swap3A_452, %swap3A_453] {strides = array<i32>} : memref<7x64x128xf32, #tpu.memory_space<vmem>>, vector<16xf32>,
          tpu.vector_store %arg9[%swap3A_451, %swap3A_452, %swap3A_453], %gather3A_450 {strides = array<i32>} : memref<7x64x128xf32, #tpu.memory_space<vmem>>, vector<16xf32>,
          %gather3A_455 = tpu.memref_slice %arg7[%multiple_of3A_442] : memref<65536xf32, #tpu.memory_space<vmem>> -> memref<1024xf32, #tpu.memory_space<vmem>>
          %gather3A_456 = tpu.vector_load_idx %gather3A_455[%get3A_325] : memref<1024xf32, #tpu.memory_space<vmem>>[vector<16xi32>], vector<16xf32>,
          %swap3A_457 = arith.index_cast %select_n3A_302 : i32 to index
          %swap3A_458 = arith.index_cast %scan3A_439 : i32 to index
          %swap3A_459 = arith.constant 32 : index
          %swap3A_460 = tpu.vector_load %arg9[%swap3A_457, %swap3A_458, %swap3A_459] {strides = array<i32>} : memref<7x64x128xf32, #tpu.memory_space<vmem>>, vector<16xf32>,
          tpu.vector_store %arg9[%swap3A_457, %swap3A_458, %swap3A_459], %gather3A_456 {strides = array<i32>} : memref<7x64x128xf32, #tpu.memory_space<vmem>>, vector<16xf32>,
          %gather3A_461 = tpu.memref_slice %arg7[%multiple_of3A_442] : memref<65536xf32, #tpu.memory_space<vmem>> -> memref<1024xf32, #tpu.memory_space<vmem>>
          %gather3A_462 = tpu.vector_load_idx %gather3A_461[%get3A_332] : memref<1024xf32, #tpu.memory_space<vmem>>[vector<16xi32>], vector<16xf32>,
          %swap3A_463 = arith.index_cast %select_n3A_302 : i32 to index
          %swap3A_464 = arith.index_cast %scan3A_439 : i32 to index
          %swap3A_465 = arith.constant 48 : index
          %swap3A_466 = tpu.vector_load %arg9[%swap3A_463, %swap3A_464, %swap3A_465] {strides = array<i32>} : memref<7x64x128xf32, #tpu.memory_space<vmem>>, vector<16xf32>,
          tpu.vector_store %arg9[%swap3A_463, %swap3A_464, %swap3A_465], %gather3A_462 {strides = array<i32>} : memref<7x64x128xf32, #tpu.memory_space<vmem>>, vector<16xf32>,
          %gather3A_467 = tpu.memref_slice %arg7[%multiple_of3A_442] : memref<65536xf32, #tpu.memory_space<vmem>> -> memref<1024xf32, #tpu.memory_space<vmem>>
          %gather3A_468 = tpu.vector_load_idx %gather3A_467[%get3A_339] : memref<1024xf32, #tpu.memory_space<vmem>>[vector<16xi32>], vector<16xf32>,
          %swap3A_469 = arith.index_cast %select_n3A_302 : i32 to index
          %swap3A_470 = arith.index_cast %scan3A_439 : i32 to index
          %swap3A_471 = arith.constant 64 : index
          %swap3A_472 = tpu.vector_load %arg9[%swap3A_469, %swap3A_470, %swap3A_471] {strides = array<i32>} : memref<7x64x128xf32, #tpu.memory_space<vmem>>, vector<16xf32>,
          tpu.vector_store %arg9[%swap3A_469, %swap3A_470, %swap3A_471], %gather3A_468 {strides = array<i32>} : memref<7x64x128xf32, #tpu.memory_space<vmem>>, vector<16xf32>,
          %gather3A_473 = tpu.memref_slice %arg7[%multiple_of3A_442] : memref<65536xf32, #tpu.memory_space<vmem>> -> memref<1024xf32, #tpu.memory_space<vmem>>
          %gather3A_474 = tpu.vector_load_idx %gather3A_473[%get3A_346] : memref<1024xf32, #tpu.memory_space<vmem>>[vector<16xi32>], vector<16xf32>,
          %swap3A_475 = arith.index_cast %select_n3A_302 : i32 to index
          %swap3A_476 = arith.index_cast %scan3A_439 : i32 to index
          %swap3A_477 = arith.constant 80 : index
          %swap3A_478 = tpu.vector_load %arg9[%swap3A_475, %swap3A_476, %swap3A_477] {strides = array<i32>} : memref<7x64x128xf32, #tpu.memory_space<vmem>>, vector<16xf32>,
          tpu.vector_store %arg9[%swap3A_475, %swap3A_476, %swap3A_477], %gather3A_474 {strides = array<i32>} : memref<7x64x128xf32, #tpu.memory_space<vmem>>, vector<16xf32>,
          %gather3A_479 = tpu.memref_slice %arg7[%multiple_of3A_442] : memref<65536xf32, #tpu.memory_space<vmem>> -> memref<1024xf32, #tpu.memory_space<vmem>>
          %gather3A_480 = tpu.vector_load_idx %gather3A_479[%get3A_353] : memref<1024xf32, #tpu.memory_space<vmem>>[vector<16xi32>], vector<16xf32>,
          %swap3A_481 = arith.index_cast %select_n3A_302 : i32 to index
          %swap3A_482 = arith.index_cast %scan3A_439 : i32 to index
          %swap3A_483 = arith.constant 96 : index
          %swap3A_484 = tpu.vector_load %arg9[%swap3A_481, %swap3A_482, %swap3A_483] {strides = array<i32>} : memref<7x64x128xf32, #tpu.memory_space<vmem>>, vector<16xf32>,
          tpu.vector_store %arg9[%swap3A_481, %swap3A_482, %swap3A_483], %gather3A_480 {strides = array<i32>} : memref<7x64x128xf32, #tpu.memory_space<vmem>>, vector<16xf32>,
          %gather3A_485 = tpu.memref_slice %arg7[%multiple_of3A_442] : memref<65536xf32, #tpu.memory_space<vmem>> -> memref<1024xf32, #tpu.memory_space<vmem>>
          %gather3A_486 = tpu.vector_load_idx %gather3A_485[%get3A_360] : memref<1024xf32, #tpu.memory_space<vmem>>[vector<16xi32>], vector<16xf32>,
          %swap3A_487 = arith.index_cast %select_n3A_302 : i32 to index
          %swap3A_488 = arith.index_cast %scan3A_439 : i32 to index
          %swap3A_489 = arith.constant 112 : index
          %swap3A_490 = tpu.vector_load %arg9[%swap3A_487, %swap3A_488, %swap3A_489] {strides = array<i32>} : memref<7x64x128xf32, #tpu.memory_space<vmem>>, vector<16xf32>,
          tpu.vector_store %arg9[%swap3A_487, %swap3A_488, %swap3A_489], %gather3A_486 {strides = array<i32>} : memref<7x64x128xf32, #tpu.memory_space<vmem>>, vector<16xf32>,
          %scan3A_491 = arith.constant 2 : i32
          %scan3A_492 = arith.addi %scan3A_388, %scan3A_491 : i32
          %mul3A_493 = arith.constant 1024 : i32
          %mul3A_494 = arith.muli %scan3A_492, %mul3A_493 : i32
          %multiple_of3A_495 = tpu.assume_multiple %mul3A_494, 1024 : i32
          %gather3A_496 = tpu.memref_slice %arg7[%multiple_of3A_495] : memref<65536xf32, #tpu.memory_space<vmem>> -> memref<1024xf32, #tpu.memory_space<vmem>>
          %gather3A_497 = tpu.vector_load_idx %gather3A_496[%get3A_311] : memref<1024xf32, #tpu.memory_space<vmem>>[vector<16xi32>], vector<16xf32>,
          %swap3A_498 = arith.index_cast %select_n3A_302 : i32 to index
          %swap3A_499 = arith.index_cast %scan3A_492 : i32 to index
          %swap3A_500 = arith.constant 0 : index
          %swap3A_501 = tpu.vector_load %arg9[%swap3A_498, %swap3A_499, %swap3A_500] {strides = array<i32>} : memref<7x64x128xf32, #tpu.memory_space<vmem>>, vector<16xf32>,
          tpu.vector_store %arg9[%swap3A_498, %swap3A_499, %swap3A_500], %gather3A_497 {strides = array<i32>} : memref<7x64x128xf32, #tpu.memory_space<vmem>>, vector<16xf32>,
          %gather3A_502 = tpu.memref_slice %arg7[%multiple_of3A_495] : memref<65536xf32, #tpu.memory_space<vmem>> -> memref<1024xf32, #tpu.memory_space<vmem>>
          %gather3A_503 = tpu.vector_load_idx %gather3A_502[%get3A_318] : memref<1024xf32, #tpu.memory_space<vmem>>[vector<16xi32>], vector<16xf32>,
          %swap3A_504 = arith.index_cast %select_n3A_302 : i32 to index
          %swap3A_505 = arith.index_cast %scan3A_492 : i32 to index
          %swap3A_506 = arith.constant 16 : index
          %swap3A_507 = tpu.vector_load %arg9[%swap3A_504, %swap3A_505, %swap3A_506] {strides = array<i32>} : memref<7x64x128xf32, #tpu.memory_space<vmem>>, vector<16xf32>,
          tpu.vector_store %arg9[%swap3A_504, %swap3A_505, %swap3A_506], %gather3A_503 {strides = array<i32>} : memref<7x64x128xf32, #tpu.memory_space<vmem>>, vector<16xf32>,
          %gather3A_508 = tpu.memref_slice %arg7[%multiple_of3A_495] : memref<65536xf32, #tpu.memory_space<vmem>> -> memref<1024xf32, #tpu.memory_space<vmem>>
          %gather3A_509 = tpu.vector_load_idx %gather3A_508[%get3A_325] : memref<1024xf32, #tpu.memory_space<vmem>>[vector<16xi32>], vector<16xf32>,
          %swap3A_510 = arith.index_cast %select_n3A_302 : i32 to index
          %swap3A_511 = arith.index_cast %scan3A_492 : i32 to index
          %swap3A_512 = arith.constant 32 : index
          %swap3A_513 = tpu.vector_load %arg9[%swap3A_510, %swap3A_511, %swap3A_512] {strides = array<i32>} : memref<7x64x128xf32, #tpu.memory_space<vmem>>, vector<16xf32>,
          tpu.vector_store %arg9[%swap3A_510, %swap3A_511, %swap3A_512], %gather3A_509 {strides = array<i32>} : memref<7x64x128xf32, #tpu.memory_space<vmem>>, vector<16xf32>,
          %gather3A_514 = tpu.memref_slice %arg7[%multiple_of3A_495] : memref<65536xf32, #tpu.memory_space<vmem>> -> memref<1024xf32, #tpu.memory_space<vmem>>
          %gather3A_515 = tpu.vector_load_idx %gather3A_514[%get3A_332] : memref<1024xf32, #tpu.memory_space<vmem>>[vector<16xi32>], vector<16xf32>,
          %swap3A_516 = arith.index_cast %select_n3A_302 : i32 to index
          %swap3A_517 = arith.index_cast %scan3A_492 : i32 to index
          %swap3A_518 = arith.constant 48 : index
          %swap3A_519 = tpu.vector_load %arg9[%swap3A_516, %swap3A_517, %swap3A_518] {strides = array<i32>} : memref<7x64x128xf32, #tpu.memory_space<vmem>>, vector<16xf32>,
          tpu.vector_store %arg9[%swap3A_516, %swap3A_517, %swap3A_518], %gather3A_515 {strides = array<i32>} : memref<7x64x128xf32, #tpu.memory_space<vmem>>, vector<16xf32>,
          %gather3A_520 = tpu.memref_slice %arg7[%multiple_of3A_495] : memref<65536xf32, #tpu.memory_space<vmem>> -> memref<1024xf32, #tpu.memory_space<vmem>>
          %gather3A_521 = tpu.vector_load_idx %gather3A_520[%get3A_339] : memref<1024xf32, #tpu.memory_space<vmem>>[vector<16xi32>], vector<16xf32>,
          %swap3A_522 = arith.index_cast %select_n3A_302 : i32 to index
          %swap3A_523 = arith.index_cast %scan3A_492 : i32 to index
          %swap3A_524 = arith.constant 64 : index
          %swap3A_525 = tpu.vector_load %arg9[%swap3A_522, %swap3A_523, %swap3A_524] {strides = array<i32>} : memref<7x64x128xf32, #tpu.memory_space<vmem>>, vector<16xf32>,
          tpu.vector_store %arg9[%swap3A_522, %swap3A_523, %swap3A_524], %gather3A_521 {strides = array<i32>} : memref<7x64x128xf32, #tpu.memory_space<vmem>>, vector<16xf32>,
          %gather3A_526 = tpu.memref_slice %arg7[%multiple_of3A_495] : memref<65536xf32, #tpu.memory_space<vmem>> -> memref<1024xf32, #tpu.memory_space<vmem>>
          %gather3A_527 = tpu.vector_load_idx %gather3A_526[%get3A_346] : memref<1024xf32, #tpu.memory_space<vmem>>[vector<16xi32>], vector<16xf32>,
          %swap3A_528 = arith.index_cast %select_n3A_302 : i32 to index
          %swap3A_529 = arith.index_cast %scan3A_492 : i32 to index
          %swap3A_530 = arith.constant 80 : index
          %swap3A_531 = tpu.vector_load %arg9[%swap3A_528, %swap3A_529, %swap3A_530] {strides = array<i32>} : memref<7x64x128xf32, #tpu.memory_space<vmem>>, vector<16xf32>,
          tpu.vector_store %arg9[%swap3A_528, %swap3A_529, %swap3A_530], %gather3A_527 {strides = array<i32>} : memref<7x64x128xf32, #tpu.memory_space<vmem>>, vector<16xf32>,
          %gather3A_532 = tpu.memref_slice %arg7[%multiple_of3A_495] : memref<65536xf32, #tpu.memory_space<vmem>> -> memref<1024xf32, #tpu.memory_space<vmem>>
          %gather3A_533 = tpu.vector_load_idx %gather3A_532[%get3A_353] : memref<1024xf32, #tpu.memory_space<vmem>>[vector<16xi32>], vector<16xf32>,
          %swap3A_534 = arith.index_cast %select_n3A_302 : i32 to index
          %swap3A_535 = arith.index_cast %scan3A_492 : i32 to index
          %swap3A_536 = arith.constant 96 : index
          %swap3A_537 = tpu.vector_load %arg9[%swap3A_534, %swap3A_535, %swap3A_536] {strides = array<i32>} : memref<7x64x128xf32, #tpu.memory_space<vmem>>, vector<16xf32>,
          tpu.vector_store %arg9[%swap3A_534, %swap3A_535, %swap3A_536], %gather3A_533 {strides = array<i32>} : memref<7x64x128xf32, #tpu.memory_space<vmem>>, vector<16xf32>,
          %gather3A_538 = tpu.memref_slice %arg7[%multiple_of3A_495] : memref<65536xf32, #tpu.memory_space<vmem>> -> memref<1024xf32, #tpu.memory_space<vmem>>
          %gather3A_539 = tpu.vector_load_idx %gather3A_538[%get3A_360] : memref<1024xf32, #tpu.memory_space<vmem>>[vector<16xi32>], vector<16xf32>,
          %swap3A_540 = arith.index_cast %select_n3A_302 : i32 to index
          %swap3A_541 = arith.index_cast %scan3A_492 : i32 to index
          %swap3A_542 = arith.constant 112 : index
          %swap3A_543 = tpu.vector_load %arg9[%swap3A_540, %swap3A_541, %swap3A_542] {strides = array<i32>} : memref<7x64x128xf32, #tpu.memory_space<vmem>>, vector<16xf32>,
          tpu.vector_store %arg9[%swap3A_540, %swap3A_541, %swap3A_542], %gather3A_539 {strides = array<i32>} : memref<7x64x128xf32, #tpu.memory_space<vmem>>, vector<16xf32>,
          %scan3A_544 = arith.constant 3 : i32
          %scan3A_545 = arith.addi %scan3A_388, %scan3A_544 : i32
          %mul3A_546 = arith.constant 1024 : i32
          %mul3A_547 = arith.muli %scan3A_545, %mul3A_546 : i32
          %multiple_of3A_548 = tpu.assume_multiple %mul3A_547, 1024 : i32
          %gather3A_549 = tpu.memref_slice %arg7[%multiple_of3A_548] : memref<65536xf32, #tpu.memory_space<vmem>> -> memref<1024xf32, #tpu.memory_space<vmem>>
          %gather3A_550 = tpu.vector_load_idx %gather3A_549[%get3A_311] : memref<1024xf32, #tpu.memory_space<vmem>>[vector<16xi32>], vector<16xf32>,
          %swap3A_551 = arith.index_cast %select_n3A_302 : i32 to index
          %swap3A_552 = arith.index_cast %scan3A_545 : i32 to index
          %swap3A_553 = arith.constant 0 : index
          %swap3A_554 = tpu.vector_load %arg9[%swap3A_551, %swap3A_552, %swap3A_553] {strides = array<i32>} : memref<7x64x128xf32, #tpu.memory_space<vmem>>, vector<16xf32>,
          tpu.vector_store %arg9[%swap3A_551, %swap3A_552, %swap3A_553], %gather3A_550 {strides = array<i32>} : memref<7x64x128xf32, #tpu.memory_space<vmem>>, vector<16xf32>,
          %gather3A_555 = tpu.memref_slice %arg7[%multiple_of3A_548] : memref<65536xf32, #tpu.memory_space<vmem>> -> memref<1024xf32, #tpu.memory_space<vmem>>
          %gather3A_556 = tpu.vector_load_idx %gather3A_555[%get3A_318] : memref<1024xf32, #tpu.memory_space<vmem>>[vector<16xi32>], vector<16xf32>,
          %swap3A_557 = arith.index_cast %select_n3A_302 : i32 to index
          %swap3A_558 = arith.index_cast %scan3A_545 : i32 to index
          %swap3A_559 = arith.constant 16 : index
          %swap3A_560 = tpu.vector_load %arg9[%swap3A_557, %swap3A_558, %swap3A_559] {strides = array<i32>} : memref<7x64x128xf32, #tpu.memory_space<vmem>>, vector<16xf32>,
          tpu.vector_store %arg9[%swap3A_557, %swap3A_558, %swap3A_559], %gather3A_556 {strides = array<i32>} : memref<7x64x128xf32, #tpu.memory_space<vmem>>, vector<16xf32>,
          %gather3A_561 = tpu.memref_slice %arg7[%multiple_of3A_548] : memref<65536xf32, #tpu.memory_space<vmem>> -> memref<1024xf32, #tpu.memory_space<vmem>>
          %gather3A_562 = tpu.vector_load_idx %gather3A_561[%get3A_325] : memref<1024xf32, #tpu.memory_space<vmem>>[vector<16xi32>], vector<16xf32>,
          %swap3A_563 = arith.index_cast %select_n3A_302 : i32 to index
          %swap3A_564 = arith.index_cast %scan3A_545 : i32 to index
          %swap3A_565 = arith.constant 32 : index
          %swap3A_566 = tpu.vector_load %arg9[%swap3A_563, %swap3A_564, %swap3A_565] {strides = array<i32>} : memref<7x64x128xf32, #tpu.memory_space<vmem>>, vector<16xf32>,
          tpu.vector_store %arg9[%swap3A_563, %swap3A_564, %swap3A_565], %gather3A_562 {strides = array<i32>} : memref<7x64x128xf32, #tpu.memory_space<vmem>>, vector<16xf32>,
          %gather3A_567 = tpu.memref_slice %arg7[%multiple_of3A_548] : memref<65536xf32, #tpu.memory_space<vmem>> -> memref<1024xf32, #tpu.memory_space<vmem>>
          %gather3A_568 = tpu.vector_load_idx %gather3A_567[%get3A_332] : memref<1024xf32, #tpu.memory_space<vmem>>[vector<16xi32>], vector<16xf32>,
          %swap3A_569 = arith.index_cast %select_n3A_302 : i32 to index
          %swap3A_570 = arith.index_cast %scan3A_545 : i32 to index
          %swap3A_571 = arith.constant 48 : index
          %swap3A_572 = tpu.vector_load %arg9[%swap3A_569, %swap3A_570, %swap3A_571] {strides = array<i32>} : memref<7x64x128xf32, #tpu.memory_space<vmem>>, vector<16xf32>,
          tpu.vector_store %arg9[%swap3A_569, %swap3A_570, %swap3A_571], %gather3A_568 {strides = array<i32>} : memref<7x64x128xf32, #tpu.memory_space<vmem>>, vector<16xf32>,
          %gather3A_573 = tpu.memref_slice %arg7[%multiple_of3A_548] : memref<65536xf32, #tpu.memory_space<vmem>> -> memref<1024xf32, #tpu.memory_space<vmem>>
          %gather3A_574 = tpu.vector_load_idx %gather3A_573[%get3A_339] : memref<1024xf32, #tpu.memory_space<vmem>>[vector<16xi32>], vector<16xf32>,
          %swap3A_575 = arith.index_cast %select_n3A_302 : i32 to index
          %swap3A_576 = arith.index_cast %scan3A_545 : i32 to index
          %swap3A_577 = arith.constant 64 : index
          %swap3A_578 = tpu.vector_load %arg9[%swap3A_575, %swap3A_576, %swap3A_577] {strides = array<i32>} : memref<7x64x128xf32, #tpu.memory_space<vmem>>, vector<16xf32>,
          tpu.vector_store %arg9[%swap3A_575, %swap3A_576, %swap3A_577], %gather3A_574 {strides = array<i32>} : memref<7x64x128xf32, #tpu.memory_space<vmem>>, vector<16xf32>,
          %gather3A_579 = tpu.memref_slice %arg7[%multiple_of3A_548] : memref<65536xf32, #tpu.memory_space<vmem>> -> memref<1024xf32, #tpu.memory_space<vmem>>
          %gather3A_580 = tpu.vector_load_idx %gather3A_579[%get3A_346] : memref<1024xf32, #tpu.memory_space<vmem>>[vector<16xi32>], vector<16xf32>,
          %swap3A_581 = arith.index_cast %select_n3A_302 : i32 to index
          %swap3A_582 = arith.index_cast %scan3A_545 : i32 to index
          %swap3A_583 = arith.constant 80 : index
          %swap3A_584 = tpu.vector_load %arg9[%swap3A_581, %swap3A_582, %swap3A_583] {strides = array<i32>} : memref<7x64x128xf32, #tpu.memory_space<vmem>>, vector<16xf32>,
          tpu.vector_store %arg9[%swap3A_581, %swap3A_582, %swap3A_583], %gather3A_580 {strides = array<i32>} : memref<7x64x128xf32, #tpu.memory_space<vmem>>, vector<16xf32>,
          %gather3A_585 = tpu.memref_slice %arg7[%multiple_of3A_548] : memref<65536xf32, #tpu.memory_space<vmem>> -> memref<1024xf32, #tpu.memory_space<vmem>>
          %gather3A_586 = tpu.vector_load_idx %gather3A_585[%get3A_353] : memref<1024xf32, #tpu.memory_space<vmem>>[vector<16xi32>], vector<16xf32>,
          %swap3A_587 = arith.index_cast %select_n3A_302 : i32 to index
          %swap3A_588 = arith.index_cast %scan3A_545 : i32 to index
          %swap3A_589 = arith.constant 96 : index
          %swap3A_590 = tpu.vector_load %arg9[%swap3A_587, %swap3A_588, %swap3A_589] {strides = array<i32>} : memref<7x64x128xf32, #tpu.memory_space<vmem>>, vector<16xf32>,
          tpu.vector_store %arg9[%swap3A_587, %swap3A_588, %swap3A_589], %gather3A_586 {strides = array<i32>} : memref<7x64x128xf32, #tpu.memory_space<vmem>>, vector<16xf32>,
          %gather3A_591 = tpu.memref_slice %arg7[%multiple_of3A_548] : memref<65536xf32, #tpu.memory_space<vmem>> -> memref<1024xf32, #tpu.memory_space<vmem>>
          %gather3A_592 = tpu.vector_load_idx %gather3A_591[%get3A_360] : memref<1024xf32, #tpu.memory_space<vmem>>[vector<16xi32>], vector<16xf32>,
          %swap3A_593 = arith.index_cast %select_n3A_302 : i32 to index
          %swap3A_594 = arith.index_cast %scan3A_545 : i32 to index
          %swap3A_595 = arith.constant 112 : index
          %swap3A_596 = tpu.vector_load %arg9[%swap3A_593, %swap3A_594, %swap3A_595] {strides = array<i32>} : memref<7x64x128xf32, #tpu.memory_space<vmem>>, vector<16xf32>,
          tpu.vector_store %arg9[%swap3A_593, %swap3A_594, %swap3A_595], %gather3A_592 {strides = array<i32>} : memref<7x64x128xf32, #tpu.memory_space<vmem>>, vector<16xf32>,
          %scan3A_597 = arith.constant 4 : i32
          %scan3A_598 = arith.addi %scan3A_388, %scan3A_597 : i32
          %mul3A_599 = arith.constant 1024 : i32
          %mul3A_600 = arith.muli %scan3A_598, %mul3A_599 : i32
          %multiple_of3A_601 = tpu.assume_multiple %mul3A_600, 1024 : i32
          %gather3A_602 = tpu.memref_slice %arg7[%multiple_of3A_601] : memref<65536xf32, #tpu.memory_space<vmem>> -> memref<1024xf32, #tpu.memory_space<vmem>>
          %gather3A_603 = tpu.vector_load_idx %gather3A_602[%get3A_311] : memref<1024xf32, #tpu.memory_space<vmem>>[vector<16xi32>], vector<16xf32>,
          %swap3A_604 = arith.index_cast %select_n3A_302 : i32 to index
          %swap3A_605 = arith.index_cast %scan3A_598 : i32 to index
          %swap3A_606 = arith.constant 0 : index
          %swap3A_607 = tpu.vector_load %arg9[%swap3A_604, %swap3A_605, %swap3A_606] {strides = array<i32>} : memref<7x64x128xf32, #tpu.memory_space<vmem>>, vector<16xf32>,
          tpu.vector_store %arg9[%swap3A_604, %swap3A_605, %swap3A_606], %gather3A_603 {strides = array<i32>} : memref<7x64x128xf32, #tpu.memory_space<vmem>>, vector<16xf32>,
          %gather3A_608 = tpu.memref_slice %arg7[%multiple_of3A_601] : memref<65536xf32, #tpu.memory_space<vmem>> -> memref<1024xf32, #tpu.memory_space<vmem>>
          %gather3A_609 = tpu.vector_load_idx %gather3A_608[%get3A_318] : memref<1024xf32, #tpu.memory_space<vmem>>[vector<16xi32>], vector<16xf32>,
          %swap3A_610 = arith.index_cast %select_n3A_302 : i32 to index
          %swap3A_611 = arith.index_cast %scan3A_598 : i32 to index
          %swap3A_612 = arith.constant 16 : index
          %swap3A_613 = tpu.vector_load %arg9[%swap3A_610, %swap3A_611, %swap3A_612] {strides = array<i32>} : memref<7x64x128xf32, #tpu.memory_space<vmem>>, vector<16xf32>,
          tpu.vector_store %arg9[%swap3A_610, %swap3A_611, %swap3A_612], %gather3A_609 {strides = array<i32>} : memref<7x64x128xf32, #tpu.memory_space<vmem>>, vector<16xf32>,
          %gather3A_614 = tpu.memref_slice %arg7[%multiple_of3A_601] : memref<65536xf32, #tpu.memory_space<vmem>> -> memref<1024xf32, #tpu.memory_space<vmem>>
          %gather3A_615 = tpu.vector_load_idx %gather3A_614[%get3A_325] : memref<1024xf32, #tpu.memory_space<vmem>>[vector<16xi32>], vector<16xf32>,
          %swap3A_616 = arith.index_cast %select_n3A_302 : i32 to index
          %swap3A_617 = arith.index_cast %scan3A_598 : i32 to index
          %swap3A_618 = arith.constant 32 : index
          %swap3A_619 = tpu.vector_load %arg9[%swap3A_616, %swap3A_617, %swap3A_618] {strides = array<i32>} : memref<7x64x128xf32, #tpu.memory_space<vmem>>, vector<16xf32>,
          tpu.vector_store %arg9[%swap3A_616, %swap3A_617, %swap3A_618], %gather3A_615 {strides = array<i32>} : memref<7x64x128xf32, #tpu.memory_space<vmem>>, vector<16xf32>,
          %gather3A_620 = tpu.memref_slice %arg7[%multiple_of3A_601] : memref<65536xf32, #tpu.memory_space<vmem>> -> memref<1024xf32, #tpu.memory_space<vmem>>
          %gather3A_621 = tpu.vector_load_idx %gather3A_620[%get3A_332] : memref<1024xf32, #tpu.memory_space<vmem>>[vector<16xi32>], vector<16xf32>,
          %swap3A_622 = arith.index_cast %select_n3A_302 : i32 to index
          %swap3A_623 = arith.index_cast %scan3A_598 : i32 to index
          %swap3A_624 = arith.constant 48 : index
          %swap3A_625 = tpu.vector_load %arg9[%swap3A_622, %swap3A_623, %swap3A_624] {strides = array<i32>} : memref<7x64x128xf32, #tpu.memory_space<vmem>>, vector<16xf32>,
          tpu.vector_store %arg9[%swap3A_622, %swap3A_623, %swap3A_624], %gather3A_621 {strides = array<i32>} : memref<7x64x128xf32, #tpu.memory_space<vmem>>, vector<16xf32>,
          %gather3A_626 = tpu.memref_slice %arg7[%multiple_of3A_601] : memref<65536xf32, #tpu.memory_space<vmem>> -> memref<1024xf32, #tpu.memory_space<vmem>>
          %gather3A_627 = tpu.vector_load_idx %gather3A_626[%get3A_339] : memref<1024xf32, #tpu.memory_space<vmem>>[vector<16xi32>], vector<16xf32>,
          %swap3A_628 = arith.index_cast %select_n3A_302 : i32 to index
          %swap3A_629 = arith.index_cast %scan3A_598 : i32 to index
          %swap3A_630 = arith.constant 64 : index
          %swap3A_631 = tpu.vector_load %arg9[%swap3A_628, %swap3A_629, %swap3A_630] {strides = array<i32>} : memref<7x64x128xf32, #tpu.memory_space<vmem>>, vector<16xf32>,
          tpu.vector_store %arg9[%swap3A_628, %swap3A_629, %swap3A_630], %gather3A_627 {strides = array<i32>} : memref<7x64x128xf32, #tpu.memory_space<vmem>>, vector<16xf32>,
          %gather3A_632 = tpu.memref_slice %arg7[%multiple_of3A_601] : memref<65536xf32, #tpu.memory_space<vmem>> -> memref<1024xf32, #tpu.memory_space<vmem>>
          %gather3A_633 = tpu.vector_load_idx %gather3A_632[%get3A_346] : memref<1024xf32, #tpu.memory_space<vmem>>[vector<16xi32>], vector<16xf32>,
          %swap3A_634 = arith.index_cast %select_n3A_302 : i32 to index
          %swap3A_635 = arith.index_cast %scan3A_598 : i32 to index
          %swap3A_636 = arith.constant 80 : index
          %swap3A_637 = tpu.vector_load %arg9[%swap3A_634, %swap3A_635, %swap3A_636] {strides = array<i32>} : memref<7x64x128xf32, #tpu.memory_space<vmem>>, vector<16xf32>,
          tpu.vector_store %arg9[%swap3A_634, %swap3A_635, %swap3A_636], %gather3A_633 {strides = array<i32>} : memref<7x64x128xf32, #tpu.memory_space<vmem>>, vector<16xf32>,
          %gather3A_638 = tpu.memref_slice %arg7[%multiple_of3A_601] : memref<65536xf32, #tpu.memory_space<vmem>> -> memref<1024xf32, #tpu.memory_space<vmem>>
          %gather3A_639 = tpu.vector_load_idx %gather3A_638[%get3A_353] : memref<1024xf32, #tpu.memory_space<vmem>>[vector<16xi32>], vector<16xf32>,
          %swap3A_640 = arith.index_cast %select_n3A_302 : i32 to index
          %swap3A_641 = arith.index_cast %scan3A_598 : i32 to index
          %swap3A_642 = arith.constant 96 : index
          %swap3A_643 = tpu.vector_load %arg9[%swap3A_640, %swap3A_641, %swap3A_642] {strides = array<i32>} : memref<7x64x128xf32, #tpu.memory_space<vmem>>, vector<16xf32>,
          tpu.vector_store %arg9[%swap3A_640, %swap3A_641, %swap3A_642], %gather3A_639 {strides = array<i32>} : memref<7x64x128xf32, #tpu.memory_space<vmem>>, vector<16xf32>,
          %gather3A_644 = tpu.memref_slice %arg7[%multiple_of3A_601] : memref<65536xf32, #tpu.memory_space<vmem>> -> memref<1024xf32, #tpu.memory_space<vmem>>
          %gather3A_645 = tpu.vector_load_idx %gather3A_644[%get3A_360] : memref<1024xf32, #tpu.memory_space<vmem>>[vector<16xi32>], vector<16xf32>,
          %swap3A_646 = arith.index_cast %select_n3A_302 : i32 to index
          %swap3A_647 = arith.index_cast %scan3A_598 : i32 to index
          %swap3A_648 = arith.constant 112 : index
          %swap3A_649 = tpu.vector_load %arg9[%swap3A_646, %swap3A_647, %swap3A_648] {strides = array<i32>} : memref<7x64x128xf32, #tpu.memory_space<vmem>>, vector<16xf32>,
          tpu.vector_store %arg9[%swap3A_646, %swap3A_647, %swap3A_648], %gather3A_645 {strides = array<i32>} : memref<7x64x128xf32, #tpu.memory_space<vmem>>, vector<16xf32>,
          %scan3A_650 = arith.constant 5 : i32
          %scan3A_651 = arith.addi %scan3A_388, %scan3A_650 : i32
          %mul3A_652 = arith.constant 1024 : i32
          %mul3A_653 = arith.muli %scan3A_651, %mul3A_652 : i32
          %multiple_of3A_654 = tpu.assume_multiple %mul3A_653, 1024 : i32
          %gather3A_655 = tpu.memref_slice %arg7[%multiple_of3A_654] : memref<65536xf32, #tpu.memory_space<vmem>> -> memref<1024xf32, #tpu.memory_space<vmem>>
          %gather3A_656 = tpu.vector_load_idx %gather3A_655[%get3A_311] : memref<1024xf32, #tpu.memory_space<vmem>>[vector<16xi32>], vector<16xf32>,
          %swap3A_657 = arith.index_cast %select_n3A_302 : i32 to index
          %swap3A_658 = arith.index_cast %scan3A_651 : i32 to index
          %swap3A_659 = arith.constant 0 : index
          %swap3A_660 = tpu.vector_load %arg9[%swap3A_657, %swap3A_658, %swap3A_659] {strides = array<i32>} : memref<7x64x128xf32, #tpu.memory_space<vmem>>, vector<16xf32>,
          tpu.vector_store %arg9[%swap3A_657, %swap3A_658, %swap3A_659], %gather3A_656 {strides = array<i32>} : memref<7x64x128xf32, #tpu.memory_space<vmem>>, vector<16xf32>,
          %gather3A_661 = tpu.memref_slice %arg7[%multiple_of3A_654] : memref<65536xf32, #tpu.memory_space<vmem>> -> memref<1024xf32, #tpu.memory_space<vmem>>
          %gather3A_662 = tpu.vector_load_idx %gather3A_661[%get3A_318] : memref<1024xf32, #tpu.memory_space<vmem>>[vector<16xi32>], vector<16xf32>,
          %swap3A_663 = arith.index_cast %select_n3A_302 : i32 to index
          %swap3A_664 = arith.index_cast %scan3A_651 : i32 to index
          %swap3A_665 = arith.constant 16 : index
          %swap3A_666 = tpu.vector_load %arg9[%swap3A_663, %swap3A_664, %swap3A_665] {strides = array<i32>} : memref<7x64x128xf32, #tpu.memory_space<vmem>>, vector<16xf32>,
          tpu.vector_store %arg9[%swap3A_663, %swap3A_664, %swap3A_665], %gather3A_662 {strides = array<i32>} : memref<7x64x128xf32, #tpu.memory_space<vmem>>, vector<16xf32>,
          %gather3A_667 = tpu.memref_slice %arg7[%multiple_of3A_654] : memref<65536xf32, #tpu.memory_space<vmem>> -> memref<1024xf32, #tpu.memory_space<vmem>>
          %gather3A_668 = tpu.vector_load_idx %gather3A_667[%get3A_325] : memref<1024xf32, #tpu.memory_space<vmem>>[vector<16xi32>], vector<16xf32>,
          %swap3A_669 = arith.index_cast %select_n3A_302 : i32 to index
          %swap3A_670 = arith.index_cast %scan3A_651 : i32 to index
          %swap3A_671 = arith.constant 32 : index
          %swap3A_672 = tpu.vector_load %arg9[%swap3A_669, %swap3A_670, %swap3A_671] {strides = array<i32>} : memref<7x64x128xf32, #tpu.memory_space<vmem>>, vector<16xf32>,
          tpu.vector_store %arg9[%swap3A_669, %swap3A_670, %swap3A_671], %gather3A_668 {strides = array<i32>} : memref<7x64x128xf32, #tpu.memory_space<vmem>>, vector<16xf32>,
          %gather3A_673 = tpu.memref_slice %arg7[%multiple_of3A_654] : memref<65536xf32, #tpu.memory_space<vmem>> -> memref<1024xf32, #tpu.memory_space<vmem>>
          %gather3A_674 = tpu.vector_load_idx %gather3A_673[%get3A_332] : memref<1024xf32, #tpu.memory_space<vmem>>[vector<16xi32>], vector<16xf32>,
          %swap3A_675 = arith.index_cast %select_n3A_302 : i32 to index
          %swap3A_676 = arith.index_cast %scan3A_651 : i32 to index
          %swap3A_677 = arith.constant 48 : index
          %swap3A_678 = tpu.vector_load %arg9[%swap3A_675, %swap3A_676, %swap3A_677] {strides = array<i32>} : memref<7x64x128xf32, #tpu.memory_space<vmem>>, vector<16xf32>,
          tpu.vector_store %arg9[%swap3A_675, %swap3A_676, %swap3A_677], %gather3A_674 {strides = array<i32>} : memref<7x64x128xf32, #tpu.memory_space<vmem>>, vector<16xf32>,
          %gather3A_679 = tpu.memref_slice %arg7[%multiple_of3A_654] : memref<65536xf32, #tpu.memory_space<vmem>> -> memref<1024xf32, #tpu.memory_space<vmem>>
          %gather3A_680 = tpu.vector_load_idx %gather3A_679[%get3A_339] : memref<1024xf32, #tpu.memory_space<vmem>>[vector<16xi32>], vector<16xf32>,
          %swap3A_681 = arith.index_cast %select_n3A_302 : i32 to index
          %swap3A_682 = arith.index_cast %scan3A_651 : i32 to index
          %swap3A_683 = arith.constant 64 : index
          %swap3A_684 = tpu.vector_load %arg9[%swap3A_681, %swap3A_682, %swap3A_683] {strides = array<i32>} : memref<7x64x128xf32, #tpu.memory_space<vmem>>, vector<16xf32>,
          tpu.vector_store %arg9[%swap3A_681, %swap3A_682, %swap3A_683], %gather3A_680 {strides = array<i32>} : memref<7x64x128xf32, #tpu.memory_space<vmem>>, vector<16xf32>,
          %gather3A_685 = tpu.memref_slice %arg7[%multiple_of3A_654] : memref<65536xf32, #tpu.memory_space<vmem>> -> memref<1024xf32, #tpu.memory_space<vmem>>
          %gather3A_686 = tpu.vector_load_idx %gather3A_685[%get3A_346] : memref<1024xf32, #tpu.memory_space<vmem>>[vector<16xi32>], vector<16xf32>,
          %swap3A_687 = arith.index_cast %select_n3A_302 : i32 to index
          %swap3A_688 = arith.index_cast %scan3A_651 : i32 to index
          %swap3A_689 = arith.constant 80 : index
          %swap3A_690 = tpu.vector_load %arg9[%swap3A_687, %swap3A_688, %swap3A_689] {strides = array<i32>} : memref<7x64x128xf32, #tpu.memory_space<vmem>>, vector<16xf32>,
          tpu.vector_store %arg9[%swap3A_687, %swap3A_688, %swap3A_689], %gather3A_686 {strides = array<i32>} : memref<7x64x128xf32, #tpu.memory_space<vmem>>, vector<16xf32>,
          %gather3A_691 = tpu.memref_slice %arg7[%multiple_of3A_654] : memref<65536xf32, #tpu.memory_space<vmem>> -> memref<1024xf32, #tpu.memory_space<vmem>>
          %gather3A_692 = tpu.vector_load_idx %gather3A_691[%get3A_353] : memref<1024xf32, #tpu.memory_space<vmem>>[vector<16xi32>], vector<16xf32>,
          %swap3A_693 = arith.index_cast %select_n3A_302 : i32 to index
          %swap3A_694 = arith.index_cast %scan3A_651 : i32 to index
          %swap3A_695 = arith.constant 96 : index
          %swap3A_696 = tpu.vector_load %arg9[%swap3A_693, %swap3A_694, %swap3A_695] {strides = array<i32>} : memref<7x64x128xf32, #tpu.memory_space<vmem>>, vector<16xf32>,
          tpu.vector_store %arg9[%swap3A_693, %swap3A_694, %swap3A_695], %gather3A_692 {strides = array<i32>} : memref<7x64x128xf32, #tpu.memory_space<vmem>>, vector<16xf32>,
          %gather3A_697 = tpu.memref_slice %arg7[%multiple_of3A_654] : memref<65536xf32, #tpu.memory_space<vmem>> -> memref<1024xf32, #tpu.memory_space<vmem>>
          %gather3A_698 = tpu.vector_load_idx %gather3A_697[%get3A_360] : memref<1024xf32, #tpu.memory_space<vmem>>[vector<16xi32>], vector<16xf32>,
          %swap3A_699 = arith.index_cast %select_n3A_302 : i32 to index
          %swap3A_700 = arith.index_cast %scan3A_651 : i32 to index
          %swap3A_701 = arith.constant 112 : index
          %swap3A_702 = tpu.vector_load %arg9[%swap3A_699, %swap3A_700, %swap3A_701] {strides = array<i32>} : memref<7x64x128xf32, #tpu.memory_space<vmem>>, vector<16xf32>,
          tpu.vector_store %arg9[%swap3A_699, %swap3A_700, %swap3A_701], %gather3A_698 {strides = array<i32>} : memref<7x64x128xf32, #tpu.memory_space<vmem>>, vector<16xf32>,
          %scan3A_703 = arith.constant 6 : i32
          %scan3A_704 = arith.addi %scan3A_388, %scan3A_703 : i32
          %mul3A_705 = arith.constant 1024 : i32
          %mul3A_706 = arith.muli %scan3A_704, %mul3A_705 : i32
          %multiple_of3A_707 = tpu.assume_multiple %mul3A_706, 1024 : i32
          %gather3A_708 = tpu.memref_slice %arg7[%multiple_of3A_707] : memref<65536xf32, #tpu.memory_space<vmem>> -> memref<1024xf32, #tpu.memory_space<vmem>>
          %gather3A_709 = tpu.vector_load_idx %gather3A_708[%get3A_311] : memref<1024xf32, #tpu.memory_space<vmem>>[vector<16xi32>], vector<16xf32>,
          %swap3A_710 = arith.index_cast %select_n3A_302 : i32 to index
          %swap3A_711 = arith.index_cast %scan3A_704 : i32 to index
          %swap3A_712 = arith.constant 0 : index
          %swap3A_713 = tpu.vector_load %arg9[%swap3A_710, %swap3A_711, %swap3A_712] {strides = array<i32>} : memref<7x64x128xf32, #tpu.memory_space<vmem>>, vector<16xf32>,
          tpu.vector_store %arg9[%swap3A_710, %swap3A_711, %swap3A_712], %gather3A_709 {strides = array<i32>} : memref<7x64x128xf32, #tpu.memory_space<vmem>>, vector<16xf32>,
          %gather3A_714 = tpu.memref_slice %arg7[%multiple_of3A_707] : memref<65536xf32, #tpu.memory_space<vmem>> -> memref<1024xf32, #tpu.memory_space<vmem>>
          %gather3A_715 = tpu.vector_load_idx %gather3A_714[%get3A_318] : memref<1024xf32, #tpu.memory_space<vmem>>[vector<16xi32>], vector<16xf32>,
          %swap3A_716 = arith.index_cast %select_n3A_302 : i32 to index
          %swap3A_717 = arith.index_cast %scan3A_704 : i32 to index
          %swap3A_718 = arith.constant 16 : index
          %swap3A_719 = tpu.vector_load %arg9[%swap3A_716, %swap3A_717, %swap3A_718] {strides = array<i32>} : memref<7x64x128xf32, #tpu.memory_space<vmem>>, vector<16xf32>,
          tpu.vector_store %arg9[%swap3A_716, %swap3A_717, %swap3A_718], %gather3A_715 {strides = array<i32>} : memref<7x64x128xf32, #tpu.memory_space<vmem>>, vector<16xf32>,
          %gather3A_720 = tpu.memref_slice %arg7[%multiple_of3A_707] : memref<65536xf32, #tpu.memory_space<vmem>> -> memref<1024xf32, #tpu.memory_space<vmem>>
          %gather3A_721 = tpu.vector_load_idx %gather3A_720[%get3A_325] : memref<1024xf32, #tpu.memory_space<vmem>>[vector<16xi32>], vector<16xf32>,
          %swap3A_722 = arith.index_cast %select_n3A_302 : i32 to index
          %swap3A_723 = arith.index_cast %scan3A_704 : i32 to index
          %swap3A_724 = arith.constant 32 : index
          %swap3A_725 = tpu.vector_load %arg9[%swap3A_722, %swap3A_723, %swap3A_724] {strides = array<i32>} : memref<7x64x128xf32, #tpu.memory_space<vmem>>, vector<16xf32>,
          tpu.vector_store %arg9[%swap3A_722, %swap3A_723, %swap3A_724], %gather3A_721 {strides = array<i32>} : memref<7x64x128xf32, #tpu.memory_space<vmem>>, vector<16xf32>,
          %gather3A_726 = tpu.memref_slice %arg7[%multiple_of3A_707] : memref<65536xf32, #tpu.memory_space<vmem>> -> memref<1024xf32, #tpu.memory_space<vmem>>
          %gather3A_727 = tpu.vector_load_idx %gather3A_726[%get3A_332] : memref<1024xf32, #tpu.memory_space<vmem>>[vector<16xi32>], vector<16xf32>,
          %swap3A_728 = arith.index_cast %select_n3A_302 : i32 to index
          %swap3A_729 = arith.index_cast %scan3A_704 : i32 to index
          %swap3A_730 = arith.constant 48 : index
          %swap3A_731 = tpu.vector_load %arg9[%swap3A_728, %swap3A_729, %swap3A_730] {strides = array<i32>} : memref<7x64x128xf32, #tpu.memory_space<vmem>>, vector<16xf32>,
          tpu.vector_store %arg9[%swap3A_728, %swap3A_729, %swap3A_730], %gather3A_727 {strides = array<i32>} : memref<7x64x128xf32, #tpu.memory_space<vmem>>, vector<16xf32>,
          %gather3A_732 = tpu.memref_slice %arg7[%multiple_of3A_707] : memref<65536xf32, #tpu.memory_space<vmem>> -> memref<1024xf32, #tpu.memory_space<vmem>>
          %gather3A_733 = tpu.vector_load_idx %gather3A_732[%get3A_339] : memref<1024xf32, #tpu.memory_space<vmem>>[vector<16xi32>], vector<16xf32>,
          %swap3A_734 = arith.index_cast %select_n3A_302 : i32 to index
          %swap3A_735 = arith.index_cast %scan3A_704 : i32 to index
          %swap3A_736 = arith.constant 64 : index
          %swap3A_737 = tpu.vector_load %arg9[%swap3A_734, %swap3A_735, %swap3A_736] {strides = array<i32>} : memref<7x64x128xf32, #tpu.memory_space<vmem>>, vector<16xf32>,
          tpu.vector_store %arg9[%swap3A_734, %swap3A_735, %swap3A_736], %gather3A_733 {strides = array<i32>} : memref<7x64x128xf32, #tpu.memory_space<vmem>>, vector<16xf32>,
          %gather3A_738 = tpu.memref_slice %arg7[%multiple_of3A_707] : memref<65536xf32, #tpu.memory_space<vmem>> -> memref<1024xf32, #tpu.memory_space<vmem>>
          %gather3A_739 = tpu.vector_load_idx %gather3A_738[%get3A_346] : memref<1024xf32, #tpu.memory_space<vmem>>[vector<16xi32>], vector<16xf32>,
          %swap3A_740 = arith.index_cast %select_n3A_302 : i32 to index
          %swap3A_741 = arith.index_cast %scan3A_704 : i32 to index
          %swap3A_742 = arith.constant 80 : index
          %swap3A_743 = tpu.vector_load %arg9[%swap3A_740, %swap3A_741, %swap3A_742] {strides = array<i32>} : memref<7x64x128xf32, #tpu.memory_space<vmem>>, vector<16xf32>,
          tpu.vector_store %arg9[%swap3A_740, %swap3A_741, %swap3A_742], %gather3A_739 {strides = array<i32>} : memref<7x64x128xf32, #tpu.memory_space<vmem>>, vector<16xf32>,
          %gather3A_744 = tpu.memref_slice %arg7[%multiple_of3A_707] : memref<65536xf32, #tpu.memory_space<vmem>> -> memref<1024xf32, #tpu.memory_space<vmem>>
          %gather3A_745 = tpu.vector_load_idx %gather3A_744[%get3A_353] : memref<1024xf32, #tpu.memory_space<vmem>>[vector<16xi32>], vector<16xf32>,
          %swap3A_746 = arith.index_cast %select_n3A_302 : i32 to index
          %swap3A_747 = arith.index_cast %scan3A_704 : i32 to index
          %swap3A_748 = arith.constant 96 : index
          %swap3A_749 = tpu.vector_load %arg9[%swap3A_746, %swap3A_747, %swap3A_748] {strides = array<i32>} : memref<7x64x128xf32, #tpu.memory_space<vmem>>, vector<16xf32>,
          tpu.vector_store %arg9[%swap3A_746, %swap3A_747, %swap3A_748], %gather3A_745 {strides = array<i32>} : memref<7x64x128xf32, #tpu.memory_space<vmem>>, vector<16xf32>,
          %gather3A_750 = tpu.memref_slice %arg7[%multiple_of3A_707] : memref<65536xf32, #tpu.memory_space<vmem>> -> memref<1024xf32, #tpu.memory_space<vmem>>
          %gather3A_751 = tpu.vector_load_idx %gather3A_750[%get3A_360] : memref<1024xf32, #tpu.memory_space<vmem>>[vector<16xi32>], vector<16xf32>,
          %swap3A_752 = arith.index_cast %select_n3A_302 : i32 to index
          %swap3A_753 = arith.index_cast %scan3A_704 : i32 to index
          %swap3A_754 = arith.constant 112 : index
          %swap3A_755 = tpu.vector_load %arg9[%swap3A_752, %swap3A_753, %swap3A_754] {strides = array<i32>} : memref<7x64x128xf32, #tpu.memory_space<vmem>>, vector<16xf32>,
          tpu.vector_store %arg9[%swap3A_752, %swap3A_753, %swap3A_754], %gather3A_751 {strides = array<i32>} : memref<7x64x128xf32, #tpu.memory_space<vmem>>, vector<16xf32>,
          %scan3A_756 = arith.constant 7 : i32
          %scan3A_757 = arith.addi %scan3A_388, %scan3A_756 : i32
          %mul3A_758 = arith.constant 1024 : i32
          %mul3A_759 = arith.muli %scan3A_757, %mul3A_758 : i32
          %multiple_of3A_760 = tpu.assume_multiple %mul3A_759, 1024 : i32
          %gather3A_761 = tpu.memref_slice %arg7[%multiple_of3A_760] : memref<65536xf32, #tpu.memory_space<vmem>> -> memref<1024xf32, #tpu.memory_space<vmem>>
          %gather3A_762 = tpu.vector_load_idx %gather3A_761[%get3A_311] : memref<1024xf32, #tpu.memory_space<vmem>>[vector<16xi32>], vector<16xf32>,
          %swap3A_763 = arith.index_cast %select_n3A_302 : i32 to index
          %swap3A_764 = arith.index_cast %scan3A_757 : i32 to index
          %swap3A_765 = arith.constant 0 : index
          %swap3A_766 = tpu.vector_load %arg9[%swap3A_763, %swap3A_764, %swap3A_765] {strides = array<i32>} : memref<7x64x128xf32, #tpu.memory_space<vmem>>, vector<16xf32>,
          tpu.vector_store %arg9[%swap3A_763, %swap3A_764, %swap3A_765], %gather3A_762 {strides = array<i32>} : memref<7x64x128xf32, #tpu.memory_space<vmem>>, vector<16xf32>,
          %gather3A_767 = tpu.memref_slice %arg7[%multiple_of3A_760] : memref<65536xf32, #tpu.memory_space<vmem>> -> memref<1024xf32, #tpu.memory_space<vmem>>
          %gather3A_768 = tpu.vector_load_idx %gather3A_767[%get3A_318] : memref<1024xf32, #tpu.memory_space<vmem>>[vector<16xi32>], vector<16xf32>,
          %swap3A_769 = arith.index_cast %select_n3A_302 : i32 to index
          %swap3A_770 = arith.index_cast %scan3A_757 : i32 to index
          %swap3A_771 = arith.constant 16 : index
          %swap3A_772 = tpu.vector_load %arg9[%swap3A_769, %swap3A_770, %swap3A_771] {strides = array<i32>} : memref<7x64x128xf32, #tpu.memory_space<vmem>>, vector<16xf32>,
          tpu.vector_store %arg9[%swap3A_769, %swap3A_770, %swap3A_771], %gather3A_768 {strides = array<i32>} : memref<7x64x128xf32, #tpu.memory_space<vmem>>, vector<16xf32>,
          %gather3A_773 = tpu.memref_slice %arg7[%multiple_of3A_760] : memref<65536xf32, #tpu.memory_space<vmem>> -> memref<1024xf32, #tpu.memory_space<vmem>>
          %gather3A_774 = tpu.vector_load_idx %gather3A_773[%get3A_325] : memref<1024xf32, #tpu.memory_space<vmem>>[vector<16xi32>], vector<16xf32>,
          %swap3A_775 = arith.index_cast %select_n3A_302 : i32 to index
          %swap3A_776 = arith.index_cast %scan3A_757 : i32 to index
          %swap3A_777 = arith.constant 32 : index
          %swap3A_778 = tpu.vector_load %arg9[%swap3A_775, %swap3A_776, %swap3A_777] {strides = array<i32>} : memref<7x64x128xf32, #tpu.memory_space<vmem>>, vector<16xf32>,
          tpu.vector_store %arg9[%swap3A_775, %swap3A_776, %swap3A_777], %gather3A_774 {strides = array<i32>} : memref<7x64x128xf32, #tpu.memory_space<vmem>>, vector<16xf32>,
          %gather3A_779 = tpu.memref_slice %arg7[%multiple_of3A_760] : memref<65536xf32, #tpu.memory_space<vmem>> -> memref<1024xf32, #tpu.memory_space<vmem>>
          %gather3A_780 = tpu.vector_load_idx %gather3A_779[%get3A_332] : memref<1024xf32, #tpu.memory_space<vmem>>[vector<16xi32>], vector<16xf32>,
          %swap3A_781 = arith.index_cast %select_n3A_302 : i32 to index
          %swap3A_782 = arith.index_cast %scan3A_757 : i32 to index
          %swap3A_783 = arith.constant 48 : index
          %swap3A_784 = tpu.vector_load %arg9[%swap3A_781, %swap3A_782, %swap3A_783] {strides = array<i32>} : memref<7x64x128xf32, #tpu.memory_space<vmem>>, vector<16xf32>,
          tpu.vector_store %arg9[%swap3A_781, %swap3A_782, %swap3A_783], %gather3A_780 {strides = array<i32>} : memref<7x64x128xf32, #tpu.memory_space<vmem>>, vector<16xf32>,
          %gather3A_785 = tpu.memref_slice %arg7[%multiple_of3A_760] : memref<65536xf32, #tpu.memory_space<vmem>> -> memref<1024xf32, #tpu.memory_space<vmem>>
          %gather3A_786 = tpu.vector_load_idx %gather3A_785[%get3A_339] : memref<1024xf32, #tpu.memory_space<vmem>>[vector<16xi32>], vector<16xf32>,
          %swap3A_787 = arith.index_cast %select_n3A_302 : i32 to index
          %swap3A_788 = arith.index_cast %scan3A_757 : i32 to index
          %swap3A_789 = arith.constant 64 : index
          %swap3A_790 = tpu.vector_load %arg9[%swap3A_787, %swap3A_788, %swap3A_789] {strides = array<i32>} : memref<7x64x128xf32, #tpu.memory_space<vmem>>, vector<16xf32>,
          tpu.vector_store %arg9[%swap3A_787, %swap3A_788, %swap3A_789], %gather3A_786 {strides = array<i32>} : memref<7x64x128xf32, #tpu.memory_space<vmem>>, vector<16xf32>,
          %gather3A_791 = tpu.memref_slice %arg7[%multiple_of3A_760] : memref<65536xf32, #tpu.memory_space<vmem>> -> memref<1024xf32, #tpu.memory_space<vmem>>
          %gather3A_792 = tpu.vector_load_idx %gather3A_791[%get3A_346] : memref<1024xf32, #tpu.memory_space<vmem>>[vector<16xi32>], vector<16xf32>,
          %swap3A_793 = arith.index_cast %select_n3A_302 : i32 to index
          %swap3A_794 = arith.index_cast %scan3A_757 : i32 to index
          %swap3A_795 = arith.constant 80 : index
          %swap3A_796 = tpu.vector_load %arg9[%swap3A_793, %swap3A_794, %swap3A_795] {strides = array<i32>} : memref<7x64x128xf32, #tpu.memory_space<vmem>>, vector<16xf32>,
          tpu.vector_store %arg9[%swap3A_793, %swap3A_794, %swap3A_795], %gather3A_792 {strides = array<i32>} : memref<7x64x128xf32, #tpu.memory_space<vmem>>, vector<16xf32>,
          %gather3A_797 = tpu.memref_slice %arg7[%multiple_of3A_760] : memref<65536xf32, #tpu.memory_space<vmem>> -> memref<1024xf32, #tpu.memory_space<vmem>>
          %gather3A_798 = tpu.vector_load_idx %gather3A_797[%get3A_353] : memref<1024xf32, #tpu.memory_space<vmem>>[vector<16xi32>], vector<16xf32>,
          %swap3A_799 = arith.index_cast %select_n3A_302 : i32 to index
          %swap3A_800 = arith.index_cast %scan3A_757 : i32 to index
          %swap3A_801 = arith.constant 96 : index
          %swap3A_802 = tpu.vector_load %arg9[%swap3A_799, %swap3A_800, %swap3A_801] {strides = array<i32>} : memref<7x64x128xf32, #tpu.memory_space<vmem>>, vector<16xf32>,
          tpu.vector_store %arg9[%swap3A_799, %swap3A_800, %swap3A_801], %gather3A_798 {strides = array<i32>} : memref<7x64x128xf32, #tpu.memory_space<vmem>>, vector<16xf32>,
          %gather3A_803 = tpu.memref_slice %arg7[%multiple_of3A_760] : memref<65536xf32, #tpu.memory_space<vmem>> -> memref<1024xf32, #tpu.memory_space<vmem>>
          %gather3A_804 = tpu.vector_load_idx %gather3A_803[%get3A_360] : memref<1024xf32, #tpu.memory_space<vmem>>[vector<16xi32>], vector<16xf32>,
          %swap3A_805 = arith.index_cast %select_n3A_302 : i32 to index
          %swap3A_806 = arith.index_cast %scan3A_757 : i32 to index
          %swap3A_807 = arith.constant 112 : index
          %swap3A_808 = tpu.vector_load %arg9[%swap3A_805, %swap3A_806, %swap3A_807] {strides = array<i32>} : memref<7x64x128xf32, #tpu.memory_space<vmem>>, vector<16xf32>,
          tpu.vector_store %arg9[%swap3A_805, %swap3A_806, %swap3A_807], %gather3A_804 {strides = array<i32>} : memref<7x64x128xf32, #tpu.memory_space<vmem>>, vector<16xf32>,
        }
        %scan3A_370 = arith.constant 64 : i32
        %dma_start3A = arith.constant 0 : i32
        %dma_start3A_371 = arith.constant 0 : i32
        %dma_start3A_372 = tpu.memref_slice %arg9[%select_n3A_302, %dma_start3A, %dma_start3A_371] : memref<7x64x128xf32, #tpu.memory_space<vmem>> -> memref<1x64x128xf32, #tpu.memory_space<vmem>>
        %dma_start3A_373 = tpu.memref_squeeze %dma_start3A_372 : memref<1x64x128xf32, #tpu.memory_space<vmem>> -> memref<64x128xf32, #tpu.memory_space<vmem>>
        %dma_start3A_374 = arith.constant 0 : i32
        %dma_start3A_375 = tpu.memref_slice %arg5[%while3A_230, %dma_start3A_374, %multiple_of3A_305] : memref<400x64x1024xf32, #tpu.memory_space<hbm>> -> memref<1x64x128xf32, #tpu.memory_space<hbm>>
        %dma_start3A_376 = tpu.memref_squeeze %dma_start3A_375 : memref<1x64x128xf32, #tpu.memory_space<hbm>> -> memref<64x128xf32, #tpu.memory_space<hbm>>
        %dma_start3A_377 = tpu.memref_slice %arg11[%select_n3A_302] : memref<7x!tpu.dma_semaphore, #tpu.memory_space<semaphore_mem>> -> memref<1x!tpu.dma_semaphore, #tpu.memory_space<semaphore_mem>>
        %dma_start3A_378 = tpu.memref_squeeze %dma_start3A_377 : memref<1x!tpu.dma_semaphore, #tpu.memory_space<semaphore_mem>> -> memref<!tpu.dma_semaphore, #tpu.memory_space<semaphore_mem>>
        %dma_start3A_379 = arith.constant 0 : i32
        %dma_start3A_380 = tpu.memref_slice %arg5[%while3A_230, %dma_start3A_379, %multiple_of3A_305] : memref<400x64x1024xf32, #tpu.memory_space<hbm>> -> memref<1x64x128xf32, #tpu.memory_space<hbm>>
        %dma_start3A_381 = tpu.memref_squeeze %dma_start3A_380 : memref<1x64x128xf32, #tpu.memory_space<hbm>> -> memref<64x128xf32, #tpu.memory_space<hbm>>
        %dma_start3A_382 = arith.constant 0 : i32
        %dma_start3A_383 = arith.constant 0 : i32
        %dma_start3A_384 = tpu.memref_slice %arg9[%select_n3A_302, %dma_start3A_382, %dma_start3A_383] : memref<7x64x128xf32, #tpu.memory_space<vmem>> -> memref<1x64x128xf32, #tpu.memory_space<vmem>>
        %dma_start3A_385 = tpu.memref_squeeze %dma_start3A_384 : memref<1x64x128xf32, #tpu.memory_space<vmem>> -> memref<64x128xf32, #tpu.memory_space<vmem>>
        tpu.enqueue_dma source(%dma_start3A_385 : memref<64x128xf32, #tpu.memory_space<vmem>>) target(%dma_start3A_381 : memref<64x128xf32, #tpu.memory_space<hbm>>) target_semaphore(%dma_start3A_378 : memref<!tpu.dma_semaphore, #tpu.memory_space<semaphore_mem>>)
        %add3A_386 = arith.constant 1 : i32
        %add3A_387 = arith.addi %scan3A_286, %add3A_386 : i32
        scf.yield %add3A_387 : i32
      }
      %scan3A_284 = arith.constant 8 : i32
      scf.yield %scan3A_283 : i32
    }
    %while3A_60 = arith.constant 1 : i32
    %while3A_61 = scf.for %while3A_230 = %while3A_57 to %while3A_53 step %while3A_60 iter_args(%while3A_231 = %while3A_59) -> (i32)  : i32 {
      %jit3A_232 = arith.constant 2 : i32
      %eq3A = arith.constant 0 : i32
      %eq3A_233 = arith.cmpi eq, %jit3A_232, %eq3A : i32
      %jit3A_234 = arith.constant 1 : i32
      %select_n3A_235 = arith.select %eq3A_233, %jit3A_234, %jit3A_232 : i32
      %rem3A_236 = arith.remsi %while3A_230, %select_n3A_235 : i32
      %ne3A_237 = arith.constant 0 : i32
      %ne3A_238 = arith.cmpi ne, %rem3A_236, %ne3A_237 : i32
      %lt3A_239 = arith.constant 0 : i32
      %lt3A_240 = arith.cmpi slt, %rem3A_236, %lt3A_239 : i32
      %lt3A_241 = arith.constant 0 : i32
      %lt3A_242 = arith.cmpi slt, %select_n3A_235, %lt3A_241 : i32
      %ne3A_243 = arith.xori %lt3A_240, %lt3A_242 : i1
      %and3A_244 = arith.andi %ne3A_243, %ne3A_238 : i1
      %add3A_245 = arith.addi %rem3A_236, %select_n3A_235 : i32
      %select_n3A_246 = arith.select %and3A_244, %add3A_245, %rem3A_236 : i32
      %mul3A_247 = arith.constant 1024 : i32
      %mul3A_248 = arith.muli %select_n3A_246, %mul3A_247 : i32
      %multiple_of3A = tpu.assume_multiple %mul3A_248, 1024 : i32
      %add3A_249 = arith.constant 1 : i32
      %add3A_250 = arith.addi %while3A_230, %add3A_249 : i32
      %lt3A_251 = arith.cmpi slt, %add3A_250, %min3A_49 : i32
      %convert_element_type3A_252 = arith.extui %lt3A_251 : i1 to i32
      %cond3A_253 = arith.constant 0 : i32
      %cond3A_254 = arith.cmpi ne, %convert_element_type3A_252, %cond3A_253 : i32
      scf.if %cond3A_254 {
        %add3A_285 = arith.constant 1 : i32
        %add3A_286 = arith.addi %while3A_230, %add3A_285 : i32
        %jit3A_287 = arith.constant 2 : i32
        %eq3A_288 = arith.constant 0 : i32
        %eq3A_289 = arith.cmpi eq, %jit3A_287, %eq3A_288 : i32
        %jit3A_290 = arith.constant 1 : i32
        %select_n3A_291 = arith.select %eq3A_289, %jit3A_290, %jit3A_287 : i32
        %rem3A_292 = arith.remsi %add3A_286, %select_n3A_291 : i32
        %ne3A_293 = arith.constant 0 : i32
        %ne3A_294 = arith.cmpi ne, %rem3A_292, %ne3A_293 : i32
        %lt3A_295 = arith.constant 0 : i32
        %lt3A_296 = arith.cmpi slt, %rem3A_292, %lt3A_295 : i32
        %lt3A_297 = arith.constant 0 : i32
        %lt3A_298 = arith.cmpi slt, %select_n3A_291, %lt3A_297 : i32
        %ne3A_299 = arith.xori %lt3A_296, %lt3A_298 : i1
        %and3A_300 = arith.andi %ne3A_299, %ne3A_294 : i1
        %add3A_301 = arith.addi %rem3A_292, %select_n3A_291 : i32
        %select_n3A_302 = arith.select %and3A_300, %add3A_301, %rem3A_292 : i32
        %mul3A_303 = arith.constant 1024 : i32
        %mul3A_304 = arith.muli %select_n3A_302, %mul3A_303 : i32
        %add3A_305 = arith.constant 1 : i32
        %add3A_306 = arith.addi %while3A_230, %add3A_305 : i32
        %mul3A_307 = arith.constant 1024 : i32
        %mul3A_308 = arith.muli %add3A_306, %mul3A_307 : i32
        %multiple_of3A_309 = tpu.assume_multiple %mul3A_308, 1024 : i32
        %multiple_of3A_310 = tpu.assume_multiple %mul3A_304, 1024 : i32
        %add3A_311 = arith.constant 1 : i32
        %add3A_312 = arith.addi %while3A_230, %add3A_311 : i32
        %jit3A_313 = arith.constant 2 : i32
        %eq3A_314 = arith.constant 0 : i32
        %eq3A_315 = arith.cmpi eq, %jit3A_313, %eq3A_314 : i32
        %jit3A_316 = arith.constant 1 : i32
        %select_n3A_317 = arith.select %eq3A_315, %jit3A_316, %jit3A_313 : i32
        %rem3A_318 = arith.remsi %add3A_312, %select_n3A_317 : i32
        %ne3A_319 = arith.constant 0 : i32
        %ne3A_320 = arith.cmpi ne, %rem3A_318, %ne3A_319 : i32
        %lt3A_321 = arith.constant 0 : i32
        %lt3A_322 = arith.cmpi slt, %rem3A_318, %lt3A_321 : i32
        %lt3A_323 = arith.constant 0 : i32
        %lt3A_324 = arith.cmpi slt, %select_n3A_317, %lt3A_323 : i32
        %ne3A_325 = arith.xori %lt3A_322, %lt3A_324 : i1
        %and3A_326 = arith.andi %ne3A_325, %ne3A_320 : i1
        %add3A_327 = arith.addi %rem3A_318, %select_n3A_317 : i32
        %select_n3A_328 = arith.select %and3A_326, %add3A_327, %rem3A_318 : i32
        %dma_start3A = tpu.memref_slice %arg8[%multiple_of3A_310] : memref<2048xi32, #tpu.memory_space<vmem>> -> memref<1024xi32, #tpu.memory_space<vmem>>
        %dma_start3A_329 = tpu.memref_slice %arg2[%multiple_of3A_309] : memref<409600xi32, #tpu.memory_space<hbm>> -> memref<1024xi32, #tpu.memory_space<hbm>>
        %dma_start3A_330 = tpu.memref_slice %arg10[%select_n3A_328] : memref<2x!tpu.dma_semaphore, #tpu.memory_space<semaphore_mem>> -> memref<1x!tpu.dma_semaphore, #tpu.memory_space<semaphore_mem>>
        %dma_start3A_331 = tpu.memref_squeeze %dma_start3A_330 : memref<1x!tpu.dma_semaphore, #tpu.memory_space<semaphore_mem>> -> memref<!tpu.dma_semaphore, #tpu.memory_space<semaphore_mem>>
        %dma_start3A_332 = tpu.memref_slice %arg8[%multiple_of3A_310] : memref<2048xi32, #tpu.memory_space<vmem>> -> memref<1024xi32, #tpu.memory_space<vmem>>
        %dma_start3A_333 = tpu.memref_slice %arg2[%multiple_of3A_309] : memref<409600xi32, #tpu.memory_space<hbm>> -> memref<1024xi32, #tpu.memory_space<hbm>>
        tpu.enqueue_dma source(%dma_start3A_333 : memref<1024xi32, #tpu.memory_space<hbm>>) target(%dma_start3A_332 : memref<1024xi32, #tpu.memory_space<vmem>>) target_semaphore(%dma_start3A_331 : memref<!tpu.dma_semaphore, #tpu.memory_space<semaphore_mem>>)
      } else {
      }
      %mul3A_255 = arith.constant 1024 : i32
      %mul3A_256 = arith.muli %while3A_230, %mul3A_255 : i32
      %multiple_of3A_257 = tpu.assume_multiple %mul3A_256, 1024 : i32
      %jit3A_258 = arith.constant 2 : i32
      %eq3A_259 = arith.constant 0 : i32
      %eq3A_260 = arith.cmpi eq, %jit3A_258, %eq3A_259 : i32
      %jit3A_261 = arith.constant 1 : i32
      %select_n3A_262 = arith.select %eq3A_260, %jit3A_261, %jit3A_258 : i32
      %rem3A_263 = arith.remsi %while3A_230, %select_n3A_262 : i32
      %ne3A_264 = arith.constant 0 : i32
      %ne3A_265 = arith.cmpi ne, %rem3A_263, %ne3A_264 : i32
      %lt3A_266 = arith.constant 0 : i32
      %lt3A_267 = arith.cmpi slt, %rem3A_263, %lt3A_266 : i32
      %lt3A_268 = arith.constant 0 : i32
      %lt3A_269 = arith.cmpi slt, %select_n3A_262, %lt3A_268 : i32
      %ne3A_270 = arith.xori %lt3A_267, %lt3A_269 : i1
      %and3A_271 = arith.andi %ne3A_270, %ne3A_265 : i1
      %add3A_272 = arith.addi %rem3A_263, %select_n3A_262 : i32
      %select_n3A_273 = arith.select %and3A_271, %add3A_272, %rem3A_263 : i32
      %dma_wait3A_274 = tpu.memref_slice %arg8[%multiple_of3A] : memref<2048xi32, #tpu.memory_space<vmem>> -> memref<1024xi32, #tpu.memory_space<vmem>>
      %dma_wait3A_275 = tpu.memref_slice %arg2[%multiple_of3A_257] : memref<409600xi32, #tpu.memory_space<hbm>> -> memref<1024xi32, #tpu.memory_space<hbm>>
      %dma_wait3A_276 = tpu.memref_slice %arg10[%select_n3A_273] : memref<2x!tpu.dma_semaphore, #tpu.memory_space<semaphore_mem>> -> memref<1x!tpu.dma_semaphore, #tpu.memory_space<semaphore_mem>>
      %dma_wait3A_277 = tpu.memref_squeeze %dma_wait3A_276 : memref<1x!tpu.dma_semaphore, #tpu.memory_space<semaphore_mem>> -> memref<!tpu.dma_semaphore, #tpu.memory_space<semaphore_mem>>
      %dma_wait3A_278 = tpu.memref_slice %arg8[%multiple_of3A] : memref<2048xi32, #tpu.memory_space<vmem>> -> memref<1024xi32, #tpu.memory_space<vmem>>
      %dma_wait3A_279 = tpu.memref_slice %arg2[%multiple_of3A_257] : memref<409600xi32, #tpu.memory_space<hbm>> -> memref<1024xi32, #tpu.memory_space<hbm>>
      tpu.wait_dma2 semaphore(%dma_wait3A_277 : memref<!tpu.dma_semaphore, #tpu.memory_space<semaphore_mem>>) src(%dma_wait3A_279 : memref<1024xi32, #tpu.memory_space<hbm>>) dst(%dma_wait3A_278 : memref<1024xi32, #tpu.memory_space<vmem>>)
      %scan3A = arith.constant 0 : i32
      %scan3A_280 = arith.constant 8 : i32
      %scan3A_281 = arith.addi %scan3A, %scan3A_280 : i32
      %scan3A_282 = arith.constant 1 : i32
      %scan3A_283 = scf.for %scan3A_285 = %scan3A to %scan3A_281 step %scan3A_282 iter_args(%scan3A_286 = %while3A_231) -> (i32)  : i32 {
        %jit3A_287 = arith.constant 7 : i32
        %eq3A_288 = arith.constant 0 : i32
        %eq3A_289 = arith.cmpi eq, %jit3A_287, %eq3A_288 : i32
        %jit3A_290 = arith.constant 1 : i32
        %select_n3A_291 = arith.select %eq3A_289, %jit3A_290, %jit3A_287 : i32
        %rem3A_292 = arith.remsi %scan3A_286, %select_n3A_291 : i32
        %ne3A_293 = arith.constant 0 : i32
        %ne3A_294 = arith.cmpi ne, %rem3A_292, %ne3A_293 : i32
        %lt3A_295 = arith.constant 0 : i32
        %lt3A_296 = arith.cmpi slt, %rem3A_292, %lt3A_295 : i32
        %lt3A_297 = arith.constant 0 : i32
        %lt3A_298 = arith.cmpi slt, %select_n3A_291, %lt3A_297 : i32
        %ne3A_299 = arith.xori %lt3A_296, %lt3A_298 : i1
        %and3A_300 = arith.andi %ne3A_299, %ne3A_294 : i1
        %add3A_301 = arith.addi %rem3A_292, %select_n3A_291 : i32
        %select_n3A_302 = arith.select %and3A_300, %add3A_301, %rem3A_292 : i32
        %mul3A_303 = arith.constant 128 : i32
        %mul3A_304 = arith.muli %scan3A_285, %mul3A_303 : i32
        %multiple_of3A_305 = tpu.assume_multiple %mul3A_304, 128 : i32
        %mul3A_306 = arith.constant 128 : i32
        %mul3A_307 = arith.muli %scan3A_285, %mul3A_306 : i32
        %add3A_308 = arith.addi %multiple_of3A, %mul3A_307 : i32
        %add3A_309 = arith.constant 0 : i32
        %add3A_310 = arith.addi %add3A_308, %add3A_309 : i32
        %get3A = arith.index_cast %add3A_310 : i32 to index
        %get3A_311 = tpu.vector_load %arg8[%get3A] {strides = array<i32>} : memref<2048xi32, #tpu.memory_space<vmem>>, vector<16xi32>,
        %mul3A_312 = arith.constant 128 : i32
        %mul3A_313 = arith.muli %scan3A_285, %mul3A_312 : i32
        %add3A_314 = arith.addi %multiple_of3A, %mul3A_313 : i32
        %add3A_315 = arith.constant 16 : i32
        %add3A_316 = arith.addi %add3A_314, %add3A_315 : i32
        %get3A_317 = arith.index_cast %add3A_316 : i32 to index
        %get3A_318 = tpu.vector_load %arg8[%get3A_317] {strides = array<i32>} : memref<2048xi32, #tpu.memory_space<vmem>>, vector<16xi32>,
        %mul3A_319 = arith.constant 128 : i32
        %mul3A_320 = arith.muli %scan3A_285, %mul3A_319 : i32
        %add3A_321 = arith.addi %multiple_of3A, %mul3A_320 : i32
        %add3A_322 = arith.constant 32 : i32
        %add3A_323 = arith.addi %add3A_321, %add3A_322 : i32
        %get3A_324 = arith.index_cast %add3A_323 : i32 to index
        %get3A_325 = tpu.vector_load %arg8[%get3A_324] {strides = array<i32>} : memref<2048xi32, #tpu.memory_space<vmem>>, vector<16xi32>,
        %mul3A_326 = arith.constant 128 : i32
        %mul3A_327 = arith.muli %scan3A_285, %mul3A_326 : i32
        %add3A_328 = arith.addi %multiple_of3A, %mul3A_327 : i32
        %add3A_329 = arith.constant 48 : i32
        %add3A_330 = arith.addi %add3A_328, %add3A_329 : i32
        %get3A_331 = arith.index_cast %add3A_330 : i32 to index
        %get3A_332 = tpu.vector_load %arg8[%get3A_331] {strides = array<i32>} : memref<2048xi32, #tpu.memory_space<vmem>>, vector<16xi32>,
        %mul3A_333 = arith.constant 128 : i32
        %mul3A_334 = arith.muli %scan3A_285, %mul3A_333 : i32
        %add3A_335 = arith.addi %multiple_of3A, %mul3A_334 : i32
        %add3A_336 = arith.constant 64 : i32
        %add3A_337 = arith.addi %add3A_335, %add3A_336 : i32
        %get3A_338 = arith.index_cast %add3A_337 : i32 to index
        %get3A_339 = tpu.vector_load %arg8[%get3A_338] {strides = array<i32>} : memref<2048xi32, #tpu.memory_space<vmem>>, vector<16xi32>,
        %mul3A_340 = arith.constant 128 : i32
        %mul3A_341 = arith.muli %scan3A_285, %mul3A_340 : i32
        %add3A_342 = arith.addi %multiple_of3A, %mul3A_341 : i32
        %add3A_343 = arith.constant 80 : i32
        %add3A_344 = arith.addi %add3A_342, %add3A_343 : i32
        %get3A_345 = arith.index_cast %add3A_344 : i32 to index
        %get3A_346 = tpu.vector_load %arg8[%get3A_345] {strides = array<i32>} : memref<2048xi32, #tpu.memory_space<vmem>>, vector<16xi32>,
        %mul3A_347 = arith.constant 128 : i32
        %mul3A_348 = arith.muli %scan3A_285, %mul3A_347 : i32
        %add3A_349 = arith.addi %multiple_of3A, %mul3A_348 : i32
        %add3A_350 = arith.constant 96 : i32
        %add3A_351 = arith.addi %add3A_349, %add3A_350 : i32
        %get3A_352 = arith.index_cast %add3A_351 : i32 to index
        %get3A_353 = tpu.vector_load %arg8[%get3A_352] {strides = array<i32>} : memref<2048xi32, #tpu.memory_space<vmem>>, vector<16xi32>,
        %mul3A_354 = arith.constant 128 : i32
        %mul3A_355 = arith.muli %scan3A_285, %mul3A_354 : i32
        %add3A_356 = arith.addi %multiple_of3A, %mul3A_355 : i32
        %add3A_357 = arith.constant 112 : i32
        %add3A_358 = arith.addi %add3A_356, %add3A_357 : i32
        %get3A_359 = arith.index_cast %add3A_358 : i32 to index
        %get3A_360 = tpu.vector_load %arg8[%get3A_359] {strides = array<i32>} : memref<2048xi32, #tpu.memory_space<vmem>>, vector<16xi32>,
        %ge3A = arith.constant 7 : i32
        %ge3A_361 = arith.cmpi sge, %scan3A_286, %ge3A : i32
        %convert_element_type3A_362 = arith.extui %ge3A_361 : i1 to i32
        %cond3A_363 = arith.constant 0 : i32
        %cond3A_364 = arith.cmpi ne, %convert_element_type3A_362, %cond3A_363 : i32
        scf.if %cond3A_364 {
          %dma_wait3A_388 = arith.constant 0 : i32
          %dma_wait3A_389 = arith.constant 0 : i32
          %dma_wait3A_390 = tpu.memref_slice %arg9[%select_n3A_302, %dma_wait3A_388, %dma_wait3A_389] : memref<7x64x128xf32, #tpu.memory_space<vmem>> -> memref<1x64x128xf32, #tpu.memory_space<vmem>>
          %dma_wait3A_391 = tpu.memref_squeeze %dma_wait3A_390 : memref<1x64x128xf32, #tpu.memory_space<vmem>> -> memref<64x128xf32, #tpu.memory_space<vmem>>
          %dma_wait3A_392 = arith.constant 0 : i32
          %dma_wait3A_393 = arith.constant 0 : i32
          %dma_wait3A_394 = tpu.memref_slice %arg5[%while3A, %dma_wait3A_392, %dma_wait3A_393] : memref<400x64x1024xf32, #tpu.memory_space<hbm>> -> memref<1x64x128xf32, #tpu.memory_space<hbm>>
          %dma_wait3A_395 = tpu.memref_squeeze %dma_wait3A_394 : memref<1x64x128xf32, #tpu.memory_space<hbm>> -> memref<64x128xf32, #tpu.memory_space<hbm>>
          %dma_wait3A_396 = tpu.memref_slice %arg11[%select_n3A_302] : memref<7x!tpu.dma_semaphore, #tpu.memory_space<semaphore_mem>> -> memref<1x!tpu.dma_semaphore, #tpu.memory_space<semaphore_mem>>
          %dma_wait3A_397 = tpu.memref_squeeze %dma_wait3A_396 : memref<1x!tpu.dma_semaphore, #tpu.memory_space<semaphore_mem>> -> memref<!tpu.dma_semaphore, #tpu.memory_space<semaphore_mem>>
          %dma_wait3A_398 = arith.constant 0 : i32
          %dma_wait3A_399 = arith.constant 0 : i32
          %dma_wait3A_400 = tpu.memref_slice %arg5[%while3A, %dma_wait3A_398, %dma_wait3A_399] : memref<400x64x1024xf32, #tpu.memory_space<hbm>> -> memref<1x64x128xf32, #tpu.memory_space<hbm>>
          %dma_wait3A_401 = tpu.memref_squeeze %dma_wait3A_400 : memref<1x64x128xf32, #tpu.memory_space<hbm>> -> memref<64x128xf32, #tpu.memory_space<hbm>>
          %dma_wait3A_402 = arith.constant 0 : i32
          %dma_wait3A_403 = arith.constant 0 : i32
          %dma_wait3A_404 = tpu.memref_slice %arg9[%select_n3A_302, %dma_wait3A_402, %dma_wait3A_403] : memref<7x64x128xf32, #tpu.memory_space<vmem>> -> memref<1x64x128xf32, #tpu.memory_space<vmem>>
          %dma_wait3A_405 = tpu.memref_squeeze %dma_wait3A_404 : memref<1x64x128xf32, #tpu.memory_space<vmem>> -> memref<64x128xf32, #tpu.memory_space<vmem>>
          tpu.wait_dma2 semaphore(%dma_wait3A_397 : memref<!tpu.dma_semaphore, #tpu.memory_space<semaphore_mem>>) src(%dma_wait3A_405 : memref<64x128xf32, #tpu.memory_space<vmem>>) dst(%dma_wait3A_401 : memref<64x128xf32, #tpu.memory_space<hbm>>)
        } else {
        }
        %scan3A_365 = arith.constant 0 : i32
        %scan3A_366 = arith.constant 0 : i32
        %scan3A_367 = arith.constant 64 : i32
        %scan3A_368 = arith.addi %scan3A_366, %scan3A_367 : i32
        %scan3A_369 = arith.constant 8 : i32
        scf.for %scan3A_388 = %scan3A_366 to %scan3A_368 step %scan3A_369  : i32 {
          %mul3A_389 = arith.constant 1024 : i32
          %mul3A_390 = arith.muli %scan3A_388, %mul3A_389 : i32
          %multiple_of3A_391 = tpu.assume_multiple %mul3A_390, 1024 : i32
          %gather3A = tpu.memref_slice %arg7[%multiple_of3A_391] : memref<65536xf32, #tpu.memory_space<vmem>> -> memref<1024xf32, #tpu.memory_space<vmem>>
          %gather3A_392 = tpu.vector_load_idx %gather3A[%get3A_311] : memref<1024xf32, #tpu.memory_space<vmem>>[vector<16xi32>], vector<16xf32>,
          %swap3A = arith.index_cast %select_n3A_302 : i32 to index
          %swap3A_393 = arith.index_cast %scan3A_388 : i32 to index
          %swap3A_394 = arith.constant 0 : index
          %swap3A_395 = tpu.vector_load %arg9[%swap3A, %swap3A_393, %swap3A_394] {strides = array<i32>} : memref<7x64x128xf32, #tpu.memory_space<vmem>>, vector<16xf32>,
          tpu.vector_store %arg9[%swap3A, %swap3A_393, %swap3A_394], %gather3A_392 {strides = array<i32>} : memref<7x64x128xf32, #tpu.memory_space<vmem>>, vector<16xf32>,
          %gather3A_396 = tpu.memref_slice %arg7[%multiple_of3A_391] : memref<65536xf32, #tpu.memory_space<vmem>> -> memref<1024xf32, #tpu.memory_space<vmem>>
          %gather3A_397 = tpu.vector_load_idx %gather3A_396[%get3A_318] : memref<1024xf32, #tpu.memory_space<vmem>>[vector<16xi32>], vector<16xf32>,
          %swap3A_398 = arith.index_cast %select_n3A_302 : i32 to index
          %swap3A_399 = arith.index_cast %scan3A_388 : i32 to index
          %swap3A_400 = arith.constant 16 : index
          %swap3A_401 = tpu.vector_load %arg9[%swap3A_398, %swap3A_399, %swap3A_400] {strides = array<i32>} : memref<7x64x128xf32, #tpu.memory_space<vmem>>, vector<16xf32>,
          tpu.vector_store %arg9[%swap3A_398, %swap3A_399, %swap3A_400], %gather3A_397 {strides = array<i32>} : memref<7x64x128xf32, #tpu.memory_space<vmem>>, vector<16xf32>,
          %gather3A_402 = tpu.memref_slice %arg7[%multiple_of3A_391] : memref<65536xf32, #tpu.memory_space<vmem>> -> memref<1024xf32, #tpu.memory_space<vmem>>
          %gather3A_403 = tpu.vector_load_idx %gather3A_402[%get3A_325] : memref<1024xf32, #tpu.memory_space<vmem>>[vector<16xi32>], vector<16xf32>,
          %swap3A_404 = arith.index_cast %select_n3A_302 : i32 to index
          %swap3A_405 = arith.index_cast %scan3A_388 : i32 to index
          %swap3A_406 = arith.constant 32 : index
          %swap3A_407 = tpu.vector_load %arg9[%swap3A_404, %swap3A_405, %swap3A_406] {strides = array<i32>} : memref<7x64x128xf32, #tpu.memory_space<vmem>>, vector<16xf32>,
          tpu.vector_store %arg9[%swap3A_404, %swap3A_405, %swap3A_406], %gather3A_403 {strides = array<i32>} : memref<7x64x128xf32, #tpu.memory_space<vmem>>, vector<16xf32>,
          %gather3A_408 = tpu.memref_slice %arg7[%multiple_of3A_391] : memref<65536xf32, #tpu.memory_space<vmem>> -> memref<1024xf32, #tpu.memory_space<vmem>>
          %gather3A_409 = tpu.vector_load_idx %gather3A_408[%get3A_332] : memref<1024xf32, #tpu.memory_space<vmem>>[vector<16xi32>], vector<16xf32>,
          %swap3A_410 = arith.index_cast %select_n3A_302 : i32 to index
          %swap3A_411 = arith.index_cast %scan3A_388 : i32 to index
          %swap3A_412 = arith.constant 48 : index
          %swap3A_413 = tpu.vector_load %arg9[%swap3A_410, %swap3A_411, %swap3A_412] {strides = array<i32>} : memref<7x64x128xf32, #tpu.memory_space<vmem>>, vector<16xf32>,
          tpu.vector_store %arg9[%swap3A_410, %swap3A_411, %swap3A_412], %gather3A_409 {strides = array<i32>} : memref<7x64x128xf32, #tpu.memory_space<vmem>>, vector<16xf32>,
          %gather3A_414 = tpu.memref_slice %arg7[%multiple_of3A_391] : memref<65536xf32, #tpu.memory_space<vmem>> -> memref<1024xf32, #tpu.memory_space<vmem>>
          %gather3A_415 = tpu.vector_load_idx %gather3A_414[%get3A_339] : memref<1024xf32, #tpu.memory_space<vmem>>[vector<16xi32>], vector<16xf32>,
          %swap3A_416 = arith.index_cast %select_n3A_302 : i32 to index
          %swap3A_417 = arith.index_cast %scan3A_388 : i32 to index
          %swap3A_418 = arith.constant 64 : index
          %swap3A_419 = tpu.vector_load %arg9[%swap3A_416, %swap3A_417, %swap3A_418] {strides = array<i32>} : memref<7x64x128xf32, #tpu.memory_space<vmem>>, vector<16xf32>,
          tpu.vector_store %arg9[%swap3A_416, %swap3A_417, %swap3A_418], %gather3A_415 {strides = array<i32>} : memref<7x64x128xf32, #tpu.memory_space<vmem>>, vector<16xf32>,
          %gather3A_420 = tpu.memref_slice %arg7[%multiple_of3A_391] : memref<65536xf32, #tpu.memory_space<vmem>> -> memref<1024xf32, #tpu.memory_space<vmem>>
          %gather3A_421 = tpu.vector_load_idx %gather3A_420[%get3A_346] : memref<1024xf32, #tpu.memory_space<vmem>>[vector<16xi32>], vector<16xf32>,
          %swap3A_422 = arith.index_cast %select_n3A_302 : i32 to index
          %swap3A_423 = arith.index_cast %scan3A_388 : i32 to index
          %swap3A_424 = arith.constant 80 : index
          %swap3A_425 = tpu.vector_load %arg9[%swap3A_422, %swap3A_423, %swap3A_424] {strides = array<i32>} : memref<7x64x128xf32, #tpu.memory_space<vmem>>, vector<16xf32>,
          tpu.vector_store %arg9[%swap3A_422, %swap3A_423, %swap3A_424], %gather3A_421 {strides = array<i32>} : memref<7x64x128xf32, #tpu.memory_space<vmem>>, vector<16xf32>,
          %gather3A_426 = tpu.memref_slice %arg7[%multiple_of3A_391] : memref<65536xf32, #tpu.memory_space<vmem>> -> memref<1024xf32, #tpu.memory_space<vmem>>
          %gather3A_427 = tpu.vector_load_idx %gather3A_426[%get3A_353] : memref<1024xf32, #tpu.memory_space<vmem>>[vector<16xi32>], vector<16xf32>,
          %swap3A_428 = arith.index_cast %select_n3A_302 : i32 to index
          %swap3A_429 = arith.index_cast %scan3A_388 : i32 to index
          %swap3A_430 = arith.constant 96 : index
          %swap3A_431 = tpu.vector_load %arg9[%swap3A_428, %swap3A_429, %swap3A_430] {strides = array<i32>} : memref<7x64x128xf32, #tpu.memory_space<vmem>>, vector<16xf32>,
          tpu.vector_store %arg9[%swap3A_428, %swap3A_429, %swap3A_430], %gather3A_427 {strides = array<i32>} : memref<7x64x128xf32, #tpu.memory_space<vmem>>, vector<16xf32>,
          %gather3A_432 = tpu.memref_slice %arg7[%multiple_of3A_391] : memref<65536xf32, #tpu.memory_space<vmem>> -> memref<1024xf32, #tpu.memory_space<vmem>>
          %gather3A_433 = tpu.vector_load_idx %gather3A_432[%get3A_360] : memref<1024xf32, #tpu.memory_space<vmem>>[vector<16xi32>], vector<16xf32>,
          %swap3A_434 = arith.index_cast %select_n3A_302 : i32 to index
          %swap3A_435 = arith.index_cast %scan3A_388 : i32 to index
          %swap3A_436 = arith.constant 112 : index
          %swap3A_437 = tpu.vector_load %arg9[%swap3A_434, %swap3A_435, %swap3A_436] {strides = array<i32>} : memref<7x64x128xf32, #tpu.memory_space<vmem>>, vector<16xf32>,
          tpu.vector_store %arg9[%swap3A_434, %swap3A_435, %swap3A_436], %gather3A_433 {strides = array<i32>} : memref<7x64x128xf32, #tpu.memory_space<vmem>>, vector<16xf32>,
          %scan3A_438 = arith.constant 1 : i32
          %scan3A_439 = arith.addi %scan3A_388, %scan3A_438 : i32
          %mul3A_440 = arith.constant 1024 : i32
          %mul3A_441 = arith.muli %scan3A_439, %mul3A_440 : i32
          %multiple_of3A_442 = tpu.assume_multiple %mul3A_441, 1024 : i32
          %gather3A_443 = tpu.memref_slice %arg7[%multiple_of3A_442] : memref<65536xf32, #tpu.memory_space<vmem>> -> memref<1024xf32, #tpu.memory_space<vmem>>
          %gather3A_444 = tpu.vector_load_idx %gather3A_443[%get3A_311] : memref<1024xf32, #tpu.memory_space<vmem>>[vector<16xi32>], vector<16xf32>,
          %swap3A_445 = arith.index_cast %select_n3A_302 : i32 to index
          %swap3A_446 = arith.index_cast %scan3A_439 : i32 to index
          %swap3A_447 = arith.constant 0 : index
          %swap3A_448 = tpu.vector_load %arg9[%swap3A_445, %swap3A_446, %swap3A_447] {strides = array<i32>} : memref<7x64x128xf32, #tpu.memory_space<vmem>>, vector<16xf32>,
          tpu.vector_store %arg9[%swap3A_445, %swap3A_446, %swap3A_447], %gather3A_444 {strides = array<i32>} : memref<7x64x128xf32, #tpu.memory_space<vmem>>, vector<16xf32>,
          %gather3A_449 = tpu.memref_slice %arg7[%multiple_of3A_442] : memref<65536xf32, #tpu.memory_space<vmem>> -> memref<1024xf32, #tpu.memory_space<vmem>>
          %gather3A_450 = tpu.vector_load_idx %gather3A_449[%get3A_318] : memref<1024xf32, #tpu.memory_space<vmem>>[vector<16xi32>], vector<16xf32>,
          %swap3A_451 = arith.index_cast %select_n3A_302 : i32 to index
          %swap3A_452 = arith.index_cast %scan3A_439 : i32 to index
          %swap3A_453 = arith.constant 16 : index
          %swap3A_454 = tpu.vector_load %arg9[%swap3A_451, %swap3A_452, %swap3A_453] {strides = array<i32>} : memref<7x64x128xf32, #tpu.memory_space<vmem>>, vector<16xf32>,
          tpu.vector_store %arg9[%swap3A_451, %swap3A_452, %swap3A_453], %gather3A_450 {strides = array<i32>} : memref<7x64x128xf32, #tpu.memory_space<vmem>>, vector<16xf32>,
          %gather3A_455 = tpu.memref_slice %arg7[%multiple_of3A_442] : memref<65536xf32, #tpu.memory_space<vmem>> -> memref<1024xf32, #tpu.memory_space<vmem>>
          %gather3A_456 = tpu.vector_load_idx %gather3A_455[%get3A_325] : memref<1024xf32, #tpu.memory_space<vmem>>[vector<16xi32>], vector<16xf32>,
          %swap3A_457 = arith.index_cast %select_n3A_302 : i32 to index
          %swap3A_458 = arith.index_cast %scan3A_439 : i32 to index
          %swap3A_459 = arith.constant 32 : index
          %swap3A_460 = tpu.vector_load %arg9[%swap3A_457, %swap3A_458, %swap3A_459] {strides = array<i32>} : memref<7x64x128xf32, #tpu.memory_space<vmem>>, vector<16xf32>,
          tpu.vector_store %arg9[%swap3A_457, %swap3A_458, %swap3A_459], %gather3A_456 {strides = array<i32>} : memref<7x64x128xf32, #tpu.memory_space<vmem>>, vector<16xf32>,
          %gather3A_461 = tpu.memref_slice %arg7[%multiple_of3A_442] : memref<65536xf32, #tpu.memory_space<vmem>> -> memref<1024xf32, #tpu.memory_space<vmem>>
          %gather3A_462 = tpu.vector_load_idx %gather3A_461[%get3A_332] : memref<1024xf32, #tpu.memory_space<vmem>>[vector<16xi32>], vector<16xf32>,
          %swap3A_463 = arith.index_cast %select_n3A_302 : i32 to index
          %swap3A_464 = arith.index_cast %scan3A_439 : i32 to index
          %swap3A_465 = arith.constant 48 : index
          %swap3A_466 = tpu.vector_load %arg9[%swap3A_463, %swap3A_464, %swap3A_465] {strides = array<i32>} : memref<7x64x128xf32, #tpu.memory_space<vmem>>, vector<16xf32>,
          tpu.vector_store %arg9[%swap3A_463, %swap3A_464, %swap3A_465], %gather3A_462 {strides = array<i32>} : memref<7x64x128xf32, #tpu.memory_space<vmem>>, vector<16xf32>,
          %gather3A_467 = tpu.memref_slice %arg7[%multiple_of3A_442] : memref<65536xf32, #tpu.memory_space<vmem>> -> memref<1024xf32, #tpu.memory_space<vmem>>
          %gather3A_468 = tpu.vector_load_idx %gather3A_467[%get3A_339] : memref<1024xf32, #tpu.memory_space<vmem>>[vector<16xi32>], vector<16xf32>,
          %swap3A_469 = arith.index_cast %select_n3A_302 : i32 to index
          %swap3A_470 = arith.index_cast %scan3A_439 : i32 to index
          %swap3A_471 = arith.constant 64 : index
          %swap3A_472 = tpu.vector_load %arg9[%swap3A_469, %swap3A_470, %swap3A_471] {strides = array<i32>} : memref<7x64x128xf32, #tpu.memory_space<vmem>>, vector<16xf32>,
          tpu.vector_store %arg9[%swap3A_469, %swap3A_470, %swap3A_471], %gather3A_468 {strides = array<i32>} : memref<7x64x128xf32, #tpu.memory_space<vmem>>, vector<16xf32>,
          %gather3A_473 = tpu.memref_slice %arg7[%multiple_of3A_442] : memref<65536xf32, #tpu.memory_space<vmem>> -> memref<1024xf32, #tpu.memory_space<vmem>>
          %gather3A_474 = tpu.vector_load_idx %gather3A_473[%get3A_346] : memref<1024xf32, #tpu.memory_space<vmem>>[vector<16xi32>], vector<16xf32>,
          %swap3A_475 = arith.index_cast %select_n3A_302 : i32 to index
          %swap3A_476 = arith.index_cast %scan3A_439 : i32 to index
          %swap3A_477 = arith.constant 80 : index
          %swap3A_478 = tpu.vector_load %arg9[%swap3A_475, %swap3A_476, %swap3A_477] {strides = array<i32>} : memref<7x64x128xf32, #tpu.memory_space<vmem>>, vector<16xf32>,
          tpu.vector_store %arg9[%swap3A_475, %swap3A_476, %swap3A_477], %gather3A_474 {strides = array<i32>} : memref<7x64x128xf32, #tpu.memory_space<vmem>>, vector<16xf32>,
          %gather3A_479 = tpu.memref_slice %arg7[%multiple_of3A_442] : memref<65536xf32, #tpu.memory_space<vmem>> -> memref<1024xf32, #tpu.memory_space<vmem>>
          %gather3A_480 = tpu.vector_load_idx %gather3A_479[%get3A_353] : memref<1024xf32, #tpu.memory_space<vmem>>[vector<16xi32>], vector<16xf32>,
          %swap3A_481 = arith.index_cast %select_n3A_302 : i32 to index
          %swap3A_482 = arith.index_cast %scan3A_439 : i32 to index
          %swap3A_483 = arith.constant 96 : index
          %swap3A_484 = tpu.vector_load %arg9[%swap3A_481, %swap3A_482, %swap3A_483] {strides = array<i32>} : memref<7x64x128xf32, #tpu.memory_space<vmem>>, vector<16xf32>,
          tpu.vector_store %arg9[%swap3A_481, %swap3A_482, %swap3A_483], %gather3A_480 {strides = array<i32>} : memref<7x64x128xf32, #tpu.memory_space<vmem>>, vector<16xf32>,
          %gather3A_485 = tpu.memref_slice %arg7[%multiple_of3A_442] : memref<65536xf32, #tpu.memory_space<vmem>> -> memref<1024xf32, #tpu.memory_space<vmem>>
          %gather3A_486 = tpu.vector_load_idx %gather3A_485[%get3A_360] : memref<1024xf32, #tpu.memory_space<vmem>>[vector<16xi32>], vector<16xf32>,
          %swap3A_487 = arith.index_cast %select_n3A_302 : i32 to index
          %swap3A_488 = arith.index_cast %scan3A_439 : i32 to index
          %swap3A_489 = arith.constant 112 : index
          %swap3A_490 = tpu.vector_load %arg9[%swap3A_487, %swap3A_488, %swap3A_489] {strides = array<i32>} : memref<7x64x128xf32, #tpu.memory_space<vmem>>, vector<16xf32>,
          tpu.vector_store %arg9[%swap3A_487, %swap3A_488, %swap3A_489], %gather3A_486 {strides = array<i32>} : memref<7x64x128xf32, #tpu.memory_space<vmem>>, vector<16xf32>,
          %scan3A_491 = arith.constant 2 : i32
          %scan3A_492 = arith.addi %scan3A_388, %scan3A_491 : i32
          %mul3A_493 = arith.constant 1024 : i32
          %mul3A_494 = arith.muli %scan3A_492, %mul3A_493 : i32
          %multiple_of3A_495 = tpu.assume_multiple %mul3A_494, 1024 : i32
          %gather3A_496 = tpu.memref_slice %arg7[%multiple_of3A_495] : memref<65536xf32, #tpu.memory_space<vmem>> -> memref<1024xf32, #tpu.memory_space<vmem>>
          %gather3A_497 = tpu.vector_load_idx %gather3A_496[%get3A_311] : memref<1024xf32, #tpu.memory_space<vmem>>[vector<16xi32>], vector<16xf32>,
          %swap3A_498 = arith.index_cast %select_n3A_302 : i32 to index
          %swap3A_499 = arith.index_cast %scan3A_492 : i32 to index
          %swap3A_500 = arith.constant 0 : index
          %swap3A_501 = tpu.vector_load %arg9[%swap3A_498, %swap3A_499, %swap3A_500] {strides = array<i32>} : memref<7x64x128xf32, #tpu.memory_space<vmem>>, vector<16xf32>,
          tpu.vector_store %arg9[%swap3A_498, %swap3A_499, %swap3A_500], %gather3A_497 {strides = array<i32>} : memref<7x64x128xf32, #tpu.memory_space<vmem>>, vector<16xf32>,
          %gather3A_502 = tpu.memref_slice %arg7[%multiple_of3A_495] : memref<65536xf32, #tpu.memory_space<vmem>> -> memref<1024xf32, #tpu.memory_space<vmem>>
          %gather3A_503 = tpu.vector_load_idx %gather3A_502[%get3A_318] : memref<1024xf32, #tpu.memory_space<vmem>>[vector<16xi32>], vector<16xf32>,
          %swap3A_504 = arith.index_cast %select_n3A_302 : i32 to index
          %swap3A_505 = arith.index_cast %scan3A_492 : i32 to index
          %swap3A_506 = arith.constant 16 : index
          %swap3A_507 = tpu.vector_load %arg9[%swap3A_504, %swap3A_505, %swap3A_506] {strides = array<i32>} : memref<7x64x128xf32, #tpu.memory_space<vmem>>, vector<16xf32>,
          tpu.vector_store %arg9[%swap3A_504, %swap3A_505, %swap3A_506], %gather3A_503 {strides = array<i32>} : memref<7x64x128xf32, #tpu.memory_space<vmem>>, vector<16xf32>,
          %gather3A_508 = tpu.memref_slice %arg7[%multiple_of3A_495] : memref<65536xf32, #tpu.memory_space<vmem>> -> memref<1024xf32, #tpu.memory_space<vmem>>
          %gather3A_509 = tpu.vector_load_idx %gather3A_508[%get3A_325] : memref<1024xf32, #tpu.memory_space<vmem>>[vector<16xi32>], vector<16xf32>,
          %swap3A_510 = arith.index_cast %select_n3A_302 : i32 to index
          %swap3A_511 = arith.index_cast %scan3A_492 : i32 to index
          %swap3A_512 = arith.constant 32 : index
          %swap3A_513 = tpu.vector_load %arg9[%swap3A_510, %swap3A_511, %swap3A_512] {strides = array<i32>} : memref<7x64x128xf32, #tpu.memory_space<vmem>>, vector<16xf32>,
          tpu.vector_store %arg9[%swap3A_510, %swap3A_511, %swap3A_512], %gather3A_509 {strides = array<i32>} : memref<7x64x128xf32, #tpu.memory_space<vmem>>, vector<16xf32>,
          %gather3A_514 = tpu.memref_slice %arg7[%multiple_of3A_495] : memref<65536xf32, #tpu.memory_space<vmem>> -> memref<1024xf32, #tpu.memory_space<vmem>>
          %gather3A_515 = tpu.vector_load_idx %gather3A_514[%get3A_332] : memref<1024xf32, #tpu.memory_space<vmem>>[vector<16xi32>], vector<16xf32>,
          %swap3A_516 = arith.index_cast %select_n3A_302 : i32 to index
          %swap3A_517 = arith.index_cast %scan3A_492 : i32 to index
          %swap3A_518 = arith.constant 48 : index
          %swap3A_519 = tpu.vector_load %arg9[%swap3A_516, %swap3A_517, %swap3A_518] {strides = array<i32>} : memref<7x64x128xf32, #tpu.memory_space<vmem>>, vector<16xf32>,
          tpu.vector_store %arg9[%swap3A_516, %swap3A_517, %swap3A_518], %gather3A_515 {strides = array<i32>} : memref<7x64x128xf32, #tpu.memory_space<vmem>>, vector<16xf32>,
          %gather3A_520 = tpu.memref_slice %arg7[%multiple_of3A_495] : memref<65536xf32, #tpu.memory_space<vmem>> -> memref<1024xf32, #tpu.memory_space<vmem>>
          %gather3A_521 = tpu.vector_load_idx %gather3A_520[%get3A_339] : memref<1024xf32, #tpu.memory_space<vmem>>[vector<16xi32>], vector<16xf32>,
          %swap3A_522 = arith.index_cast %select_n3A_302 : i32 to index
          %swap3A_523 = arith.index_cast %scan3A_492 : i32 to index
          %swap3A_524 = arith.constant 64 : index
          %swap3A_525 = tpu.vector_load %arg9[%swap3A_522, %swap3A_523, %swap3A_524] {strides = array<i32>} : memref<7x64x128xf32, #tpu.memory_space<vmem>>, vector<16xf32>,
          tpu.vector_store %arg9[%swap3A_522, %swap3A_523, %swap3A_524], %gather3A_521 {strides = array<i32>} : memref<7x64x128xf32, #tpu.memory_space<vmem>>, vector<16xf32>,
          %gather3A_526 = tpu.memref_slice %arg7[%multiple_of3A_495] : memref<65536xf32, #tpu.memory_space<vmem>> -> memref<1024xf32, #tpu.memory_space<vmem>>
          %gather3A_527 = tpu.vector_load_idx %gather3A_526[%get3A_346] : memref<1024xf32, #tpu.memory_space<vmem>>[vector<16xi32>], vector<16xf32>,
          %swap3A_528 = arith.index_cast %select_n3A_302 : i32 to index
          %swap3A_529 = arith.index_cast %scan3A_492 : i32 to index
          %swap3A_530 = arith.constant 80 : index
          %swap3A_531 = tpu.vector_load %arg9[%swap3A_528, %swap3A_529, %swap3A_530] {strides = array<i32>} : memref<7x64x128xf32, #tpu.memory_space<vmem>>, vector<16xf32>,
          tpu.vector_store %arg9[%swap3A_528, %swap3A_529, %swap3A_530], %gather3A_527 {strides = array<i32>} : memref<7x64x128xf32, #tpu.memory_space<vmem>>, vector<16xf32>,
          %gather3A_532 = tpu.memref_slice %arg7[%multiple_of3A_495] : memref<65536xf32, #tpu.memory_space<vmem>> -> memref<1024xf32, #tpu.memory_space<vmem>>
          %gather3A_533 = tpu.vector_load_idx %gather3A_532[%get3A_353] : memref<1024xf32, #tpu.memory_space<vmem>>[vector<16xi32>], vector<16xf32>,
          %swap3A_534 = arith.index_cast %select_n3A_302 : i32 to index
          %swap3A_535 = arith.index_cast %scan3A_492 : i32 to index
          %swap3A_536 = arith.constant 96 : index
          %swap3A_537 = tpu.vector_load %arg9[%swap3A_534, %swap3A_535, %swap3A_536] {strides = array<i32>} : memref<7x64x128xf32, #tpu.memory_space<vmem>>, vector<16xf32>,
          tpu.vector_store %arg9[%swap3A_534, %swap3A_535, %swap3A_536], %gather3A_533 {strides = array<i32>} : memref<7x64x128xf32, #tpu.memory_space<vmem>>, vector<16xf32>,
          %gather3A_538 = tpu.memref_slice %arg7[%multiple_of3A_495] : memref<65536xf32, #tpu.memory_space<vmem>> -> memref<1024xf32, #tpu.memory_space<vmem>>
          %gather3A_539 = tpu.vector_load_idx %gather3A_538[%get3A_360] : memref<1024xf32, #tpu.memory_space<vmem>>[vector<16xi32>], vector<16xf32>,
          %swap3A_540 = arith.index_cast %select_n3A_302 : i32 to index
          %swap3A_541 = arith.index_cast %scan3A_492 : i32 to index
          %swap3A_542 = arith.constant 112 : index
          %swap3A_543 = tpu.vector_load %arg9[%swap3A_540, %swap3A_541, %swap3A_542] {strides = array<i32>} : memref<7x64x128xf32, #tpu.memory_space<vmem>>, vector<16xf32>,
          tpu.vector_store %arg9[%swap3A_540, %swap3A_541, %swap3A_542], %gather3A_539 {strides = array<i32>} : memref<7x64x128xf32, #tpu.memory_space<vmem>>, vector<16xf32>,
          %scan3A_544 = arith.constant 3 : i32
          %scan3A_545 = arith.addi %scan3A_388, %scan3A_544 : i32
          %mul3A_546 = arith.constant 1024 : i32
          %mul3A_547 = arith.muli %scan3A_545, %mul3A_546 : i32
          %multiple_of3A_548 = tpu.assume_multiple %mul3A_547, 1024 : i32
          %gather3A_549 = tpu.memref_slice %arg7[%multiple_of3A_548] : memref<65536xf32, #tpu.memory_space<vmem>> -> memref<1024xf32, #tpu.memory_space<vmem>>
          %gather3A_550 = tpu.vector_load_idx %gather3A_549[%get3A_311] : memref<1024xf32, #tpu.memory_space<vmem>>[vector<16xi32>], vector<16xf32>,
          %swap3A_551 = arith.index_cast %select_n3A_302 : i32 to index
          %swap3A_552 = arith.index_cast %scan3A_545 : i32 to index
          %swap3A_553 = arith.constant 0 : index
          %swap3A_554 = tpu.vector_load %arg9[%swap3A_551, %swap3A_552, %swap3A_553] {strides = array<i32>} : memref<7x64x128xf32, #tpu.memory_space<vmem>>, vector<16xf32>,
          tpu.vector_store %arg9[%swap3A_551, %swap3A_552, %swap3A_553], %gather3A_550 {strides = array<i32>} : memref<7x64x128xf32, #tpu.memory_space<vmem>>, vector<16xf32>,
          %gather3A_555 = tpu.memref_slice %arg7[%multiple_of3A_548] : memref<65536xf32, #tpu.memory_space<vmem>> -> memref<1024xf32, #tpu.memory_space<vmem>>
          %gather3A_556 = tpu.vector_load_idx %gather3A_555[%get3A_318] : memref<1024xf32, #tpu.memory_space<vmem>>[vector<16xi32>], vector<16xf32>,
          %swap3A_557 = arith.index_cast %select_n3A_302 : i32 to index
          %swap3A_558 = arith.index_cast %scan3A_545 : i32 to index
          %swap3A_559 = arith.constant 16 : index
          %swap3A_560 = tpu.vector_load %arg9[%swap3A_557, %swap3A_558, %swap3A_559] {strides = array<i32>} : memref<7x64x128xf32, #tpu.memory_space<vmem>>, vector<16xf32>,
          tpu.vector_store %arg9[%swap3A_557, %swap3A_558, %swap3A_559], %gather3A_556 {strides = array<i32>} : memref<7x64x128xf32, #tpu.memory_space<vmem>>, vector<16xf32>,
          %gather3A_561 = tpu.memref_slice %arg7[%multiple_of3A_548] : memref<65536xf32, #tpu.memory_space<vmem>> -> memref<1024xf32, #tpu.memory_space<vmem>>
          %gather3A_562 = tpu.vector_load_idx %gather3A_561[%get3A_325] : memref<1024xf32, #tpu.memory_space<vmem>>[vector<16xi32>], vector<16xf32>,
          %swap3A_563 = arith.index_cast %select_n3A_302 : i32 to index
          %swap3A_564 = arith.index_cast %scan3A_545 : i32 to index
          %swap3A_565 = arith.constant 32 : index
          %swap3A_566 = tpu.vector_load %arg9[%swap3A_563, %swap3A_564, %swap3A_565] {strides = array<i32>} : memref<7x64x128xf32, #tpu.memory_space<vmem>>, vector<16xf32>,
          tpu.vector_store %arg9[%swap3A_563, %swap3A_564, %swap3A_565], %gather3A_562 {strides = array<i32>} : memref<7x64x128xf32, #tpu.memory_space<vmem>>, vector<16xf32>,
          %gather3A_567 = tpu.memref_slice %arg7[%multiple_of3A_548] : memref<65536xf32, #tpu.memory_space<vmem>> -> memref<1024xf32, #tpu.memory_space<vmem>>
          %gather3A_568 = tpu.vector_load_idx %gather3A_567[%get3A_332] : memref<1024xf32, #tpu.memory_space<vmem>>[vector<16xi32>], vector<16xf32>,
          %swap3A_569 = arith.index_cast %select_n3A_302 : i32 to index
          %swap3A_570 = arith.index_cast %scan3A_545 : i32 to index
          %swap3A_571 = arith.constant 48 : index
          %swap3A_572 = tpu.vector_load %arg9[%swap3A_569, %swap3A_570, %swap3A_571] {strides = array<i32>} : memref<7x64x128xf32, #tpu.memory_space<vmem>>, vector<16xf32>,
          tpu.vector_store %arg9[%swap3A_569, %swap3A_570, %swap3A_571], %gather3A_568 {strides = array<i32>} : memref<7x64x128xf32, #tpu.memory_space<vmem>>, vector<16xf32>,
          %gather3A_573 = tpu.memref_slice %arg7[%multiple_of3A_548] : memref<65536xf32, #tpu.memory_space<vmem>> -> memref<1024xf32, #tpu.memory_space<vmem>>
          %gather3A_574 = tpu.vector_load_idx %gather3A_573[%get3A_339] : memref<1024xf32, #tpu.memory_space<vmem>>[vector<16xi32>], vector<16xf32>,
          %swap3A_575 = arith.index_cast %select_n3A_302 : i32 to index
          %swap3A_576 = arith.index_cast %scan3A_545 : i32 to index
          %swap3A_577 = arith.constant 64 : index
          %swap3A_578 = tpu.vector_load %arg9[%swap3A_575, %swap3A_576, %swap3A_577] {strides = array<i32>} : memref<7x64x128xf32, #tpu.memory_space<vmem>>, vector<16xf32>,
          tpu.vector_store %arg9[%swap3A_575, %swap3A_576, %swap3A_577], %gather3A_574 {strides = array<i32>} : memref<7x64x128xf32, #tpu.memory_space<vmem>>, vector<16xf32>,
          %gather3A_579 = tpu.memref_slice %arg7[%multiple_of3A_548] : memref<65536xf32, #tpu.memory_space<vmem>> -> memref<1024xf32, #tpu.memory_space<vmem>>
          %gather3A_580 = tpu.vector_load_idx %gather3A_579[%get3A_346] : memref<1024xf32, #tpu.memory_space<vmem>>[vector<16xi32>], vector<16xf32>,
          %swap3A_581 = arith.index_cast %select_n3A_302 : i32 to index
          %swap3A_582 = arith.index_cast %scan3A_545 : i32 to index
          %swap3A_583 = arith.constant 80 : index
          %swap3A_584 = tpu.vector_load %arg9[%swap3A_581, %swap3A_582, %swap3A_583] {strides = array<i32>} : memref<7x64x128xf32, #tpu.memory_space<vmem>>, vector<16xf32>,
          tpu.vector_store %arg9[%swap3A_581, %swap3A_582, %swap3A_583], %gather3A_580 {strides = array<i32>} : memref<7x64x128xf32, #tpu.memory_space<vmem>>, vector<16xf32>,
          %gather3A_585 = tpu.memref_slice %arg7[%multiple_of3A_548] : memref<65536xf32, #tpu.memory_space<vmem>> -> memref<1024xf32, #tpu.memory_space<vmem>>
          %gather3A_586 = tpu.vector_load_idx %gather3A_585[%get3A_353] : memref<1024xf32, #tpu.memory_space<vmem>>[vector<16xi32>], vector<16xf32>,
          %swap3A_587 = arith.index_cast %select_n3A_302 : i32 to index
          %swap3A_588 = arith.index_cast %scan3A_545 : i32 to index
          %swap3A_589 = arith.constant 96 : index
          %swap3A_590 = tpu.vector_load %arg9[%swap3A_587, %swap3A_588, %swap3A_589] {strides = array<i32>} : memref<7x64x128xf32, #tpu.memory_space<vmem>>, vector<16xf32>,
          tpu.vector_store %arg9[%swap3A_587, %swap3A_588, %swap3A_589], %gather3A_586 {strides = array<i32>} : memref<7x64x128xf32, #tpu.memory_space<vmem>>, vector<16xf32>,
          %gather3A_591 = tpu.memref_slice %arg7[%multiple_of3A_548] : memref<65536xf32, #tpu.memory_space<vmem>> -> memref<1024xf32, #tpu.memory_space<vmem>>
          %gather3A_592 = tpu.vector_load_idx %gather3A_591[%get3A_360] : memref<1024xf32, #tpu.memory_space<vmem>>[vector<16xi32>], vector<16xf32>,
          %swap3A_593 = arith.index_cast %select_n3A_302 : i32 to index
          %swap3A_594 = arith.index_cast %scan3A_545 : i32 to index
          %swap3A_595 = arith.constant 112 : index
          %swap3A_596 = tpu.vector_load %arg9[%swap3A_593, %swap3A_594, %swap3A_595] {strides = array<i32>} : memref<7x64x128xf32, #tpu.memory_space<vmem>>, vector<16xf32>,
          tpu.vector_store %arg9[%swap3A_593, %swap3A_594, %swap3A_595], %gather3A_592 {strides = array<i32>} : memref<7x64x128xf32, #tpu.memory_space<vmem>>, vector<16xf32>,
          %scan3A_597 = arith.constant 4 : i32
          %scan3A_598 = arith.addi %scan3A_388, %scan3A_597 : i32
          %mul3A_599 = arith.constant 1024 : i32
          %mul3A_600 = arith.muli %scan3A_598, %mul3A_599 : i32
          %multiple_of3A_601 = tpu.assume_multiple %mul3A_600, 1024 : i32
          %gather3A_602 = tpu.memref_slice %arg7[%multiple_of3A_601] : memref<65536xf32, #tpu.memory_space<vmem>> -> memref<1024xf32, #tpu.memory_space<vmem>>
          %gather3A_603 = tpu.vector_load_idx %gather3A_602[%get3A_311] : memref<1024xf32, #tpu.memory_space<vmem>>[vector<16xi32>], vector<16xf32>,
          %swap3A_604 = arith.index_cast %select_n3A_302 : i32 to index
          %swap3A_605 = arith.index_cast %scan3A_598 : i32 to index
          %swap3A_606 = arith.constant 0 : index
          %swap3A_607 = tpu.vector_load %arg9[%swap3A_604, %swap3A_605, %swap3A_606] {strides = array<i32>} : memref<7x64x128xf32, #tpu.memory_space<vmem>>, vector<16xf32>,
          tpu.vector_store %arg9[%swap3A_604, %swap3A_605, %swap3A_606], %gather3A_603 {strides = array<i32>} : memref<7x64x128xf32, #tpu.memory_space<vmem>>, vector<16xf32>,
          %gather3A_608 = tpu.memref_slice %arg7[%multiple_of3A_601] : memref<65536xf32, #tpu.memory_space<vmem>> -> memref<1024xf32, #tpu.memory_space<vmem>>
          %gather3A_609 = tpu.vector_load_idx %gather3A_608[%get3A_318] : memref<1024xf32, #tpu.memory_space<vmem>>[vector<16xi32>], vector<16xf32>,
          %swap3A_610 = arith.index_cast %select_n3A_302 : i32 to index
          %swap3A_611 = arith.index_cast %scan3A_598 : i32 to index
          %swap3A_612 = arith.constant 16 : index
          %swap3A_613 = tpu.vector_load %arg9[%swap3A_610, %swap3A_611, %swap3A_612] {strides = array<i32>} : memref<7x64x128xf32, #tpu.memory_space<vmem>>, vector<16xf32>,
          tpu.vector_store %arg9[%swap3A_610, %swap3A_611, %swap3A_612], %gather3A_609 {strides = array<i32>} : memref<7x64x128xf32, #tpu.memory_space<vmem>>, vector<16xf32>,
          %gather3A_614 = tpu.memref_slice %arg7[%multiple_of3A_601] : memref<65536xf32, #tpu.memory_space<vmem>> -> memref<1024xf32, #tpu.memory_space<vmem>>
          %gather3A_615 = tpu.vector_load_idx %gather3A_614[%get3A_325] : memref<1024xf32, #tpu.memory_space<vmem>>[vector<16xi32>], vector<16xf32>,
          %swap3A_616 = arith.index_cast %select_n3A_302 : i32 to index
          %swap3A_617 = arith.index_cast %scan3A_598 : i32 to index
          %swap3A_618 = arith.constant 32 : index
          %swap3A_619 = tpu.vector_load %arg9[%swap3A_616, %swap3A_617, %swap3A_618] {strides = array<i32>} : memref<7x64x128xf32, #tpu.memory_space<vmem>>, vector<16xf32>,
          tpu.vector_store %arg9[%swap3A_616, %swap3A_617, %swap3A_618], %gather3A_615 {strides = array<i32>} : memref<7x64x128xf32, #tpu.memory_space<vmem>>, vector<16xf32>,
          %gather3A_620 = tpu.memref_slice %arg7[%multiple_of3A_601] : memref<65536xf32, #tpu.memory_space<vmem>> -> memref<1024xf32, #tpu.memory_space<vmem>>
          %gather3A_621 = tpu.vector_load_idx %gather3A_620[%get3A_332] : memref<1024xf32, #tpu.memory_space<vmem>>[vector<16xi32>], vector<16xf32>,
          %swap3A_622 = arith.index_cast %select_n3A_302 : i32 to index
          %swap3A_623 = arith.index_cast %scan3A_598 : i32 to index
          %swap3A_624 = arith.constant 48 : index
          %swap3A_625 = tpu.vector_load %arg9[%swap3A_622, %swap3A_623, %swap3A_624] {strides = array<i32>} : memref<7x64x128xf32, #tpu.memory_space<vmem>>, vector<16xf32>,
          tpu.vector_store %arg9[%swap3A_622, %swap3A_623, %swap3A_624], %gather3A_621 {strides = array<i32>} : memref<7x64x128xf32, #tpu.memory_space<vmem>>, vector<16xf32>,
          %gather3A_626 = tpu.memref_slice %arg7[%multiple_of3A_601] : memref<65536xf32, #tpu.memory_space<vmem>> -> memref<1024xf32, #tpu.memory_space<vmem>>
          %gather3A_627 = tpu.vector_load_idx %gather3A_626[%get3A_339] : memref<1024xf32, #tpu.memory_space<vmem>>[vector<16xi32>], vector<16xf32>,
          %swap3A_628 = arith.index_cast %select_n3A_302 : i32 to index
          %swap3A_629 = arith.index_cast %scan3A_598 : i32 to index
          %swap3A_630 = arith.constant 64 : index
          %swap3A_631 = tpu.vector_load %arg9[%swap3A_628, %swap3A_629, %swap3A_630] {strides = array<i32>} : memref<7x64x128xf32, #tpu.memory_space<vmem>>, vector<16xf32>,
          tpu.vector_store %arg9[%swap3A_628, %swap3A_629, %swap3A_630], %gather3A_627 {strides = array<i32>} : memref<7x64x128xf32, #tpu.memory_space<vmem>>, vector<16xf32>,
          %gather3A_632 = tpu.memref_slice %arg7[%multiple_of3A_601] : memref<65536xf32, #tpu.memory_space<vmem>> -> memref<1024xf32, #tpu.memory_space<vmem>>
          %gather3A_633 = tpu.vector_load_idx %gather3A_632[%get3A_346] : memref<1024xf32, #tpu.memory_space<vmem>>[vector<16xi32>], vector<16xf32>,
          %swap3A_634 = arith.index_cast %select_n3A_302 : i32 to index
          %swap3A_635 = arith.index_cast %scan3A_598 : i32 to index
          %swap3A_636 = arith.constant 80 : index
          %swap3A_637 = tpu.vector_load %arg9[%swap3A_634, %swap3A_635, %swap3A_636] {strides = array<i32>} : memref<7x64x128xf32, #tpu.memory_space<vmem>>, vector<16xf32>,
          tpu.vector_store %arg9[%swap3A_634, %swap3A_635, %swap3A_636], %gather3A_633 {strides = array<i32>} : memref<7x64x128xf32, #tpu.memory_space<vmem>>, vector<16xf32>,
          %gather3A_638 = tpu.memref_slice %arg7[%multiple_of3A_601] : memref<65536xf32, #tpu.memory_space<vmem>> -> memref<1024xf32, #tpu.memory_space<vmem>>
          %gather3A_639 = tpu.vector_load_idx %gather3A_638[%get3A_353] : memref<1024xf32, #tpu.memory_space<vmem>>[vector<16xi32>], vector<16xf32>,
          %swap3A_640 = arith.index_cast %select_n3A_302 : i32 to index
          %swap3A_641 = arith.index_cast %scan3A_598 : i32 to index
          %swap3A_642 = arith.constant 96 : index
          %swap3A_643 = tpu.vector_load %arg9[%swap3A_640, %swap3A_641, %swap3A_642] {strides = array<i32>} : memref<7x64x128xf32, #tpu.memory_space<vmem>>, vector<16xf32>,
          tpu.vector_store %arg9[%swap3A_640, %swap3A_641, %swap3A_642], %gather3A_639 {strides = array<i32>} : memref<7x64x128xf32, #tpu.memory_space<vmem>>, vector<16xf32>,
          %gather3A_644 = tpu.memref_slice %arg7[%multiple_of3A_601] : memref<65536xf32, #tpu.memory_space<vmem>> -> memref<1024xf32, #tpu.memory_space<vmem>>
          %gather3A_645 = tpu.vector_load_idx %gather3A_644[%get3A_360] : memref<1024xf32, #tpu.memory_space<vmem>>[vector<16xi32>], vector<16xf32>,
          %swap3A_646 = arith.index_cast %select_n3A_302 : i32 to index
          %swap3A_647 = arith.index_cast %scan3A_598 : i32 to index
          %swap3A_648 = arith.constant 112 : index
          %swap3A_649 = tpu.vector_load %arg9[%swap3A_646, %swap3A_647, %swap3A_648] {strides = array<i32>} : memref<7x64x128xf32, #tpu.memory_space<vmem>>, vector<16xf32>,
          tpu.vector_store %arg9[%swap3A_646, %swap3A_647, %swap3A_648], %gather3A_645 {strides = array<i32>} : memref<7x64x128xf32, #tpu.memory_space<vmem>>, vector<16xf32>,
          %scan3A_650 = arith.constant 5 : i32
          %scan3A_651 = arith.addi %scan3A_388, %scan3A_650 : i32
          %mul3A_652 = arith.constant 1024 : i32
          %mul3A_653 = arith.muli %scan3A_651, %mul3A_652 : i32
          %multiple_of3A_654 = tpu.assume_multiple %mul3A_653, 1024 : i32
          %gather3A_655 = tpu.memref_slice %arg7[%multiple_of3A_654] : memref<65536xf32, #tpu.memory_space<vmem>> -> memref<1024xf32, #tpu.memory_space<vmem>>
          %gather3A_656 = tpu.vector_load_idx %gather3A_655[%get3A_311] : memref<1024xf32, #tpu.memory_space<vmem>>[vector<16xi32>], vector<16xf32>,
          %swap3A_657 = arith.index_cast %select_n3A_302 : i32 to index
          %swap3A_658 = arith.index_cast %scan3A_651 : i32 to index
          %swap3A_659 = arith.constant 0 : index
          %swap3A_660 = tpu.vector_load %arg9[%swap3A_657, %swap3A_658, %swap3A_659] {strides = array<i32>} : memref<7x64x128xf32, #tpu.memory_space<vmem>>, vector<16xf32>,
          tpu.vector_store %arg9[%swap3A_657, %swap3A_658, %swap3A_659], %gather3A_656 {strides = array<i32>} : memref<7x64x128xf32, #tpu.memory_space<vmem>>, vector<16xf32>,
          %gather3A_661 = tpu.memref_slice %arg7[%multiple_of3A_654] : memref<65536xf32, #tpu.memory_space<vmem>> -> memref<1024xf32, #tpu.memory_space<vmem>>
          %gather3A_662 = tpu.vector_load_idx %gather3A_661[%get3A_318] : memref<1024xf32, #tpu.memory_space<vmem>>[vector<16xi32>], vector<16xf32>,
          %swap3A_663 = arith.index_cast %select_n3A_302 : i32 to index
          %swap3A_664 = arith.index_cast %scan3A_651 : i32 to index
          %swap3A_665 = arith.constant 16 : index
          %swap3A_666 = tpu.vector_load %arg9[%swap3A_663, %swap3A_664, %swap3A_665] {strides = array<i32>} : memref<7x64x128xf32, #tpu.memory_space<vmem>>, vector<16xf32>,
          tpu.vector_store %arg9[%swap3A_663, %swap3A_664, %swap3A_665], %gather3A_662 {strides = array<i32>} : memref<7x64x128xf32, #tpu.memory_space<vmem>>, vector<16xf32>,
          %gather3A_667 = tpu.memref_slice %arg7[%multiple_of3A_654] : memref<65536xf32, #tpu.memory_space<vmem>> -> memref<1024xf32, #tpu.memory_space<vmem>>
          %gather3A_668 = tpu.vector_load_idx %gather3A_667[%get3A_325] : memref<1024xf32, #tpu.memory_space<vmem>>[vector<16xi32>], vector<16xf32>,
          %swap3A_669 = arith.index_cast %select_n3A_302 : i32 to index
          %swap3A_670 = arith.index_cast %scan3A_651 : i32 to index
          %swap3A_671 = arith.constant 32 : index
          %swap3A_672 = tpu.vector_load %arg9[%swap3A_669, %swap3A_670, %swap3A_671] {strides = array<i32>} : memref<7x64x128xf32, #tpu.memory_space<vmem>>, vector<16xf32>,
          tpu.vector_store %arg9[%swap3A_669, %swap3A_670, %swap3A_671], %gather3A_668 {strides = array<i32>} : memref<7x64x128xf32, #tpu.memory_space<vmem>>, vector<16xf32>,
          %gather3A_673 = tpu.memref_slice %arg7[%multiple_of3A_654] : memref<65536xf32, #tpu.memory_space<vmem>> -> memref<1024xf32, #tpu.memory_space<vmem>>
          %gather3A_674 = tpu.vector_load_idx %gather3A_673[%get3A_332] : memref<1024xf32, #tpu.memory_space<vmem>>[vector<16xi32>], vector<16xf32>,
          %swap3A_675 = arith.index_cast %select_n3A_302 : i32 to index
          %swap3A_676 = arith.index_cast %scan3A_651 : i32 to index
          %swap3A_677 = arith.constant 48 : index
          %swap3A_678 = tpu.vector_load %arg9[%swap3A_675, %swap3A_676, %swap3A_677] {strides = array<i32>} : memref<7x64x128xf32, #tpu.memory_space<vmem>>, vector<16xf32>,
          tpu.vector_store %arg9[%swap3A_675, %swap3A_676, %swap3A_677], %gather3A_674 {strides = array<i32>} : memref<7x64x128xf32, #tpu.memory_space<vmem>>, vector<16xf32>,
          %gather3A_679 = tpu.memref_slice %arg7[%multiple_of3A_654] : memref<65536xf32, #tpu.memory_space<vmem>> -> memref<1024xf32, #tpu.memory_space<vmem>>
          %gather3A_680 = tpu.vector_load_idx %gather3A_679[%get3A_339] : memref<1024xf32, #tpu.memory_space<vmem>>[vector<16xi32>], vector<16xf32>,
          %swap3A_681 = arith.index_cast %select_n3A_302 : i32 to index
          %swap3A_682 = arith.index_cast %scan3A_651 : i32 to index
          %swap3A_683 = arith.constant 64 : index
          %swap3A_684 = tpu.vector_load %arg9[%swap3A_681, %swap3A_682, %swap3A_683] {strides = array<i32>} : memref<7x64x128xf32, #tpu.memory_space<vmem>>, vector<16xf32>,
          tpu.vector_store %arg9[%swap3A_681, %swap3A_682, %swap3A_683], %gather3A_680 {strides = array<i32>} : memref<7x64x128xf32, #tpu.memory_space<vmem>>, vector<16xf32>,
          %gather3A_685 = tpu.memref_slice %arg7[%multiple_of3A_654] : memref<65536xf32, #tpu.memory_space<vmem>> -> memref<1024xf32, #tpu.memory_space<vmem>>
          %gather3A_686 = tpu.vector_load_idx %gather3A_685[%get3A_346] : memref<1024xf32, #tpu.memory_space<vmem>>[vector<16xi32>], vector<16xf32>,
          %swap3A_687 = arith.index_cast %select_n3A_302 : i32 to index
          %swap3A_688 = arith.index_cast %scan3A_651 : i32 to index
          %swap3A_689 = arith.constant 80 : index
          %swap3A_690 = tpu.vector_load %arg9[%swap3A_687, %swap3A_688, %swap3A_689] {strides = array<i32>} : memref<7x64x128xf32, #tpu.memory_space<vmem>>, vector<16xf32>,
          tpu.vector_store %arg9[%swap3A_687, %swap3A_688, %swap3A_689], %gather3A_686 {strides = array<i32>} : memref<7x64x128xf32, #tpu.memory_space<vmem>>, vector<16xf32>,
          %gather3A_691 = tpu.memref_slice %arg7[%multiple_of3A_654] : memref<65536xf32, #tpu.memory_space<vmem>> -> memref<1024xf32, #tpu.memory_space<vmem>>
          %gather3A_692 = tpu.vector_load_idx %gather3A_691[%get3A_353] : memref<1024xf32, #tpu.memory_space<vmem>>[vector<16xi32>], vector<16xf32>,
          %swap3A_693 = arith.index_cast %select_n3A_302 : i32 to index
          %swap3A_694 = arith.index_cast %scan3A_651 : i32 to index
          %swap3A_695 = arith.constant 96 : index
          %swap3A_696 = tpu.vector_load %arg9[%swap3A_693, %swap3A_694, %swap3A_695] {strides = array<i32>} : memref<7x64x128xf32, #tpu.memory_space<vmem>>, vector<16xf32>,
          tpu.vector_store %arg9[%swap3A_693, %swap3A_694, %swap3A_695], %gather3A_692 {strides = array<i32>} : memref<7x64x128xf32, #tpu.memory_space<vmem>>, vector<16xf32>,
          %gather3A_697 = tpu.memref_slice %arg7[%multiple_of3A_654] : memref<65536xf32, #tpu.memory_space<vmem>> -> memref<1024xf32, #tpu.memory_space<vmem>>
          %gather3A_698 = tpu.vector_load_idx %gather3A_697[%get3A_360] : memref<1024xf32, #tpu.memory_space<vmem>>[vector<16xi32>], vector<16xf32>,
          %swap3A_699 = arith.index_cast %select_n3A_302 : i32 to index
          %swap3A_700 = arith.index_cast %scan3A_651 : i32 to index
          %swap3A_701 = arith.constant 112 : index
          %swap3A_702 = tpu.vector_load %arg9[%swap3A_699, %swap3A_700, %swap3A_701] {strides = array<i32>} : memref<7x64x128xf32, #tpu.memory_space<vmem>>, vector<16xf32>,
          tpu.vector_store %arg9[%swap3A_699, %swap3A_700, %swap3A_701], %gather3A_698 {strides = array<i32>} : memref<7x64x128xf32, #tpu.memory_space<vmem>>, vector<16xf32>,
          %scan3A_703 = arith.constant 6 : i32
          %scan3A_704 = arith.addi %scan3A_388, %scan3A_703 : i32
          %mul3A_705 = arith.constant 1024 : i32
          %mul3A_706 = arith.muli %scan3A_704, %mul3A_705 : i32
          %multiple_of3A_707 = tpu.assume_multiple %mul3A_706, 1024 : i32
          %gather3A_708 = tpu.memref_slice %arg7[%multiple_of3A_707] : memref<65536xf32, #tpu.memory_space<vmem>> -> memref<1024xf32, #tpu.memory_space<vmem>>
          %gather3A_709 = tpu.vector_load_idx %gather3A_708[%get3A_311] : memref<1024xf32, #tpu.memory_space<vmem>>[vector<16xi32>], vector<16xf32>,
          %swap3A_710 = arith.index_cast %select_n3A_302 : i32 to index
          %swap3A_711 = arith.index_cast %scan3A_704 : i32 to index
          %swap3A_712 = arith.constant 0 : index
          %swap3A_713 = tpu.vector_load %arg9[%swap3A_710, %swap3A_711, %swap3A_712] {strides = array<i32>} : memref<7x64x128xf32, #tpu.memory_space<vmem>>, vector<16xf32>,
          tpu.vector_store %arg9[%swap3A_710, %swap3A_711, %swap3A_712], %gather3A_709 {strides = array<i32>} : memref<7x64x128xf32, #tpu.memory_space<vmem>>, vector<16xf32>,
          %gather3A_714 = tpu.memref_slice %arg7[%multiple_of3A_707] : memref<65536xf32, #tpu.memory_space<vmem>> -> memref<1024xf32, #tpu.memory_space<vmem>>
          %gather3A_715 = tpu.vector_load_idx %gather3A_714[%get3A_318] : memref<1024xf32, #tpu.memory_space<vmem>>[vector<16xi32>], vector<16xf32>,
          %swap3A_716 = arith.index_cast %select_n3A_302 : i32 to index
          %swap3A_717 = arith.index_cast %scan3A_704 : i32 to index
          %swap3A_718 = arith.constant 16 : index
          %swap3A_719 = tpu.vector_load %arg9[%swap3A_716, %swap3A_717, %swap3A_718] {strides = array<i32>} : memref<7x64x128xf32, #tpu.memory_space<vmem>>, vector<16xf32>,
          tpu.vector_store %arg9[%swap3A_716, %swap3A_717, %swap3A_718], %gather3A_715 {strides = array<i32>} : memref<7x64x128xf32, #tpu.memory_space<vmem>>, vector<16xf32>,
          %gather3A_720 = tpu.memref_slice %arg7[%multiple_of3A_707] : memref<65536xf32, #tpu.memory_space<vmem>> -> memref<1024xf32, #tpu.memory_space<vmem>>
          %gather3A_721 = tpu.vector_load_idx %gather3A_720[%get3A_325] : memref<1024xf32, #tpu.memory_space<vmem>>[vector<16xi32>], vector<16xf32>,
          %swap3A_722 = arith.index_cast %select_n3A_302 : i32 to index
          %swap3A_723 = arith.index_cast %scan3A_704 : i32 to index
          %swap3A_724 = arith.constant 32 : index
          %swap3A_725 = tpu.vector_load %arg9[%swap3A_722, %swap3A_723, %swap3A_724] {strides = array<i32>} : memref<7x64x128xf32, #tpu.memory_space<vmem>>, vector<16xf32>,
          tpu.vector_store %arg9[%swap3A_722, %swap3A_723, %swap3A_724], %gather3A_721 {strides = array<i32>} : memref<7x64x128xf32, #tpu.memory_space<vmem>>, vector<16xf32>,
          %gather3A_726 = tpu.memref_slice %arg7[%multiple_of3A_707] : memref<65536xf32, #tpu.memory_space<vmem>> -> memref<1024xf32, #tpu.memory_space<vmem>>
          %gather3A_727 = tpu.vector_load_idx %gather3A_726[%get3A_332] : memref<1024xf32, #tpu.memory_space<vmem>>[vector<16xi32>], vector<16xf32>,
          %swap3A_728 = arith.index_cast %select_n3A_302 : i32 to index
          %swap3A_729 = arith.index_cast %scan3A_704 : i32 to index
          %swap3A_730 = arith.constant 48 : index
          %swap3A_731 = tpu.vector_load %arg9[%swap3A_728, %swap3A_729, %swap3A_730] {strides = array<i32>} : memref<7x64x128xf32, #tpu.memory_space<vmem>>, vector<16xf32>,
          tpu.vector_store %arg9[%swap3A_728, %swap3A_729, %swap3A_730], %gather3A_727 {strides = array<i32>} : memref<7x64x128xf32, #tpu.memory_space<vmem>>, vector<16xf32>,
          %gather3A_732 = tpu.memref_slice %arg7[%multiple_of3A_707] : memref<65536xf32, #tpu.memory_space<vmem>> -> memref<1024xf32, #tpu.memory_space<vmem>>
          %gather3A_733 = tpu.vector_load_idx %gather3A_732[%get3A_339] : memref<1024xf32, #tpu.memory_space<vmem>>[vector<16xi32>], vector<16xf32>,
          %swap3A_734 = arith.index_cast %select_n3A_302 : i32 to index
          %swap3A_735 = arith.index_cast %scan3A_704 : i32 to index
          %swap3A_736 = arith.constant 64 : index
          %swap3A_737 = tpu.vector_load %arg9[%swap3A_734, %swap3A_735, %swap3A_736] {strides = array<i32>} : memref<7x64x128xf32, #tpu.memory_space<vmem>>, vector<16xf32>,
          tpu.vector_store %arg9[%swap3A_734, %swap3A_735, %swap3A_736], %gather3A_733 {strides = array<i32>} : memref<7x64x128xf32, #tpu.memory_space<vmem>>, vector<16xf32>,
          %gather3A_738 = tpu.memref_slice %arg7[%multiple_of3A_707] : memref<65536xf32, #tpu.memory_space<vmem>> -> memref<1024xf32, #tpu.memory_space<vmem>>
          %gather3A_739 = tpu.vector_load_idx %gather3A_738[%get3A_346] : memref<1024xf32, #tpu.memory_space<vmem>>[vector<16xi32>], vector<16xf32>,
          %swap3A_740 = arith.index_cast %select_n3A_302 : i32 to index
          %swap3A_741 = arith.index_cast %scan3A_704 : i32 to index
          %swap3A_742 = arith.constant 80 : index
          %swap3A_743 = tpu.vector_load %arg9[%swap3A_740, %swap3A_741, %swap3A_742] {strides = array<i32>} : memref<7x64x128xf32, #tpu.memory_space<vmem>>, vector<16xf32>,
          tpu.vector_store %arg9[%swap3A_740, %swap3A_741, %swap3A_742], %gather3A_739 {strides = array<i32>} : memref<7x64x128xf32, #tpu.memory_space<vmem>>, vector<16xf32>,
          %gather3A_744 = tpu.memref_slice %arg7[%multiple_of3A_707] : memref<65536xf32, #tpu.memory_space<vmem>> -> memref<1024xf32, #tpu.memory_space<vmem>>
          %gather3A_745 = tpu.vector_load_idx %gather3A_744[%get3A_353] : memref<1024xf32, #tpu.memory_space<vmem>>[vector<16xi32>], vector<16xf32>,
          %swap3A_746 = arith.index_cast %select_n3A_302 : i32 to index
          %swap3A_747 = arith.index_cast %scan3A_704 : i32 to index
          %swap3A_748 = arith.constant 96 : index
          %swap3A_749 = tpu.vector_load %arg9[%swap3A_746, %swap3A_747, %swap3A_748] {strides = array<i32>} : memref<7x64x128xf32, #tpu.memory_space<vmem>>, vector<16xf32>,
          tpu.vector_store %arg9[%swap3A_746, %swap3A_747, %swap3A_748], %gather3A_745 {strides = array<i32>} : memref<7x64x128xf32, #tpu.memory_space<vmem>>, vector<16xf32>,
          %gather3A_750 = tpu.memref_slice %arg7[%multiple_of3A_707] : memref<65536xf32, #tpu.memory_space<vmem>> -> memref<1024xf32, #tpu.memory_space<vmem>>
          %gather3A_751 = tpu.vector_load_idx %gather3A_750[%get3A_360] : memref<1024xf32, #tpu.memory_space<vmem>>[vector<16xi32>], vector<16xf32>,
          %swap3A_752 = arith.index_cast %select_n3A_302 : i32 to index
          %swap3A_753 = arith.index_cast %scan3A_704 : i32 to index
          %swap3A_754 = arith.constant 112 : index
          %swap3A_755 = tpu.vector_load %arg9[%swap3A_752, %swap3A_753, %swap3A_754] {strides = array<i32>} : memref<7x64x128xf32, #tpu.memory_space<vmem>>, vector<16xf32>,
          tpu.vector_store %arg9[%swap3A_752, %swap3A_753, %swap3A_754], %gather3A_751 {strides = array<i32>} : memref<7x64x128xf32, #tpu.memory_space<vmem>>, vector<16xf32>,
          %scan3A_756 = arith.constant 7 : i32
          %scan3A_757 = arith.addi %scan3A_388, %scan3A_756 : i32
          %mul3A_758 = arith.constant 1024 : i32
          %mul3A_759 = arith.muli %scan3A_757, %mul3A_758 : i32
          %multiple_of3A_760 = tpu.assume_multiple %mul3A_759, 1024 : i32
          %gather3A_761 = tpu.memref_slice %arg7[%multiple_of3A_760] : memref<65536xf32, #tpu.memory_space<vmem>> -> memref<1024xf32, #tpu.memory_space<vmem>>
          %gather3A_762 = tpu.vector_load_idx %gather3A_761[%get3A_311] : memref<1024xf32, #tpu.memory_space<vmem>>[vector<16xi32>], vector<16xf32>,
          %swap3A_763 = arith.index_cast %select_n3A_302 : i32 to index
          %swap3A_764 = arith.index_cast %scan3A_757 : i32 to index
          %swap3A_765 = arith.constant 0 : index
          %swap3A_766 = tpu.vector_load %arg9[%swap3A_763, %swap3A_764, %swap3A_765] {strides = array<i32>} : memref<7x64x128xf32, #tpu.memory_space<vmem>>, vector<16xf32>,
          tpu.vector_store %arg9[%swap3A_763, %swap3A_764, %swap3A_765], %gather3A_762 {strides = array<i32>} : memref<7x64x128xf32, #tpu.memory_space<vmem>>, vector<16xf32>,
          %gather3A_767 = tpu.memref_slice %arg7[%multiple_of3A_760] : memref<65536xf32, #tpu.memory_space<vmem>> -> memref<1024xf32, #tpu.memory_space<vmem>>
          %gather3A_768 = tpu.vector_load_idx %gather3A_767[%get3A_318] : memref<1024xf32, #tpu.memory_space<vmem>>[vector<16xi32>], vector<16xf32>,
          %swap3A_769 = arith.index_cast %select_n3A_302 : i32 to index
          %swap3A_770 = arith.index_cast %scan3A_757 : i32 to index
          %swap3A_771 = arith.constant 16 : index
          %swap3A_772 = tpu.vector_load %arg9[%swap3A_769, %swap3A_770, %swap3A_771] {strides = array<i32>} : memref<7x64x128xf32, #tpu.memory_space<vmem>>, vector<16xf32>,
          tpu.vector_store %arg9[%swap3A_769, %swap3A_770, %swap3A_771], %gather3A_768 {strides = array<i32>} : memref<7x64x128xf32, #tpu.memory_space<vmem>>, vector<16xf32>,
          %gather3A_773 = tpu.memref_slice %arg7[%multiple_of3A_760] : memref<65536xf32, #tpu.memory_space<vmem>> -> memref<1024xf32, #tpu.memory_space<vmem>>
          %gather3A_774 = tpu.vector_load_idx %gather3A_773[%get3A_325] : memref<1024xf32, #tpu.memory_space<vmem>>[vector<16xi32>], vector<16xf32>,
          %swap3A_775 = arith.index_cast %select_n3A_302 : i32 to index
          %swap3A_776 = arith.index_cast %scan3A_757 : i32 to index
          %swap3A_777 = arith.constant 32 : index
          %swap3A_778 = tpu.vector_load %arg9[%swap3A_775, %swap3A_776, %swap3A_777] {strides = array<i32>} : memref<7x64x128xf32, #tpu.memory_space<vmem>>, vector<16xf32>,
          tpu.vector_store %arg9[%swap3A_775, %swap3A_776, %swap3A_777], %gather3A_774 {strides = array<i32>} : memref<7x64x128xf32, #tpu.memory_space<vmem>>, vector<16xf32>,
          %gather3A_779 = tpu.memref_slice %arg7[%multiple_of3A_760] : memref<65536xf32, #tpu.memory_space<vmem>> -> memref<1024xf32, #tpu.memory_space<vmem>>
          %gather3A_780 = tpu.vector_load_idx %gather3A_779[%get3A_332] : memref<1024xf32, #tpu.memory_space<vmem>>[vector<16xi32>], vector<16xf32>,
          %swap3A_781 = arith.index_cast %select_n3A_302 : i32 to index
          %swap3A_782 = arith.index_cast %scan3A_757 : i32 to index
          %swap3A_783 = arith.constant 48 : index
          %swap3A_784 = tpu.vector_load %arg9[%swap3A_781, %swap3A_782, %swap3A_783] {strides = array<i32>} : memref<7x64x128xf32, #tpu.memory_space<vmem>>, vector<16xf32>,
          tpu.vector_store %arg9[%swap3A_781, %swap3A_782, %swap3A_783], %gather3A_780 {strides = array<i32>} : memref<7x64x128xf32, #tpu.memory_space<vmem>>, vector<16xf32>,
          %gather3A_785 = tpu.memref_slice %arg7[%multiple_of3A_760] : memref<65536xf32, #tpu.memory_space<vmem>> -> memref<1024xf32, #tpu.memory_space<vmem>>
          %gather3A_786 = tpu.vector_load_idx %gather3A_785[%get3A_339] : memref<1024xf32, #tpu.memory_space<vmem>>[vector<16xi32>], vector<16xf32>,
          %swap3A_787 = arith.index_cast %select_n3A_302 : i32 to index
          %swap3A_788 = arith.index_cast %scan3A_757 : i32 to index
          %swap3A_789 = arith.constant 64 : index
          %swap3A_790 = tpu.vector_load %arg9[%swap3A_787, %swap3A_788, %swap3A_789] {strides = array<i32>} : memref<7x64x128xf32, #tpu.memory_space<vmem>>, vector<16xf32>,
          tpu.vector_store %arg9[%swap3A_787, %swap3A_788, %swap3A_789], %gather3A_786 {strides = array<i32>} : memref<7x64x128xf32, #tpu.memory_space<vmem>>, vector<16xf32>,
          %gather3A_791 = tpu.memref_slice %arg7[%multiple_of3A_760] : memref<65536xf32, #tpu.memory_space<vmem>> -> memref<1024xf32, #tpu.memory_space<vmem>>
          %gather3A_792 = tpu.vector_load_idx %gather3A_791[%get3A_346] : memref<1024xf32, #tpu.memory_space<vmem>>[vector<16xi32>], vector<16xf32>,
          %swap3A_793 = arith.index_cast %select_n3A_302 : i32 to index
          %swap3A_794 = arith.index_cast %scan3A_757 : i32 to index
          %swap3A_795 = arith.constant 80 : index
          %swap3A_796 = tpu.vector_load %arg9[%swap3A_793, %swap3A_794, %swap3A_795] {strides = array<i32>} : memref<7x64x128xf32, #tpu.memory_space<vmem>>, vector<16xf32>,
          tpu.vector_store %arg9[%swap3A_793, %swap3A_794, %swap3A_795], %gather3A_792 {strides = array<i32>} : memref<7x64x128xf32, #tpu.memory_space<vmem>>, vector<16xf32>,
          %gather3A_797 = tpu.memref_slice %arg7[%multiple_of3A_760] : memref<65536xf32, #tpu.memory_space<vmem>> -> memref<1024xf32, #tpu.memory_space<vmem>>
          %gather3A_798 = tpu.vector_load_idx %gather3A_797[%get3A_353] : memref<1024xf32, #tpu.memory_space<vmem>>[vector<16xi32>], vector<16xf32>,
          %swap3A_799 = arith.index_cast %select_n3A_302 : i32 to index
          %swap3A_800 = arith.index_cast %scan3A_757 : i32 to index
          %swap3A_801 = arith.constant 96 : index
          %swap3A_802 = tpu.vector_load %arg9[%swap3A_799, %swap3A_800, %swap3A_801] {strides = array<i32>} : memref<7x64x128xf32, #tpu.memory_space<vmem>>, vector<16xf32>,
          tpu.vector_store %arg9[%swap3A_799, %swap3A_800, %swap3A_801], %gather3A_798 {strides = array<i32>} : memref<7x64x128xf32, #tpu.memory_space<vmem>>, vector<16xf32>,
          %gather3A_803 = tpu.memref_slice %arg7[%multiple_of3A_760] : memref<65536xf32, #tpu.memory_space<vmem>> -> memref<1024xf32, #tpu.memory_space<vmem>>
          %gather3A_804 = tpu.vector_load_idx %gather3A_803[%get3A_360] : memref<1024xf32, #tpu.memory_space<vmem>>[vector<16xi32>], vector<16xf32>,
          %swap3A_805 = arith.index_cast %select_n3A_302 : i32 to index
          %swap3A_806 = arith.index_cast %scan3A_757 : i32 to index
          %swap3A_807 = arith.constant 112 : index
          %swap3A_808 = tpu.vector_load %arg9[%swap3A_805, %swap3A_806, %swap3A_807] {strides = array<i32>} : memref<7x64x128xf32, #tpu.memory_space<vmem>>, vector<16xf32>,
          tpu.vector_store %arg9[%swap3A_805, %swap3A_806, %swap3A_807], %gather3A_804 {strides = array<i32>} : memref<7x64x128xf32, #tpu.memory_space<vmem>>, vector<16xf32>,
        }
        %scan3A_370 = arith.constant 64 : i32
        %dma_start3A = arith.constant 0 : i32
        %dma_start3A_371 = arith.constant 0 : i32
        %dma_start3A_372 = tpu.memref_slice %arg9[%select_n3A_302, %dma_start3A, %dma_start3A_371] : memref<7x64x128xf32, #tpu.memory_space<vmem>> -> memref<1x64x128xf32, #tpu.memory_space<vmem>>
        %dma_start3A_373 = tpu.memref_squeeze %dma_start3A_372 : memref<1x64x128xf32, #tpu.memory_space<vmem>> -> memref<64x128xf32, #tpu.memory_space<vmem>>
        %dma_start3A_374 = arith.constant 0 : i32
        %dma_start3A_375 = tpu.memref_slice %arg5[%while3A_230, %dma_start3A_374, %multiple_of3A_305] : memref<400x64x1024xf32, #tpu.memory_space<hbm>> -> memref<1x64x128xf32, #tpu.memory_space<hbm>>
        %dma_start3A_376 = tpu.memref_squeeze %dma_start3A_375 : memref<1x64x128xf32, #tpu.memory_space<hbm>> -> memref<64x128xf32, #tpu.memory_space<hbm>>
        %dma_start3A_377 = tpu.memref_slice %arg11[%select_n3A_302] : memref<7x!tpu.dma_semaphore, #tpu.memory_space<semaphore_mem>> -> memref<1x!tpu.dma_semaphore, #tpu.memory_space<semaphore_mem>>
        %dma_start3A_378 = tpu.memref_squeeze %dma_start3A_377 : memref<1x!tpu.dma_semaphore, #tpu.memory_space<semaphore_mem>> -> memref<!tpu.dma_semaphore, #tpu.memory_space<semaphore_mem>>
        %dma_start3A_379 = arith.constant 0 : i32
        %dma_start3A_380 = tpu.memref_slice %arg5[%while3A_230, %dma_start3A_379, %multiple_of3A_305] : memref<400x64x1024xf32, #tpu.memory_space<hbm>> -> memref<1x64x128xf32, #tpu.memory_space<hbm>>
        %dma_start3A_381 = tpu.memref_squeeze %dma_start3A_380 : memref<1x64x128xf32, #tpu.memory_space<hbm>> -> memref<64x128xf32, #tpu.memory_space<hbm>>
        %dma_start3A_382 = arith.constant 0 : i32
        %dma_start3A_383 = arith.constant 0 : i32
        %dma_start3A_384 = tpu.memref_slice %arg9[%select_n3A_302, %dma_start3A_382, %dma_start3A_383] : memref<7x64x128xf32, #tpu.memory_space<vmem>> -> memref<1x64x128xf32, #tpu.memory_space<vmem>>
        %dma_start3A_385 = tpu.memref_squeeze %dma_start3A_384 : memref<1x64x128xf32, #tpu.memory_space<vmem>> -> memref<64x128xf32, #tpu.memory_space<vmem>>
        tpu.enqueue_dma source(%dma_start3A_385 : memref<64x128xf32, #tpu.memory_space<vmem>>) target(%dma_start3A_381 : memref<64x128xf32, #tpu.memory_space<hbm>>) target_semaphore(%dma_start3A_378 : memref<!tpu.dma_semaphore, #tpu.memory_space<semaphore_mem>>)
        %add3A_386 = arith.constant 1 : i32
        %add3A_387 = arith.addi %scan3A_286, %add3A_386 : i32
        scf.yield %add3A_387 : i32
      }
      %scan3A_284 = arith.constant 8 : i32
      scf.yield %scan3A_283 : i32
    }
    %max3A = arith.constant 400 : i32
    %max3A_62 = arith.maxsi %select_n3A, %max3A : i32
    %sub3A_63 = arith.constant 400 : i32
    %sub3A_64 = arith.subi %max3A_62, %sub3A_63 : i32
    %max3A_65 = arith.constant 400 : i32
    %max3A_66 = arith.maxsi %select_n3A_46, %max3A_65 : i32
    %sub3A_67 = arith.constant 400 : i32
    %sub3A_68 = arith.subi %max3A_66, %sub3A_67 : i32
    %lt3A_69 = arith.cmpi slt, %sub3A_64, %sub3A_68 : i32
    %convert_element_type3A_70 = arith.extui %lt3A_69 : i1 to i32
    %cond3A_71 = arith.constant 0 : i32
    %cond3A_72 = arith.cmpi ne, %convert_element_type3A_70, %cond3A_71 : i32
    scf.if %cond3A_72 {
      %mul3A_230 = arith.constant 1024 : i32
      %mul3A_231 = arith.muli %sub3A_64, %mul3A_230 : i32
      %multiple_of3A = tpu.assume_multiple %mul3A_231, 1024 : i32
      %jit3A_232 = arith.constant 2 : i32
      %eq3A = arith.constant 0 : i32
      %eq3A_233 = arith.cmpi eq, %jit3A_232, %eq3A : i32
      %jit3A_234 = arith.constant 1 : i32
      %select_n3A_235 = arith.select %eq3A_233, %jit3A_234, %jit3A_232 : i32
      %rem3A_236 = arith.remsi %sub3A_64, %select_n3A_235 : i32
      %ne3A_237 = arith.constant 0 : i32
      %ne3A_238 = arith.cmpi ne, %rem3A_236, %ne3A_237 : i32
      %lt3A_239 = arith.constant 0 : i32
      %lt3A_240 = arith.cmpi slt, %rem3A_236, %lt3A_239 : i32
      %lt3A_241 = arith.constant 0 : i32
      %lt3A_242 = arith.cmpi slt, %select_n3A_235, %lt3A_241 : i32
      %ne3A_243 = arith.xori %lt3A_240, %lt3A_242 : i1
      %and3A_244 = arith.andi %ne3A_243, %ne3A_238 : i1
      %add3A_245 = arith.addi %rem3A_236, %select_n3A_235 : i32
      %select_n3A_246 = arith.select %and3A_244, %add3A_245, %rem3A_236 : i32
      %mul3A_247 = arith.constant 1024 : i32
      %mul3A_248 = arith.muli %select_n3A_246, %mul3A_247 : i32
      %multiple_of3A_249 = tpu.assume_multiple %mul3A_248, 1024 : i32
      %jit3A_250 = arith.constant 2 : i32
      %eq3A_251 = arith.constant 0 : i32
      %eq3A_252 = arith.cmpi eq, %jit3A_250, %eq3A_251 : i32
      %jit3A_253 = arith.constant 1 : i32
      %select_n3A_254 = arith.select %eq3A_252, %jit3A_253, %jit3A_250 : i32
      %rem3A_255 = arith.remsi %sub3A_64, %select_n3A_254 : i32
      %ne3A_256 = arith.constant 0 : i32
      %ne3A_257 = arith.cmpi ne, %rem3A_255, %ne3A_256 : i32
      %lt3A_258 = arith.constant 0 : i32
      %lt3A_259 = arith.cmpi slt, %rem3A_255, %lt3A_258 : i32
      %lt3A_260 = arith.constant 0 : i32
      %lt3A_261 = arith.cmpi slt, %select_n3A_254, %lt3A_260 : i32
      %ne3A_262 = arith.xori %lt3A_259, %lt3A_261 : i1
      %and3A_263 = arith.andi %ne3A_262, %ne3A_257 : i1
      %add3A_264 = arith.addi %rem3A_255, %select_n3A_254 : i32
      %select_n3A_265 = arith.select %and3A_263, %add3A_264, %rem3A_255 : i32
      %dma_start3A = tpu.memref_slice %arg8[%multiple_of3A_249] : memref<2048xi32, #tpu.memory_space<vmem>> -> memref<1024xi32, #tpu.memory_space<vmem>>
      %dma_start3A_266 = tpu.memref_slice %arg3[%multiple_of3A] : memref<1024000xi32, #tpu.memory_space<hbm>> -> memref<1024xi32, #tpu.memory_space<hbm>>
      %dma_start3A_267 = tpu.memref_slice %arg10[%select_n3A_265] : memref<2x!tpu.dma_semaphore, #tpu.memory_space<semaphore_mem>> -> memref<1x!tpu.dma_semaphore, #tpu.memory_space<semaphore_mem>>
      %dma_start3A_268 = tpu.memref_squeeze %dma_start3A_267 : memref<1x!tpu.dma_semaphore, #tpu.memory_space<semaphore_mem>> -> memref<!tpu.dma_semaphore, #tpu.memory_space<semaphore_mem>>
      %dma_start3A_269 = tpu.memref_slice %arg8[%multiple_of3A_249] : memref<2048xi32, #tpu.memory_space<vmem>> -> memref<1024xi32, #tpu.memory_space<vmem>>
      %dma_start3A_270 = tpu.memref_slice %arg3[%multiple_of3A] : memref<1024000xi32, #tpu.memory_space<hbm>> -> memref<1024xi32, #tpu.memory_space<hbm>>
      tpu.enqueue_dma source(%dma_start3A_270 : memref<1024xi32, #tpu.memory_space<hbm>>) target(%dma_start3A_269 : memref<1024xi32, #tpu.memory_space<vmem>>) target_semaphore(%dma_start3A_268 : memref<!tpu.dma_semaphore, #tpu.memory_space<semaphore_mem>>)
    } else {
    }
    %while3A_73 = arith.constant 0 : i32
    %while3A_74 = arith.subi %sub3A_68, %sub3A_64 : i32
    %while3A_75 = arith.addi %sub3A_64, %while3A_74 : i32
    %while3A_76 = arith.constant 1 : i32
    %while3A_77 = arith.divsi %while3A_74, %while3A_76 : i32
    %while3A_78 = arith.muli %while3A_77, %while3A_76 : i32
    %while3A_79 = arith.addi %sub3A_64, %while3A_78 : i32
    %while3A_80 = arith.constant 1 : i32
    %while3A_81 = scf.for %while3A_230 = %sub3A_64 to %while3A_79 step %while3A_80 iter_args(%while3A_231 = %while3A_61) -> (i32)  : i32 {
      %jit3A_232 = arith.constant 2 : i32
      %eq3A = arith.constant 0 : i32
      %eq3A_233 = arith.cmpi eq, %jit3A_232, %eq3A : i32
      %jit3A_234 = arith.constant 1 : i32
      %select_n3A_235 = arith.select %eq3A_233, %jit3A_234, %jit3A_232 : i32
      %rem3A_236 = arith.remsi %while3A_230, %select_n3A_235 : i32
      %ne3A_237 = arith.constant 0 : i32
      %ne3A_238 = arith.cmpi ne, %rem3A_236, %ne3A_237 : i32
      %lt3A_239 = arith.constant 0 : i32
      %lt3A_240 = arith.cmpi slt, %rem3A_236, %lt3A_239 : i32
      %lt3A_241 = arith.constant 0 : i32
      %lt3A_242 = arith.cmpi slt, %select_n3A_235, %lt3A_241 : i32
      %ne3A_243 = arith.xori %lt3A_240, %lt3A_242 : i1
      %and3A_244 = arith.andi %ne3A_243, %ne3A_238 : i1
      %add3A_245 = arith.addi %rem3A_236, %select_n3A_235 : i32
      %select_n3A_246 = arith.select %and3A_244, %add3A_245, %rem3A_236 : i32
      %mul3A_247 = arith.constant 1024 : i32
      %mul3A_248 = arith.muli %select_n3A_246, %mul3A_247 : i32
      %multiple_of3A = tpu.assume_multiple %mul3A_248, 1024 : i32
      %add3A_249 = arith.constant 1 : i32
      %add3A_250 = arith.addi %while3A_230, %add3A_249 : i32
      %lt3A_251 = arith.cmpi slt, %add3A_250, %sub3A_68 : i32
      %convert_element_type3A_252 = arith.extui %lt3A_251 : i1 to i32
      %cond3A_253 = arith.constant 0 : i32
      %cond3A_254 = arith.cmpi ne, %convert_element_type3A_252, %cond3A_253 : i32
      scf.if %cond3A_254 {
        %add3A_285 = arith.constant 1 : i32
        %add3A_286 = arith.addi %while3A_230, %add3A_285 : i32
        %jit3A_287 = arith.constant 2 : i32
        %eq3A_288 = arith.constant 0 : i32
        %eq3A_289 = arith.cmpi eq, %jit3A_287, %eq3A_288 : i32
        %jit3A_290 = arith.constant 1 : i32
        %select_n3A_291 = arith.select %eq3A_289, %jit3A_290, %jit3A_287 : i32
        %rem3A_292 = arith.remsi %add3A_286, %select_n3A_291 : i32
        %ne3A_293 = arith.constant 0 : i32
        %ne3A_294 = arith.cmpi ne, %rem3A_292, %ne3A_293 : i32
        %lt3A_295 = arith.constant 0 : i32
        %lt3A_296 = arith.cmpi slt, %rem3A_292, %lt3A_295 : i32
        %lt3A_297 = arith.constant 0 : i32
        %lt3A_298 = arith.cmpi slt, %select_n3A_291, %lt3A_297 : i32
        %ne3A_299 = arith.xori %lt3A_296, %lt3A_298 : i1
        %and3A_300 = arith.andi %ne3A_299, %ne3A_294 : i1
        %add3A_301 = arith.addi %rem3A_292, %select_n3A_291 : i32
        %select_n3A_302 = arith.select %and3A_300, %add3A_301, %rem3A_292 : i32
        %mul3A_303 = arith.constant 1024 : i32
        %mul3A_304 = arith.muli %select_n3A_302, %mul3A_303 : i32
        %add3A_305 = arith.constant 1 : i32
        %add3A_306 = arith.addi %while3A_230, %add3A_305 : i32
        %mul3A_307 = arith.constant 1024 : i32
        %mul3A_308 = arith.muli %add3A_306, %mul3A_307 : i32
        %multiple_of3A_309 = tpu.assume_multiple %mul3A_308, 1024 : i32
        %multiple_of3A_310 = tpu.assume_multiple %mul3A_304, 1024 : i32
        %add3A_311 = arith.constant 1 : i32
        %add3A_312 = arith.addi %while3A_230, %add3A_311 : i32
        %jit3A_313 = arith.constant 2 : i32
        %eq3A_314 = arith.constant 0 : i32
        %eq3A_315 = arith.cmpi eq, %jit3A_313, %eq3A_314 : i32
        %jit3A_316 = arith.constant 1 : i32
        %select_n3A_317 = arith.select %eq3A_315, %jit3A_316, %jit3A_313 : i32
        %rem3A_318 = arith.remsi %add3A_312, %select_n3A_317 : i32
        %ne3A_319 = arith.constant 0 : i32
        %ne3A_320 = arith.cmpi ne, %rem3A_318, %ne3A_319 : i32
        %lt3A_321 = arith.constant 0 : i32
        %lt3A_322 = arith.cmpi slt, %rem3A_318, %lt3A_321 : i32
        %lt3A_323 = arith.constant 0 : i32
        %lt3A_324 = arith.cmpi slt, %select_n3A_317, %lt3A_323 : i32
        %ne3A_325 = arith.xori %lt3A_322, %lt3A_324 : i1
        %and3A_326 = arith.andi %ne3A_325, %ne3A_320 : i1
        %add3A_327 = arith.addi %rem3A_318, %select_n3A_317 : i32
        %select_n3A_328 = arith.select %and3A_326, %add3A_327, %rem3A_318 : i32
        %dma_start3A = tpu.memref_slice %arg8[%multiple_of3A_310] : memref<2048xi32, #tpu.memory_space<vmem>> -> memref<1024xi32, #tpu.memory_space<vmem>>
        %dma_start3A_329 = tpu.memref_slice %arg3[%multiple_of3A_309] : memref<1024000xi32, #tpu.memory_space<hbm>> -> memref<1024xi32, #tpu.memory_space<hbm>>
        %dma_start3A_330 = tpu.memref_slice %arg10[%select_n3A_328] : memref<2x!tpu.dma_semaphore, #tpu.memory_space<semaphore_mem>> -> memref<1x!tpu.dma_semaphore, #tpu.memory_space<semaphore_mem>>
        %dma_start3A_331 = tpu.memref_squeeze %dma_start3A_330 : memref<1x!tpu.dma_semaphore, #tpu.memory_space<semaphore_mem>> -> memref<!tpu.dma_semaphore, #tpu.memory_space<semaphore_mem>>
        %dma_start3A_332 = tpu.memref_slice %arg8[%multiple_of3A_310] : memref<2048xi32, #tpu.memory_space<vmem>> -> memref<1024xi32, #tpu.memory_space<vmem>>
        %dma_start3A_333 = tpu.memref_slice %arg3[%multiple_of3A_309] : memref<1024000xi32, #tpu.memory_space<hbm>> -> memref<1024xi32, #tpu.memory_space<hbm>>
        tpu.enqueue_dma source(%dma_start3A_333 : memref<1024xi32, #tpu.memory_space<hbm>>) target(%dma_start3A_332 : memref<1024xi32, #tpu.memory_space<vmem>>) target_semaphore(%dma_start3A_331 : memref<!tpu.dma_semaphore, #tpu.memory_space<semaphore_mem>>)
      } else {
      }
      %mul3A_255 = arith.constant 1024 : i32
      %mul3A_256 = arith.muli %while3A_230, %mul3A_255 : i32
      %multiple_of3A_257 = tpu.assume_multiple %mul3A_256, 1024 : i32
      %jit3A_258 = arith.constant 2 : i32
      %eq3A_259 = arith.constant 0 : i32
      %eq3A_260 = arith.cmpi eq, %jit3A_258, %eq3A_259 : i32
      %jit3A_261 = arith.constant 1 : i32
      %select_n3A_262 = arith.select %eq3A_260, %jit3A_261, %jit3A_258 : i32
      %rem3A_263 = arith.remsi %while3A_230, %select_n3A_262 : i32
      %ne3A_264 = arith.constant 0 : i32
      %ne3A_265 = arith.cmpi ne, %rem3A_263, %ne3A_264 : i32
      %lt3A_266 = arith.constant 0 : i32
      %lt3A_267 = arith.cmpi slt, %rem3A_263, %lt3A_266 : i32
      %lt3A_268 = arith.constant 0 : i32
      %lt3A_269 = arith.cmpi slt, %select_n3A_262, %lt3A_268 : i32
      %ne3A_270 = arith.xori %lt3A_267, %lt3A_269 : i1
      %and3A_271 = arith.andi %ne3A_270, %ne3A_265 : i1
      %add3A_272 = arith.addi %rem3A_263, %select_n3A_262 : i32
      %select_n3A_273 = arith.select %and3A_271, %add3A_272, %rem3A_263 : i32
      %dma_wait3A_274 = tpu.memref_slice %arg8[%multiple_of3A] : memref<2048xi32, #tpu.memory_space<vmem>> -> memref<1024xi32, #tpu.memory_space<vmem>>
      %dma_wait3A_275 = tpu.memref_slice %arg3[%multiple_of3A_257] : memref<1024000xi32, #tpu.memory_space<hbm>> -> memref<1024xi32, #tpu.memory_space<hbm>>
      %dma_wait3A_276 = tpu.memref_slice %arg10[%select_n3A_273] : memref<2x!tpu.dma_semaphore, #tpu.memory_space<semaphore_mem>> -> memref<1x!tpu.dma_semaphore, #tpu.memory_space<semaphore_mem>>
      %dma_wait3A_277 = tpu.memref_squeeze %dma_wait3A_276 : memref<1x!tpu.dma_semaphore, #tpu.memory_space<semaphore_mem>> -> memref<!tpu.dma_semaphore, #tpu.memory_space<semaphore_mem>>
      %dma_wait3A_278 = tpu.memref_slice %arg8[%multiple_of3A] : memref<2048xi32, #tpu.memory_space<vmem>> -> memref<1024xi32, #tpu.memory_space<vmem>>
      %dma_wait3A_279 = tpu.memref_slice %arg3[%multiple_of3A_257] : memref<1024000xi32, #tpu.memory_space<hbm>> -> memref<1024xi32, #tpu.memory_space<hbm>>
      tpu.wait_dma2 semaphore(%dma_wait3A_277 : memref<!tpu.dma_semaphore, #tpu.memory_space<semaphore_mem>>) src(%dma_wait3A_279 : memref<1024xi32, #tpu.memory_space<hbm>>) dst(%dma_wait3A_278 : memref<1024xi32, #tpu.memory_space<vmem>>)
      %scan3A = arith.constant 0 : i32
      %scan3A_280 = arith.constant 8 : i32
      %scan3A_281 = arith.addi %scan3A, %scan3A_280 : i32
      %scan3A_282 = arith.constant 1 : i32
      %scan3A_283 = scf.for %scan3A_285 = %scan3A to %scan3A_281 step %scan3A_282 iter_args(%scan3A_286 = %while3A_231) -> (i32)  : i32 {
        %jit3A_287 = arith.constant 7 : i32
        %eq3A_288 = arith.constant 0 : i32
        %eq3A_289 = arith.cmpi eq, %jit3A_287, %eq3A_288 : i32
        %jit3A_290 = arith.constant 1 : i32
        %select_n3A_291 = arith.select %eq3A_289, %jit3A_290, %jit3A_287 : i32
        %rem3A_292 = arith.remsi %scan3A_286, %select_n3A_291 : i32
        %ne3A_293 = arith.constant 0 : i32
        %ne3A_294 = arith.cmpi ne, %rem3A_292, %ne3A_293 : i32
        %lt3A_295 = arith.constant 0 : i32
        %lt3A_296 = arith.cmpi slt, %rem3A_292, %lt3A_295 : i32
        %lt3A_297 = arith.constant 0 : i32
        %lt3A_298 = arith.cmpi slt, %select_n3A_291, %lt3A_297 : i32
        %ne3A_299 = arith.xori %lt3A_296, %lt3A_298 : i1
        %and3A_300 = arith.andi %ne3A_299, %ne3A_294 : i1
        %add3A_301 = arith.addi %rem3A_292, %select_n3A_291 : i32
        %select_n3A_302 = arith.select %and3A_300, %add3A_301, %rem3A_292 : i32
        %mul3A_303 = arith.constant 128 : i32
        %mul3A_304 = arith.muli %scan3A_285, %mul3A_303 : i32
        %multiple_of3A_305 = tpu.assume_multiple %mul3A_304, 128 : i32
        %mul3A_306 = arith.constant 128 : i32
        %mul3A_307 = arith.muli %scan3A_285, %mul3A_306 : i32
        %add3A_308 = arith.addi %multiple_of3A, %mul3A_307 : i32
        %add3A_309 = arith.constant 0 : i32
        %add3A_310 = arith.addi %add3A_308, %add3A_309 : i32
        %get3A = arith.index_cast %add3A_310 : i32 to index
        %get3A_311 = tpu.vector_load %arg8[%get3A] {strides = array<i32>} : memref<2048xi32, #tpu.memory_space<vmem>>, vector<16xi32>,
        %mul3A_312 = arith.constant 128 : i32
        %mul3A_313 = arith.muli %scan3A_285, %mul3A_312 : i32
        %add3A_314 = arith.addi %multiple_of3A, %mul3A_313 : i32
        %add3A_315 = arith.constant 16 : i32
        %add3A_316 = arith.addi %add3A_314, %add3A_315 : i32
        %get3A_317 = arith.index_cast %add3A_316 : i32 to index
        %get3A_318 = tpu.vector_load %arg8[%get3A_317] {strides = array<i32>} : memref<2048xi32, #tpu.memory_space<vmem>>, vector<16xi32>,
        %mul3A_319 = arith.constant 128 : i32
        %mul3A_320 = arith.muli %scan3A_285, %mul3A_319 : i32
        %add3A_321 = arith.addi %multiple_of3A, %mul3A_320 : i32
        %add3A_322 = arith.constant 32 : i32
        %add3A_323 = arith.addi %add3A_321, %add3A_322 : i32
        %get3A_324 = arith.index_cast %add3A_323 : i32 to index
        %get3A_325 = tpu.vector_load %arg8[%get3A_324] {strides = array<i32>} : memref<2048xi32, #tpu.memory_space<vmem>>, vector<16xi32>,
        %mul3A_326 = arith.constant 128 : i32
        %mul3A_327 = arith.muli %scan3A_285, %mul3A_326 : i32
        %add3A_328 = arith.addi %multiple_of3A, %mul3A_327 : i32
        %add3A_329 = arith.constant 48 : i32
        %add3A_330 = arith.addi %add3A_328, %add3A_329 : i32
        %get3A_331 = arith.index_cast %add3A_330 : i32 to index
        %get3A_332 = tpu.vector_load %arg8[%get3A_331] {strides = array<i32>} : memref<2048xi32, #tpu.memory_space<vmem>>, vector<16xi32>,
        %mul3A_333 = arith.constant 128 : i32
        %mul3A_334 = arith.muli %scan3A_285, %mul3A_333 : i32
        %add3A_335 = arith.addi %multiple_of3A, %mul3A_334 : i32
        %add3A_336 = arith.constant 64 : i32
        %add3A_337 = arith.addi %add3A_335, %add3A_336 : i32
        %get3A_338 = arith.index_cast %add3A_337 : i32 to index
        %get3A_339 = tpu.vector_load %arg8[%get3A_338] {strides = array<i32>} : memref<2048xi32, #tpu.memory_space<vmem>>, vector<16xi32>,
        %mul3A_340 = arith.constant 128 : i32
        %mul3A_341 = arith.muli %scan3A_285, %mul3A_340 : i32
        %add3A_342 = arith.addi %multiple_of3A, %mul3A_341 : i32
        %add3A_343 = arith.constant 80 : i32
        %add3A_344 = arith.addi %add3A_342, %add3A_343 : i32
        %get3A_345 = arith.index_cast %add3A_344 : i32 to index
        %get3A_346 = tpu.vector_load %arg8[%get3A_345] {strides = array<i32>} : memref<2048xi32, #tpu.memory_space<vmem>>, vector<16xi32>,
        %mul3A_347 = arith.constant 128 : i32
        %mul3A_348 = arith.muli %scan3A_285, %mul3A_347 : i32
        %add3A_349 = arith.addi %multiple_of3A, %mul3A_348 : i32
        %add3A_350 = arith.constant 96 : i32
        %add3A_351 = arith.addi %add3A_349, %add3A_350 : i32
        %get3A_352 = arith.index_cast %add3A_351 : i32 to index
        %get3A_353 = tpu.vector_load %arg8[%get3A_352] {strides = array<i32>} : memref<2048xi32, #tpu.memory_space<vmem>>, vector<16xi32>,
        %mul3A_354 = arith.constant 128 : i32
        %mul3A_355 = arith.muli %scan3A_285, %mul3A_354 : i32
        %add3A_356 = arith.addi %multiple_of3A, %mul3A_355 : i32
        %add3A_357 = arith.constant 112 : i32
        %add3A_358 = arith.addi %add3A_356, %add3A_357 : i32
        %get3A_359 = arith.index_cast %add3A_358 : i32 to index
        %get3A_360 = tpu.vector_load %arg8[%get3A_359] {strides = array<i32>} : memref<2048xi32, #tpu.memory_space<vmem>>, vector<16xi32>,
        %ge3A = arith.constant 7 : i32
        %ge3A_361 = arith.cmpi sge, %scan3A_286, %ge3A : i32
        %convert_element_type3A_362 = arith.extui %ge3A_361 : i1 to i32
        %cond3A_363 = arith.constant 0 : i32
        %cond3A_364 = arith.cmpi ne, %convert_element_type3A_362, %cond3A_363 : i32
        scf.if %cond3A_364 {
          %dma_wait3A_388 = arith.constant 0 : i32
          %dma_wait3A_389 = arith.constant 0 : i32
          %dma_wait3A_390 = tpu.memref_slice %arg9[%select_n3A_302, %dma_wait3A_388, %dma_wait3A_389] : memref<7x64x128xf32, #tpu.memory_space<vmem>> -> memref<1x64x128xf32, #tpu.memory_space<vmem>>
          %dma_wait3A_391 = tpu.memref_squeeze %dma_wait3A_390 : memref<1x64x128xf32, #tpu.memory_space<vmem>> -> memref<64x128xf32, #tpu.memory_space<vmem>>
          %dma_wait3A_392 = arith.constant 0 : i32
          %dma_wait3A_393 = arith.constant 0 : i32
          %dma_wait3A_394 = tpu.memref_slice %arg5[%while3A_73, %dma_wait3A_392, %dma_wait3A_393] : memref<400x64x1024xf32, #tpu.memory_space<hbm>> -> memref<1x64x128xf32, #tpu.memory_space<hbm>>
          %dma_wait3A_395 = tpu.memref_squeeze %dma_wait3A_394 : memref<1x64x128xf32, #tpu.memory_space<hbm>> -> memref<64x128xf32, #tpu.memory_space<hbm>>
          %dma_wait3A_396 = tpu.memref_slice %arg11[%select_n3A_302] : memref<7x!tpu.dma_semaphore, #tpu.memory_space<semaphore_mem>> -> memref<1x!tpu.dma_semaphore, #tpu.memory_space<semaphore_mem>>
          %dma_wait3A_397 = tpu.memref_squeeze %dma_wait3A_396 : memref<1x!tpu.dma_semaphore, #tpu.memory_space<semaphore_mem>> -> memref<!tpu.dma_semaphore, #tpu.memory_space<semaphore_mem>>
          %dma_wait3A_398 = arith.constant 0 : i32
          %dma_wait3A_399 = arith.constant 0 : i32
          %dma_wait3A_400 = tpu.memref_slice %arg5[%while3A_73, %dma_wait3A_398, %dma_wait3A_399] : memref<400x64x1024xf32, #tpu.memory_space<hbm>> -> memref<1x64x128xf32, #tpu.memory_space<hbm>>
          %dma_wait3A_401 = tpu.memref_squeeze %dma_wait3A_400 : memref<1x64x128xf32, #tpu.memory_space<hbm>> -> memref<64x128xf32, #tpu.memory_space<hbm>>
          %dma_wait3A_402 = arith.constant 0 : i32
          %dma_wait3A_403 = arith.constant 0 : i32
          %dma_wait3A_404 = tpu.memref_slice %arg9[%select_n3A_302, %dma_wait3A_402, %dma_wait3A_403] : memref<7x64x128xf32, #tpu.memory_space<vmem>> -> memref<1x64x128xf32, #tpu.memory_space<vmem>>
          %dma_wait3A_405 = tpu.memref_squeeze %dma_wait3A_404 : memref<1x64x128xf32, #tpu.memory_space<vmem>> -> memref<64x128xf32, #tpu.memory_space<vmem>>
          tpu.wait_dma2 semaphore(%dma_wait3A_397 : memref<!tpu.dma_semaphore, #tpu.memory_space<semaphore_mem>>) src(%dma_wait3A_405 : memref<64x128xf32, #tpu.memory_space<vmem>>) dst(%dma_wait3A_401 : memref<64x128xf32, #tpu.memory_space<hbm>>)
        } else {
        }
        %scan3A_365 = arith.constant 0 : i32
        %scan3A_366 = arith.constant 0 : i32
        %scan3A_367 = arith.constant 64 : i32
        %scan3A_368 = arith.addi %scan3A_366, %scan3A_367 : i32
        %scan3A_369 = arith.constant 8 : i32
        scf.for %scan3A_388 = %scan3A_366 to %scan3A_368 step %scan3A_369  : i32 {
          %mul3A_389 = arith.constant 1024 : i32
          %mul3A_390 = arith.muli %scan3A_388, %mul3A_389 : i32
          %multiple_of3A_391 = tpu.assume_multiple %mul3A_390, 1024 : i32
          %gather3A = tpu.memref_slice %arg7[%multiple_of3A_391] : memref<65536xf32, #tpu.memory_space<vmem>> -> memref<1024xf32, #tpu.memory_space<vmem>>
          %gather3A_392 = tpu.vector_load_idx %gather3A[%get3A_311] : memref<1024xf32, #tpu.memory_space<vmem>>[vector<16xi32>], vector<16xf32>,
          %swap3A = arith.index_cast %select_n3A_302 : i32 to index
          %swap3A_393 = arith.index_cast %scan3A_388 : i32 to index
          %swap3A_394 = arith.constant 0 : index
          %swap3A_395 = tpu.vector_load %arg9[%swap3A, %swap3A_393, %swap3A_394] {strides = array<i32>} : memref<7x64x128xf32, #tpu.memory_space<vmem>>, vector<16xf32>,
          tpu.vector_store %arg9[%swap3A, %swap3A_393, %swap3A_394], %gather3A_392 {strides = array<i32>} : memref<7x64x128xf32, #tpu.memory_space<vmem>>, vector<16xf32>,
          %gather3A_396 = tpu.memref_slice %arg7[%multiple_of3A_391] : memref<65536xf32, #tpu.memory_space<vmem>> -> memref<1024xf32, #tpu.memory_space<vmem>>
          %gather3A_397 = tpu.vector_load_idx %gather3A_396[%get3A_318] : memref<1024xf32, #tpu.memory_space<vmem>>[vector<16xi32>], vector<16xf32>,
          %swap3A_398 = arith.index_cast %select_n3A_302 : i32 to index
          %swap3A_399 = arith.index_cast %scan3A_388 : i32 to index
          %swap3A_400 = arith.constant 16 : index
          %swap3A_401 = tpu.vector_load %arg9[%swap3A_398, %swap3A_399, %swap3A_400] {strides = array<i32>} : memref<7x64x128xf32, #tpu.memory_space<vmem>>, vector<16xf32>,
          tpu.vector_store %arg9[%swap3A_398, %swap3A_399, %swap3A_400], %gather3A_397 {strides = array<i32>} : memref<7x64x128xf32, #tpu.memory_space<vmem>>, vector<16xf32>,
          %gather3A_402 = tpu.memref_slice %arg7[%multiple_of3A_391] : memref<65536xf32, #tpu.memory_space<vmem>> -> memref<1024xf32, #tpu.memory_space<vmem>>
          %gather3A_403 = tpu.vector_load_idx %gather3A_402[%get3A_325] : memref<1024xf32, #tpu.memory_space<vmem>>[vector<16xi32>], vector<16xf32>,
          %swap3A_404 = arith.index_cast %select_n3A_302 : i32 to index
          %swap3A_405 = arith.index_cast %scan3A_388 : i32 to index
          %swap3A_406 = arith.constant 32 : index
          %swap3A_407 = tpu.vector_load %arg9[%swap3A_404, %swap3A_405, %swap3A_406] {strides = array<i32>} : memref<7x64x128xf32, #tpu.memory_space<vmem>>, vector<16xf32>,
          tpu.vector_store %arg9[%swap3A_404, %swap3A_405, %swap3A_406], %gather3A_403 {strides = array<i32>} : memref<7x64x128xf32, #tpu.memory_space<vmem>>, vector<16xf32>,
          %gather3A_408 = tpu.memref_slice %arg7[%multiple_of3A_391] : memref<65536xf32, #tpu.memory_space<vmem>> -> memref<1024xf32, #tpu.memory_space<vmem>>
          %gather3A_409 = tpu.vector_load_idx %gather3A_408[%get3A_332] : memref<1024xf32, #tpu.memory_space<vmem>>[vector<16xi32>], vector<16xf32>,
          %swap3A_410 = arith.index_cast %select_n3A_302 : i32 to index
          %swap3A_411 = arith.index_cast %scan3A_388 : i32 to index
          %swap3A_412 = arith.constant 48 : index
          %swap3A_413 = tpu.vector_load %arg9[%swap3A_410, %swap3A_411, %swap3A_412] {strides = array<i32>} : memref<7x64x128xf32, #tpu.memory_space<vmem>>, vector<16xf32>,
          tpu.vector_store %arg9[%swap3A_410, %swap3A_411, %swap3A_412], %gather3A_409 {strides = array<i32>} : memref<7x64x128xf32, #tpu.memory_space<vmem>>, vector<16xf32>,
          %gather3A_414 = tpu.memref_slice %arg7[%multiple_of3A_391] : memref<65536xf32, #tpu.memory_space<vmem>> -> memref<1024xf32, #tpu.memory_space<vmem>>
          %gather3A_415 = tpu.vector_load_idx %gather3A_414[%get3A_339] : memref<1024xf32, #tpu.memory_space<vmem>>[vector<16xi32>], vector<16xf32>,
          %swap3A_416 = arith.index_cast %select_n3A_302 : i32 to index
          %swap3A_417 = arith.index_cast %scan3A_388 : i32 to index
          %swap3A_418 = arith.constant 64 : index
          %swap3A_419 = tpu.vector_load %arg9[%swap3A_416, %swap3A_417, %swap3A_418] {strides = array<i32>} : memref<7x64x128xf32, #tpu.memory_space<vmem>>, vector<16xf32>,
          tpu.vector_store %arg9[%swap3A_416, %swap3A_417, %swap3A_418], %gather3A_415 {strides = array<i32>} : memref<7x64x128xf32, #tpu.memory_space<vmem>>, vector<16xf32>,
          %gather3A_420 = tpu.memref_slice %arg7[%multiple_of3A_391] : memref<65536xf32, #tpu.memory_space<vmem>> -> memref<1024xf32, #tpu.memory_space<vmem>>
          %gather3A_421 = tpu.vector_load_idx %gather3A_420[%get3A_346] : memref<1024xf32, #tpu.memory_space<vmem>>[vector<16xi32>], vector<16xf32>,
          %swap3A_422 = arith.index_cast %select_n3A_302 : i32 to index
          %swap3A_423 = arith.index_cast %scan3A_388 : i32 to index
          %swap3A_424 = arith.constant 80 : index
          %swap3A_425 = tpu.vector_load %arg9[%swap3A_422, %swap3A_423, %swap3A_424] {strides = array<i32>} : memref<7x64x128xf32, #tpu.memory_space<vmem>>, vector<16xf32>,
          tpu.vector_store %arg9[%swap3A_422, %swap3A_423, %swap3A_424], %gather3A_421 {strides = array<i32>} : memref<7x64x128xf32, #tpu.memory_space<vmem>>, vector<16xf32>,
          %gather3A_426 = tpu.memref_slice %arg7[%multiple_of3A_391] : memref<65536xf32, #tpu.memory_space<vmem>> -> memref<1024xf32, #tpu.memory_space<vmem>>
          %gather3A_427 = tpu.vector_load_idx %gather3A_426[%get3A_353] : memref<1024xf32, #tpu.memory_space<vmem>>[vector<16xi32>], vector<16xf32>,
          %swap3A_428 = arith.index_cast %select_n3A_302 : i32 to index
          %swap3A_429 = arith.index_cast %scan3A_388 : i32 to index
          %swap3A_430 = arith.constant 96 : index
          %swap3A_431 = tpu.vector_load %arg9[%swap3A_428, %swap3A_429, %swap3A_430] {strides = array<i32>} : memref<7x64x128xf32, #tpu.memory_space<vmem>>, vector<16xf32>,
          tpu.vector_store %arg9[%swap3A_428, %swap3A_429, %swap3A_430], %gather3A_427 {strides = array<i32>} : memref<7x64x128xf32, #tpu.memory_space<vmem>>, vector<16xf32>,
          %gather3A_432 = tpu.memref_slice %arg7[%multiple_of3A_391] : memref<65536xf32, #tpu.memory_space<vmem>> -> memref<1024xf32, #tpu.memory_space<vmem>>
          %gather3A_433 = tpu.vector_load_idx %gather3A_432[%get3A_360] : memref<1024xf32, #tpu.memory_space<vmem>>[vector<16xi32>], vector<16xf32>,
          %swap3A_434 = arith.index_cast %select_n3A_302 : i32 to index
          %swap3A_435 = arith.index_cast %scan3A_388 : i32 to index
          %swap3A_436 = arith.constant 112 : index
          %swap3A_437 = tpu.vector_load %arg9[%swap3A_434, %swap3A_435, %swap3A_436] {strides = array<i32>} : memref<7x64x128xf32, #tpu.memory_space<vmem>>, vector<16xf32>,
          tpu.vector_store %arg9[%swap3A_434, %swap3A_435, %swap3A_436], %gather3A_433 {strides = array<i32>} : memref<7x64x128xf32, #tpu.memory_space<vmem>>, vector<16xf32>,
          %scan3A_438 = arith.constant 1 : i32
          %scan3A_439 = arith.addi %scan3A_388, %scan3A_438 : i32
          %mul3A_440 = arith.constant 1024 : i32
          %mul3A_441 = arith.muli %scan3A_439, %mul3A_440 : i32
          %multiple_of3A_442 = tpu.assume_multiple %mul3A_441, 1024 : i32
          %gather3A_443 = tpu.memref_slice %arg7[%multiple_of3A_442] : memref<65536xf32, #tpu.memory_space<vmem>> -> memref<1024xf32, #tpu.memory_space<vmem>>
          %gather3A_444 = tpu.vector_load_idx %gather3A_443[%get3A_311] : memref<1024xf32, #tpu.memory_space<vmem>>[vector<16xi32>], vector<16xf32>,
          %swap3A_445 = arith.index_cast %select_n3A_302 : i32 to index
          %swap3A_446 = arith.index_cast %scan3A_439 : i32 to index
          %swap3A_447 = arith.constant 0 : index
          %swap3A_448 = tpu.vector_load %arg9[%swap3A_445, %swap3A_446, %swap3A_447] {strides = array<i32>} : memref<7x64x128xf32, #tpu.memory_space<vmem>>, vector<16xf32>,
          tpu.vector_store %arg9[%swap3A_445, %swap3A_446, %swap3A_447], %gather3A_444 {strides = array<i32>} : memref<7x64x128xf32, #tpu.memory_space<vmem>>, vector<16xf32>,
          %gather3A_449 = tpu.memref_slice %arg7[%multiple_of3A_442] : memref<65536xf32, #tpu.memory_space<vmem>> -> memref<1024xf32, #tpu.memory_space<vmem>>
          %gather3A_450 = tpu.vector_load_idx %gather3A_449[%get3A_318] : memref<1024xf32, #tpu.memory_space<vmem>>[vector<16xi32>], vector<16xf32>,
          %swap3A_451 = arith.index_cast %select_n3A_302 : i32 to index
          %swap3A_452 = arith.index_cast %scan3A_439 : i32 to index
          %swap3A_453 = arith.constant 16 : index
          %swap3A_454 = tpu.vector_load %arg9[%swap3A_451, %swap3A_452, %swap3A_453] {strides = array<i32>} : memref<7x64x128xf32, #tpu.memory_space<vmem>>, vector<16xf32>,
          tpu.vector_store %arg9[%swap3A_451, %swap3A_452, %swap3A_453], %gather3A_450 {strides = array<i32>} : memref<7x64x128xf32, #tpu.memory_space<vmem>>, vector<16xf32>,
          %gather3A_455 = tpu.memref_slice %arg7[%multiple_of3A_442] : memref<65536xf32, #tpu.memory_space<vmem>> -> memref<1024xf32, #tpu.memory_space<vmem>>
          %gather3A_456 = tpu.vector_load_idx %gather3A_455[%get3A_325] : memref<1024xf32, #tpu.memory_space<vmem>>[vector<16xi32>], vector<16xf32>,
          %swap3A_457 = arith.index_cast %select_n3A_302 : i32 to index
          %swap3A_458 = arith.index_cast %scan3A_439 : i32 to index
          %swap3A_459 = arith.constant 32 : index
          %swap3A_460 = tpu.vector_load %arg9[%swap3A_457, %swap3A_458, %swap3A_459] {strides = array<i32>} : memref<7x64x128xf32, #tpu.memory_space<vmem>>, vector<16xf32>,
          tpu.vector_store %arg9[%swap3A_457, %swap3A_458, %swap3A_459], %gather3A_456 {strides = array<i32>} : memref<7x64x128xf32, #tpu.memory_space<vmem>>, vector<16xf32>,
          %gather3A_461 = tpu.memref_slice %arg7[%multiple_of3A_442] : memref<65536xf32, #tpu.memory_space<vmem>> -> memref<1024xf32, #tpu.memory_space<vmem>>
          %gather3A_462 = tpu.vector_load_idx %gather3A_461[%get3A_332] : memref<1024xf32, #tpu.memory_space<vmem>>[vector<16xi32>], vector<16xf32>,
          %swap3A_463 = arith.index_cast %select_n3A_302 : i32 to index
          %swap3A_464 = arith.index_cast %scan3A_439 : i32 to index
          %swap3A_465 = arith.constant 48 : index
          %swap3A_466 = tpu.vector_load %arg9[%swap3A_463, %swap3A_464, %swap3A_465] {strides = array<i32>} : memref<7x64x128xf32, #tpu.memory_space<vmem>>, vector<16xf32>,
          tpu.vector_store %arg9[%swap3A_463, %swap3A_464, %swap3A_465], %gather3A_462 {strides = array<i32>} : memref<7x64x128xf32, #tpu.memory_space<vmem>>, vector<16xf32>,
          %gather3A_467 = tpu.memref_slice %arg7[%multiple_of3A_442] : memref<65536xf32, #tpu.memory_space<vmem>> -> memref<1024xf32, #tpu.memory_space<vmem>>
          %gather3A_468 = tpu.vector_load_idx %gather3A_467[%get3A_339] : memref<1024xf32, #tpu.memory_space<vmem>>[vector<16xi32>], vector<16xf32>,
          %swap3A_469 = arith.index_cast %select_n3A_302 : i32 to index
          %swap3A_470 = arith.index_cast %scan3A_439 : i32 to index
          %swap3A_471 = arith.constant 64 : index
          %swap3A_472 = tpu.vector_load %arg9[%swap3A_469, %swap3A_470, %swap3A_471] {strides = array<i32>} : memref<7x64x128xf32, #tpu.memory_space<vmem>>, vector<16xf32>,
          tpu.vector_store %arg9[%swap3A_469, %swap3A_470, %swap3A_471], %gather3A_468 {strides = array<i32>} : memref<7x64x128xf32, #tpu.memory_space<vmem>>, vector<16xf32>,
          %gather3A_473 = tpu.memref_slice %arg7[%multiple_of3A_442] : memref<65536xf32, #tpu.memory_space<vmem>> -> memref<1024xf32, #tpu.memory_space<vmem>>
          %gather3A_474 = tpu.vector_load_idx %gather3A_473[%get3A_346] : memref<1024xf32, #tpu.memory_space<vmem>>[vector<16xi32>], vector<16xf32>,
          %swap3A_475 = arith.index_cast %select_n3A_302 : i32 to index
          %swap3A_476 = arith.index_cast %scan3A_439 : i32 to index
          %swap3A_477 = arith.constant 80 : index
          %swap3A_478 = tpu.vector_load %arg9[%swap3A_475, %swap3A_476, %swap3A_477] {strides = array<i32>} : memref<7x64x128xf32, #tpu.memory_space<vmem>>, vector<16xf32>,
          tpu.vector_store %arg9[%swap3A_475, %swap3A_476, %swap3A_477], %gather3A_474 {strides = array<i32>} : memref<7x64x128xf32, #tpu.memory_space<vmem>>, vector<16xf32>,
          %gather3A_479 = tpu.memref_slice %arg7[%multiple_of3A_442] : memref<65536xf32, #tpu.memory_space<vmem>> -> memref<1024xf32, #tpu.memory_space<vmem>>
          %gather3A_480 = tpu.vector_load_idx %gather3A_479[%get3A_353] : memref<1024xf32, #tpu.memory_space<vmem>>[vector<16xi32>], vector<16xf32>,
          %swap3A_481 = arith.index_cast %select_n3A_302 : i32 to index
          %swap3A_482 = arith.index_cast %scan3A_439 : i32 to index
          %swap3A_483 = arith.constant 96 : index
          %swap3A_484 = tpu.vector_load %arg9[%swap3A_481, %swap3A_482, %swap3A_483] {strides = array<i32>} : memref<7x64x128xf32, #tpu.memory_space<vmem>>, vector<16xf32>,
          tpu.vector_store %arg9[%swap3A_481, %swap3A_482, %swap3A_483], %gather3A_480 {strides = array<i32>} : memref<7x64x128xf32, #tpu.memory_space<vmem>>, vector<16xf32>,
          %gather3A_485 = tpu.memref_slice %arg7[%multiple_of3A_442] : memref<65536xf32, #tpu.memory_space<vmem>> -> memref<1024xf32, #tpu.memory_space<vmem>>
          %gather3A_486 = tpu.vector_load_idx %gather3A_485[%get3A_360] : memref<1024xf32, #tpu.memory_space<vmem>>[vector<16xi32>], vector<16xf32>,
          %swap3A_487 = arith.index_cast %select_n3A_302 : i32 to index
          %swap3A_488 = arith.index_cast %scan3A_439 : i32 to index
          %swap3A_489 = arith.constant 112 : index
          %swap3A_490 = tpu.vector_load %arg9[%swap3A_487, %swap3A_488, %swap3A_489] {strides = array<i32>} : memref<7x64x128xf32, #tpu.memory_space<vmem>>, vector<16xf32>,
          tpu.vector_store %arg9[%swap3A_487, %swap3A_488, %swap3A_489], %gather3A_486 {strides = array<i32>} : memref<7x64x128xf32, #tpu.memory_space<vmem>>, vector<16xf32>,
          %scan3A_491 = arith.constant 2 : i32
          %scan3A_492 = arith.addi %scan3A_388, %scan3A_491 : i32
          %mul3A_493 = arith.constant 1024 : i32
          %mul3A_494 = arith.muli %scan3A_492, %mul3A_493 : i32
          %multiple_of3A_495 = tpu.assume_multiple %mul3A_494, 1024 : i32
          %gather3A_496 = tpu.memref_slice %arg7[%multiple_of3A_495] : memref<65536xf32, #tpu.memory_space<vmem>> -> memref<1024xf32, #tpu.memory_space<vmem>>
          %gather3A_497 = tpu.vector_load_idx %gather3A_496[%get3A_311] : memref<1024xf32, #tpu.memory_space<vmem>>[vector<16xi32>], vector<16xf32>,
          %swap3A_498 = arith.index_cast %select_n3A_302 : i32 to index
          %swap3A_499 = arith.index_cast %scan3A_492 : i32 to index
          %swap3A_500 = arith.constant 0 : index
          %swap3A_501 = tpu.vector_load %arg9[%swap3A_498, %swap3A_499, %swap3A_500] {strides = array<i32>} : memref<7x64x128xf32, #tpu.memory_space<vmem>>, vector<16xf32>,
          tpu.vector_store %arg9[%swap3A_498, %swap3A_499, %swap3A_500], %gather3A_497 {strides = array<i32>} : memref<7x64x128xf32, #tpu.memory_space<vmem>>, vector<16xf32>,
          %gather3A_502 = tpu.memref_slice %arg7[%multiple_of3A_495] : memref<65536xf32, #tpu.memory_space<vmem>> -> memref<1024xf32, #tpu.memory_space<vmem>>
          %gather3A_503 = tpu.vector_load_idx %gather3A_502[%get3A_318] : memref<1024xf32, #tpu.memory_space<vmem>>[vector<16xi32>], vector<16xf32>,
          %swap3A_504 = arith.index_cast %select_n3A_302 : i32 to index
          %swap3A_505 = arith.index_cast %scan3A_492 : i32 to index
          %swap3A_506 = arith.constant 16 : index
          %swap3A_507 = tpu.vector_load %arg9[%swap3A_504, %swap3A_505, %swap3A_506] {strides = array<i32>} : memref<7x64x128xf32, #tpu.memory_space<vmem>>, vector<16xf32>,
          tpu.vector_store %arg9[%swap3A_504, %swap3A_505, %swap3A_506], %gather3A_503 {strides = array<i32>} : memref<7x64x128xf32, #tpu.memory_space<vmem>>, vector<16xf32>,
          %gather3A_508 = tpu.memref_slice %arg7[%multiple_of3A_495] : memref<65536xf32, #tpu.memory_space<vmem>> -> memref<1024xf32, #tpu.memory_space<vmem>>
          %gather3A_509 = tpu.vector_load_idx %gather3A_508[%get3A_325] : memref<1024xf32, #tpu.memory_space<vmem>>[vector<16xi32>], vector<16xf32>,
          %swap3A_510 = arith.index_cast %select_n3A_302 : i32 to index
          %swap3A_511 = arith.index_cast %scan3A_492 : i32 to index
          %swap3A_512 = arith.constant 32 : index
          %swap3A_513 = tpu.vector_load %arg9[%swap3A_510, %swap3A_511, %swap3A_512] {strides = array<i32>} : memref<7x64x128xf32, #tpu.memory_space<vmem>>, vector<16xf32>,
          tpu.vector_store %arg9[%swap3A_510, %swap3A_511, %swap3A_512], %gather3A_509 {strides = array<i32>} : memref<7x64x128xf32, #tpu.memory_space<vmem>>, vector<16xf32>,
          %gather3A_514 = tpu.memref_slice %arg7[%multiple_of3A_495] : memref<65536xf32, #tpu.memory_space<vmem>> -> memref<1024xf32, #tpu.memory_space<vmem>>
          %gather3A_515 = tpu.vector_load_idx %gather3A_514[%get3A_332] : memref<1024xf32, #tpu.memory_space<vmem>>[vector<16xi32>], vector<16xf32>,
          %swap3A_516 = arith.index_cast %select_n3A_302 : i32 to index
          %swap3A_517 = arith.index_cast %scan3A_492 : i32 to index
          %swap3A_518 = arith.constant 48 : index
          %swap3A_519 = tpu.vector_load %arg9[%swap3A_516, %swap3A_517, %swap3A_518] {strides = array<i32>} : memref<7x64x128xf32, #tpu.memory_space<vmem>>, vector<16xf32>,
          tpu.vector_store %arg9[%swap3A_516, %swap3A_517, %swap3A_518], %gather3A_515 {strides = array<i32>} : memref<7x64x128xf32, #tpu.memory_space<vmem>>, vector<16xf32>,
          %gather3A_520 = tpu.memref_slice %arg7[%multiple_of3A_495] : memref<65536xf32, #tpu.memory_space<vmem>> -> memref<1024xf32, #tpu.memory_space<vmem>>
          %gather3A_521 = tpu.vector_load_idx %gather3A_520[%get3A_339] : memref<1024xf32, #tpu.memory_space<vmem>>[vector<16xi32>], vector<16xf32>,
          %swap3A_522 = arith.index_cast %select_n3A_302 : i32 to index
          %swap3A_523 = arith.index_cast %scan3A_492 : i32 to index
          %swap3A_524 = arith.constant 64 : index
          %swap3A_525 = tpu.vector_load %arg9[%swap3A_522, %swap3A_523, %swap3A_524] {strides = array<i32>} : memref<7x64x128xf32, #tpu.memory_space<vmem>>, vector<16xf32>,
          tpu.vector_store %arg9[%swap3A_522, %swap3A_523, %swap3A_524], %gather3A_521 {strides = array<i32>} : memref<7x64x128xf32, #tpu.memory_space<vmem>>, vector<16xf32>,
          %gather3A_526 = tpu.memref_slice %arg7[%multiple_of3A_495] : memref<65536xf32, #tpu.memory_space<vmem>> -> memref<1024xf32, #tpu.memory_space<vmem>>
          %gather3A_527 = tpu.vector_load_idx %gather3A_526[%get3A_346] : memref<1024xf32, #tpu.memory_space<vmem>>[vector<16xi32>], vector<16xf32>,
          %swap3A_528 = arith.index_cast %select_n3A_302 : i32 to index
          %swap3A_529 = arith.index_cast %scan3A_492 : i32 to index
          %swap3A_530 = arith.constant 80 : index
          %swap3A_531 = tpu.vector_load %arg9[%swap3A_528, %swap3A_529, %swap3A_530] {strides = array<i32>} : memref<7x64x128xf32, #tpu.memory_space<vmem>>, vector<16xf32>,
          tpu.vector_store %arg9[%swap3A_528, %swap3A_529, %swap3A_530], %gather3A_527 {strides = array<i32>} : memref<7x64x128xf32, #tpu.memory_space<vmem>>, vector<16xf32>,
          %gather3A_532 = tpu.memref_slice %arg7[%multiple_of3A_495] : memref<65536xf32, #tpu.memory_space<vmem>> -> memref<1024xf32, #tpu.memory_space<vmem>>
          %gather3A_533 = tpu.vector_load_idx %gather3A_532[%get3A_353] : memref<1024xf32, #tpu.memory_space<vmem>>[vector<16xi32>], vector<16xf32>,
          %swap3A_534 = arith.index_cast %select_n3A_302 : i32 to index
          %swap3A_535 = arith.index_cast %scan3A_492 : i32 to index
          %swap3A_536 = arith.constant 96 : index
          %swap3A_537 = tpu.vector_load %arg9[%swap3A_534, %swap3A_535, %swap3A_536] {strides = array<i32>} : memref<7x64x128xf32, #tpu.memory_space<vmem>>, vector<16xf32>,
          tpu.vector_store %arg9[%swap3A_534, %swap3A_535, %swap3A_536], %gather3A_533 {strides = array<i32>} : memref<7x64x128xf32, #tpu.memory_space<vmem>>, vector<16xf32>,
          %gather3A_538 = tpu.memref_slice %arg7[%multiple_of3A_495] : memref<65536xf32, #tpu.memory_space<vmem>> -> memref<1024xf32, #tpu.memory_space<vmem>>
          %gather3A_539 = tpu.vector_load_idx %gather3A_538[%get3A_360] : memref<1024xf32, #tpu.memory_space<vmem>>[vector<16xi32>], vector<16xf32>,
          %swap3A_540 = arith.index_cast %select_n3A_302 : i32 to index
          %swap3A_541 = arith.index_cast %scan3A_492 : i32 to index
          %swap3A_542 = arith.constant 112 : index
          %swap3A_543 = tpu.vector_load %arg9[%swap3A_540, %swap3A_541, %swap3A_542] {strides = array<i32>} : memref<7x64x128xf32, #tpu.memory_space<vmem>>, vector<16xf32>,
          tpu.vector_store %arg9[%swap3A_540, %swap3A_541, %swap3A_542], %gather3A_539 {strides = array<i32>} : memref<7x64x128xf32, #tpu.memory_space<vmem>>, vector<16xf32>,
          %scan3A_544 = arith.constant 3 : i32
          %scan3A_545 = arith.addi %scan3A_388, %scan3A_544 : i32
          %mul3A_546 = arith.constant 1024 : i32
          %mul3A_547 = arith.muli %scan3A_545, %mul3A_546 : i32
          %multiple_of3A_548 = tpu.assume_multiple %mul3A_547, 1024 : i32
          %gather3A_549 = tpu.memref_slice %arg7[%multiple_of3A_548] : memref<65536xf32, #tpu.memory_space<vmem>> -> memref<1024xf32, #tpu.memory_space<vmem>>
          %gather3A_550 = tpu.vector_load_idx %gather3A_549[%get3A_311] : memref<1024xf32, #tpu.memory_space<vmem>>[vector<16xi32>], vector<16xf32>,
          %swap3A_551 = arith.index_cast %select_n3A_302 : i32 to index
          %swap3A_552 = arith.index_cast %scan3A_545 : i32 to index
          %swap3A_553 = arith.constant 0 : index
          %swap3A_554 = tpu.vector_load %arg9[%swap3A_551, %swap3A_552, %swap3A_553] {strides = array<i32>} : memref<7x64x128xf32, #tpu.memory_space<vmem>>, vector<16xf32>,
          tpu.vector_store %arg9[%swap3A_551, %swap3A_552, %swap3A_553], %gather3A_550 {strides = array<i32>} : memref<7x64x128xf32, #tpu.memory_space<vmem>>, vector<16xf32>,
          %gather3A_555 = tpu.memref_slice %arg7[%multiple_of3A_548] : memref<65536xf32, #tpu.memory_space<vmem>> -> memref<1024xf32, #tpu.memory_space<vmem>>
          %gather3A_556 = tpu.vector_load_idx %gather3A_555[%get3A_318] : memref<1024xf32, #tpu.memory_space<vmem>>[vector<16xi32>], vector<16xf32>,
          %swap3A_557 = arith.index_cast %select_n3A_302 : i32 to index
          %swap3A_558 = arith.index_cast %scan3A_545 : i32 to index
          %swap3A_559 = arith.constant 16 : index
          %swap3A_560 = tpu.vector_load %arg9[%swap3A_557, %swap3A_558, %swap3A_559] {strides = array<i32>} : memref<7x64x128xf32, #tpu.memory_space<vmem>>, vector<16xf32>,
          tpu.vector_store %arg9[%swap3A_557, %swap3A_558, %swap3A_559], %gather3A_556 {strides = array<i32>} : memref<7x64x128xf32, #tpu.memory_space<vmem>>, vector<16xf32>,
          %gather3A_561 = tpu.memref_slice %arg7[%multiple_of3A_548] : memref<65536xf32, #tpu.memory_space<vmem>> -> memref<1024xf32, #tpu.memory_space<vmem>>
          %gather3A_562 = tpu.vector_load_idx %gather3A_561[%get3A_325] : memref<1024xf32, #tpu.memory_space<vmem>>[vector<16xi32>], vector<16xf32>,
          %swap3A_563 = arith.index_cast %select_n3A_302 : i32 to index
          %swap3A_564 = arith.index_cast %scan3A_545 : i32 to index
          %swap3A_565 = arith.constant 32 : index
          %swap3A_566 = tpu.vector_load %arg9[%swap3A_563, %swap3A_564, %swap3A_565] {strides = array<i32>} : memref<7x64x128xf32, #tpu.memory_space<vmem>>, vector<16xf32>,
          tpu.vector_store %arg9[%swap3A_563, %swap3A_564, %swap3A_565], %gather3A_562 {strides = array<i32>} : memref<7x64x128xf32, #tpu.memory_space<vmem>>, vector<16xf32>,
          %gather3A_567 = tpu.memref_slice %arg7[%multiple_of3A_548] : memref<65536xf32, #tpu.memory_space<vmem>> -> memref<1024xf32, #tpu.memory_space<vmem>>
          %gather3A_568 = tpu.vector_load_idx %gather3A_567[%get3A_332] : memref<1024xf32, #tpu.memory_space<vmem>>[vector<16xi32>], vector<16xf32>,
          %swap3A_569 = arith.index_cast %select_n3A_302 : i32 to index
          %swap3A_570 = arith.index_cast %scan3A_545 : i32 to index
          %swap3A_571 = arith.constant 48 : index
          %swap3A_572 = tpu.vector_load %arg9[%swap3A_569, %swap3A_570, %swap3A_571] {strides = array<i32>} : memref<7x64x128xf32, #tpu.memory_space<vmem>>, vector<16xf32>,
          tpu.vector_store %arg9[%swap3A_569, %swap3A_570, %swap3A_571], %gather3A_568 {strides = array<i32>} : memref<7x64x128xf32, #tpu.memory_space<vmem>>, vector<16xf32>,
          %gather3A_573 = tpu.memref_slice %arg7[%multiple_of3A_548] : memref<65536xf32, #tpu.memory_space<vmem>> -> memref<1024xf32, #tpu.memory_space<vmem>>
          %gather3A_574 = tpu.vector_load_idx %gather3A_573[%get3A_339] : memref<1024xf32, #tpu.memory_space<vmem>>[vector<16xi32>], vector<16xf32>,
          %swap3A_575 = arith.index_cast %select_n3A_302 : i32 to index
          %swap3A_576 = arith.index_cast %scan3A_545 : i32 to index
          %swap3A_577 = arith.constant 64 : index
          %swap3A_578 = tpu.vector_load %arg9[%swap3A_575, %swap3A_576, %swap3A_577] {strides = array<i32>} : memref<7x64x128xf32, #tpu.memory_space<vmem>>, vector<16xf32>,
          tpu.vector_store %arg9[%swap3A_575, %swap3A_576, %swap3A_577], %gather3A_574 {strides = array<i32>} : memref<7x64x128xf32, #tpu.memory_space<vmem>>, vector<16xf32>,
          %gather3A_579 = tpu.memref_slice %arg7[%multiple_of3A_548] : memref<65536xf32, #tpu.memory_space<vmem>> -> memref<1024xf32, #tpu.memory_space<vmem>>
          %gather3A_580 = tpu.vector_load_idx %gather3A_579[%get3A_346] : memref<1024xf32, #tpu.memory_space<vmem>>[vector<16xi32>], vector<16xf32>,
          %swap3A_581 = arith.index_cast %select_n3A_302 : i32 to index
          %swap3A_582 = arith.index_cast %scan3A_545 : i32 to index
          %swap3A_583 = arith.constant 80 : index
          %swap3A_584 = tpu.vector_load %arg9[%swap3A_581, %swap3A_582, %swap3A_583] {strides = array<i32>} : memref<7x64x128xf32, #tpu.memory_space<vmem>>, vector<16xf32>,
          tpu.vector_store %arg9[%swap3A_581, %swap3A_582, %swap3A_583], %gather3A_580 {strides = array<i32>} : memref<7x64x128xf32, #tpu.memory_space<vmem>>, vector<16xf32>,
          %gather3A_585 = tpu.memref_slice %arg7[%multiple_of3A_548] : memref<65536xf32, #tpu.memory_space<vmem>> -> memref<1024xf32, #tpu.memory_space<vmem>>
          %gather3A_586 = tpu.vector_load_idx %gather3A_585[%get3A_353] : memref<1024xf32, #tpu.memory_space<vmem>>[vector<16xi32>], vector<16xf32>,
          %swap3A_587 = arith.index_cast %select_n3A_302 : i32 to index
          %swap3A_588 = arith.index_cast %scan3A_545 : i32 to index
          %swap3A_589 = arith.constant 96 : index
          %swap3A_590 = tpu.vector_load %arg9[%swap3A_587, %swap3A_588, %swap3A_589] {strides = array<i32>} : memref<7x64x128xf32, #tpu.memory_space<vmem>>, vector<16xf32>,
          tpu.vector_store %arg9[%swap3A_587, %swap3A_588, %swap3A_589], %gather3A_586 {strides = array<i32>} : memref<7x64x128xf32, #tpu.memory_space<vmem>>, vector<16xf32>,
          %gather3A_591 = tpu.memref_slice %arg7[%multiple_of3A_548] : memref<65536xf32, #tpu.memory_space<vmem>> -> memref<1024xf32, #tpu.memory_space<vmem>>
          %gather3A_592 = tpu.vector_load_idx %gather3A_591[%get3A_360] : memref<1024xf32, #tpu.memory_space<vmem>>[vector<16xi32>], vector<16xf32>,
          %swap3A_593 = arith.index_cast %select_n3A_302 : i32 to index
          %swap3A_594 = arith.index_cast %scan3A_545 : i32 to index
          %swap3A_595 = arith.constant 112 : index
          %swap3A_596 = tpu.vector_load %arg9[%swap3A_593, %swap3A_594, %swap3A_595] {strides = array<i32>} : memref<7x64x128xf32, #tpu.memory_space<vmem>>, vector<16xf32>,
          tpu.vector_store %arg9[%swap3A_593, %swap3A_594, %swap3A_595], %gather3A_592 {strides = array<i32>} : memref<7x64x128xf32, #tpu.memory_space<vmem>>, vector<16xf32>,
          %scan3A_597 = arith.constant 4 : i32
          %scan3A_598 = arith.addi %scan3A_388, %scan3A_597 : i32
          %mul3A_599 = arith.constant 1024 : i32
          %mul3A_600 = arith.muli %scan3A_598, %mul3A_599 : i32
          %multiple_of3A_601 = tpu.assume_multiple %mul3A_600, 1024 : i32
          %gather3A_602 = tpu.memref_slice %arg7[%multiple_of3A_601] : memref<65536xf32, #tpu.memory_space<vmem>> -> memref<1024xf32, #tpu.memory_space<vmem>>
          %gather3A_603 = tpu.vector_load_idx %gather3A_602[%get3A_311] : memref<1024xf32, #tpu.memory_space<vmem>>[vector<16xi32>], vector<16xf32>,
          %swap3A_604 = arith.index_cast %select_n3A_302 : i32 to index
          %swap3A_605 = arith.index_cast %scan3A_598 : i32 to index
          %swap3A_606 = arith.constant 0 : index
          %swap3A_607 = tpu.vector_load %arg9[%swap3A_604, %swap3A_605, %swap3A_606] {strides = array<i32>} : memref<7x64x128xf32, #tpu.memory_space<vmem>>, vector<16xf32>,
          tpu.vector_store %arg9[%swap3A_604, %swap3A_605, %swap3A_606], %gather3A_603 {strides = array<i32>} : memref<7x64x128xf32, #tpu.memory_space<vmem>>, vector<16xf32>,
          %gather3A_608 = tpu.memref_slice %arg7[%multiple_of3A_601] : memref<65536xf32, #tpu.memory_space<vmem>> -> memref<1024xf32, #tpu.memory_space<vmem>>
          %gather3A_609 = tpu.vector_load_idx %gather3A_608[%get3A_318] : memref<1024xf32, #tpu.memory_space<vmem>>[vector<16xi32>], vector<16xf32>,
          %swap3A_610 = arith.index_cast %select_n3A_302 : i32 to index
          %swap3A_611 = arith.index_cast %scan3A_598 : i32 to index
          %swap3A_612 = arith.constant 16 : index
          %swap3A_613 = tpu.vector_load %arg9[%swap3A_610, %swap3A_611, %swap3A_612] {strides = array<i32>} : memref<7x64x128xf32, #tpu.memory_space<vmem>>, vector<16xf32>,
          tpu.vector_store %arg9[%swap3A_610, %swap3A_611, %swap3A_612], %gather3A_609 {strides = array<i32>} : memref<7x64x128xf32, #tpu.memory_space<vmem>>, vector<16xf32>,
          %gather3A_614 = tpu.memref_slice %arg7[%multiple_of3A_601] : memref<65536xf32, #tpu.memory_space<vmem>> -> memref<1024xf32, #tpu.memory_space<vmem>>
          %gather3A_615 = tpu.vector_load_idx %gather3A_614[%get3A_325] : memref<1024xf32, #tpu.memory_space<vmem>>[vector<16xi32>], vector<16xf32>,
          %swap3A_616 = arith.index_cast %select_n3A_302 : i32 to index
          %swap3A_617 = arith.index_cast %scan3A_598 : i32 to index
          %swap3A_618 = arith.constant 32 : index
          %swap3A_619 = tpu.vector_load %arg9[%swap3A_616, %swap3A_617, %swap3A_618] {strides = array<i32>} : memref<7x64x128xf32, #tpu.memory_space<vmem>>, vector<16xf32>,
          tpu.vector_store %arg9[%swap3A_616, %swap3A_617, %swap3A_618], %gather3A_615 {strides = array<i32>} : memref<7x64x128xf32, #tpu.memory_space<vmem>>, vector<16xf32>,
          %gather3A_620 = tpu.memref_slice %arg7[%multiple_of3A_601] : memref<65536xf32, #tpu.memory_space<vmem>> -> memref<1024xf32, #tpu.memory_space<vmem>>
          %gather3A_621 = tpu.vector_load_idx %gather3A_620[%get3A_332] : memref<1024xf32, #tpu.memory_space<vmem>>[vector<16xi32>], vector<16xf32>,
          %swap3A_622 = arith.index_cast %select_n3A_302 : i32 to index
          %swap3A_623 = arith.index_cast %scan3A_598 : i32 to index
          %swap3A_624 = arith.constant 48 : index
          %swap3A_625 = tpu.vector_load %arg9[%swap3A_622, %swap3A_623, %swap3A_624] {strides = array<i32>} : memref<7x64x128xf32, #tpu.memory_space<vmem>>, vector<16xf32>,
          tpu.vector_store %arg9[%swap3A_622, %swap3A_623, %swap3A_624], %gather3A_621 {strides = array<i32>} : memref<7x64x128xf32, #tpu.memory_space<vmem>>, vector<16xf32>,
          %gather3A_626 = tpu.memref_slice %arg7[%multiple_of3A_601] : memref<65536xf32, #tpu.memory_space<vmem>> -> memref<1024xf32, #tpu.memory_space<vmem>>
          %gather3A_627 = tpu.vector_load_idx %gather3A_626[%get3A_339] : memref<1024xf32, #tpu.memory_space<vmem>>[vector<16xi32>], vector<16xf32>,
          %swap3A_628 = arith.index_cast %select_n3A_302 : i32 to index
          %swap3A_629 = arith.index_cast %scan3A_598 : i32 to index
          %swap3A_630 = arith.constant 64 : index
          %swap3A_631 = tpu.vector_load %arg9[%swap3A_628, %swap3A_629, %swap3A_630] {strides = array<i32>} : memref<7x64x128xf32, #tpu.memory_space<vmem>>, vector<16xf32>,
          tpu.vector_store %arg9[%swap3A_628, %swap3A_629, %swap3A_630], %gather3A_627 {strides = array<i32>} : memref<7x64x128xf32, #tpu.memory_space<vmem>>, vector<16xf32>,
          %gather3A_632 = tpu.memref_slice %arg7[%multiple_of3A_601] : memref<65536xf32, #tpu.memory_space<vmem>> -> memref<1024xf32, #tpu.memory_space<vmem>>
          %gather3A_633 = tpu.vector_load_idx %gather3A_632[%get3A_346] : memref<1024xf32, #tpu.memory_space<vmem>>[vector<16xi32>], vector<16xf32>,
          %swap3A_634 = arith.index_cast %select_n3A_302 : i32 to index
          %swap3A_635 = arith.index_cast %scan3A_598 : i32 to index
          %swap3A_636 = arith.constant 80 : index
          %swap3A_637 = tpu.vector_load %arg9[%swap3A_634, %swap3A_635, %swap3A_636] {strides = array<i32>} : memref<7x64x128xf32, #tpu.memory_space<vmem>>, vector<16xf32>,
          tpu.vector_store %arg9[%swap3A_634, %swap3A_635, %swap3A_636], %gather3A_633 {strides = array<i32>} : memref<7x64x128xf32, #tpu.memory_space<vmem>>, vector<16xf32>,
          %gather3A_638 = tpu.memref_slice %arg7[%multiple_of3A_601] : memref<65536xf32, #tpu.memory_space<vmem>> -> memref<1024xf32, #tpu.memory_space<vmem>>
          %gather3A_639 = tpu.vector_load_idx %gather3A_638[%get3A_353] : memref<1024xf32, #tpu.memory_space<vmem>>[vector<16xi32>], vector<16xf32>,
          %swap3A_640 = arith.index_cast %select_n3A_302 : i32 to index
          %swap3A_641 = arith.index_cast %scan3A_598 : i32 to index
          %swap3A_642 = arith.constant 96 : index
          %swap3A_643 = tpu.vector_load %arg9[%swap3A_640, %swap3A_641, %swap3A_642] {strides = array<i32>} : memref<7x64x128xf32, #tpu.memory_space<vmem>>, vector<16xf32>,
          tpu.vector_store %arg9[%swap3A_640, %swap3A_641, %swap3A_642], %gather3A_639 {strides = array<i32>} : memref<7x64x128xf32, #tpu.memory_space<vmem>>, vector<16xf32>,
          %gather3A_644 = tpu.memref_slice %arg7[%multiple_of3A_601] : memref<65536xf32, #tpu.memory_space<vmem>> -> memref<1024xf32, #tpu.memory_space<vmem>>
          %gather3A_645 = tpu.vector_load_idx %gather3A_644[%get3A_360] : memref<1024xf32, #tpu.memory_space<vmem>>[vector<16xi32>], vector<16xf32>,
          %swap3A_646 = arith.index_cast %select_n3A_302 : i32 to index
          %swap3A_647 = arith.index_cast %scan3A_598 : i32 to index
          %swap3A_648 = arith.constant 112 : index
          %swap3A_649 = tpu.vector_load %arg9[%swap3A_646, %swap3A_647, %swap3A_648] {strides = array<i32>} : memref<7x64x128xf32, #tpu.memory_space<vmem>>, vector<16xf32>,
          tpu.vector_store %arg9[%swap3A_646, %swap3A_647, %swap3A_648], %gather3A_645 {strides = array<i32>} : memref<7x64x128xf32, #tpu.memory_space<vmem>>, vector<16xf32>,
          %scan3A_650 = arith.constant 5 : i32
          %scan3A_651 = arith.addi %scan3A_388, %scan3A_650 : i32
          %mul3A_652 = arith.constant 1024 : i32
          %mul3A_653 = arith.muli %scan3A_651, %mul3A_652 : i32
          %multiple_of3A_654 = tpu.assume_multiple %mul3A_653, 1024 : i32
          %gather3A_655 = tpu.memref_slice %arg7[%multiple_of3A_654] : memref<65536xf32, #tpu.memory_space<vmem>> -> memref<1024xf32, #tpu.memory_space<vmem>>
          %gather3A_656 = tpu.vector_load_idx %gather3A_655[%get3A_311] : memref<1024xf32, #tpu.memory_space<vmem>>[vector<16xi32>], vector<16xf32>,
          %swap3A_657 = arith.index_cast %select_n3A_302 : i32 to index
          %swap3A_658 = arith.index_cast %scan3A_651 : i32 to index
          %swap3A_659 = arith.constant 0 : index
          %swap3A_660 = tpu.vector_load %arg9[%swap3A_657, %swap3A_658, %swap3A_659] {strides = array<i32>} : memref<7x64x128xf32, #tpu.memory_space<vmem>>, vector<16xf32>,
          tpu.vector_store %arg9[%swap3A_657, %swap3A_658, %swap3A_659], %gather3A_656 {strides = array<i32>} : memref<7x64x128xf32, #tpu.memory_space<vmem>>, vector<16xf32>,
          %gather3A_661 = tpu.memref_slice %arg7[%multiple_of3A_654] : memref<65536xf32, #tpu.memory_space<vmem>> -> memref<1024xf32, #tpu.memory_space<vmem>>
          %gather3A_662 = tpu.vector_load_idx %gather3A_661[%get3A_318] : memref<1024xf32, #tpu.memory_space<vmem>>[vector<16xi32>], vector<16xf32>,
          %swap3A_663 = arith.index_cast %select_n3A_302 : i32 to index
          %swap3A_664 = arith.index_cast %scan3A_651 : i32 to index
          %swap3A_665 = arith.constant 16 : index
          %swap3A_666 = tpu.vector_load %arg9[%swap3A_663, %swap3A_664, %swap3A_665] {strides = array<i32>} : memref<7x64x128xf32, #tpu.memory_space<vmem>>, vector<16xf32>,
          tpu.vector_store %arg9[%swap3A_663, %swap3A_664, %swap3A_665], %gather3A_662 {strides = array<i32>} : memref<7x64x128xf32, #tpu.memory_space<vmem>>, vector<16xf32>,
          %gather3A_667 = tpu.memref_slice %arg7[%multiple_of3A_654] : memref<65536xf32, #tpu.memory_space<vmem>> -> memref<1024xf32, #tpu.memory_space<vmem>>
          %gather3A_668 = tpu.vector_load_idx %gather3A_667[%get3A_325] : memref<1024xf32, #tpu.memory_space<vmem>>[vector<16xi32>], vector<16xf32>,
          %swap3A_669 = arith.index_cast %select_n3A_302 : i32 to index
          %swap3A_670 = arith.index_cast %scan3A_651 : i32 to index
          %swap3A_671 = arith.constant 32 : index
          %swap3A_672 = tpu.vector_load %arg9[%swap3A_669, %swap3A_670, %swap3A_671] {strides = array<i32>} : memref<7x64x128xf32, #tpu.memory_space<vmem>>, vector<16xf32>,
          tpu.vector_store %arg9[%swap3A_669, %swap3A_670, %swap3A_671], %gather3A_668 {strides = array<i32>} : memref<7x64x128xf32, #tpu.memory_space<vmem>>, vector<16xf32>,
          %gather3A_673 = tpu.memref_slice %arg7[%multiple_of3A_654] : memref<65536xf32, #tpu.memory_space<vmem>> -> memref<1024xf32, #tpu.memory_space<vmem>>
          %gather3A_674 = tpu.vector_load_idx %gather3A_673[%get3A_332] : memref<1024xf32, #tpu.memory_space<vmem>>[vector<16xi32>], vector<16xf32>,
          %swap3A_675 = arith.index_cast %select_n3A_302 : i32 to index
          %swap3A_676 = arith.index_cast %scan3A_651 : i32 to index
          %swap3A_677 = arith.constant 48 : index
          %swap3A_678 = tpu.vector_load %arg9[%swap3A_675, %swap3A_676, %swap3A_677] {strides = array<i32>} : memref<7x64x128xf32, #tpu.memory_space<vmem>>, vector<16xf32>,
          tpu.vector_store %arg9[%swap3A_675, %swap3A_676, %swap3A_677], %gather3A_674 {strides = array<i32>} : memref<7x64x128xf32, #tpu.memory_space<vmem>>, vector<16xf32>,
          %gather3A_679 = tpu.memref_slice %arg7[%multiple_of3A_654] : memref<65536xf32, #tpu.memory_space<vmem>> -> memref<1024xf32, #tpu.memory_space<vmem>>
          %gather3A_680 = tpu.vector_load_idx %gather3A_679[%get3A_339] : memref<1024xf32, #tpu.memory_space<vmem>>[vector<16xi32>], vector<16xf32>,
          %swap3A_681 = arith.index_cast %select_n3A_302 : i32 to index
          %swap3A_682 = arith.index_cast %scan3A_651 : i32 to index
          %swap3A_683 = arith.constant 64 : index
          %swap3A_684 = tpu.vector_load %arg9[%swap3A_681, %swap3A_682, %swap3A_683] {strides = array<i32>} : memref<7x64x128xf32, #tpu.memory_space<vmem>>, vector<16xf32>,
          tpu.vector_store %arg9[%swap3A_681, %swap3A_682, %swap3A_683], %gather3A_680 {strides = array<i32>} : memref<7x64x128xf32, #tpu.memory_space<vmem>>, vector<16xf32>,
          %gather3A_685 = tpu.memref_slice %arg7[%multiple_of3A_654] : memref<65536xf32, #tpu.memory_space<vmem>> -> memref<1024xf32, #tpu.memory_space<vmem>>
          %gather3A_686 = tpu.vector_load_idx %gather3A_685[%get3A_346] : memref<1024xf32, #tpu.memory_space<vmem>>[vector<16xi32>], vector<16xf32>,
          %swap3A_687 = arith.index_cast %select_n3A_302 : i32 to index
          %swap3A_688 = arith.index_cast %scan3A_651 : i32 to index
          %swap3A_689 = arith.constant 80 : index
          %swap3A_690 = tpu.vector_load %arg9[%swap3A_687, %swap3A_688, %swap3A_689] {strides = array<i32>} : memref<7x64x128xf32, #tpu.memory_space<vmem>>, vector<16xf32>,
          tpu.vector_store %arg9[%swap3A_687, %swap3A_688, %swap3A_689], %gather3A_686 {strides = array<i32>} : memref<7x64x128xf32, #tpu.memory_space<vmem>>, vector<16xf32>,
          %gather3A_691 = tpu.memref_slice %arg7[%multiple_of3A_654] : memref<65536xf32, #tpu.memory_space<vmem>> -> memref<1024xf32, #tpu.memory_space<vmem>>
          %gather3A_692 = tpu.vector_load_idx %gather3A_691[%get3A_353] : memref<1024xf32, #tpu.memory_space<vmem>>[vector<16xi32>], vector<16xf32>,
          %swap3A_693 = arith.index_cast %select_n3A_302 : i32 to index
          %swap3A_694 = arith.index_cast %scan3A_651 : i32 to index
          %swap3A_695 = arith.constant 96 : index
          %swap3A_696 = tpu.vector_load %arg9[%swap3A_693, %swap3A_694, %swap3A_695] {strides = array<i32>} : memref<7x64x128xf32, #tpu.memory_space<vmem>>, vector<16xf32>,
          tpu.vector_store %arg9[%swap3A_693, %swap3A_694, %swap3A_695], %gather3A_692 {strides = array<i32>} : memref<7x64x128xf32, #tpu.memory_space<vmem>>, vector<16xf32>,
          %gather3A_697 = tpu.memref_slice %arg7[%multiple_of3A_654] : memref<65536xf32, #tpu.memory_space<vmem>> -> memref<1024xf32, #tpu.memory_space<vmem>>
          %gather3A_698 = tpu.vector_load_idx %gather3A_697[%get3A_360] : memref<1024xf32, #tpu.memory_space<vmem>>[vector<16xi32>], vector<16xf32>,
          %swap3A_699 = arith.index_cast %select_n3A_302 : i32 to index
          %swap3A_700 = arith.index_cast %scan3A_651 : i32 to index
          %swap3A_701 = arith.constant 112 : index
          %swap3A_702 = tpu.vector_load %arg9[%swap3A_699, %swap3A_700, %swap3A_701] {strides = array<i32>} : memref<7x64x128xf32, #tpu.memory_space<vmem>>, vector<16xf32>,
          tpu.vector_store %arg9[%swap3A_699, %swap3A_700, %swap3A_701], %gather3A_698 {strides = array<i32>} : memref<7x64x128xf32, #tpu.memory_space<vmem>>, vector<16xf32>,
          %scan3A_703 = arith.constant 6 : i32
          %scan3A_704 = arith.addi %scan3A_388, %scan3A_703 : i32
          %mul3A_705 = arith.constant 1024 : i32
          %mul3A_706 = arith.muli %scan3A_704, %mul3A_705 : i32
          %multiple_of3A_707 = tpu.assume_multiple %mul3A_706, 1024 : i32
          %gather3A_708 = tpu.memref_slice %arg7[%multiple_of3A_707] : memref<65536xf32, #tpu.memory_space<vmem>> -> memref<1024xf32, #tpu.memory_space<vmem>>
          %gather3A_709 = tpu.vector_load_idx %gather3A_708[%get3A_311] : memref<1024xf32, #tpu.memory_space<vmem>>[vector<16xi32>], vector<16xf32>,
          %swap3A_710 = arith.index_cast %select_n3A_302 : i32 to index
          %swap3A_711 = arith.index_cast %scan3A_704 : i32 to index
          %swap3A_712 = arith.constant 0 : index
          %swap3A_713 = tpu.vector_load %arg9[%swap3A_710, %swap3A_711, %swap3A_712] {strides = array<i32>} : memref<7x64x128xf32, #tpu.memory_space<vmem>>, vector<16xf32>,
          tpu.vector_store %arg9[%swap3A_710, %swap3A_711, %swap3A_712], %gather3A_709 {strides = array<i32>} : memref<7x64x128xf32, #tpu.memory_space<vmem>>, vector<16xf32>,
          %gather3A_714 = tpu.memref_slice %arg7[%multiple_of3A_707] : memref<65536xf32, #tpu.memory_space<vmem>> -> memref<1024xf32, #tpu.memory_space<vmem>>
          %gather3A_715 = tpu.vector_load_idx %gather3A_714[%get3A_318] : memref<1024xf32, #tpu.memory_space<vmem>>[vector<16xi32>], vector<16xf32>,
          %swap3A_716 = arith.index_cast %select_n3A_302 : i32 to index
          %swap3A_717 = arith.index_cast %scan3A_704 : i32 to index
          %swap3A_718 = arith.constant 16 : index
          %swap3A_719 = tpu.vector_load %arg9[%swap3A_716, %swap3A_717, %swap3A_718] {strides = array<i32>} : memref<7x64x128xf32, #tpu.memory_space<vmem>>, vector<16xf32>,
          tpu.vector_store %arg9[%swap3A_716, %swap3A_717, %swap3A_718], %gather3A_715 {strides = array<i32>} : memref<7x64x128xf32, #tpu.memory_space<vmem>>, vector<16xf32>,
          %gather3A_720 = tpu.memref_slice %arg7[%multiple_of3A_707] : memref<65536xf32, #tpu.memory_space<vmem>> -> memref<1024xf32, #tpu.memory_space<vmem>>
          %gather3A_721 = tpu.vector_load_idx %gather3A_720[%get3A_325] : memref<1024xf32, #tpu.memory_space<vmem>>[vector<16xi32>], vector<16xf32>,
          %swap3A_722 = arith.index_cast %select_n3A_302 : i32 to index
          %swap3A_723 = arith.index_cast %scan3A_704 : i32 to index
          %swap3A_724 = arith.constant 32 : index
          %swap3A_725 = tpu.vector_load %arg9[%swap3A_722, %swap3A_723, %swap3A_724] {strides = array<i32>} : memref<7x64x128xf32, #tpu.memory_space<vmem>>, vector<16xf32>,
          tpu.vector_store %arg9[%swap3A_722, %swap3A_723, %swap3A_724], %gather3A_721 {strides = array<i32>} : memref<7x64x128xf32, #tpu.memory_space<vmem>>, vector<16xf32>,
          %gather3A_726 = tpu.memref_slice %arg7[%multiple_of3A_707] : memref<65536xf32, #tpu.memory_space<vmem>> -> memref<1024xf32, #tpu.memory_space<vmem>>
          %gather3A_727 = tpu.vector_load_idx %gather3A_726[%get3A_332] : memref<1024xf32, #tpu.memory_space<vmem>>[vector<16xi32>], vector<16xf32>,
          %swap3A_728 = arith.index_cast %select_n3A_302 : i32 to index
          %swap3A_729 = arith.index_cast %scan3A_704 : i32 to index
          %swap3A_730 = arith.constant 48 : index
          %swap3A_731 = tpu.vector_load %arg9[%swap3A_728, %swap3A_729, %swap3A_730] {strides = array<i32>} : memref<7x64x128xf32, #tpu.memory_space<vmem>>, vector<16xf32>,
          tpu.vector_store %arg9[%swap3A_728, %swap3A_729, %swap3A_730], %gather3A_727 {strides = array<i32>} : memref<7x64x128xf32, #tpu.memory_space<vmem>>, vector<16xf32>,
          %gather3A_732 = tpu.memref_slice %arg7[%multiple_of3A_707] : memref<65536xf32, #tpu.memory_space<vmem>> -> memref<1024xf32, #tpu.memory_space<vmem>>
          %gather3A_733 = tpu.vector_load_idx %gather3A_732[%get3A_339] : memref<1024xf32, #tpu.memory_space<vmem>>[vector<16xi32>], vector<16xf32>,
          %swap3A_734 = arith.index_cast %select_n3A_302 : i32 to index
          %swap3A_735 = arith.index_cast %scan3A_704 : i32 to index
          %swap3A_736 = arith.constant 64 : index
          %swap3A_737 = tpu.vector_load %arg9[%swap3A_734, %swap3A_735, %swap3A_736] {strides = array<i32>} : memref<7x64x128xf32, #tpu.memory_space<vmem>>, vector<16xf32>,
          tpu.vector_store %arg9[%swap3A_734, %swap3A_735, %swap3A_736], %gather3A_733 {strides = array<i32>} : memref<7x64x128xf32, #tpu.memory_space<vmem>>, vector<16xf32>,
          %gather3A_738 = tpu.memref_slice %arg7[%multiple_of3A_707] : memref<65536xf32, #tpu.memory_space<vmem>> -> memref<1024xf32, #tpu.memory_space<vmem>>
          %gather3A_739 = tpu.vector_load_idx %gather3A_738[%get3A_346] : memref<1024xf32, #tpu.memory_space<vmem>>[vector<16xi32>], vector<16xf32>,
          %swap3A_740 = arith.index_cast %select_n3A_302 : i32 to index
          %swap3A_741 = arith.index_cast %scan3A_704 : i32 to index
          %swap3A_742 = arith.constant 80 : index
          %swap3A_743 = tpu.vector_load %arg9[%swap3A_740, %swap3A_741, %swap3A_742] {strides = array<i32>} : memref<7x64x128xf32, #tpu.memory_space<vmem>>, vector<16xf32>,
          tpu.vector_store %arg9[%swap3A_740, %swap3A_741, %swap3A_742], %gather3A_739 {strides = array<i32>} : memref<7x64x128xf32, #tpu.memory_space<vmem>>, vector<16xf32>,
          %gather3A_744 = tpu.memref_slice %arg7[%multiple_of3A_707] : memref<65536xf32, #tpu.memory_space<vmem>> -> memref<1024xf32, #tpu.memory_space<vmem>>
          %gather3A_745 = tpu.vector_load_idx %gather3A_744[%get3A_353] : memref<1024xf32, #tpu.memory_space<vmem>>[vector<16xi32>], vector<16xf32>,
          %swap3A_746 = arith.index_cast %select_n3A_302 : i32 to index
          %swap3A_747 = arith.index_cast %scan3A_704 : i32 to index
          %swap3A_748 = arith.constant 96 : index
          %swap3A_749 = tpu.vector_load %arg9[%swap3A_746, %swap3A_747, %swap3A_748] {strides = array<i32>} : memref<7x64x128xf32, #tpu.memory_space<vmem>>, vector<16xf32>,
          tpu.vector_store %arg9[%swap3A_746, %swap3A_747, %swap3A_748], %gather3A_745 {strides = array<i32>} : memref<7x64x128xf32, #tpu.memory_space<vmem>>, vector<16xf32>,
          %gather3A_750 = tpu.memref_slice %arg7[%multiple_of3A_707] : memref<65536xf32, #tpu.memory_space<vmem>> -> memref<1024xf32, #tpu.memory_space<vmem>>
          %gather3A_751 = tpu.vector_load_idx %gather3A_750[%get3A_360] : memref<1024xf32, #tpu.memory_space<vmem>>[vector<16xi32>], vector<16xf32>,
          %swap3A_752 = arith.index_cast %select_n3A_302 : i32 to index
          %swap3A_753 = arith.index_cast %scan3A_704 : i32 to index
          %swap3A_754 = arith.constant 112 : index
          %swap3A_755 = tpu.vector_load %arg9[%swap3A_752, %swap3A_753, %swap3A_754] {strides = array<i32>} : memref<7x64x128xf32, #tpu.memory_space<vmem>>, vector<16xf32>,
          tpu.vector_store %arg9[%swap3A_752, %swap3A_753, %swap3A_754], %gather3A_751 {strides = array<i32>} : memref<7x64x128xf32, #tpu.memory_space<vmem>>, vector<16xf32>,
          %scan3A_756 = arith.constant 7 : i32
          %scan3A_757 = arith.addi %scan3A_388, %scan3A_756 : i32
          %mul3A_758 = arith.constant 1024 : i32
          %mul3A_759 = arith.muli %scan3A_757, %mul3A_758 : i32
          %multiple_of3A_760 = tpu.assume_multiple %mul3A_759, 1024 : i32
          %gather3A_761 = tpu.memref_slice %arg7[%multiple_of3A_760] : memref<65536xf32, #tpu.memory_space<vmem>> -> memref<1024xf32, #tpu.memory_space<vmem>>
          %gather3A_762 = tpu.vector_load_idx %gather3A_761[%get3A_311] : memref<1024xf32, #tpu.memory_space<vmem>>[vector<16xi32>], vector<16xf32>,
          %swap3A_763 = arith.index_cast %select_n3A_302 : i32 to index
          %swap3A_764 = arith.index_cast %scan3A_757 : i32 to index
          %swap3A_765 = arith.constant 0 : index
          %swap3A_766 = tpu.vector_load %arg9[%swap3A_763, %swap3A_764, %swap3A_765] {strides = array<i32>} : memref<7x64x128xf32, #tpu.memory_space<vmem>>, vector<16xf32>,
          tpu.vector_store %arg9[%swap3A_763, %swap3A_764, %swap3A_765], %gather3A_762 {strides = array<i32>} : memref<7x64x128xf32, #tpu.memory_space<vmem>>, vector<16xf32>,
          %gather3A_767 = tpu.memref_slice %arg7[%multiple_of3A_760] : memref<65536xf32, #tpu.memory_space<vmem>> -> memref<1024xf32, #tpu.memory_space<vmem>>
          %gather3A_768 = tpu.vector_load_idx %gather3A_767[%get3A_318] : memref<1024xf32, #tpu.memory_space<vmem>>[vector<16xi32>], vector<16xf32>,
          %swap3A_769 = arith.index_cast %select_n3A_302 : i32 to index
          %swap3A_770 = arith.index_cast %scan3A_757 : i32 to index
          %swap3A_771 = arith.constant 16 : index
          %swap3A_772 = tpu.vector_load %arg9[%swap3A_769, %swap3A_770, %swap3A_771] {strides = array<i32>} : memref<7x64x128xf32, #tpu.memory_space<vmem>>, vector<16xf32>,
          tpu.vector_store %arg9[%swap3A_769, %swap3A_770, %swap3A_771], %gather3A_768 {strides = array<i32>} : memref<7x64x128xf32, #tpu.memory_space<vmem>>, vector<16xf32>,
          %gather3A_773 = tpu.memref_slice %arg7[%multiple_of3A_760] : memref<65536xf32, #tpu.memory_space<vmem>> -> memref<1024xf32, #tpu.memory_space<vmem>>
          %gather3A_774 = tpu.vector_load_idx %gather3A_773[%get3A_325] : memref<1024xf32, #tpu.memory_space<vmem>>[vector<16xi32>], vector<16xf32>,
          %swap3A_775 = arith.index_cast %select_n3A_302 : i32 to index
          %swap3A_776 = arith.index_cast %scan3A_757 : i32 to index
          %swap3A_777 = arith.constant 32 : index
          %swap3A_778 = tpu.vector_load %arg9[%swap3A_775, %swap3A_776, %swap3A_777] {strides = array<i32>} : memref<7x64x128xf32, #tpu.memory_space<vmem>>, vector<16xf32>,
          tpu.vector_store %arg9[%swap3A_775, %swap3A_776, %swap3A_777], %gather3A_774 {strides = array<i32>} : memref<7x64x128xf32, #tpu.memory_space<vmem>>, vector<16xf32>,
          %gather3A_779 = tpu.memref_slice %arg7[%multiple_of3A_760] : memref<65536xf32, #tpu.memory_space<vmem>> -> memref<1024xf32, #tpu.memory_space<vmem>>
          %gather3A_780 = tpu.vector_load_idx %gather3A_779[%get3A_332] : memref<1024xf32, #tpu.memory_space<vmem>>[vector<16xi32>], vector<16xf32>,
          %swap3A_781 = arith.index_cast %select_n3A_302 : i32 to index
          %swap3A_782 = arith.index_cast %scan3A_757 : i32 to index
          %swap3A_783 = arith.constant 48 : index
          %swap3A_784 = tpu.vector_load %arg9[%swap3A_781, %swap3A_782, %swap3A_783] {strides = array<i32>} : memref<7x64x128xf32, #tpu.memory_space<vmem>>, vector<16xf32>,
          tpu.vector_store %arg9[%swap3A_781, %swap3A_782, %swap3A_783], %gather3A_780 {strides = array<i32>} : memref<7x64x128xf32, #tpu.memory_space<vmem>>, vector<16xf32>,
          %gather3A_785 = tpu.memref_slice %arg7[%multiple_of3A_760] : memref<65536xf32, #tpu.memory_space<vmem>> -> memref<1024xf32, #tpu.memory_space<vmem>>
          %gather3A_786 = tpu.vector_load_idx %gather3A_785[%get3A_339] : memref<1024xf32, #tpu.memory_space<vmem>>[vector<16xi32>], vector<16xf32>,
          %swap3A_787 = arith.index_cast %select_n3A_302 : i32 to index
          %swap3A_788 = arith.index_cast %scan3A_757 : i32 to index
          %swap3A_789 = arith.constant 64 : index
          %swap3A_790 = tpu.vector_load %arg9[%swap3A_787, %swap3A_788, %swap3A_789] {strides = array<i32>} : memref<7x64x128xf32, #tpu.memory_space<vmem>>, vector<16xf32>,
          tpu.vector_store %arg9[%swap3A_787, %swap3A_788, %swap3A_789], %gather3A_786 {strides = array<i32>} : memref<7x64x128xf32, #tpu.memory_space<vmem>>, vector<16xf32>,
          %gather3A_791 = tpu.memref_slice %arg7[%multiple_of3A_760] : memref<65536xf32, #tpu.memory_space<vmem>> -> memref<1024xf32, #tpu.memory_space<vmem>>
          %gather3A_792 = tpu.vector_load_idx %gather3A_791[%get3A_346] : memref<1024xf32, #tpu.memory_space<vmem>>[vector<16xi32>], vector<16xf32>,
          %swap3A_793 = arith.index_cast %select_n3A_302 : i32 to index
          %swap3A_794 = arith.index_cast %scan3A_757 : i32 to index
          %swap3A_795 = arith.constant 80 : index
          %swap3A_796 = tpu.vector_load %arg9[%swap3A_793, %swap3A_794, %swap3A_795] {strides = array<i32>} : memref<7x64x128xf32, #tpu.memory_space<vmem>>, vector<16xf32>,
          tpu.vector_store %arg9[%swap3A_793, %swap3A_794, %swap3A_795], %gather3A_792 {strides = array<i32>} : memref<7x64x128xf32, #tpu.memory_space<vmem>>, vector<16xf32>,
          %gather3A_797 = tpu.memref_slice %arg7[%multiple_of3A_760] : memref<65536xf32, #tpu.memory_space<vmem>> -> memref<1024xf32, #tpu.memory_space<vmem>>
          %gather3A_798 = tpu.vector_load_idx %gather3A_797[%get3A_353] : memref<1024xf32, #tpu.memory_space<vmem>>[vector<16xi32>], vector<16xf32>,
          %swap3A_799 = arith.index_cast %select_n3A_302 : i32 to index
          %swap3A_800 = arith.index_cast %scan3A_757 : i32 to index
          %swap3A_801 = arith.constant 96 : index
          %swap3A_802 = tpu.vector_load %arg9[%swap3A_799, %swap3A_800, %swap3A_801] {strides = array<i32>} : memref<7x64x128xf32, #tpu.memory_space<vmem>>, vector<16xf32>,
          tpu.vector_store %arg9[%swap3A_799, %swap3A_800, %swap3A_801], %gather3A_798 {strides = array<i32>} : memref<7x64x128xf32, #tpu.memory_space<vmem>>, vector<16xf32>,
          %gather3A_803 = tpu.memref_slice %arg7[%multiple_of3A_760] : memref<65536xf32, #tpu.memory_space<vmem>> -> memref<1024xf32, #tpu.memory_space<vmem>>
          %gather3A_804 = tpu.vector_load_idx %gather3A_803[%get3A_360] : memref<1024xf32, #tpu.memory_space<vmem>>[vector<16xi32>], vector<16xf32>,
          %swap3A_805 = arith.index_cast %select_n3A_302 : i32 to index
          %swap3A_806 = arith.index_cast %scan3A_757 : i32 to index
          %swap3A_807 = arith.constant 112 : index
          %swap3A_808 = tpu.vector_load %arg9[%swap3A_805, %swap3A_806, %swap3A_807] {strides = array<i32>} : memref<7x64x128xf32, #tpu.memory_space<vmem>>, vector<16xf32>,
          tpu.vector_store %arg9[%swap3A_805, %swap3A_806, %swap3A_807], %gather3A_804 {strides = array<i32>} : memref<7x64x128xf32, #tpu.memory_space<vmem>>, vector<16xf32>,
        }
        %scan3A_370 = arith.constant 64 : i32
        %dma_start3A = arith.constant 0 : i32
        %dma_start3A_371 = arith.constant 0 : i32
        %dma_start3A_372 = tpu.memref_slice %arg9[%select_n3A_302, %dma_start3A, %dma_start3A_371] : memref<7x64x128xf32, #tpu.memory_space<vmem>> -> memref<1x64x128xf32, #tpu.memory_space<vmem>>
        %dma_start3A_373 = tpu.memref_squeeze %dma_start3A_372 : memref<1x64x128xf32, #tpu.memory_space<vmem>> -> memref<64x128xf32, #tpu.memory_space<vmem>>
        %dma_start3A_374 = arith.constant 0 : i32
        %dma_start3A_375 = tpu.memref_slice %arg6[%while3A_230, %dma_start3A_374, %multiple_of3A_305] : memref<1000x64x1024xf32, #tpu.memory_space<hbm>> -> memref<1x64x128xf32, #tpu.memory_space<hbm>>
        %dma_start3A_376 = tpu.memref_squeeze %dma_start3A_375 : memref<1x64x128xf32, #tpu.memory_space<hbm>> -> memref<64x128xf32, #tpu.memory_space<hbm>>
        %dma_start3A_377 = tpu.memref_slice %arg11[%select_n3A_302] : memref<7x!tpu.dma_semaphore, #tpu.memory_space<semaphore_mem>> -> memref<1x!tpu.dma_semaphore, #tpu.memory_space<semaphore_mem>>
        %dma_start3A_378 = tpu.memref_squeeze %dma_start3A_377 : memref<1x!tpu.dma_semaphore, #tpu.memory_space<semaphore_mem>> -> memref<!tpu.dma_semaphore, #tpu.memory_space<semaphore_mem>>
        %dma_start3A_379 = arith.constant 0 : i32
        %dma_start3A_380 = tpu.memref_slice %arg6[%while3A_230, %dma_start3A_379, %multiple_of3A_305] : memref<1000x64x1024xf32, #tpu.memory_space<hbm>> -> memref<1x64x128xf32, #tpu.memory_space<hbm>>
        %dma_start3A_381 = tpu.memref_squeeze %dma_start3A_380 : memref<1x64x128xf32, #tpu.memory_space<hbm>> -> memref<64x128xf32, #tpu.memory_space<hbm>>
        %dma_start3A_382 = arith.constant 0 : i32
        %dma_start3A_383 = arith.constant 0 : i32
        %dma_start3A_384 = tpu.memref_slice %arg9[%select_n3A_302, %dma_start3A_382, %dma_start3A_383] : memref<7x64x128xf32, #tpu.memory_space<vmem>> -> memref<1x64x128xf32, #tpu.memory_space<vmem>>
        %dma_start3A_385 = tpu.memref_squeeze %dma_start3A_384 : memref<1x64x128xf32, #tpu.memory_space<vmem>> -> memref<64x128xf32, #tpu.memory_space<vmem>>
        tpu.enqueue_dma source(%dma_start3A_385 : memref<64x128xf32, #tpu.memory_space<vmem>>) target(%dma_start3A_381 : memref<64x128xf32, #tpu.memory_space<hbm>>) target_semaphore(%dma_start3A_378 : memref<!tpu.dma_semaphore, #tpu.memory_space<semaphore_mem>>)
        %add3A_386 = arith.constant 1 : i32
        %add3A_387 = arith.addi %scan3A_286, %add3A_386 : i32
        scf.yield %add3A_387 : i32
      }
      %scan3A_284 = arith.constant 8 : i32
      scf.yield %scan3A_283 : i32
    }
    %while3A_82 = arith.constant 1 : i32
    %while3A_83 = scf.for %while3A_230 = %while3A_79 to %while3A_75 step %while3A_82 iter_args(%while3A_231 = %while3A_81) -> (i32)  : i32 {
      %jit3A_232 = arith.constant 2 : i32
      %eq3A = arith.constant 0 : i32
      %eq3A_233 = arith.cmpi eq, %jit3A_232, %eq3A : i32
      %jit3A_234 = arith.constant 1 : i32
      %select_n3A_235 = arith.select %eq3A_233, %jit3A_234, %jit3A_232 : i32
      %rem3A_236 = arith.remsi %while3A_230, %select_n3A_235 : i32
      %ne3A_237 = arith.constant 0 : i32
      %ne3A_238 = arith.cmpi ne, %rem3A_236, %ne3A_237 : i32
      %lt3A_239 = arith.constant 0 : i32
      %lt3A_240 = arith.cmpi slt, %rem3A_236, %lt3A_239 : i32
      %lt3A_241 = arith.constant 0 : i32
      %lt3A_242 = arith.cmpi slt, %select_n3A_235, %lt3A_241 : i32
      %ne3A_243 = arith.xori %lt3A_240, %lt3A_242 : i1
      %and3A_244 = arith.andi %ne3A_243, %ne3A_238 : i1
      %add3A_245 = arith.addi %rem3A_236, %select_n3A_235 : i32
      %select_n3A_246 = arith.select %and3A_244, %add3A_245, %rem3A_236 : i32
      %mul3A_247 = arith.constant 1024 : i32
      %mul3A_248 = arith.muli %select_n3A_246, %mul3A_247 : i32
      %multiple_of3A = tpu.assume_multiple %mul3A_248, 1024 : i32
      %add3A_249 = arith.constant 1 : i32
      %add3A_250 = arith.addi %while3A_230, %add3A_249 : i32
      %lt3A_251 = arith.cmpi slt, %add3A_250, %sub3A_68 : i32
      %convert_element_type3A_252 = arith.extui %lt3A_251 : i1 to i32
      %cond3A_253 = arith.constant 0 : i32
      %cond3A_254 = arith.cmpi ne, %convert_element_type3A_252, %cond3A_253 : i32
      scf.if %cond3A_254 {
        %add3A_285 = arith.constant 1 : i32
        %add3A_286 = arith.addi %while3A_230, %add3A_285 : i32
        %jit3A_287 = arith.constant 2 : i32
        %eq3A_288 = arith.constant 0 : i32
        %eq3A_289 = arith.cmpi eq, %jit3A_287, %eq3A_288 : i32
        %jit3A_290 = arith.constant 1 : i32
        %select_n3A_291 = arith.select %eq3A_289, %jit3A_290, %jit3A_287 : i32
        %rem3A_292 = arith.remsi %add3A_286, %select_n3A_291 : i32
        %ne3A_293 = arith.constant 0 : i32
        %ne3A_294 = arith.cmpi ne, %rem3A_292, %ne3A_293 : i32
        %lt3A_295 = arith.constant 0 : i32
        %lt3A_296 = arith.cmpi slt, %rem3A_292, %lt3A_295 : i32
        %lt3A_297 = arith.constant 0 : i32
        %lt3A_298 = arith.cmpi slt, %select_n3A_291, %lt3A_297 : i32
        %ne3A_299 = arith.xori %lt3A_296, %lt3A_298 : i1
        %and3A_300 = arith.andi %ne3A_299, %ne3A_294 : i1
        %add3A_301 = arith.addi %rem3A_292, %select_n3A_291 : i32
        %select_n3A_302 = arith.select %and3A_300, %add3A_301, %rem3A_292 : i32
        %mul3A_303 = arith.constant 1024 : i32
        %mul3A_304 = arith.muli %select_n3A_302, %mul3A_303 : i32
        %add3A_305 = arith.constant 1 : i32
        %add3A_306 = arith.addi %while3A_230, %add3A_305 : i32
        %mul3A_307 = arith.constant 1024 : i32
        %mul3A_308 = arith.muli %add3A_306, %mul3A_307 : i32
        %multiple_of3A_309 = tpu.assume_multiple %mul3A_308, 1024 : i32
        %multiple_of3A_310 = tpu.assume_multiple %mul3A_304, 1024 : i32
        %add3A_311 = arith.constant 1 : i32
        %add3A_312 = arith.addi %while3A_230, %add3A_311 : i32
        %jit3A_313 = arith.constant 2 : i32
        %eq3A_314 = arith.constant 0 : i32
        %eq3A_315 = arith.cmpi eq, %jit3A_313, %eq3A_314 : i32
        %jit3A_316 = arith.constant 1 : i32
        %select_n3A_317 = arith.select %eq3A_315, %jit3A_316, %jit3A_313 : i32
        %rem3A_318 = arith.remsi %add3A_312, %select_n3A_317 : i32
        %ne3A_319 = arith.constant 0 : i32
        %ne3A_320 = arith.cmpi ne, %rem3A_318, %ne3A_319 : i32
        %lt3A_321 = arith.constant 0 : i32
        %lt3A_322 = arith.cmpi slt, %rem3A_318, %lt3A_321 : i32
        %lt3A_323 = arith.constant 0 : i32
        %lt3A_324 = arith.cmpi slt, %select_n3A_317, %lt3A_323 : i32
        %ne3A_325 = arith.xori %lt3A_322, %lt3A_324 : i1
        %and3A_326 = arith.andi %ne3A_325, %ne3A_320 : i1
        %add3A_327 = arith.addi %rem3A_318, %select_n3A_317 : i32
        %select_n3A_328 = arith.select %and3A_326, %add3A_327, %rem3A_318 : i32
        %dma_start3A = tpu.memref_slice %arg8[%multiple_of3A_310] : memref<2048xi32, #tpu.memory_space<vmem>> -> memref<1024xi32, #tpu.memory_space<vmem>>
        %dma_start3A_329 = tpu.memref_slice %arg3[%multiple_of3A_309] : memref<1024000xi32, #tpu.memory_space<hbm>> -> memref<1024xi32, #tpu.memory_space<hbm>>
        %dma_start3A_330 = tpu.memref_slice %arg10[%select_n3A_328] : memref<2x!tpu.dma_semaphore, #tpu.memory_space<semaphore_mem>> -> memref<1x!tpu.dma_semaphore, #tpu.memory_space<semaphore_mem>>
        %dma_start3A_331 = tpu.memref_squeeze %dma_start3A_330 : memref<1x!tpu.dma_semaphore, #tpu.memory_space<semaphore_mem>> -> memref<!tpu.dma_semaphore, #tpu.memory_space<semaphore_mem>>
        %dma_start3A_332 = tpu.memref_slice %arg8[%multiple_of3A_310] : memref<2048xi32, #tpu.memory_space<vmem>> -> memref<1024xi32, #tpu.memory_space<vmem>>
        %dma_start3A_333 = tpu.memref_slice %arg3[%multiple_of3A_309] : memref<1024000xi32, #tpu.memory_space<hbm>> -> memref<1024xi32, #tpu.memory_space<hbm>>
        tpu.enqueue_dma source(%dma_start3A_333 : memref<1024xi32, #tpu.memory_space<hbm>>) target(%dma_start3A_332 : memref<1024xi32, #tpu.memory_space<vmem>>) target_semaphore(%dma_start3A_331 : memref<!tpu.dma_semaphore, #tpu.memory_space<semaphore_mem>>)
      } else {
      }
      %mul3A_255 = arith.constant 1024 : i32
      %mul3A_256 = arith.muli %while3A_230, %mul3A_255 : i32
      %multiple_of3A_257 = tpu.assume_multiple %mul3A_256, 1024 : i32
      %jit3A_258 = arith.constant 2 : i32
      %eq3A_259 = arith.constant 0 : i32
      %eq3A_260 = arith.cmpi eq, %jit3A_258, %eq3A_259 : i32
      %jit3A_261 = arith.constant 1 : i32
      %select_n3A_262 = arith.select %eq3A_260, %jit3A_261, %jit3A_258 : i32
      %rem3A_263 = arith.remsi %while3A_230, %select_n3A_262 : i32
      %ne3A_264 = arith.constant 0 : i32
      %ne3A_265 = arith.cmpi ne, %rem3A_263, %ne3A_264 : i32
      %lt3A_266 = arith.constant 0 : i32
      %lt3A_267 = arith.cmpi slt, %rem3A_263, %lt3A_266 : i32
      %lt3A_268 = arith.constant 0 : i32
      %lt3A_269 = arith.cmpi slt, %select_n3A_262, %lt3A_268 : i32
      %ne3A_270 = arith.xori %lt3A_267, %lt3A_269 : i1
      %and3A_271 = arith.andi %ne3A_270, %ne3A_265 : i1
      %add3A_272 = arith.addi %rem3A_263, %select_n3A_262 : i32
      %select_n3A_273 = arith.select %and3A_271, %add3A_272, %rem3A_263 : i32
      %dma_wait3A_274 = tpu.memref_slice %arg8[%multiple_of3A] : memref<2048xi32, #tpu.memory_space<vmem>> -> memref<1024xi32, #tpu.memory_space<vmem>>
      %dma_wait3A_275 = tpu.memref_slice %arg3[%multiple_of3A_257] : memref<1024000xi32, #tpu.memory_space<hbm>> -> memref<1024xi32, #tpu.memory_space<hbm>>
      %dma_wait3A_276 = tpu.memref_slice %arg10[%select_n3A_273] : memref<2x!tpu.dma_semaphore, #tpu.memory_space<semaphore_mem>> -> memref<1x!tpu.dma_semaphore, #tpu.memory_space<semaphore_mem>>
      %dma_wait3A_277 = tpu.memref_squeeze %dma_wait3A_276 : memref<1x!tpu.dma_semaphore, #tpu.memory_space<semaphore_mem>> -> memref<!tpu.dma_semaphore, #tpu.memory_space<semaphore_mem>>
      %dma_wait3A_278 = tpu.memref_slice %arg8[%multiple_of3A] : memref<2048xi32, #tpu.memory_space<vmem>> -> memref<1024xi32, #tpu.memory_space<vmem>>
      %dma_wait3A_279 = tpu.memref_slice %arg3[%multiple_of3A_257] : memref<1024000xi32, #tpu.memory_space<hbm>> -> memref<1024xi32, #tpu.memory_space<hbm>>
      tpu.wait_dma2 semaphore(%dma_wait3A_277 : memref<!tpu.dma_semaphore, #tpu.memory_space<semaphore_mem>>) src(%dma_wait3A_279 : memref<1024xi32, #tpu.memory_space<hbm>>) dst(%dma_wait3A_278 : memref<1024xi32, #tpu.memory_space<vmem>>)
      %scan3A = arith.constant 0 : i32
      %scan3A_280 = arith.constant 8 : i32
      %scan3A_281 = arith.addi %scan3A, %scan3A_280 : i32
      %scan3A_282 = arith.constant 1 : i32
      %scan3A_283 = scf.for %scan3A_285 = %scan3A to %scan3A_281 step %scan3A_282 iter_args(%scan3A_286 = %while3A_231) -> (i32)  : i32 {
        %jit3A_287 = arith.constant 7 : i32
        %eq3A_288 = arith.constant 0 : i32
        %eq3A_289 = arith.cmpi eq, %jit3A_287, %eq3A_288 : i32
        %jit3A_290 = arith.constant 1 : i32
        %select_n3A_291 = arith.select %eq3A_289, %jit3A_290, %jit3A_287 : i32
        %rem3A_292 = arith.remsi %scan3A_286, %select_n3A_291 : i32
        %ne3A_293 = arith.constant 0 : i32
        %ne3A_294 = arith.cmpi ne, %rem3A_292, %ne3A_293 : i32
        %lt3A_295 = arith.constant 0 : i32
        %lt3A_296 = arith.cmpi slt, %rem3A_292, %lt3A_295 : i32
        %lt3A_297 = arith.constant 0 : i32
        %lt3A_298 = arith.cmpi slt, %select_n3A_291, %lt3A_297 : i32
        %ne3A_299 = arith.xori %lt3A_296, %lt3A_298 : i1
        %and3A_300 = arith.andi %ne3A_299, %ne3A_294 : i1
        %add3A_301 = arith.addi %rem3A_292, %select_n3A_291 : i32
        %select_n3A_302 = arith.select %and3A_300, %add3A_301, %rem3A_292 : i32
        %mul3A_303 = arith.constant 128 : i32
        %mul3A_304 = arith.muli %scan3A_285, %mul3A_303 : i32
        %multiple_of3A_305 = tpu.assume_multiple %mul3A_304, 128 : i32
        %mul3A_306 = arith.constant 128 : i32
        %mul3A_307 = arith.muli %scan3A_285, %mul3A_306 : i32
        %add3A_308 = arith.addi %multiple_of3A, %mul3A_307 : i32
        %add3A_309 = arith.constant 0 : i32
        %add3A_310 = arith.addi %add3A_308, %add3A_309 : i32
        %get3A = arith.index_cast %add3A_310 : i32 to index
        %get3A_311 = tpu.vector_load %arg8[%get3A] {strides = array<i32>} : memref<2048xi32, #tpu.memory_space<vmem>>, vector<16xi32>,
        %mul3A_312 = arith.constant 128 : i32
        %mul3A_313 = arith.muli %scan3A_285, %mul3A_312 : i32
        %add3A_314 = arith.addi %multiple_of3A, %mul3A_313 : i32
        %add3A_315 = arith.constant 16 : i32
        %add3A_316 = arith.addi %add3A_314, %add3A_315 : i32
        %get3A_317 = arith.index_cast %add3A_316 : i32 to index
        %get3A_318 = tpu.vector_load %arg8[%get3A_317] {strides = array<i32>} : memref<2048xi32, #tpu.memory_space<vmem>>, vector<16xi32>,
        %mul3A_319 = arith.constant 128 : i32
        %mul3A_320 = arith.muli %scan3A_285, %mul3A_319 : i32
        %add3A_321 = arith.addi %multiple_of3A, %mul3A_320 : i32
        %add3A_322 = arith.constant 32 : i32
        %add3A_323 = arith.addi %add3A_321, %add3A_322 : i32
        %get3A_324 = arith.index_cast %add3A_323 : i32 to index
        %get3A_325 = tpu.vector_load %arg8[%get3A_324] {strides = array<i32>} : memref<2048xi32, #tpu.memory_space<vmem>>, vector<16xi32>,
        %mul3A_326 = arith.constant 128 : i32
        %mul3A_327 = arith.muli %scan3A_285, %mul3A_326 : i32
        %add3A_328 = arith.addi %multiple_of3A, %mul3A_327 : i32
        %add3A_329 = arith.constant 48 : i32
        %add3A_330 = arith.addi %add3A_328, %add3A_329 : i32
        %get3A_331 = arith.index_cast %add3A_330 : i32 to index
        %get3A_332 = tpu.vector_load %arg8[%get3A_331] {strides = array<i32>} : memref<2048xi32, #tpu.memory_space<vmem>>, vector<16xi32>,
        %mul3A_333 = arith.constant 128 : i32
        %mul3A_334 = arith.muli %scan3A_285, %mul3A_333 : i32
        %add3A_335 = arith.addi %multiple_of3A, %mul3A_334 : i32
        %add3A_336 = arith.constant 64 : i32
        %add3A_337 = arith.addi %add3A_335, %add3A_336 : i32
        %get3A_338 = arith.index_cast %add3A_337 : i32 to index
        %get3A_339 = tpu.vector_load %arg8[%get3A_338] {strides = array<i32>} : memref<2048xi32, #tpu.memory_space<vmem>>, vector<16xi32>,
        %mul3A_340 = arith.constant 128 : i32
        %mul3A_341 = arith.muli %scan3A_285, %mul3A_340 : i32
        %add3A_342 = arith.addi %multiple_of3A, %mul3A_341 : i32
        %add3A_343 = arith.constant 80 : i32
        %add3A_344 = arith.addi %add3A_342, %add3A_343 : i32
        %get3A_345 = arith.index_cast %add3A_344 : i32 to index
        %get3A_346 = tpu.vector_load %arg8[%get3A_345] {strides = array<i32>} : memref<2048xi32, #tpu.memory_space<vmem>>, vector<16xi32>,
        %mul3A_347 = arith.constant 128 : i32
        %mul3A_348 = arith.muli %scan3A_285, %mul3A_347 : i32
        %add3A_349 = arith.addi %multiple_of3A, %mul3A_348 : i32
        %add3A_350 = arith.constant 96 : i32
        %add3A_351 = arith.addi %add3A_349, %add3A_350 : i32
        %get3A_352 = arith.index_cast %add3A_351 : i32 to index
        %get3A_353 = tpu.vector_load %arg8[%get3A_352] {strides = array<i32>} : memref<2048xi32, #tpu.memory_space<vmem>>, vector<16xi32>,
        %mul3A_354 = arith.constant 128 : i32
        %mul3A_355 = arith.muli %scan3A_285, %mul3A_354 : i32
        %add3A_356 = arith.addi %multiple_of3A, %mul3A_355 : i32
        %add3A_357 = arith.constant 112 : i32
        %add3A_358 = arith.addi %add3A_356, %add3A_357 : i32
        %get3A_359 = arith.index_cast %add3A_358 : i32 to index
        %get3A_360 = tpu.vector_load %arg8[%get3A_359] {strides = array<i32>} : memref<2048xi32, #tpu.memory_space<vmem>>, vector<16xi32>,
        %ge3A = arith.constant 7 : i32
        %ge3A_361 = arith.cmpi sge, %scan3A_286, %ge3A : i32
        %convert_element_type3A_362 = arith.extui %ge3A_361 : i1 to i32
        %cond3A_363 = arith.constant 0 : i32
        %cond3A_364 = arith.cmpi ne, %convert_element_type3A_362, %cond3A_363 : i32
        scf.if %cond3A_364 {
          %dma_wait3A_388 = arith.constant 0 : i32
          %dma_wait3A_389 = arith.constant 0 : i32
          %dma_wait3A_390 = tpu.memref_slice %arg9[%select_n3A_302, %dma_wait3A_388, %dma_wait3A_389] : memref<7x64x128xf32, #tpu.memory_space<vmem>> -> memref<1x64x128xf32, #tpu.memory_space<vmem>>
          %dma_wait3A_391 = tpu.memref_squeeze %dma_wait3A_390 : memref<1x64x128xf32, #tpu.memory_space<vmem>> -> memref<64x128xf32, #tpu.memory_space<vmem>>
          %dma_wait3A_392 = arith.constant 0 : i32
          %dma_wait3A_393 = arith.constant 0 : i32
          %dma_wait3A_394 = tpu.memref_slice %arg5[%while3A_73, %dma_wait3A_392, %dma_wait3A_393] : memref<400x64x1024xf32, #tpu.memory_space<hbm>> -> memref<1x64x128xf32, #tpu.memory_space<hbm>>
          %dma_wait3A_395 = tpu.memref_squeeze %dma_wait3A_394 : memref<1x64x128xf32, #tpu.memory_space<hbm>> -> memref<64x128xf32, #tpu.memory_space<hbm>>
          %dma_wait3A_396 = tpu.memref_slice %arg11[%select_n3A_302] : memref<7x!tpu.dma_semaphore, #tpu.memory_space<semaphore_mem>> -> memref<1x!tpu.dma_semaphore, #tpu.memory_space<semaphore_mem>>
          %dma_wait3A_397 = tpu.memref_squeeze %dma_wait3A_396 : memref<1x!tpu.dma_semaphore, #tpu.memory_space<semaphore_mem>> -> memref<!tpu.dma_semaphore, #tpu.memory_space<semaphore_mem>>
          %dma_wait3A_398 = arith.constant 0 : i32
          %dma_wait3A_399 = arith.constant 0 : i32
          %dma_wait3A_400 = tpu.memref_slice %arg5[%while3A_73, %dma_wait3A_398, %dma_wait3A_399] : memref<400x64x1024xf32, #tpu.memory_space<hbm>> -> memref<1x64x128xf32, #tpu.memory_space<hbm>>
          %dma_wait3A_401 = tpu.memref_squeeze %dma_wait3A_400 : memref<1x64x128xf32, #tpu.memory_space<hbm>> -> memref<64x128xf32, #tpu.memory_space<hbm>>
          %dma_wait3A_402 = arith.constant 0 : i32
          %dma_wait3A_403 = arith.constant 0 : i32
          %dma_wait3A_404 = tpu.memref_slice %arg9[%select_n3A_302, %dma_wait3A_402, %dma_wait3A_403] : memref<7x64x128xf32, #tpu.memory_space<vmem>> -> memref<1x64x128xf32, #tpu.memory_space<vmem>>
          %dma_wait3A_405 = tpu.memref_squeeze %dma_wait3A_404 : memref<1x64x128xf32, #tpu.memory_space<vmem>> -> memref<64x128xf32, #tpu.memory_space<vmem>>
          tpu.wait_dma2 semaphore(%dma_wait3A_397 : memref<!tpu.dma_semaphore, #tpu.memory_space<semaphore_mem>>) src(%dma_wait3A_405 : memref<64x128xf32, #tpu.memory_space<vmem>>) dst(%dma_wait3A_401 : memref<64x128xf32, #tpu.memory_space<hbm>>)
        } else {
        }
        %scan3A_365 = arith.constant 0 : i32
        %scan3A_366 = arith.constant 0 : i32
        %scan3A_367 = arith.constant 64 : i32
        %scan3A_368 = arith.addi %scan3A_366, %scan3A_367 : i32
        %scan3A_369 = arith.constant 8 : i32
        scf.for %scan3A_388 = %scan3A_366 to %scan3A_368 step %scan3A_369  : i32 {
          %mul3A_389 = arith.constant 1024 : i32
          %mul3A_390 = arith.muli %scan3A_388, %mul3A_389 : i32
          %multiple_of3A_391 = tpu.assume_multiple %mul3A_390, 1024 : i32
          %gather3A = tpu.memref_slice %arg7[%multiple_of3A_391] : memref<65536xf32, #tpu.memory_space<vmem>> -> memref<1024xf32, #tpu.memory_space<vmem>>
          %gather3A_392 = tpu.vector_load_idx %gather3A[%get3A_311] : memref<1024xf32, #tpu.memory_space<vmem>>[vector<16xi32>], vector<16xf32>,
          %swap3A = arith.index_cast %select_n3A_302 : i32 to index
          %swap3A_393 = arith.index_cast %scan3A_388 : i32 to index
          %swap3A_394 = arith.constant 0 : index
          %swap3A_395 = tpu.vector_load %arg9[%swap3A, %swap3A_393, %swap3A_394] {strides = array<i32>} : memref<7x64x128xf32, #tpu.memory_space<vmem>>, vector<16xf32>,
          tpu.vector_store %arg9[%swap3A, %swap3A_393, %swap3A_394], %gather3A_392 {strides = array<i32>} : memref<7x64x128xf32, #tpu.memory_space<vmem>>, vector<16xf32>,
          %gather3A_396 = tpu.memref_slice %arg7[%multiple_of3A_391] : memref<65536xf32, #tpu.memory_space<vmem>> -> memref<1024xf32, #tpu.memory_space<vmem>>
          %gather3A_397 = tpu.vector_load_idx %gather3A_396[%get3A_318] : memref<1024xf32, #tpu.memory_space<vmem>>[vector<16xi32>], vector<16xf32>,
          %swap3A_398 = arith.index_cast %select_n3A_302 : i32 to index
          %swap3A_399 = arith.index_cast %scan3A_388 : i32 to index
          %swap3A_400 = arith.constant 16 : index
          %swap3A_401 = tpu.vector_load %arg9[%swap3A_398, %swap3A_399, %swap3A_400] {strides = array<i32>} : memref<7x64x128xf32, #tpu.memory_space<vmem>>, vector<16xf32>,
          tpu.vector_store %arg9[%swap3A_398, %swap3A_399, %swap3A_400], %gather3A_397 {strides = array<i32>} : memref<7x64x128xf32, #tpu.memory_space<vmem>>, vector<16xf32>,
          %gather3A_402 = tpu.memref_slice %arg7[%multiple_of3A_391] : memref<65536xf32, #tpu.memory_space<vmem>> -> memref<1024xf32, #tpu.memory_space<vmem>>
          %gather3A_403 = tpu.vector_load_idx %gather3A_402[%get3A_325] : memref<1024xf32, #tpu.memory_space<vmem>>[vector<16xi32>], vector<16xf32>,
          %swap3A_404 = arith.index_cast %select_n3A_302 : i32 to index
          %swap3A_405 = arith.index_cast %scan3A_388 : i32 to index
          %swap3A_406 = arith.constant 32 : index
          %swap3A_407 = tpu.vector_load %arg9[%swap3A_404, %swap3A_405, %swap3A_406] {strides = array<i32>} : memref<7x64x128xf32, #tpu.memory_space<vmem>>, vector<16xf32>,
          tpu.vector_store %arg9[%swap3A_404, %swap3A_405, %swap3A_406], %gather3A_403 {strides = array<i32>} : memref<7x64x128xf32, #tpu.memory_space<vmem>>, vector<16xf32>,
          %gather3A_408 = tpu.memref_slice %arg7[%multiple_of3A_391] : memref<65536xf32, #tpu.memory_space<vmem>> -> memref<1024xf32, #tpu.memory_space<vmem>>
          %gather3A_409 = tpu.vector_load_idx %gather3A_408[%get3A_332] : memref<1024xf32, #tpu.memory_space<vmem>>[vector<16xi32>], vector<16xf32>,
          %swap3A_410 = arith.index_cast %select_n3A_302 : i32 to index
          %swap3A_411 = arith.index_cast %scan3A_388 : i32 to index
          %swap3A_412 = arith.constant 48 : index
          %swap3A_413 = tpu.vector_load %arg9[%swap3A_410, %swap3A_411, %swap3A_412] {strides = array<i32>} : memref<7x64x128xf32, #tpu.memory_space<vmem>>, vector<16xf32>,
          tpu.vector_store %arg9[%swap3A_410, %swap3A_411, %swap3A_412], %gather3A_409 {strides = array<i32>} : memref<7x64x128xf32, #tpu.memory_space<vmem>>, vector<16xf32>,
          %gather3A_414 = tpu.memref_slice %arg7[%multiple_of3A_391] : memref<65536xf32, #tpu.memory_space<vmem>> -> memref<1024xf32, #tpu.memory_space<vmem>>
          %gather3A_415 = tpu.vector_load_idx %gather3A_414[%get3A_339] : memref<1024xf32, #tpu.memory_space<vmem>>[vector<16xi32>], vector<16xf32>,
          %swap3A_416 = arith.index_cast %select_n3A_302 : i32 to index
          %swap3A_417 = arith.index_cast %scan3A_388 : i32 to index
          %swap3A_418 = arith.constant 64 : index
          %swap3A_419 = tpu.vector_load %arg9[%swap3A_416, %swap3A_417, %swap3A_418] {strides = array<i32>} : memref<7x64x128xf32, #tpu.memory_space<vmem>>, vector<16xf32>,
          tpu.vector_store %arg9[%swap3A_416, %swap3A_417, %swap3A_418], %gather3A_415 {strides = array<i32>} : memref<7x64x128xf32, #tpu.memory_space<vmem>>, vector<16xf32>,
          %gather3A_420 = tpu.memref_slice %arg7[%multiple_of3A_391] : memref<65536xf32, #tpu.memory_space<vmem>> -> memref<1024xf32, #tpu.memory_space<vmem>>
          %gather3A_421 = tpu.vector_load_idx %gather3A_420[%get3A_346] : memref<1024xf32, #tpu.memory_space<vmem>>[vector<16xi32>], vector<16xf32>,
          %swap3A_422 = arith.index_cast %select_n3A_302 : i32 to index
          %swap3A_423 = arith.index_cast %scan3A_388 : i32 to index
          %swap3A_424 = arith.constant 80 : index
          %swap3A_425 = tpu.vector_load %arg9[%swap3A_422, %swap3A_423, %swap3A_424] {strides = array<i32>} : memref<7x64x128xf32, #tpu.memory_space<vmem>>, vector<16xf32>,
          tpu.vector_store %arg9[%swap3A_422, %swap3A_423, %swap3A_424], %gather3A_421 {strides = array<i32>} : memref<7x64x128xf32, #tpu.memory_space<vmem>>, vector<16xf32>,
          %gather3A_426 = tpu.memref_slice %arg7[%multiple_of3A_391] : memref<65536xf32, #tpu.memory_space<vmem>> -> memref<1024xf32, #tpu.memory_space<vmem>>
          %gather3A_427 = tpu.vector_load_idx %gather3A_426[%get3A_353] : memref<1024xf32, #tpu.memory_space<vmem>>[vector<16xi32>], vector<16xf32>,
          %swap3A_428 = arith.index_cast %select_n3A_302 : i32 to index
          %swap3A_429 = arith.index_cast %scan3A_388 : i32 to index
          %swap3A_430 = arith.constant 96 : index
          %swap3A_431 = tpu.vector_load %arg9[%swap3A_428, %swap3A_429, %swap3A_430] {strides = array<i32>} : memref<7x64x128xf32, #tpu.memory_space<vmem>>, vector<16xf32>,
          tpu.vector_store %arg9[%swap3A_428, %swap3A_429, %swap3A_430], %gather3A_427 {strides = array<i32>} : memref<7x64x128xf32, #tpu.memory_space<vmem>>, vector<16xf32>,
          %gather3A_432 = tpu.memref_slice %arg7[%multiple_of3A_391] : memref<65536xf32, #tpu.memory_space<vmem>> -> memref<1024xf32, #tpu.memory_space<vmem>>
          %gather3A_433 = tpu.vector_load_idx %gather3A_432[%get3A_360] : memref<1024xf32, #tpu.memory_space<vmem>>[vector<16xi32>], vector<16xf32>,
          %swap3A_434 = arith.index_cast %select_n3A_302 : i32 to index
          %swap3A_435 = arith.index_cast %scan3A_388 : i32 to index
          %swap3A_436 = arith.constant 112 : index
          %swap3A_437 = tpu.vector_load %arg9[%swap3A_434, %swap3A_435, %swap3A_436] {strides = array<i32>} : memref<7x64x128xf32, #tpu.memory_space<vmem>>, vector<16xf32>,
          tpu.vector_store %arg9[%swap3A_434, %swap3A_435, %swap3A_436], %gather3A_433 {strides = array<i32>} : memref<7x64x128xf32, #tpu.memory_space<vmem>>, vector<16xf32>,
          %scan3A_438 = arith.constant 1 : i32
          %scan3A_439 = arith.addi %scan3A_388, %scan3A_438 : i32
          %mul3A_440 = arith.constant 1024 : i32
          %mul3A_441 = arith.muli %scan3A_439, %mul3A_440 : i32
          %multiple_of3A_442 = tpu.assume_multiple %mul3A_441, 1024 : i32
          %gather3A_443 = tpu.memref_slice %arg7[%multiple_of3A_442] : memref<65536xf32, #tpu.memory_space<vmem>> -> memref<1024xf32, #tpu.memory_space<vmem>>
          %gather3A_444 = tpu.vector_load_idx %gather3A_443[%get3A_311] : memref<1024xf32, #tpu.memory_space<vmem>>[vector<16xi32>], vector<16xf32>,
          %swap3A_445 = arith.index_cast %select_n3A_302 : i32 to index
          %swap3A_446 = arith.index_cast %scan3A_439 : i32 to index
          %swap3A_447 = arith.constant 0 : index
          %swap3A_448 = tpu.vector_load %arg9[%swap3A_445, %swap3A_446, %swap3A_447] {strides = array<i32>} : memref<7x64x128xf32, #tpu.memory_space<vmem>>, vector<16xf32>,
          tpu.vector_store %arg9[%swap3A_445, %swap3A_446, %swap3A_447], %gather3A_444 {strides = array<i32>} : memref<7x64x128xf32, #tpu.memory_space<vmem>>, vector<16xf32>,
          %gather3A_449 = tpu.memref_slice %arg7[%multiple_of3A_442] : memref<65536xf32, #tpu.memory_space<vmem>> -> memref<1024xf32, #tpu.memory_space<vmem>>
          %gather3A_450 = tpu.vector_load_idx %gather3A_449[%get3A_318] : memref<1024xf32, #tpu.memory_space<vmem>>[vector<16xi32>], vector<16xf32>,
          %swap3A_451 = arith.index_cast %select_n3A_302 : i32 to index
          %swap3A_452 = arith.index_cast %scan3A_439 : i32 to index
          %swap3A_453 = arith.constant 16 : index
          %swap3A_454 = tpu.vector_load %arg9[%swap3A_451, %swap3A_452, %swap3A_453] {strides = array<i32>} : memref<7x64x128xf32, #tpu.memory_space<vmem>>, vector<16xf32>,
          tpu.vector_store %arg9[%swap3A_451, %swap3A_452, %swap3A_453], %gather3A_450 {strides = array<i32>} : memref<7x64x128xf32, #tpu.memory_space<vmem>>, vector<16xf32>,
          %gather3A_455 = tpu.memref_slice %arg7[%multiple_of3A_442] : memref<65536xf32, #tpu.memory_space<vmem>> -> memref<1024xf32, #tpu.memory_space<vmem>>
          %gather3A_456 = tpu.vector_load_idx %gather3A_455[%get3A_325] : memref<1024xf32, #tpu.memory_space<vmem>>[vector<16xi32>], vector<16xf32>,
          %swap3A_457 = arith.index_cast %select_n3A_302 : i32 to index
          %swap3A_458 = arith.index_cast %scan3A_439 : i32 to index
          %swap3A_459 = arith.constant 32 : index
          %swap3A_460 = tpu.vector_load %arg9[%swap3A_457, %swap3A_458, %swap3A_459] {strides = array<i32>} : memref<7x64x128xf32, #tpu.memory_space<vmem>>, vector<16xf32>,
          tpu.vector_store %arg9[%swap3A_457, %swap3A_458, %swap3A_459], %gather3A_456 {strides = array<i32>} : memref<7x64x128xf32, #tpu.memory_space<vmem>>, vector<16xf32>,
          %gather3A_461 = tpu.memref_slice %arg7[%multiple_of3A_442] : memref<65536xf32, #tpu.memory_space<vmem>> -> memref<1024xf32, #tpu.memory_space<vmem>>
          %gather3A_462 = tpu.vector_load_idx %gather3A_461[%get3A_332] : memref<1024xf32, #tpu.memory_space<vmem>>[vector<16xi32>], vector<16xf32>,
          %swap3A_463 = arith.index_cast %select_n3A_302 : i32 to index
          %swap3A_464 = arith.index_cast %scan3A_439 : i32 to index
          %swap3A_465 = arith.constant 48 : index
          %swap3A_466 = tpu.vector_load %arg9[%swap3A_463, %swap3A_464, %swap3A_465] {strides = array<i32>} : memref<7x64x128xf32, #tpu.memory_space<vmem>>, vector<16xf32>,
          tpu.vector_store %arg9[%swap3A_463, %swap3A_464, %swap3A_465], %gather3A_462 {strides = array<i32>} : memref<7x64x128xf32, #tpu.memory_space<vmem>>, vector<16xf32>,
          %gather3A_467 = tpu.memref_slice %arg7[%multiple_of3A_442] : memref<65536xf32, #tpu.memory_space<vmem>> -> memref<1024xf32, #tpu.memory_space<vmem>>
          %gather3A_468 = tpu.vector_load_idx %gather3A_467[%get3A_339] : memref<1024xf32, #tpu.memory_space<vmem>>[vector<16xi32>], vector<16xf32>,
          %swap3A_469 = arith.index_cast %select_n3A_302 : i32 to index
          %swap3A_470 = arith.index_cast %scan3A_439 : i32 to index
          %swap3A_471 = arith.constant 64 : index
          %swap3A_472 = tpu.vector_load %arg9[%swap3A_469, %swap3A_470, %swap3A_471] {strides = array<i32>} : memref<7x64x128xf32, #tpu.memory_space<vmem>>, vector<16xf32>,
          tpu.vector_store %arg9[%swap3A_469, %swap3A_470, %swap3A_471], %gather3A_468 {strides = array<i32>} : memref<7x64x128xf32, #tpu.memory_space<vmem>>, vector<16xf32>,
          %gather3A_473 = tpu.memref_slice %arg7[%multiple_of3A_442] : memref<65536xf32, #tpu.memory_space<vmem>> -> memref<1024xf32, #tpu.memory_space<vmem>>
          %gather3A_474 = tpu.vector_load_idx %gather3A_473[%get3A_346] : memref<1024xf32, #tpu.memory_space<vmem>>[vector<16xi32>], vector<16xf32>,
          %swap3A_475 = arith.index_cast %select_n3A_302 : i32 to index
          %swap3A_476 = arith.index_cast %scan3A_439 : i32 to index
          %swap3A_477 = arith.constant 80 : index
          %swap3A_478 = tpu.vector_load %arg9[%swap3A_475, %swap3A_476, %swap3A_477] {strides = array<i32>} : memref<7x64x128xf32, #tpu.memory_space<vmem>>, vector<16xf32>,
          tpu.vector_store %arg9[%swap3A_475, %swap3A_476, %swap3A_477], %gather3A_474 {strides = array<i32>} : memref<7x64x128xf32, #tpu.memory_space<vmem>>, vector<16xf32>,
          %gather3A_479 = tpu.memref_slice %arg7[%multiple_of3A_442] : memref<65536xf32, #tpu.memory_space<vmem>> -> memref<1024xf32, #tpu.memory_space<vmem>>
          %gather3A_480 = tpu.vector_load_idx %gather3A_479[%get3A_353] : memref<1024xf32, #tpu.memory_space<vmem>>[vector<16xi32>], vector<16xf32>,
          %swap3A_481 = arith.index_cast %select_n3A_302 : i32 to index
          %swap3A_482 = arith.index_cast %scan3A_439 : i32 to index
          %swap3A_483 = arith.constant 96 : index
          %swap3A_484 = tpu.vector_load %arg9[%swap3A_481, %swap3A_482, %swap3A_483] {strides = array<i32>} : memref<7x64x128xf32, #tpu.memory_space<vmem>>, vector<16xf32>,
          tpu.vector_store %arg9[%swap3A_481, %swap3A_482, %swap3A_483], %gather3A_480 {strides = array<i32>} : memref<7x64x128xf32, #tpu.memory_space<vmem>>, vector<16xf32>,
          %gather3A_485 = tpu.memref_slice %arg7[%multiple_of3A_442] : memref<65536xf32, #tpu.memory_space<vmem>> -> memref<1024xf32, #tpu.memory_space<vmem>>
          %gather3A_486 = tpu.vector_load_idx %gather3A_485[%get3A_360] : memref<1024xf32, #tpu.memory_space<vmem>>[vector<16xi32>], vector<16xf32>,
          %swap3A_487 = arith.index_cast %select_n3A_302 : i32 to index
          %swap3A_488 = arith.index_cast %scan3A_439 : i32 to index
          %swap3A_489 = arith.constant 112 : index
          %swap3A_490 = tpu.vector_load %arg9[%swap3A_487, %swap3A_488, %swap3A_489] {strides = array<i32>} : memref<7x64x128xf32, #tpu.memory_space<vmem>>, vector<16xf32>,
          tpu.vector_store %arg9[%swap3A_487, %swap3A_488, %swap3A_489], %gather3A_486 {strides = array<i32>} : memref<7x64x128xf32, #tpu.memory_space<vmem>>, vector<16xf32>,
          %scan3A_491 = arith.constant 2 : i32
          %scan3A_492 = arith.addi %scan3A_388, %scan3A_491 : i32
          %mul3A_493 = arith.constant 1024 : i32
          %mul3A_494 = arith.muli %scan3A_492, %mul3A_493 : i32
          %multiple_of3A_495 = tpu.assume_multiple %mul3A_494, 1024 : i32
          %gather3A_496 = tpu.memref_slice %arg7[%multiple_of3A_495] : memref<65536xf32, #tpu.memory_space<vmem>> -> memref<1024xf32, #tpu.memory_space<vmem>>
          %gather3A_497 = tpu.vector_load_idx %gather3A_496[%get3A_311] : memref<1024xf32, #tpu.memory_space<vmem>>[vector<16xi32>], vector<16xf32>,
          %swap3A_498 = arith.index_cast %select_n3A_302 : i32 to index
          %swap3A_499 = arith.index_cast %scan3A_492 : i32 to index
          %swap3A_500 = arith.constant 0 : index
          %swap3A_501 = tpu.vector_load %arg9[%swap3A_498, %swap3A_499, %swap3A_500] {strides = array<i32>} : memref<7x64x128xf32, #tpu.memory_space<vmem>>, vector<16xf32>,
          tpu.vector_store %arg9[%swap3A_498, %swap3A_499, %swap3A_500], %gather3A_497 {strides = array<i32>} : memref<7x64x128xf32, #tpu.memory_space<vmem>>, vector<16xf32>,
          %gather3A_502 = tpu.memref_slice %arg7[%multiple_of3A_495] : memref<65536xf32, #tpu.memory_space<vmem>> -> memref<1024xf32, #tpu.memory_space<vmem>>
          %gather3A_503 = tpu.vector_load_idx %gather3A_502[%get3A_318] : memref<1024xf32, #tpu.memory_space<vmem>>[vector<16xi32>], vector<16xf32>,
          %swap3A_504 = arith.index_cast %select_n3A_302 : i32 to index
          %swap3A_505 = arith.index_cast %scan3A_492 : i32 to index
          %swap3A_506 = arith.constant 16 : index
          %swap3A_507 = tpu.vector_load %arg9[%swap3A_504, %swap3A_505, %swap3A_506] {strides = array<i32>} : memref<7x64x128xf32, #tpu.memory_space<vmem>>, vector<16xf32>,
          tpu.vector_store %arg9[%swap3A_504, %swap3A_505, %swap3A_506], %gather3A_503 {strides = array<i32>} : memref<7x64x128xf32, #tpu.memory_space<vmem>>, vector<16xf32>,
          %gather3A_508 = tpu.memref_slice %arg7[%multiple_of3A_495] : memref<65536xf32, #tpu.memory_space<vmem>> -> memref<1024xf32, #tpu.memory_space<vmem>>
          %gather3A_509 = tpu.vector_load_idx %gather3A_508[%get3A_325] : memref<1024xf32, #tpu.memory_space<vmem>>[vector<16xi32>], vector<16xf32>,
          %swap3A_510 = arith.index_cast %select_n3A_302 : i32 to index
          %swap3A_511 = arith.index_cast %scan3A_492 : i32 to index
          %swap3A_512 = arith.constant 32 : index
          %swap3A_513 = tpu.vector_load %arg9[%swap3A_510, %swap3A_511, %swap3A_512] {strides = array<i32>} : memref<7x64x128xf32, #tpu.memory_space<vmem>>, vector<16xf32>,
          tpu.vector_store %arg9[%swap3A_510, %swap3A_511, %swap3A_512], %gather3A_509 {strides = array<i32>} : memref<7x64x128xf32, #tpu.memory_space<vmem>>, vector<16xf32>,
          %gather3A_514 = tpu.memref_slice %arg7[%multiple_of3A_495] : memref<65536xf32, #tpu.memory_space<vmem>> -> memref<1024xf32, #tpu.memory_space<vmem>>
          %gather3A_515 = tpu.vector_load_idx %gather3A_514[%get3A_332] : memref<1024xf32, #tpu.memory_space<vmem>>[vector<16xi32>], vector<16xf32>,
          %swap3A_516 = arith.index_cast %select_n3A_302 : i32 to index
          %swap3A_517 = arith.index_cast %scan3A_492 : i32 to index
          %swap3A_518 = arith.constant 48 : index
          %swap3A_519 = tpu.vector_load %arg9[%swap3A_516, %swap3A_517, %swap3A_518] {strides = array<i32>} : memref<7x64x128xf32, #tpu.memory_space<vmem>>, vector<16xf32>,
          tpu.vector_store %arg9[%swap3A_516, %swap3A_517, %swap3A_518], %gather3A_515 {strides = array<i32>} : memref<7x64x128xf32, #tpu.memory_space<vmem>>, vector<16xf32>,
          %gather3A_520 = tpu.memref_slice %arg7[%multiple_of3A_495] : memref<65536xf32, #tpu.memory_space<vmem>> -> memref<1024xf32, #tpu.memory_space<vmem>>
          %gather3A_521 = tpu.vector_load_idx %gather3A_520[%get3A_339] : memref<1024xf32, #tpu.memory_space<vmem>>[vector<16xi32>], vector<16xf32>,
          %swap3A_522 = arith.index_cast %select_n3A_302 : i32 to index
          %swap3A_523 = arith.index_cast %scan3A_492 : i32 to index
          %swap3A_524 = arith.constant 64 : index
          %swap3A_525 = tpu.vector_load %arg9[%swap3A_522, %swap3A_523, %swap3A_524] {strides = array<i32>} : memref<7x64x128xf32, #tpu.memory_space<vmem>>, vector<16xf32>,
          tpu.vector_store %arg9[%swap3A_522, %swap3A_523, %swap3A_524], %gather3A_521 {strides = array<i32>} : memref<7x64x128xf32, #tpu.memory_space<vmem>>, vector<16xf32>,
          %gather3A_526 = tpu.memref_slice %arg7[%multiple_of3A_495] : memref<65536xf32, #tpu.memory_space<vmem>> -> memref<1024xf32, #tpu.memory_space<vmem>>
          %gather3A_527 = tpu.vector_load_idx %gather3A_526[%get3A_346] : memref<1024xf32, #tpu.memory_space<vmem>>[vector<16xi32>], vector<16xf32>,
          %swap3A_528 = arith.index_cast %select_n3A_302 : i32 to index
          %swap3A_529 = arith.index_cast %scan3A_492 : i32 to index
          %swap3A_530 = arith.constant 80 : index
          %swap3A_531 = tpu.vector_load %arg9[%swap3A_528, %swap3A_529, %swap3A_530] {strides = array<i32>} : memref<7x64x128xf32, #tpu.memory_space<vmem>>, vector<16xf32>,
          tpu.vector_store %arg9[%swap3A_528, %swap3A_529, %swap3A_530], %gather3A_527 {strides = array<i32>} : memref<7x64x128xf32, #tpu.memory_space<vmem>>, vector<16xf32>,
          %gather3A_532 = tpu.memref_slice %arg7[%multiple_of3A_495] : memref<65536xf32, #tpu.memory_space<vmem>> -> memref<1024xf32, #tpu.memory_space<vmem>>
          %gather3A_533 = tpu.vector_load_idx %gather3A_532[%get3A_353] : memref<1024xf32, #tpu.memory_space<vmem>>[vector<16xi32>], vector<16xf32>,
          %swap3A_534 = arith.index_cast %select_n3A_302 : i32 to index
          %swap3A_535 = arith.index_cast %scan3A_492 : i32 to index
          %swap3A_536 = arith.constant 96 : index
          %swap3A_537 = tpu.vector_load %arg9[%swap3A_534, %swap3A_535, %swap3A_536] {strides = array<i32>} : memref<7x64x128xf32, #tpu.memory_space<vmem>>, vector<16xf32>,
          tpu.vector_store %arg9[%swap3A_534, %swap3A_535, %swap3A_536], %gather3A_533 {strides = array<i32>} : memref<7x64x128xf32, #tpu.memory_space<vmem>>, vector<16xf32>,
          %gather3A_538 = tpu.memref_slice %arg7[%multiple_of3A_495] : memref<65536xf32, #tpu.memory_space<vmem>> -> memref<1024xf32, #tpu.memory_space<vmem>>
          %gather3A_539 = tpu.vector_load_idx %gather3A_538[%get3A_360] : memref<1024xf32, #tpu.memory_space<vmem>>[vector<16xi32>], vector<16xf32>,
          %swap3A_540 = arith.index_cast %select_n3A_302 : i32 to index
          %swap3A_541 = arith.index_cast %scan3A_492 : i32 to index
          %swap3A_542 = arith.constant 112 : index
          %swap3A_543 = tpu.vector_load %arg9[%swap3A_540, %swap3A_541, %swap3A_542] {strides = array<i32>} : memref<7x64x128xf32, #tpu.memory_space<vmem>>, vector<16xf32>,
          tpu.vector_store %arg9[%swap3A_540, %swap3A_541, %swap3A_542], %gather3A_539 {strides = array<i32>} : memref<7x64x128xf32, #tpu.memory_space<vmem>>, vector<16xf32>,
          %scan3A_544 = arith.constant 3 : i32
          %scan3A_545 = arith.addi %scan3A_388, %scan3A_544 : i32
          %mul3A_546 = arith.constant 1024 : i32
          %mul3A_547 = arith.muli %scan3A_545, %mul3A_546 : i32
          %multiple_of3A_548 = tpu.assume_multiple %mul3A_547, 1024 : i32
          %gather3A_549 = tpu.memref_slice %arg7[%multiple_of3A_548] : memref<65536xf32, #tpu.memory_space<vmem>> -> memref<1024xf32, #tpu.memory_space<vmem>>
          %gather3A_550 = tpu.vector_load_idx %gather3A_549[%get3A_311] : memref<1024xf32, #tpu.memory_space<vmem>>[vector<16xi32>], vector<16xf32>,
          %swap3A_551 = arith.index_cast %select_n3A_302 : i32 to index
          %swap3A_552 = arith.index_cast %scan3A_545 : i32 to index
          %swap3A_553 = arith.constant 0 : index
          %swap3A_554 = tpu.vector_load %arg9[%swap3A_551, %swap3A_552, %swap3A_553] {strides = array<i32>} : memref<7x64x128xf32, #tpu.memory_space<vmem>>, vector<16xf32>,
          tpu.vector_store %arg9[%swap3A_551, %swap3A_552, %swap3A_553], %gather3A_550 {strides = array<i32>} : memref<7x64x128xf32, #tpu.memory_space<vmem>>, vector<16xf32>,
          %gather3A_555 = tpu.memref_slice %arg7[%multiple_of3A_548] : memref<65536xf32, #tpu.memory_space<vmem>> -> memref<1024xf32, #tpu.memory_space<vmem>>
          %gather3A_556 = tpu.vector_load_idx %gather3A_555[%get3A_318] : memref<1024xf32, #tpu.memory_space<vmem>>[vector<16xi32>], vector<16xf32>,
          %swap3A_557 = arith.index_cast %select_n3A_302 : i32 to index
          %swap3A_558 = arith.index_cast %scan3A_545 : i32 to index
          %swap3A_559 = arith.constant 16 : index
          %swap3A_560 = tpu.vector_load %arg9[%swap3A_557, %swap3A_558, %swap3A_559] {strides = array<i32>} : memref<7x64x128xf32, #tpu.memory_space<vmem>>, vector<16xf32>,
          tpu.vector_store %arg9[%swap3A_557, %swap3A_558, %swap3A_559], %gather3A_556 {strides = array<i32>} : memref<7x64x128xf32, #tpu.memory_space<vmem>>, vector<16xf32>,
          %gather3A_561 = tpu.memref_slice %arg7[%multiple_of3A_548] : memref<65536xf32, #tpu.memory_space<vmem>> -> memref<1024xf32, #tpu.memory_space<vmem>>
          %gather3A_562 = tpu.vector_load_idx %gather3A_561[%get3A_325] : memref<1024xf32, #tpu.memory_space<vmem>>[vector<16xi32>], vector<16xf32>,
          %swap3A_563 = arith.index_cast %select_n3A_302 : i32 to index
          %swap3A_564 = arith.index_cast %scan3A_545 : i32 to index
          %swap3A_565 = arith.constant 32 : index
          %swap3A_566 = tpu.vector_load %arg9[%swap3A_563, %swap3A_564, %swap3A_565] {strides = array<i32>} : memref<7x64x128xf32, #tpu.memory_space<vmem>>, vector<16xf32>,
          tpu.vector_store %arg9[%swap3A_563, %swap3A_564, %swap3A_565], %gather3A_562 {strides = array<i32>} : memref<7x64x128xf32, #tpu.memory_space<vmem>>, vector<16xf32>,
          %gather3A_567 = tpu.memref_slice %arg7[%multiple_of3A_548] : memref<65536xf32, #tpu.memory_space<vmem>> -> memref<1024xf32, #tpu.memory_space<vmem>>
          %gather3A_568 = tpu.vector_load_idx %gather3A_567[%get3A_332] : memref<1024xf32, #tpu.memory_space<vmem>>[vector<16xi32>], vector<16xf32>,
          %swap3A_569 = arith.index_cast %select_n3A_302 : i32 to index
          %swap3A_570 = arith.index_cast %scan3A_545 : i32 to index
          %swap3A_571 = arith.constant 48 : index
          %swap3A_572 = tpu.vector_load %arg9[%swap3A_569, %swap3A_570, %swap3A_571] {strides = array<i32>} : memref<7x64x128xf32, #tpu.memory_space<vmem>>, vector<16xf32>,
          tpu.vector_store %arg9[%swap3A_569, %swap3A_570, %swap3A_571], %gather3A_568 {strides = array<i32>} : memref<7x64x128xf32, #tpu.memory_space<vmem>>, vector<16xf32>,
          %gather3A_573 = tpu.memref_slice %arg7[%multiple_of3A_548] : memref<65536xf32, #tpu.memory_space<vmem>> -> memref<1024xf32, #tpu.memory_space<vmem>>
          %gather3A_574 = tpu.vector_load_idx %gather3A_573[%get3A_339] : memref<1024xf32, #tpu.memory_space<vmem>>[vector<16xi32>], vector<16xf32>,
          %swap3A_575 = arith.index_cast %select_n3A_302 : i32 to index
          %swap3A_576 = arith.index_cast %scan3A_545 : i32 to index
          %swap3A_577 = arith.constant 64 : index
          %swap3A_578 = tpu.vector_load %arg9[%swap3A_575, %swap3A_576, %swap3A_577] {strides = array<i32>} : memref<7x64x128xf32, #tpu.memory_space<vmem>>, vector<16xf32>,
          tpu.vector_store %arg9[%swap3A_575, %swap3A_576, %swap3A_577], %gather3A_574 {strides = array<i32>} : memref<7x64x128xf32, #tpu.memory_space<vmem>>, vector<16xf32>,
          %gather3A_579 = tpu.memref_slice %arg7[%multiple_of3A_548] : memref<65536xf32, #tpu.memory_space<vmem>> -> memref<1024xf32, #tpu.memory_space<vmem>>
          %gather3A_580 = tpu.vector_load_idx %gather3A_579[%get3A_346] : memref<1024xf32, #tpu.memory_space<vmem>>[vector<16xi32>], vector<16xf32>,
          %swap3A_581 = arith.index_cast %select_n3A_302 : i32 to index
          %swap3A_582 = arith.index_cast %scan3A_545 : i32 to index
          %swap3A_583 = arith.constant 80 : index
          %swap3A_584 = tpu.vector_load %arg9[%swap3A_581, %swap3A_582, %swap3A_583] {strides = array<i32>} : memref<7x64x128xf32, #tpu.memory_space<vmem>>, vector<16xf32>,
          tpu.vector_store %arg9[%swap3A_581, %swap3A_582, %swap3A_583], %gather3A_580 {strides = array<i32>} : memref<7x64x128xf32, #tpu.memory_space<vmem>>, vector<16xf32>,
          %gather3A_585 = tpu.memref_slice %arg7[%multiple_of3A_548] : memref<65536xf32, #tpu.memory_space<vmem>> -> memref<1024xf32, #tpu.memory_space<vmem>>
          %gather3A_586 = tpu.vector_load_idx %gather3A_585[%get3A_353] : memref<1024xf32, #tpu.memory_space<vmem>>[vector<16xi32>], vector<16xf32>,
          %swap3A_587 = arith.index_cast %select_n3A_302 : i32 to index
          %swap3A_588 = arith.index_cast %scan3A_545 : i32 to index
          %swap3A_589 = arith.constant 96 : index
          %swap3A_590 = tpu.vector_load %arg9[%swap3A_587, %swap3A_588, %swap3A_589] {strides = array<i32>} : memref<7x64x128xf32, #tpu.memory_space<vmem>>, vector<16xf32>,
          tpu.vector_store %arg9[%swap3A_587, %swap3A_588, %swap3A_589], %gather3A_586 {strides = array<i32>} : memref<7x64x128xf32, #tpu.memory_space<vmem>>, vector<16xf32>,
          %gather3A_591 = tpu.memref_slice %arg7[%multiple_of3A_548] : memref<65536xf32, #tpu.memory_space<vmem>> -> memref<1024xf32, #tpu.memory_space<vmem>>
          %gather3A_592 = tpu.vector_load_idx %gather3A_591[%get3A_360] : memref<1024xf32, #tpu.memory_space<vmem>>[vector<16xi32>], vector<16xf32>,
          %swap3A_593 = arith.index_cast %select_n3A_302 : i32 to index
          %swap3A_594 = arith.index_cast %scan3A_545 : i32 to index
          %swap3A_595 = arith.constant 112 : index
          %swap3A_596 = tpu.vector_load %arg9[%swap3A_593, %swap3A_594, %swap3A_595] {strides = array<i32>} : memref<7x64x128xf32, #tpu.memory_space<vmem>>, vector<16xf32>,
          tpu.vector_store %arg9[%swap3A_593, %swap3A_594, %swap3A_595], %gather3A_592 {strides = array<i32>} : memref<7x64x128xf32, #tpu.memory_space<vmem>>, vector<16xf32>,
          %scan3A_597 = arith.constant 4 : i32
          %scan3A_598 = arith.addi %scan3A_388, %scan3A_597 : i32
          %mul3A_599 = arith.constant 1024 : i32
          %mul3A_600 = arith.muli %scan3A_598, %mul3A_599 : i32
          %multiple_of3A_601 = tpu.assume_multiple %mul3A_600, 1024 : i32
          %gather3A_602 = tpu.memref_slice %arg7[%multiple_of3A_601] : memref<65536xf32, #tpu.memory_space<vmem>> -> memref<1024xf32, #tpu.memory_space<vmem>>
          %gather3A_603 = tpu.vector_load_idx %gather3A_602[%get3A_311] : memref<1024xf32, #tpu.memory_space<vmem>>[vector<16xi32>], vector<16xf32>,
          %swap3A_604 = arith.index_cast %select_n3A_302 : i32 to index
          %swap3A_605 = arith.index_cast %scan3A_598 : i32 to index
          %swap3A_606 = arith.constant 0 : index
          %swap3A_607 = tpu.vector_load %arg9[%swap3A_604, %swap3A_605, %swap3A_606] {strides = array<i32>} : memref<7x64x128xf32, #tpu.memory_space<vmem>>, vector<16xf32>,
          tpu.vector_store %arg9[%swap3A_604, %swap3A_605, %swap3A_606], %gather3A_603 {strides = array<i32>} : memref<7x64x128xf32, #tpu.memory_space<vmem>>, vector<16xf32>,
          %gather3A_608 = tpu.memref_slice %arg7[%multiple_of3A_601] : memref<65536xf32, #tpu.memory_space<vmem>> -> memref<1024xf32, #tpu.memory_space<vmem>>
          %gather3A_609 = tpu.vector_load_idx %gather3A_608[%get3A_318] : memref<1024xf32, #tpu.memory_space<vmem>>[vector<16xi32>], vector<16xf32>,
          %swap3A_610 = arith.index_cast %select_n3A_302 : i32 to index
          %swap3A_611 = arith.index_cast %scan3A_598 : i32 to index
          %swap3A_612 = arith.constant 16 : index
          %swap3A_613 = tpu.vector_load %arg9[%swap3A_610, %swap3A_611, %swap3A_612] {strides = array<i32>} : memref<7x64x128xf32, #tpu.memory_space<vmem>>, vector<16xf32>,
          tpu.vector_store %arg9[%swap3A_610, %swap3A_611, %swap3A_612], %gather3A_609 {strides = array<i32>} : memref<7x64x128xf32, #tpu.memory_space<vmem>>, vector<16xf32>,
          %gather3A_614 = tpu.memref_slice %arg7[%multiple_of3A_601] : memref<65536xf32, #tpu.memory_space<vmem>> -> memref<1024xf32, #tpu.memory_space<vmem>>
          %gather3A_615 = tpu.vector_load_idx %gather3A_614[%get3A_325] : memref<1024xf32, #tpu.memory_space<vmem>>[vector<16xi32>], vector<16xf32>,
          %swap3A_616 = arith.index_cast %select_n3A_302 : i32 to index
          %swap3A_617 = arith.index_cast %scan3A_598 : i32 to index
          %swap3A_618 = arith.constant 32 : index
          %swap3A_619 = tpu.vector_load %arg9[%swap3A_616, %swap3A_617, %swap3A_618] {strides = array<i32>} : memref<7x64x128xf32, #tpu.memory_space<vmem>>, vector<16xf32>,
          tpu.vector_store %arg9[%swap3A_616, %swap3A_617, %swap3A_618], %gather3A_615 {strides = array<i32>} : memref<7x64x128xf32, #tpu.memory_space<vmem>>, vector<16xf32>,
          %gather3A_620 = tpu.memref_slice %arg7[%multiple_of3A_601] : memref<65536xf32, #tpu.memory_space<vmem>> -> memref<1024xf32, #tpu.memory_space<vmem>>
          %gather3A_621 = tpu.vector_load_idx %gather3A_620[%get3A_332] : memref<1024xf32, #tpu.memory_space<vmem>>[vector<16xi32>], vector<16xf32>,
          %swap3A_622 = arith.index_cast %select_n3A_302 : i32 to index
          %swap3A_623 = arith.index_cast %scan3A_598 : i32 to index
          %swap3A_624 = arith.constant 48 : index
          %swap3A_625 = tpu.vector_load %arg9[%swap3A_622, %swap3A_623, %swap3A_624] {strides = array<i32>} : memref<7x64x128xf32, #tpu.memory_space<vmem>>, vector<16xf32>,
          tpu.vector_store %arg9[%swap3A_622, %swap3A_623, %swap3A_624], %gather3A_621 {strides = array<i32>} : memref<7x64x128xf32, #tpu.memory_space<vmem>>, vector<16xf32>,
          %gather3A_626 = tpu.memref_slice %arg7[%multiple_of3A_601] : memref<65536xf32, #tpu.memory_space<vmem>> -> memref<1024xf32, #tpu.memory_space<vmem>>
          %gather3A_627 = tpu.vector_load_idx %gather3A_626[%get3A_339] : memref<1024xf32, #tpu.memory_space<vmem>>[vector<16xi32>], vector<16xf32>,
          %swap3A_628 = arith.index_cast %select_n3A_302 : i32 to index
          %swap3A_629 = arith.index_cast %scan3A_598 : i32 to index
          %swap3A_630 = arith.constant 64 : index
          %swap3A_631 = tpu.vector_load %arg9[%swap3A_628, %swap3A_629, %swap3A_630] {strides = array<i32>} : memref<7x64x128xf32, #tpu.memory_space<vmem>>, vector<16xf32>,
          tpu.vector_store %arg9[%swap3A_628, %swap3A_629, %swap3A_630], %gather3A_627 {strides = array<i32>} : memref<7x64x128xf32, #tpu.memory_space<vmem>>, vector<16xf32>,
          %gather3A_632 = tpu.memref_slice %arg7[%multiple_of3A_601] : memref<65536xf32, #tpu.memory_space<vmem>> -> memref<1024xf32, #tpu.memory_space<vmem>>
          %gather3A_633 = tpu.vector_load_idx %gather3A_632[%get3A_346] : memref<1024xf32, #tpu.memory_space<vmem>>[vector<16xi32>], vector<16xf32>,
          %swap3A_634 = arith.index_cast %select_n3A_302 : i32 to index
          %swap3A_635 = arith.index_cast %scan3A_598 : i32 to index
          %swap3A_636 = arith.constant 80 : index
          %swap3A_637 = tpu.vector_load %arg9[%swap3A_634, %swap3A_635, %swap3A_636] {strides = array<i32>} : memref<7x64x128xf32, #tpu.memory_space<vmem>>, vector<16xf32>,
          tpu.vector_store %arg9[%swap3A_634, %swap3A_635, %swap3A_636], %gather3A_633 {strides = array<i32>} : memref<7x64x128xf32, #tpu.memory_space<vmem>>, vector<16xf32>,
          %gather3A_638 = tpu.memref_slice %arg7[%multiple_of3A_601] : memref<65536xf32, #tpu.memory_space<vmem>> -> memref<1024xf32, #tpu.memory_space<vmem>>
          %gather3A_639 = tpu.vector_load_idx %gather3A_638[%get3A_353] : memref<1024xf32, #tpu.memory_space<vmem>>[vector<16xi32>], vector<16xf32>,
          %swap3A_640 = arith.index_cast %select_n3A_302 : i32 to index
          %swap3A_641 = arith.index_cast %scan3A_598 : i32 to index
          %swap3A_642 = arith.constant 96 : index
          %swap3A_643 = tpu.vector_load %arg9[%swap3A_640, %swap3A_641, %swap3A_642] {strides = array<i32>} : memref<7x64x128xf32, #tpu.memory_space<vmem>>, vector<16xf32>,
          tpu.vector_store %arg9[%swap3A_640, %swap3A_641, %swap3A_642], %gather3A_639 {strides = array<i32>} : memref<7x64x128xf32, #tpu.memory_space<vmem>>, vector<16xf32>,
          %gather3A_644 = tpu.memref_slice %arg7[%multiple_of3A_601] : memref<65536xf32, #tpu.memory_space<vmem>> -> memref<1024xf32, #tpu.memory_space<vmem>>
          %gather3A_645 = tpu.vector_load_idx %gather3A_644[%get3A_360] : memref<1024xf32, #tpu.memory_space<vmem>>[vector<16xi32>], vector<16xf32>,
          %swap3A_646 = arith.index_cast %select_n3A_302 : i32 to index
          %swap3A_647 = arith.index_cast %scan3A_598 : i32 to index
          %swap3A_648 = arith.constant 112 : index
          %swap3A_649 = tpu.vector_load %arg9[%swap3A_646, %swap3A_647, %swap3A_648] {strides = array<i32>} : memref<7x64x128xf32, #tpu.memory_space<vmem>>, vector<16xf32>,
          tpu.vector_store %arg9[%swap3A_646, %swap3A_647, %swap3A_648], %gather3A_645 {strides = array<i32>} : memref<7x64x128xf32, #tpu.memory_space<vmem>>, vector<16xf32>,
          %scan3A_650 = arith.constant 5 : i32
          %scan3A_651 = arith.addi %scan3A_388, %scan3A_650 : i32
          %mul3A_652 = arith.constant 1024 : i32
          %mul3A_653 = arith.muli %scan3A_651, %mul3A_652 : i32
          %multiple_of3A_654 = tpu.assume_multiple %mul3A_653, 1024 : i32
          %gather3A_655 = tpu.memref_slice %arg7[%multiple_of3A_654] : memref<65536xf32, #tpu.memory_space<vmem>> -> memref<1024xf32, #tpu.memory_space<vmem>>
          %gather3A_656 = tpu.vector_load_idx %gather3A_655[%get3A_311] : memref<1024xf32, #tpu.memory_space<vmem>>[vector<16xi32>], vector<16xf32>,
          %swap3A_657 = arith.index_cast %select_n3A_302 : i32 to index
          %swap3A_658 = arith.index_cast %scan3A_651 : i32 to index
          %swap3A_659 = arith.constant 0 : index
          %swap3A_660 = tpu.vector_load %arg9[%swap3A_657, %swap3A_658, %swap3A_659] {strides = array<i32>} : memref<7x64x128xf32, #tpu.memory_space<vmem>>, vector<16xf32>,
          tpu.vector_store %arg9[%swap3A_657, %swap3A_658, %swap3A_659], %gather3A_656 {strides = array<i32>} : memref<7x64x128xf32, #tpu.memory_space<vmem>>, vector<16xf32>,
          %gather3A_661 = tpu.memref_slice %arg7[%multiple_of3A_654] : memref<65536xf32, #tpu.memory_space<vmem>> -> memref<1024xf32, #tpu.memory_space<vmem>>
          %gather3A_662 = tpu.vector_load_idx %gather3A_661[%get3A_318] : memref<1024xf32, #tpu.memory_space<vmem>>[vector<16xi32>], vector<16xf32>,
          %swap3A_663 = arith.index_cast %select_n3A_302 : i32 to index
          %swap3A_664 = arith.index_cast %scan3A_651 : i32 to index
          %swap3A_665 = arith.constant 16 : index
          %swap3A_666 = tpu.vector_load %arg9[%swap3A_663, %swap3A_664, %swap3A_665] {strides = array<i32>} : memref<7x64x128xf32, #tpu.memory_space<vmem>>, vector<16xf32>,
          tpu.vector_store %arg9[%swap3A_663, %swap3A_664, %swap3A_665], %gather3A_662 {strides = array<i32>} : memref<7x64x128xf32, #tpu.memory_space<vmem>>, vector<16xf32>,
          %gather3A_667 = tpu.memref_slice %arg7[%multiple_of3A_654] : memref<65536xf32, #tpu.memory_space<vmem>> -> memref<1024xf32, #tpu.memory_space<vmem>>
          %gather3A_668 = tpu.vector_load_idx %gather3A_667[%get3A_325] : memref<1024xf32, #tpu.memory_space<vmem>>[vector<16xi32>], vector<16xf32>,
          %swap3A_669 = arith.index_cast %select_n3A_302 : i32 to index
          %swap3A_670 = arith.index_cast %scan3A_651 : i32 to index
          %swap3A_671 = arith.constant 32 : index
          %swap3A_672 = tpu.vector_load %arg9[%swap3A_669, %swap3A_670, %swap3A_671] {strides = array<i32>} : memref<7x64x128xf32, #tpu.memory_space<vmem>>, vector<16xf32>,
          tpu.vector_store %arg9[%swap3A_669, %swap3A_670, %swap3A_671], %gather3A_668 {strides = array<i32>} : memref<7x64x128xf32, #tpu.memory_space<vmem>>, vector<16xf32>,
          %gather3A_673 = tpu.memref_slice %arg7[%multiple_of3A_654] : memref<65536xf32, #tpu.memory_space<vmem>> -> memref<1024xf32, #tpu.memory_space<vmem>>
          %gather3A_674 = tpu.vector_load_idx %gather3A_673[%get3A_332] : memref<1024xf32, #tpu.memory_space<vmem>>[vector<16xi32>], vector<16xf32>,
          %swap3A_675 = arith.index_cast %select_n3A_302 : i32 to index
          %swap3A_676 = arith.index_cast %scan3A_651 : i32 to index
          %swap3A_677 = arith.constant 48 : index
          %swap3A_678 = tpu.vector_load %arg9[%swap3A_675, %swap3A_676, %swap3A_677] {strides = array<i32>} : memref<7x64x128xf32, #tpu.memory_space<vmem>>, vector<16xf32>,
          tpu.vector_store %arg9[%swap3A_675, %swap3A_676, %swap3A_677], %gather3A_674 {strides = array<i32>} : memref<7x64x128xf32, #tpu.memory_space<vmem>>, vector<16xf32>,
          %gather3A_679 = tpu.memref_slice %arg7[%multiple_of3A_654] : memref<65536xf32, #tpu.memory_space<vmem>> -> memref<1024xf32, #tpu.memory_space<vmem>>
          %gather3A_680 = tpu.vector_load_idx %gather3A_679[%get3A_339] : memref<1024xf32, #tpu.memory_space<vmem>>[vector<16xi32>], vector<16xf32>,
          %swap3A_681 = arith.index_cast %select_n3A_302 : i32 to index
          %swap3A_682 = arith.index_cast %scan3A_651 : i32 to index
          %swap3A_683 = arith.constant 64 : index
          %swap3A_684 = tpu.vector_load %arg9[%swap3A_681, %swap3A_682, %swap3A_683] {strides = array<i32>} : memref<7x64x128xf32, #tpu.memory_space<vmem>>, vector<16xf32>,
          tpu.vector_store %arg9[%swap3A_681, %swap3A_682, %swap3A_683], %gather3A_680 {strides = array<i32>} : memref<7x64x128xf32, #tpu.memory_space<vmem>>, vector<16xf32>,
          %gather3A_685 = tpu.memref_slice %arg7[%multiple_of3A_654] : memref<65536xf32, #tpu.memory_space<vmem>> -> memref<1024xf32, #tpu.memory_space<vmem>>
          %gather3A_686 = tpu.vector_load_idx %gather3A_685[%get3A_346] : memref<1024xf32, #tpu.memory_space<vmem>>[vector<16xi32>], vector<16xf32>,
          %swap3A_687 = arith.index_cast %select_n3A_302 : i32 to index
          %swap3A_688 = arith.index_cast %scan3A_651 : i32 to index
          %swap3A_689 = arith.constant 80 : index
          %swap3A_690 = tpu.vector_load %arg9[%swap3A_687, %swap3A_688, %swap3A_689] {strides = array<i32>} : memref<7x64x128xf32, #tpu.memory_space<vmem>>, vector<16xf32>,
          tpu.vector_store %arg9[%swap3A_687, %swap3A_688, %swap3A_689], %gather3A_686 {strides = array<i32>} : memref<7x64x128xf32, #tpu.memory_space<vmem>>, vector<16xf32>,
          %gather3A_691 = tpu.memref_slice %arg7[%multiple_of3A_654] : memref<65536xf32, #tpu.memory_space<vmem>> -> memref<1024xf32, #tpu.memory_space<vmem>>
          %gather3A_692 = tpu.vector_load_idx %gather3A_691[%get3A_353] : memref<1024xf32, #tpu.memory_space<vmem>>[vector<16xi32>], vector<16xf32>,
          %swap3A_693 = arith.index_cast %select_n3A_302 : i32 to index
          %swap3A_694 = arith.index_cast %scan3A_651 : i32 to index
          %swap3A_695 = arith.constant 96 : index
          %swap3A_696 = tpu.vector_load %arg9[%swap3A_693, %swap3A_694, %swap3A_695] {strides = array<i32>} : memref<7x64x128xf32, #tpu.memory_space<vmem>>, vector<16xf32>,
          tpu.vector_store %arg9[%swap3A_693, %swap3A_694, %swap3A_695], %gather3A_692 {strides = array<i32>} : memref<7x64x128xf32, #tpu.memory_space<vmem>>, vector<16xf32>,
          %gather3A_697 = tpu.memref_slice %arg7[%multiple_of3A_654] : memref<65536xf32, #tpu.memory_space<vmem>> -> memref<1024xf32, #tpu.memory_space<vmem>>
          %gather3A_698 = tpu.vector_load_idx %gather3A_697[%get3A_360] : memref<1024xf32, #tpu.memory_space<vmem>>[vector<16xi32>], vector<16xf32>,
          %swap3A_699 = arith.index_cast %select_n3A_302 : i32 to index
          %swap3A_700 = arith.index_cast %scan3A_651 : i32 to index
          %swap3A_701 = arith.constant 112 : index
          %swap3A_702 = tpu.vector_load %arg9[%swap3A_699, %swap3A_700, %swap3A_701] {strides = array<i32>} : memref<7x64x128xf32, #tpu.memory_space<vmem>>, vector<16xf32>,
          tpu.vector_store %arg9[%swap3A_699, %swap3A_700, %swap3A_701], %gather3A_698 {strides = array<i32>} : memref<7x64x128xf32, #tpu.memory_space<vmem>>, vector<16xf32>,
          %scan3A_703 = arith.constant 6 : i32
          %scan3A_704 = arith.addi %scan3A_388, %scan3A_703 : i32
          %mul3A_705 = arith.constant 1024 : i32
          %mul3A_706 = arith.muli %scan3A_704, %mul3A_705 : i32
          %multiple_of3A_707 = tpu.assume_multiple %mul3A_706, 1024 : i32
          %gather3A_708 = tpu.memref_slice %arg7[%multiple_of3A_707] : memref<65536xf32, #tpu.memory_space<vmem>> -> memref<1024xf32, #tpu.memory_space<vmem>>
          %gather3A_709 = tpu.vector_load_idx %gather3A_708[%get3A_311] : memref<1024xf32, #tpu.memory_space<vmem>>[vector<16xi32>], vector<16xf32>,
          %swap3A_710 = arith.index_cast %select_n3A_302 : i32 to index
          %swap3A_711 = arith.index_cast %scan3A_704 : i32 to index
          %swap3A_712 = arith.constant 0 : index
          %swap3A_713 = tpu.vector_load %arg9[%swap3A_710, %swap3A_711, %swap3A_712] {strides = array<i32>} : memref<7x64x128xf32, #tpu.memory_space<vmem>>, vector<16xf32>,
          tpu.vector_store %arg9[%swap3A_710, %swap3A_711, %swap3A_712], %gather3A_709 {strides = array<i32>} : memref<7x64x128xf32, #tpu.memory_space<vmem>>, vector<16xf32>,
          %gather3A_714 = tpu.memref_slice %arg7[%multiple_of3A_707] : memref<65536xf32, #tpu.memory_space<vmem>> -> memref<1024xf32, #tpu.memory_space<vmem>>
          %gather3A_715 = tpu.vector_load_idx %gather3A_714[%get3A_318] : memref<1024xf32, #tpu.memory_space<vmem>>[vector<16xi32>], vector<16xf32>,
          %swap3A_716 = arith.index_cast %select_n3A_302 : i32 to index
          %swap3A_717 = arith.index_cast %scan3A_704 : i32 to index
          %swap3A_718 = arith.constant 16 : index
          %swap3A_719 = tpu.vector_load %arg9[%swap3A_716, %swap3A_717, %swap3A_718] {strides = array<i32>} : memref<7x64x128xf32, #tpu.memory_space<vmem>>, vector<16xf32>,
          tpu.vector_store %arg9[%swap3A_716, %swap3A_717, %swap3A_718], %gather3A_715 {strides = array<i32>} : memref<7x64x128xf32, #tpu.memory_space<vmem>>, vector<16xf32>,
          %gather3A_720 = tpu.memref_slice %arg7[%multiple_of3A_707] : memref<65536xf32, #tpu.memory_space<vmem>> -> memref<1024xf32, #tpu.memory_space<vmem>>
          %gather3A_721 = tpu.vector_load_idx %gather3A_720[%get3A_325] : memref<1024xf32, #tpu.memory_space<vmem>>[vector<16xi32>], vector<16xf32>,
          %swap3A_722 = arith.index_cast %select_n3A_302 : i32 to index
          %swap3A_723 = arith.index_cast %scan3A_704 : i32 to index
          %swap3A_724 = arith.constant 32 : index
          %swap3A_725 = tpu.vector_load %arg9[%swap3A_722, %swap3A_723, %swap3A_724] {strides = array<i32>} : memref<7x64x128xf32, #tpu.memory_space<vmem>>, vector<16xf32>,
          tpu.vector_store %arg9[%swap3A_722, %swap3A_723, %swap3A_724], %gather3A_721 {strides = array<i32>} : memref<7x64x128xf32, #tpu.memory_space<vmem>>, vector<16xf32>,
          %gather3A_726 = tpu.memref_slice %arg7[%multiple_of3A_707] : memref<65536xf32, #tpu.memory_space<vmem>> -> memref<1024xf32, #tpu.memory_space<vmem>>
          %gather3A_727 = tpu.vector_load_idx %gather3A_726[%get3A_332] : memref<1024xf32, #tpu.memory_space<vmem>>[vector<16xi32>], vector<16xf32>,
          %swap3A_728 = arith.index_cast %select_n3A_302 : i32 to index
          %swap3A_729 = arith.index_cast %scan3A_704 : i32 to index
          %swap3A_730 = arith.constant 48 : index
          %swap3A_731 = tpu.vector_load %arg9[%swap3A_728, %swap3A_729, %swap3A_730] {strides = array<i32>} : memref<7x64x128xf32, #tpu.memory_space<vmem>>, vector<16xf32>,
          tpu.vector_store %arg9[%swap3A_728, %swap3A_729, %swap3A_730], %gather3A_727 {strides = array<i32>} : memref<7x64x128xf32, #tpu.memory_space<vmem>>, vector<16xf32>,
          %gather3A_732 = tpu.memref_slice %arg7[%multiple_of3A_707] : memref<65536xf32, #tpu.memory_space<vmem>> -> memref<1024xf32, #tpu.memory_space<vmem>>
          %gather3A_733 = tpu.vector_load_idx %gather3A_732[%get3A_339] : memref<1024xf32, #tpu.memory_space<vmem>>[vector<16xi32>], vector<16xf32>,
          %swap3A_734 = arith.index_cast %select_n3A_302 : i32 to index
          %swap3A_735 = arith.index_cast %scan3A_704 : i32 to index
          %swap3A_736 = arith.constant 64 : index
          %swap3A_737 = tpu.vector_load %arg9[%swap3A_734, %swap3A_735, %swap3A_736] {strides = array<i32>} : memref<7x64x128xf32, #tpu.memory_space<vmem>>, vector<16xf32>,
          tpu.vector_store %arg9[%swap3A_734, %swap3A_735, %swap3A_736], %gather3A_733 {strides = array<i32>} : memref<7x64x128xf32, #tpu.memory_space<vmem>>, vector<16xf32>,
          %gather3A_738 = tpu.memref_slice %arg7[%multiple_of3A_707] : memref<65536xf32, #tpu.memory_space<vmem>> -> memref<1024xf32, #tpu.memory_space<vmem>>
          %gather3A_739 = tpu.vector_load_idx %gather3A_738[%get3A_346] : memref<1024xf32, #tpu.memory_space<vmem>>[vector<16xi32>], vector<16xf32>,
          %swap3A_740 = arith.index_cast %select_n3A_302 : i32 to index
          %swap3A_741 = arith.index_cast %scan3A_704 : i32 to index
          %swap3A_742 = arith.constant 80 : index
          %swap3A_743 = tpu.vector_load %arg9[%swap3A_740, %swap3A_741, %swap3A_742] {strides = array<i32>} : memref<7x64x128xf32, #tpu.memory_space<vmem>>, vector<16xf32>,
          tpu.vector_store %arg9[%swap3A_740, %swap3A_741, %swap3A_742], %gather3A_739 {strides = array<i32>} : memref<7x64x128xf32, #tpu.memory_space<vmem>>, vector<16xf32>,
          %gather3A_744 = tpu.memref_slice %arg7[%multiple_of3A_707] : memref<65536xf32, #tpu.memory_space<vmem>> -> memref<1024xf32, #tpu.memory_space<vmem>>
          %gather3A_745 = tpu.vector_load_idx %gather3A_744[%get3A_353] : memref<1024xf32, #tpu.memory_space<vmem>>[vector<16xi32>], vector<16xf32>,
          %swap3A_746 = arith.index_cast %select_n3A_302 : i32 to index
          %swap3A_747 = arith.index_cast %scan3A_704 : i32 to index
          %swap3A_748 = arith.constant 96 : index
          %swap3A_749 = tpu.vector_load %arg9[%swap3A_746, %swap3A_747, %swap3A_748] {strides = array<i32>} : memref<7x64x128xf32, #tpu.memory_space<vmem>>, vector<16xf32>,
          tpu.vector_store %arg9[%swap3A_746, %swap3A_747, %swap3A_748], %gather3A_745 {strides = array<i32>} : memref<7x64x128xf32, #tpu.memory_space<vmem>>, vector<16xf32>,
          %gather3A_750 = tpu.memref_slice %arg7[%multiple_of3A_707] : memref<65536xf32, #tpu.memory_space<vmem>> -> memref<1024xf32, #tpu.memory_space<vmem>>
          %gather3A_751 = tpu.vector_load_idx %gather3A_750[%get3A_360] : memref<1024xf32, #tpu.memory_space<vmem>>[vector<16xi32>], vector<16xf32>,
          %swap3A_752 = arith.index_cast %select_n3A_302 : i32 to index
          %swap3A_753 = arith.index_cast %scan3A_704 : i32 to index
          %swap3A_754 = arith.constant 112 : index
          %swap3A_755 = tpu.vector_load %arg9[%swap3A_752, %swap3A_753, %swap3A_754] {strides = array<i32>} : memref<7x64x128xf32, #tpu.memory_space<vmem>>, vector<16xf32>,
          tpu.vector_store %arg9[%swap3A_752, %swap3A_753, %swap3A_754], %gather3A_751 {strides = array<i32>} : memref<7x64x128xf32, #tpu.memory_space<vmem>>, vector<16xf32>,
          %scan3A_756 = arith.constant 7 : i32
          %scan3A_757 = arith.addi %scan3A_388, %scan3A_756 : i32
          %mul3A_758 = arith.constant 1024 : i32
          %mul3A_759 = arith.muli %scan3A_757, %mul3A_758 : i32
          %multiple_of3A_760 = tpu.assume_multiple %mul3A_759, 1024 : i32
          %gather3A_761 = tpu.memref_slice %arg7[%multiple_of3A_760] : memref<65536xf32, #tpu.memory_space<vmem>> -> memref<1024xf32, #tpu.memory_space<vmem>>
          %gather3A_762 = tpu.vector_load_idx %gather3A_761[%get3A_311] : memref<1024xf32, #tpu.memory_space<vmem>>[vector<16xi32>], vector<16xf32>,
          %swap3A_763 = arith.index_cast %select_n3A_302 : i32 to index
          %swap3A_764 = arith.index_cast %scan3A_757 : i32 to index
          %swap3A_765 = arith.constant 0 : index
          %swap3A_766 = tpu.vector_load %arg9[%swap3A_763, %swap3A_764, %swap3A_765] {strides = array<i32>} : memref<7x64x128xf32, #tpu.memory_space<vmem>>, vector<16xf32>,
          tpu.vector_store %arg9[%swap3A_763, %swap3A_764, %swap3A_765], %gather3A_762 {strides = array<i32>} : memref<7x64x128xf32, #tpu.memory_space<vmem>>, vector<16xf32>,
          %gather3A_767 = tpu.memref_slice %arg7[%multiple_of3A_760] : memref<65536xf32, #tpu.memory_space<vmem>> -> memref<1024xf32, #tpu.memory_space<vmem>>
          %gather3A_768 = tpu.vector_load_idx %gather3A_767[%get3A_318] : memref<1024xf32, #tpu.memory_space<vmem>>[vector<16xi32>], vector<16xf32>,
          %swap3A_769 = arith.index_cast %select_n3A_302 : i32 to index
          %swap3A_770 = arith.index_cast %scan3A_757 : i32 to index
          %swap3A_771 = arith.constant 16 : index
          %swap3A_772 = tpu.vector_load %arg9[%swap3A_769, %swap3A_770, %swap3A_771] {strides = array<i32>} : memref<7x64x128xf32, #tpu.memory_space<vmem>>, vector<16xf32>,
          tpu.vector_store %arg9[%swap3A_769, %swap3A_770, %swap3A_771], %gather3A_768 {strides = array<i32>} : memref<7x64x128xf32, #tpu.memory_space<vmem>>, vector<16xf32>,
          %gather3A_773 = tpu.memref_slice %arg7[%multiple_of3A_760] : memref<65536xf32, #tpu.memory_space<vmem>> -> memref<1024xf32, #tpu.memory_space<vmem>>
          %gather3A_774 = tpu.vector_load_idx %gather3A_773[%get3A_325] : memref<1024xf32, #tpu.memory_space<vmem>>[vector<16xi32>], vector<16xf32>,
          %swap3A_775 = arith.index_cast %select_n3A_302 : i32 to index
          %swap3A_776 = arith.index_cast %scan3A_757 : i32 to index
          %swap3A_777 = arith.constant 32 : index
          %swap3A_778 = tpu.vector_load %arg9[%swap3A_775, %swap3A_776, %swap3A_777] {strides = array<i32>} : memref<7x64x128xf32, #tpu.memory_space<vmem>>, vector<16xf32>,
          tpu.vector_store %arg9[%swap3A_775, %swap3A_776, %swap3A_777], %gather3A_774 {strides = array<i32>} : memref<7x64x128xf32, #tpu.memory_space<vmem>>, vector<16xf32>,
          %gather3A_779 = tpu.memref_slice %arg7[%multiple_of3A_760] : memref<65536xf32, #tpu.memory_space<vmem>> -> memref<1024xf32, #tpu.memory_space<vmem>>
          %gather3A_780 = tpu.vector_load_idx %gather3A_779[%get3A_332] : memref<1024xf32, #tpu.memory_space<vmem>>[vector<16xi32>], vector<16xf32>,
          %swap3A_781 = arith.index_cast %select_n3A_302 : i32 to index
          %swap3A_782 = arith.index_cast %scan3A_757 : i32 to index
          %swap3A_783 = arith.constant 48 : index
          %swap3A_784 = tpu.vector_load %arg9[%swap3A_781, %swap3A_782, %swap3A_783] {strides = array<i32>} : memref<7x64x128xf32, #tpu.memory_space<vmem>>, vector<16xf32>,
          tpu.vector_store %arg9[%swap3A_781, %swap3A_782, %swap3A_783], %gather3A_780 {strides = array<i32>} : memref<7x64x128xf32, #tpu.memory_space<vmem>>, vector<16xf32>,
          %gather3A_785 = tpu.memref_slice %arg7[%multiple_of3A_760] : memref<65536xf32, #tpu.memory_space<vmem>> -> memref<1024xf32, #tpu.memory_space<vmem>>
          %gather3A_786 = tpu.vector_load_idx %gather3A_785[%get3A_339] : memref<1024xf32, #tpu.memory_space<vmem>>[vector<16xi32>], vector<16xf32>,
          %swap3A_787 = arith.index_cast %select_n3A_302 : i32 to index
          %swap3A_788 = arith.index_cast %scan3A_757 : i32 to index
          %swap3A_789 = arith.constant 64 : index
          %swap3A_790 = tpu.vector_load %arg9[%swap3A_787, %swap3A_788, %swap3A_789] {strides = array<i32>} : memref<7x64x128xf32, #tpu.memory_space<vmem>>, vector<16xf32>,
          tpu.vector_store %arg9[%swap3A_787, %swap3A_788, %swap3A_789], %gather3A_786 {strides = array<i32>} : memref<7x64x128xf32, #tpu.memory_space<vmem>>, vector<16xf32>,
          %gather3A_791 = tpu.memref_slice %arg7[%multiple_of3A_760] : memref<65536xf32, #tpu.memory_space<vmem>> -> memref<1024xf32, #tpu.memory_space<vmem>>
          %gather3A_792 = tpu.vector_load_idx %gather3A_791[%get3A_346] : memref<1024xf32, #tpu.memory_space<vmem>>[vector<16xi32>], vector<16xf32>,
          %swap3A_793 = arith.index_cast %select_n3A_302 : i32 to index
          %swap3A_794 = arith.index_cast %scan3A_757 : i32 to index
          %swap3A_795 = arith.constant 80 : index
          %swap3A_796 = tpu.vector_load %arg9[%swap3A_793, %swap3A_794, %swap3A_795] {strides = array<i32>} : memref<7x64x128xf32, #tpu.memory_space<vmem>>, vector<16xf32>,
          tpu.vector_store %arg9[%swap3A_793, %swap3A_794, %swap3A_795], %gather3A_792 {strides = array<i32>} : memref<7x64x128xf32, #tpu.memory_space<vmem>>, vector<16xf32>,
          %gather3A_797 = tpu.memref_slice %arg7[%multiple_of3A_760] : memref<65536xf32, #tpu.memory_space<vmem>> -> memref<1024xf32, #tpu.memory_space<vmem>>
          %gather3A_798 = tpu.vector_load_idx %gather3A_797[%get3A_353] : memref<1024xf32, #tpu.memory_space<vmem>>[vector<16xi32>], vector<16xf32>,
          %swap3A_799 = arith.index_cast %select_n3A_302 : i32 to index
          %swap3A_800 = arith.index_cast %scan3A_757 : i32 to index
          %swap3A_801 = arith.constant 96 : index
          %swap3A_802 = tpu.vector_load %arg9[%swap3A_799, %swap3A_800, %swap3A_801] {strides = array<i32>} : memref<7x64x128xf32, #tpu.memory_space<vmem>>, vector<16xf32>,
          tpu.vector_store %arg9[%swap3A_799, %swap3A_800, %swap3A_801], %gather3A_798 {strides = array<i32>} : memref<7x64x128xf32, #tpu.memory_space<vmem>>, vector<16xf32>,
          %gather3A_803 = tpu.memref_slice %arg7[%multiple_of3A_760] : memref<65536xf32, #tpu.memory_space<vmem>> -> memref<1024xf32, #tpu.memory_space<vmem>>
          %gather3A_804 = tpu.vector_load_idx %gather3A_803[%get3A_360] : memref<1024xf32, #tpu.memory_space<vmem>>[vector<16xi32>], vector<16xf32>,
          %swap3A_805 = arith.index_cast %select_n3A_302 : i32 to index
          %swap3A_806 = arith.index_cast %scan3A_757 : i32 to index
          %swap3A_807 = arith.constant 112 : index
          %swap3A_808 = tpu.vector_load %arg9[%swap3A_805, %swap3A_806, %swap3A_807] {strides = array<i32>} : memref<7x64x128xf32, #tpu.memory_space<vmem>>, vector<16xf32>,
          tpu.vector_store %arg9[%swap3A_805, %swap3A_806, %swap3A_807], %gather3A_804 {strides = array<i32>} : memref<7x64x128xf32, #tpu.memory_space<vmem>>, vector<16xf32>,
        }
        %scan3A_370 = arith.constant 64 : i32
        %dma_start3A = arith.constant 0 : i32
        %dma_start3A_371 = arith.constant 0 : i32
        %dma_start3A_372 = tpu.memref_slice %arg9[%select_n3A_302, %dma_start3A, %dma_start3A_371] : memref<7x64x128xf32, #tpu.memory_space<vmem>> -> memref<1x64x128xf32, #tpu.memory_space<vmem>>
        %dma_start3A_373 = tpu.memref_squeeze %dma_start3A_372 : memref<1x64x128xf32, #tpu.memory_space<vmem>> -> memref<64x128xf32, #tpu.memory_space<vmem>>
        %dma_start3A_374 = arith.constant 0 : i32
        %dma_start3A_375 = tpu.memref_slice %arg6[%while3A_230, %dma_start3A_374, %multiple_of3A_305] : memref<1000x64x1024xf32, #tpu.memory_space<hbm>> -> memref<1x64x128xf32, #tpu.memory_space<hbm>>
        %dma_start3A_376 = tpu.memref_squeeze %dma_start3A_375 : memref<1x64x128xf32, #tpu.memory_space<hbm>> -> memref<64x128xf32, #tpu.memory_space<hbm>>
        %dma_start3A_377 = tpu.memref_slice %arg11[%select_n3A_302] : memref<7x!tpu.dma_semaphore, #tpu.memory_space<semaphore_mem>> -> memref<1x!tpu.dma_semaphore, #tpu.memory_space<semaphore_mem>>
        %dma_start3A_378 = tpu.memref_squeeze %dma_start3A_377 : memref<1x!tpu.dma_semaphore, #tpu.memory_space<semaphore_mem>> -> memref<!tpu.dma_semaphore, #tpu.memory_space<semaphore_mem>>
        %dma_start3A_379 = arith.constant 0 : i32
        %dma_start3A_380 = tpu.memref_slice %arg6[%while3A_230, %dma_start3A_379, %multiple_of3A_305] : memref<1000x64x1024xf32, #tpu.memory_space<hbm>> -> memref<1x64x128xf32, #tpu.memory_space<hbm>>
        %dma_start3A_381 = tpu.memref_squeeze %dma_start3A_380 : memref<1x64x128xf32, #tpu.memory_space<hbm>> -> memref<64x128xf32, #tpu.memory_space<hbm>>
        %dma_start3A_382 = arith.constant 0 : i32
        %dma_start3A_383 = arith.constant 0 : i32
        %dma_start3A_384 = tpu.memref_slice %arg9[%select_n3A_302, %dma_start3A_382, %dma_start3A_383] : memref<7x64x128xf32, #tpu.memory_space<vmem>> -> memref<1x64x128xf32, #tpu.memory_space<vmem>>
        %dma_start3A_385 = tpu.memref_squeeze %dma_start3A_384 : memref<1x64x128xf32, #tpu.memory_space<vmem>> -> memref<64x128xf32, #tpu.memory_space<vmem>>
        tpu.enqueue_dma source(%dma_start3A_385 : memref<64x128xf32, #tpu.memory_space<vmem>>) target(%dma_start3A_381 : memref<64x128xf32, #tpu.memory_space<hbm>>) target_semaphore(%dma_start3A_378 : memref<!tpu.dma_semaphore, #tpu.memory_space<semaphore_mem>>)
        %add3A_386 = arith.constant 1 : i32
        %add3A_387 = arith.addi %scan3A_286, %add3A_386 : i32
        scf.yield %add3A_387 : i32
      }
      %scan3A_284 = arith.constant 8 : i32
      scf.yield %scan3A_283 : i32
    }
    %dma_wait3A = arith.constant 0 : i32
    %dma_wait3A_84 = arith.constant 0 : i32
    %dma_wait3A_85 = arith.constant 0 : i32
    %dma_wait3A_86 = arith.constant 0 : i32
    %dma_wait3A_87 = arith.constant 0 : i32
    %dma_wait3A_88 = tpu.memref_slice %arg9[%dma_wait3A, %dma_wait3A_86, %dma_wait3A_87] : memref<7x64x128xf32, #tpu.memory_space<vmem>> -> memref<1x64x128xf32, #tpu.memory_space<vmem>>
    %dma_wait3A_89 = tpu.memref_squeeze %dma_wait3A_88 : memref<1x64x128xf32, #tpu.memory_space<vmem>> -> memref<64x128xf32, #tpu.memory_space<vmem>>
    %dma_wait3A_90 = arith.constant 0 : i32
    %dma_wait3A_91 = arith.constant 0 : i32
    %dma_wait3A_92 = tpu.memref_slice %arg5[%dma_wait3A_84, %dma_wait3A_90, %dma_wait3A_91] : memref<400x64x1024xf32, #tpu.memory_space<hbm>> -> memref<1x64x128xf32, #tpu.memory_space<hbm>>
    %dma_wait3A_93 = tpu.memref_squeeze %dma_wait3A_92 : memref<1x64x128xf32, #tpu.memory_space<hbm>> -> memref<64x128xf32, #tpu.memory_space<hbm>>
    %dma_wait3A_94 = tpu.memref_slice %arg11[%dma_wait3A_85] : memref<7x!tpu.dma_semaphore, #tpu.memory_space<semaphore_mem>> -> memref<1x!tpu.dma_semaphore, #tpu.memory_space<semaphore_mem>>
    %dma_wait3A_95 = tpu.memref_squeeze %dma_wait3A_94 : memref<1x!tpu.dma_semaphore, #tpu.memory_space<semaphore_mem>> -> memref<!tpu.dma_semaphore, #tpu.memory_space<semaphore_mem>>
    %dma_wait3A_96 = arith.constant 0 : i32
    %dma_wait3A_97 = arith.constant 0 : i32
    %dma_wait3A_98 = tpu.memref_slice %arg5[%dma_wait3A_84, %dma_wait3A_96, %dma_wait3A_97] : memref<400x64x1024xf32, #tpu.memory_space<hbm>> -> memref<1x64x128xf32, #tpu.memory_space<hbm>>
    %dma_wait3A_99 = tpu.memref_squeeze %dma_wait3A_98 : memref<1x64x128xf32, #tpu.memory_space<hbm>> -> memref<64x128xf32, #tpu.memory_space<hbm>>
    %dma_wait3A_100 = arith.constant 0 : i32
    %dma_wait3A_101 = arith.constant 0 : i32
    %dma_wait3A_102 = tpu.memref_slice %arg9[%dma_wait3A, %dma_wait3A_100, %dma_wait3A_101] : memref<7x64x128xf32, #tpu.memory_space<vmem>> -> memref<1x64x128xf32, #tpu.memory_space<vmem>>
    %dma_wait3A_103 = tpu.memref_squeeze %dma_wait3A_102 : memref<1x64x128xf32, #tpu.memory_space<vmem>> -> memref<64x128xf32, #tpu.memory_space<vmem>>
    tpu.wait_dma2 semaphore(%dma_wait3A_95 : memref<!tpu.dma_semaphore, #tpu.memory_space<semaphore_mem>>) src(%dma_wait3A_103 : memref<64x128xf32, #tpu.memory_space<vmem>>) dst(%dma_wait3A_99 : memref<64x128xf32, #tpu.memory_space<hbm>>)
    %dma_wait3A_104 = arith.constant 1 : i32
    %dma_wait3A_105 = arith.constant 0 : i32
    %dma_wait3A_106 = arith.constant 1 : i32
    %dma_wait3A_107 = arith.constant 0 : i32
    %dma_wait3A_108 = arith.constant 0 : i32
    %dma_wait3A_109 = tpu.memref_slice %arg9[%dma_wait3A_104, %dma_wait3A_107, %dma_wait3A_108] : memref<7x64x128xf32, #tpu.memory_space<vmem>> -> memref<1x64x128xf32, #tpu.memory_space<vmem>>
    %dma_wait3A_110 = tpu.memref_squeeze %dma_wait3A_109 : memref<1x64x128xf32, #tpu.memory_space<vmem>> -> memref<64x128xf32, #tpu.memory_space<vmem>>
    %dma_wait3A_111 = arith.constant 0 : i32
    %dma_wait3A_112 = arith.constant 0 : i32
    %dma_wait3A_113 = tpu.memref_slice %arg5[%dma_wait3A_105, %dma_wait3A_111, %dma_wait3A_112] : memref<400x64x1024xf32, #tpu.memory_space<hbm>> -> memref<1x64x128xf32, #tpu.memory_space<hbm>>
    %dma_wait3A_114 = tpu.memref_squeeze %dma_wait3A_113 : memref<1x64x128xf32, #tpu.memory_space<hbm>> -> memref<64x128xf32, #tpu.memory_space<hbm>>
    %dma_wait3A_115 = tpu.memref_slice %arg11[%dma_wait3A_106] : memref<7x!tpu.dma_semaphore, #tpu.memory_space<semaphore_mem>> -> memref<1x!tpu.dma_semaphore, #tpu.memory_space<semaphore_mem>>
    %dma_wait3A_116 = tpu.memref_squeeze %dma_wait3A_115 : memref<1x!tpu.dma_semaphore, #tpu.memory_space<semaphore_mem>> -> memref<!tpu.dma_semaphore, #tpu.memory_space<semaphore_mem>>
    %dma_wait3A_117 = arith.constant 0 : i32
    %dma_wait3A_118 = arith.constant 0 : i32
    %dma_wait3A_119 = tpu.memref_slice %arg5[%dma_wait3A_105, %dma_wait3A_117, %dma_wait3A_118] : memref<400x64x1024xf32, #tpu.memory_space<hbm>> -> memref<1x64x128xf32, #tpu.memory_space<hbm>>
    %dma_wait3A_120 = tpu.memref_squeeze %dma_wait3A_119 : memref<1x64x128xf32, #tpu.memory_space<hbm>> -> memref<64x128xf32, #tpu.memory_space<hbm>>
    %dma_wait3A_121 = arith.constant 0 : i32
    %dma_wait3A_122 = arith.constant 0 : i32
    %dma_wait3A_123 = tpu.memref_slice %arg9[%dma_wait3A_104, %dma_wait3A_121, %dma_wait3A_122] : memref<7x64x128xf32, #tpu.memory_space<vmem>> -> memref<1x64x128xf32, #tpu.memory_space<vmem>>
    %dma_wait3A_124 = tpu.memref_squeeze %dma_wait3A_123 : memref<1x64x128xf32, #tpu.memory_space<vmem>> -> memref<64x128xf32, #tpu.memory_space<vmem>>
    tpu.wait_dma2 semaphore(%dma_wait3A_116 : memref<!tpu.dma_semaphore, #tpu.memory_space<semaphore_mem>>) src(%dma_wait3A_124 : memref<64x128xf32, #tpu.memory_space<vmem>>) dst(%dma_wait3A_120 : memref<64x128xf32, #tpu.memory_space<hbm>>)
    %dma_wait3A_125 = arith.constant 2 : i32
    %dma_wait3A_126 = arith.constant 0 : i32
    %dma_wait3A_127 = arith.constant 2 : i32
    %dma_wait3A_128 = arith.constant 0 : i32
    %dma_wait3A_129 = arith.constant 0 : i32
    %dma_wait3A_130 = tpu.memref_slice %arg9[%dma_wait3A_125, %dma_wait3A_128, %dma_wait3A_129] : memref<7x64x128xf32, #tpu.memory_space<vmem>> -> memref<1x64x128xf32, #tpu.memory_space<vmem>>
    %dma_wait3A_131 = tpu.memref_squeeze %dma_wait3A_130 : memref<1x64x128xf32, #tpu.memory_space<vmem>> -> memref<64x128xf32, #tpu.memory_space<vmem>>
    %dma_wait3A_132 = arith.constant 0 : i32
    %dma_wait3A_133 = arith.constant 0 : i32
    %dma_wait3A_134 = tpu.memref_slice %arg5[%dma_wait3A_126, %dma_wait3A_132, %dma_wait3A_133] : memref<400x64x1024xf32, #tpu.memory_space<hbm>> -> memref<1x64x128xf32, #tpu.memory_space<hbm>>
    %dma_wait3A_135 = tpu.memref_squeeze %dma_wait3A_134 : memref<1x64x128xf32, #tpu.memory_space<hbm>> -> memref<64x128xf32, #tpu.memory_space<hbm>>
    %dma_wait3A_136 = tpu.memref_slice %arg11[%dma_wait3A_127] : memref<7x!tpu.dma_semaphore, #tpu.memory_space<semaphore_mem>> -> memref<1x!tpu.dma_semaphore, #tpu.memory_space<semaphore_mem>>
    %dma_wait3A_137 = tpu.memref_squeeze %dma_wait3A_136 : memref<1x!tpu.dma_semaphore, #tpu.memory_space<semaphore_mem>> -> memref<!tpu.dma_semaphore, #tpu.memory_space<semaphore_mem>>
    %dma_wait3A_138 = arith.constant 0 : i32
    %dma_wait3A_139 = arith.constant 0 : i32
    %dma_wait3A_140 = tpu.memref_slice %arg5[%dma_wait3A_126, %dma_wait3A_138, %dma_wait3A_139] : memref<400x64x1024xf32, #tpu.memory_space<hbm>> -> memref<1x64x128xf32, #tpu.memory_space<hbm>>
    %dma_wait3A_141 = tpu.memref_squeeze %dma_wait3A_140 : memref<1x64x128xf32, #tpu.memory_space<hbm>> -> memref<64x128xf32, #tpu.memory_space<hbm>>
    %dma_wait3A_142 = arith.constant 0 : i32
    %dma_wait3A_143 = arith.constant 0 : i32
    %dma_wait3A_144 = tpu.memref_slice %arg9[%dma_wait3A_125, %dma_wait3A_142, %dma_wait3A_143] : memref<7x64x128xf32, #tpu.memory_space<vmem>> -> memref<1x64x128xf32, #tpu.memory_space<vmem>>
    %dma_wait3A_145 = tpu.memref_squeeze %dma_wait3A_144 : memref<1x64x128xf32, #tpu.memory_space<vmem>> -> memref<64x128xf32, #tpu.memory_space<vmem>>
    tpu.wait_dma2 semaphore(%dma_wait3A_137 : memref<!tpu.dma_semaphore, #tpu.memory_space<semaphore_mem>>) src(%dma_wait3A_145 : memref<64x128xf32, #tpu.memory_space<vmem>>) dst(%dma_wait3A_141 : memref<64x128xf32, #tpu.memory_space<hbm>>)
    %dma_wait3A_146 = arith.constant 3 : i32
    %dma_wait3A_147 = arith.constant 0 : i32
    %dma_wait3A_148 = arith.constant 3 : i32
    %dma_wait3A_149 = arith.constant 0 : i32
    %dma_wait3A_150 = arith.constant 0 : i32
    %dma_wait3A_151 = tpu.memref_slice %arg9[%dma_wait3A_146, %dma_wait3A_149, %dma_wait3A_150] : memref<7x64x128xf32, #tpu.memory_space<vmem>> -> memref<1x64x128xf32, #tpu.memory_space<vmem>>
    %dma_wait3A_152 = tpu.memref_squeeze %dma_wait3A_151 : memref<1x64x128xf32, #tpu.memory_space<vmem>> -> memref<64x128xf32, #tpu.memory_space<vmem>>
    %dma_wait3A_153 = arith.constant 0 : i32
    %dma_wait3A_154 = arith.constant 0 : i32
    %dma_wait3A_155 = tpu.memref_slice %arg5[%dma_wait3A_147, %dma_wait3A_153, %dma_wait3A_154] : memref<400x64x1024xf32, #tpu.memory_space<hbm>> -> memref<1x64x128xf32, #tpu.memory_space<hbm>>
    %dma_wait3A_156 = tpu.memref_squeeze %dma_wait3A_155 : memref<1x64x128xf32, #tpu.memory_space<hbm>> -> memref<64x128xf32, #tpu.memory_space<hbm>>
    %dma_wait3A_157 = tpu.memref_slice %arg11[%dma_wait3A_148] : memref<7x!tpu.dma_semaphore, #tpu.memory_space<semaphore_mem>> -> memref<1x!tpu.dma_semaphore, #tpu.memory_space<semaphore_mem>>
    %dma_wait3A_158 = tpu.memref_squeeze %dma_wait3A_157 : memref<1x!tpu.dma_semaphore, #tpu.memory_space<semaphore_mem>> -> memref<!tpu.dma_semaphore, #tpu.memory_space<semaphore_mem>>
    %dma_wait3A_159 = arith.constant 0 : i32
    %dma_wait3A_160 = arith.constant 0 : i32
    %dma_wait3A_161 = tpu.memref_slice %arg5[%dma_wait3A_147, %dma_wait3A_159, %dma_wait3A_160] : memref<400x64x1024xf32, #tpu.memory_space<hbm>> -> memref<1x64x128xf32, #tpu.memory_space<hbm>>
    %dma_wait3A_162 = tpu.memref_squeeze %dma_wait3A_161 : memref<1x64x128xf32, #tpu.memory_space<hbm>> -> memref<64x128xf32, #tpu.memory_space<hbm>>
    %dma_wait3A_163 = arith.constant 0 : i32
    %dma_wait3A_164 = arith.constant 0 : i32
    %dma_wait3A_165 = tpu.memref_slice %arg9[%dma_wait3A_146, %dma_wait3A_163, %dma_wait3A_164] : memref<7x64x128xf32, #tpu.memory_space<vmem>> -> memref<1x64x128xf32, #tpu.memory_space<vmem>>
    %dma_wait3A_166 = tpu.memref_squeeze %dma_wait3A_165 : memref<1x64x128xf32, #tpu.memory_space<vmem>> -> memref<64x128xf32, #tpu.memory_space<vmem>>
    tpu.wait_dma2 semaphore(%dma_wait3A_158 : memref<!tpu.dma_semaphore, #tpu.memory_space<semaphore_mem>>) src(%dma_wait3A_166 : memref<64x128xf32, #tpu.memory_space<vmem>>) dst(%dma_wait3A_162 : memref<64x128xf32, #tpu.memory_space<hbm>>)
    %dma_wait3A_167 = arith.constant 4 : i32
    %dma_wait3A_168 = arith.constant 0 : i32
    %dma_wait3A_169 = arith.constant 4 : i32
    %dma_wait3A_170 = arith.constant 0 : i32
    %dma_wait3A_171 = arith.constant 0 : i32
    %dma_wait3A_172 = tpu.memref_slice %arg9[%dma_wait3A_167, %dma_wait3A_170, %dma_wait3A_171] : memref<7x64x128xf32, #tpu.memory_space<vmem>> -> memref<1x64x128xf32, #tpu.memory_space<vmem>>
    %dma_wait3A_173 = tpu.memref_squeeze %dma_wait3A_172 : memref<1x64x128xf32, #tpu.memory_space<vmem>> -> memref<64x128xf32, #tpu.memory_space<vmem>>
    %dma_wait3A_174 = arith.constant 0 : i32
    %dma_wait3A_175 = arith.constant 0 : i32
    %dma_wait3A_176 = tpu.memref_slice %arg5[%dma_wait3A_168, %dma_wait3A_174, %dma_wait3A_175] : memref<400x64x1024xf32, #tpu.memory_space<hbm>> -> memref<1x64x128xf32, #tpu.memory_space<hbm>>
    %dma_wait3A_177 = tpu.memref_squeeze %dma_wait3A_176 : memref<1x64x128xf32, #tpu.memory_space<hbm>> -> memref<64x128xf32, #tpu.memory_space<hbm>>
    %dma_wait3A_178 = tpu.memref_slice %arg11[%dma_wait3A_169] : memref<7x!tpu.dma_semaphore, #tpu.memory_space<semaphore_mem>> -> memref<1x!tpu.dma_semaphore, #tpu.memory_space<semaphore_mem>>
    %dma_wait3A_179 = tpu.memref_squeeze %dma_wait3A_178 : memref<1x!tpu.dma_semaphore, #tpu.memory_space<semaphore_mem>> -> memref<!tpu.dma_semaphore, #tpu.memory_space<semaphore_mem>>
    %dma_wait3A_180 = arith.constant 0 : i32
    %dma_wait3A_181 = arith.constant 0 : i32
    %dma_wait3A_182 = tpu.memref_slice %arg5[%dma_wait3A_168, %dma_wait3A_180, %dma_wait3A_181] : memref<400x64x1024xf32, #tpu.memory_space<hbm>> -> memref<1x64x128xf32, #tpu.memory_space<hbm>>
    %dma_wait3A_183 = tpu.memref_squeeze %dma_wait3A_182 : memref<1x64x128xf32, #tpu.memory_space<hbm>> -> memref<64x128xf32, #tpu.memory_space<hbm>>
    %dma_wait3A_184 = arith.constant 0 : i32
    %dma_wait3A_185 = arith.constant 0 : i32
    %dma_wait3A_186 = tpu.memref_slice %arg9[%dma_wait3A_167, %dma_wait3A_184, %dma_wait3A_185] : memref<7x64x128xf32, #tpu.memory_space<vmem>> -> memref<1x64x128xf32, #tpu.memory_space<vmem>>
    %dma_wait3A_187 = tpu.memref_squeeze %dma_wait3A_186 : memref<1x64x128xf32, #tpu.memory_space<vmem>> -> memref<64x128xf32, #tpu.memory_space<vmem>>
    tpu.wait_dma2 semaphore(%dma_wait3A_179 : memref<!tpu.dma_semaphore, #tpu.memory_space<semaphore_mem>>) src(%dma_wait3A_187 : memref<64x128xf32, #tpu.memory_space<vmem>>) dst(%dma_wait3A_183 : memref<64x128xf32, #tpu.memory_space<hbm>>)
    %dma_wait3A_188 = arith.constant 5 : i32
    %dma_wait3A_189 = arith.constant 0 : i32
    %dma_wait3A_190 = arith.constant 5 : i32
    %dma_wait3A_191 = arith.constant 0 : i32
    %dma_wait3A_192 = arith.constant 0 : i32
    %dma_wait3A_193 = tpu.memref_slice %arg9[%dma_wait3A_188, %dma_wait3A_191, %dma_wait3A_192] : memref<7x64x128xf32, #tpu.memory_space<vmem>> -> memref<1x64x128xf32, #tpu.memory_space<vmem>>
    %dma_wait3A_194 = tpu.memref_squeeze %dma_wait3A_193 : memref<1x64x128xf32, #tpu.memory_space<vmem>> -> memref<64x128xf32, #tpu.memory_space<vmem>>
    %dma_wait3A_195 = arith.constant 0 : i32
    %dma_wait3A_196 = arith.constant 0 : i32
    %dma_wait3A_197 = tpu.memref_slice %arg5[%dma_wait3A_189, %dma_wait3A_195, %dma_wait3A_196] : memref<400x64x1024xf32, #tpu.memory_space<hbm>> -> memref<1x64x128xf32, #tpu.memory_space<hbm>>
    %dma_wait3A_198 = tpu.memref_squeeze %dma_wait3A_197 : memref<1x64x128xf32, #tpu.memory_space<hbm>> -> memref<64x128xf32, #tpu.memory_space<hbm>>
    %dma_wait3A_199 = tpu.memref_slice %arg11[%dma_wait3A_190] : memref<7x!tpu.dma_semaphore, #tpu.memory_space<semaphore_mem>> -> memref<1x!tpu.dma_semaphore, #tpu.memory_space<semaphore_mem>>
    %dma_wait3A_200 = tpu.memref_squeeze %dma_wait3A_199 : memref<1x!tpu.dma_semaphore, #tpu.memory_space<semaphore_mem>> -> memref<!tpu.dma_semaphore, #tpu.memory_space<semaphore_mem>>
    %dma_wait3A_201 = arith.constant 0 : i32
    %dma_wait3A_202 = arith.constant 0 : i32
    %dma_wait3A_203 = tpu.memref_slice %arg5[%dma_wait3A_189, %dma_wait3A_201, %dma_wait3A_202] : memref<400x64x1024xf32, #tpu.memory_space<hbm>> -> memref<1x64x128xf32, #tpu.memory_space<hbm>>
    %dma_wait3A_204 = tpu.memref_squeeze %dma_wait3A_203 : memref<1x64x128xf32, #tpu.memory_space<hbm>> -> memref<64x128xf32, #tpu.memory_space<hbm>>
    %dma_wait3A_205 = arith.constant 0 : i32
    %dma_wait3A_206 = arith.constant 0 : i32
    %dma_wait3A_207 = tpu.memref_slice %arg9[%dma_wait3A_188, %dma_wait3A_205, %dma_wait3A_206] : memref<7x64x128xf32, #tpu.memory_space<vmem>> -> memref<1x64x128xf32, #tpu.memory_space<vmem>>
    %dma_wait3A_208 = tpu.memref_squeeze %dma_wait3A_207 : memref<1x64x128xf32, #tpu.memory_space<vmem>> -> memref<64x128xf32, #tpu.memory_space<vmem>>
    tpu.wait_dma2 semaphore(%dma_wait3A_200 : memref<!tpu.dma_semaphore, #tpu.memory_space<semaphore_mem>>) src(%dma_wait3A_208 : memref<64x128xf32, #tpu.memory_space<vmem>>) dst(%dma_wait3A_204 : memref<64x128xf32, #tpu.memory_space<hbm>>)
    %dma_wait3A_209 = arith.constant 6 : i32
    %dma_wait3A_210 = arith.constant 0 : i32
    %dma_wait3A_211 = arith.constant 6 : i32
    %dma_wait3A_212 = arith.constant 0 : i32
    %dma_wait3A_213 = arith.constant 0 : i32
    %dma_wait3A_214 = tpu.memref_slice %arg9[%dma_wait3A_209, %dma_wait3A_212, %dma_wait3A_213] : memref<7x64x128xf32, #tpu.memory_space<vmem>> -> memref<1x64x128xf32, #tpu.memory_space<vmem>>
    %dma_wait3A_215 = tpu.memref_squeeze %dma_wait3A_214 : memref<1x64x128xf32, #tpu.memory_space<vmem>> -> memref<64x128xf32, #tpu.memory_space<vmem>>
    %dma_wait3A_216 = arith.constant 0 : i32
    %dma_wait3A_217 = arith.constant 0 : i32
    %dma_wait3A_218 = tpu.memref_slice %arg5[%dma_wait3A_210, %dma_wait3A_216, %dma_wait3A_217] : memref<400x64x1024xf32, #tpu.memory_space<hbm>> -> memref<1x64x128xf32, #tpu.memory_space<hbm>>
    %dma_wait3A_219 = tpu.memref_squeeze %dma_wait3A_218 : memref<1x64x128xf32, #tpu.memory_space<hbm>> -> memref<64x128xf32, #tpu.memory_space<hbm>>
    %dma_wait3A_220 = tpu.memref_slice %arg11[%dma_wait3A_211] : memref<7x!tpu.dma_semaphore, #tpu.memory_space<semaphore_mem>> -> memref<1x!tpu.dma_semaphore, #tpu.memory_space<semaphore_mem>>
    %dma_wait3A_221 = tpu.memref_squeeze %dma_wait3A_220 : memref<1x!tpu.dma_semaphore, #tpu.memory_space<semaphore_mem>> -> memref<!tpu.dma_semaphore, #tpu.memory_space<semaphore_mem>>
    %dma_wait3A_222 = arith.constant 0 : i32
    %dma_wait3A_223 = arith.constant 0 : i32
    %dma_wait3A_224 = tpu.memref_slice %arg5[%dma_wait3A_210, %dma_wait3A_222, %dma_wait3A_223] : memref<400x64x1024xf32, #tpu.memory_space<hbm>> -> memref<1x64x128xf32, #tpu.memory_space<hbm>>
    %dma_wait3A_225 = tpu.memref_squeeze %dma_wait3A_224 : memref<1x64x128xf32, #tpu.memory_space<hbm>> -> memref<64x128xf32, #tpu.memory_space<hbm>>
    %dma_wait3A_226 = arith.constant 0 : i32
    %dma_wait3A_227 = arith.constant 0 : i32
    %dma_wait3A_228 = tpu.memref_slice %arg9[%dma_wait3A_209, %dma_wait3A_226, %dma_wait3A_227] : memref<7x64x128xf32, #tpu.memory_space<vmem>> -> memref<1x64x128xf32, #tpu.memory_space<vmem>>
    %dma_wait3A_229 = tpu.memref_squeeze %dma_wait3A_228 : memref<1x64x128xf32, #tpu.memory_space<vmem>> -> memref<64x128xf32, #tpu.memory_space<vmem>>
    tpu.wait_dma2 semaphore(%dma_wait3A_221 : memref<!tpu.dma_semaphore, #tpu.memory_space<semaphore_mem>>) src(%dma_wait3A_229 : memref<64x128xf32, #tpu.memory_space<vmem>>) dst(%dma_wait3A_225 : memref<64x128xf32, #tpu.memory_space<hbm>>)
    return
  }
}

</mosaic_0001>

<sc_bundles>
// kernel: _run.3.cloned.1.call-start
scs
__scs_entry_jumppad:
0x0: {  	(pc) =	sbr.rel $0x88, $3  }
0x1: {  	(tag) =	ssettag $0x0;
	lr =	simm.s32 $0x1  }
0x2: {  	[smem:$0x3F9E] =	sst lr;
	_ =	strace $0xD0000000  }
0x3: {  	_ = 	snop  }
0x4: {  	_ = 	snop  }
0x5: {  	_ = 	snop  }
0x6: {  	_ = 	snop  }
0x7: {  	_ = 	snop  }
__scs_overlays_trampoline_lowered:
0x8: {  	[smem:$0x3FAD] =	sst s0  }
0x9: {  	[smem:$0x3FAE] =	sst s1  }
0xa: {  	[smem:$0x3FAF] =	sst s2  }
0xb: {  	[smem:$0x3FB0] =	sst s3  }
0xc: {  	[smem:$0x3FB1] =	sst s4  }
0xd: {  	[smem:$0x3FB2] =	sst s5  }
0xe: {  	[smem:$0x3FB3] =	sst s6  }
0xf: {  	[smem:$0x3FB4] =	sst s7  }
0x10: {  	[smem:$0x3FB5] =	sst s8  }
0x11: {  	[smem:$0x3FB6] =	sst s9;
	s0 =	simm.s32 @!p0 $0x0  }
0x12: {  	s1 =	sld [smem:$0x3F9C];
	s0 =	simm.s32 @p0 $0x1  }
0x13: {  	[smem:$0x3FB7] =	sst s0;
	s0 =	simm.s32 @!p1 $0x0  }
0x14: {  	s2 =	sld [smem:$0x3F9B];
	s0 =	simm.s32 @p1 $0x1  }
0x15: {  	[smem:$0x3FB8] =	sst s0;
	s0 =	simm.s32 @!p2 $0x0  }
0x16: {  	s3 =	sld [smem:$0x3FDB];
	s0 =	simm.s32 @p2 $0x1  }
0x17: {  	s4 =	simm.s32 $0x1BF5;
	[smem:$0x3FBA] =	sst s0  }
0x18: {  	s0 =	sld [smem:$0x3F9D];
	_ =	swait.ge [sflag:s4], $0x0  }
0x19: {  	s7 =	sld [smem:$0x3F9E]  }
0x1a: {  	s8 =	sadd.s32 $0xFFFFE003, lr  }
0x1b: {  	s9 =	sadd.s32 $0xFFFFFEF7, lr;
	s5 =	simm.s32 $0xFFFFFFFF;
	p2 =	slt.u32 s8, $0xFFFFF086  }
0x1c: {  	p1 =	slt.u32 s9, $0xF7A;
	s5 =	simm.s32 @!p2 $0x0  }
0x1d: {  	s5 =	simm.s32 @p1 $0x1;
	p0 =	seq.s32 s7, s2  }
0x1e: {  	s7 =	smul.u32 @!p0 $0xF7A, s2;
	p2 =	seq.s32 @!p0 s5, $0x0  }
0x1f: {  	s9 =	smul.u32 $0xF7A, s1;
	s8 =	simm.s32 @!p0 $0x1BF5;
	p2 =	por !p2, p0  }
0x20: {  	[sflag:s8] =	ssyncset.s32 @!p0 $0xFFFFF086;
	s6 =	sadd.s32 @!p0 s3, s7;
	s7 =	simm.s32 @!p0 $0x108  }
0x21: {  	s3 =	sadd.s32 s3, s9;
	s6 =	sadd.s32 @!p0 $0x88, s6;
	s7 =	simm.s32 @p2 $0x1082  }
0x22: {  	[simem:s7], [sflag:s8] =	dma.local @!p0 [hbm:s6], $0xF7A  }
0x23: {  	s9 =	sor.u32 $0xD0000000, s2;
	s6 =	simm.s32 $0x108;
	_ =	swait.ge @!p0 [sflag:s8], $0x0  }
0x24: {  	s3 =	sadd.s32 $0x88, s3;
	s6 =	simm.s32 @!p1 $0x1082;
	[sflag:s4] =	ssyncset.s32 $0xFFFFF086  }
0x25: {  	[simem:s6], [sflag:s4] =	dma.local [hbm:s3], $0xF7A  }
0x26: {  	[smem:$0x3F9E] =	sst s1;
	(tag) =	ssettag s2;
	_ =	strace s9  }
0x27: {  	s1 =	sld [smem:$0x3FAE]  }
0x28: {  	s2 =	sld [smem:$0x3FAF]  }
0x29: {  	s4 =	sld [smem:$0x3FB1]  }
0x2a: {  	p0 =	seq.s32 s5, $0x0;
	s5 =	sld [smem:$0x3FB2]  }
0x2b: {  	s6 =	sld [smem:$0x3FB3]  }
0x2c: {  	s7 =	sld [smem:$0x3FB4]  }
0x2d: {  	s3 =	simm.s32 $0x108;
	s8 =	sld [smem:$0x3FB5]  }
0x2e: {  	s3 =	simm.s32 @!p0 $0x1082;
	s9 =	sld [smem:$0x3FB6]  }
0x2f: {  	lr =	sadd.s32 s0, s3;
	s0 =	sld [smem:$0x3FAD]  }
0x30: {  	s3 =	sld [smem:$0x3FB0]  }
0x31: {  	[smem:$0x3FB9] =	sst s10  }
0x32: {  	s10 =	sld [smem:$0x3FB7];
	_ =	sdelay $0x3  }
0x33: {  	p0 =	seq.s32 s10, $0x1;
	s10 =	sld [smem:$0x3FB9];
	_ =	sdelay $0x3  }
0x34: {  	[smem:$0x3FB9] =	sst s10  }
0x35: {  	s10 =	sld [smem:$0x3FB8];
	_ =	sdelay $0x3  }
0x36: {  	p1 =	seq.s32 s10, $0x1;
	s10 =	sld [smem:$0x3FB9];
	_ =	sdelay $0x3  }
0x37: {  	[smem:$0x3FB9] =	sst s10  }
0x38: {  	s10 =	sld [smem:$0x3FBA]  }
0x39: {  	_ = 	snop;
	(pc) =	sbr.ind lr, $3  }
0x3a: {  	_ = 	snop  }
0x3b: {  	_ = 	snop  }
0x3c: {  	p2 =	seq.s32 s10, $0x1;
	s10 =	sld [smem:$0x3FB9]  }
0x3d: {  	_ =	shalt  }
0x3e: {  	_ =	shalt  }
0x3f: {  	_ =	shalt  }
0x40: {  	_ =	shalt  }
0x41: {  	_ =	shalt  }
0x42: {  	_ =	shalt  }
0x43: {  	_ =	shalt  }
0x44: {  	_ =	shalt  }
0x45: {  	_ =	shalt  }
0x46: {  	_ =	shalt  }
0x47: {  	_ =	shalt  }
0x48: {  	_ =	shalt  }
0x49: {  	_ =	shalt  }
0x4a: {  	_ =	shalt  }
0x4b: {  	_ =	shalt  }
0x4c: {  	_ =	shalt  }
0x4d: {  	_ =	shalt  }
0x4e: {  	_ =	shalt  }
0x4f: {  	_ =	shalt  }
0x50: {  	_ =	shalt  }
0x51: {  	_ =	shalt  }
0x52: {  	_ =	shalt  }
0x53: {  	_ =	shalt  }
0x54: {  	_ =	shalt  }
0x55: {  	_ =	shalt  }
0x56: {  	_ =	shalt  }
0x57: {  	_ =	shalt  }
0x58: {  	_ =	shalt  }
0x59: {  	_ =	shalt  }
0x5a: {  	_ =	shalt  }
0x5b: {  	_ =	shalt  }
0x5c: {  	_ =	shalt  }
0x5d: {  	_ =	shalt  }
0x5e: {  	_ =	shalt  }
0x5f: {  	_ =	shalt  }
0x60: {  	_ =	shalt  }
0x61: {  	_ =	shalt  }
0x62: {  	_ =	shalt  }
0x63: {  	_ =	shalt  }
0x64: {  	_ =	shalt  }
0x65: {  	_ =	shalt  }
0x66: {  	_ =	shalt  }
0x67: {  	_ =	shalt  }
0x68: {  	_ =	shalt  }
0x69: {  	_ =	shalt  }
0x6a: {  	_ =	shalt  }
0x6b: {  	_ =	shalt  }
0x6c: {  	_ =	shalt  }
0x6d: {  	_ =	shalt  }
0x6e: {  	_ =	shalt  }
0x6f: {  	_ =	shalt  }
0x70: {  	_ =	shalt  }
0x71: {  	_ =	shalt  }
0x72: {  	_ =	shalt  }
0x73: {  	_ =	shalt  }
0x74: {  	_ =	shalt  }
0x75: {  	_ =	shalt  }
0x76: {  	_ =	shalt  }
0x77: {  	_ =	shalt  }
0x78: {  	_ =	shalt  }
0x79: {  	_ =	shalt  }
0x7a: {  	_ =	shalt  }
0x7b: {  	_ =	shalt  }
0x7c: {  	_ =	shalt  }
0x7d: {  	_ =	shalt  }
0x7e: {  	_ =	shalt  }
0x7f: {  	_ =	shalt  }
0x80: {  	_ =	shalt  }
0x81: {  	_ =	shalt  }
0x82: {  	_ =	shalt  }
0x83: {  	_ =	shalt  }
0x84: {  	_ =	shalt  }
0x85: {  	_ =	shalt  }
0x86: {  	_ =	shalt  }
0x87: {  	_ =	shalt  }
.Lfunc_end0:
.L_simem_size_0:
called_computation_lowered:
.L_overlay_start_0:
0x88: {  	s2 =	sld [smem:$0x3FD9]  }
0x89: {  	s3 =	sld [smem:$0x3FFE];
	_ =	sdelay $0x1  }
0x8a: {  	s1 =	srdreg.scid  }
0x8b: {  	s0 =	sand.u32 $0x1, s1  }
0x8c: {  	s15 =	sshll.u32 s0, $0xA;
	s2 =	sadd.s32 s3, s2  }
0x8d: {  	s2 =	sadd.s32 s2, s15  }
0x8e: {  	[smem:$0x3FC5] =	sst s2  }
0x8f: {  	_ = 	snop  }
0x90: {  	s2 =	sld [smem:$0x3FD0]  }
0x91: {  	s16 =	sld [smem:$0x3FC9]  }
0x92: {  	s4 =	sld [smem:$0x3FC8]  }
0x93: {  	s6 =	simm.s32 $0xA;
	s7 =	simm.s32 $0x10;
	s5 =	sld [smem:$0x3FC7]  }
0x94: {  	[smem:s7], [sflag:s6] =	dma.local [hbm:s2], $0x1  }
0x95: {  	_ =	swait.eq [sflag:s6], $0x1  }
0x96: {  	[sflag:s6] =	ssyncset.done $0x0  }
0x97: {  	s17 =	sld [smem:$0x10];
	[sflag:s6] =	ssyncadd.s32 $0xFFFFFFFF  }
0x98: {  	s18 =	sld [smem:$0x11];
	(tm) =	ssettm $0x1  }
0x99: {  	s19 =	sld [smem:$0x3FFB];
	_ =	sdelay $0x3  }
0x9a: {  	_ =	strace s19  }
0x9b: {  	s7 =	sld [smem:$0x3FFC];
	_ =	sdelay $0x3  }
0x9c: {  	_ =	strace s7  }
0x9d: {  	s7 =	sld [smem:$0x3FFD];
	_ =	sdelay $0x3  }
0x9e: {  	_ =	strace s7  }
0x9f: {  	_ =	strace $0x8FFFFFFF  }
0xa0: {  	s20 =	sld [smem:$0x3FDB];
	_ =	sdelay $0x1  }
0xa1: {  	s8 =	simm.s32 $_scs_section_size  }
0xa2: {  	s9 =	simm.s32 $_size__tile_overlayer_lowered;
	s10 =	simm.s32 $_tile_overlayer_lowered  }
0xa3: {  	s23 =	simm.s32 $0x1BFF;
	s22 =	sshll.u32 s10, $0x1;
	s7 =	sadd.s32 s8, s20  }
0xa4: {  	s11 =	simm.s32 $0x0;
	s21 =	sshll.u32 s9, $0x1;
	s9 =	sadd.s32 s22, s7  }
0xa5: {  	[timem:s11], [sflag:s23] =	dma.local [hbm:s9], s21  }
0xa6: {  	_ =	swait.ge [sflag:s23], s21  }
0xa7: {  	s8 =	ssub.s32 $0x0, s21;
	[sflag:s23] =	ssyncset.done $0x0  }
0xa8: {  	[sflag:s23] =	ssyncadd.s32 s8;
	_ =	sdelay $0x1  }
0xa9: {  	s24 =	simm.s32 $0x1B8B  }
0xaa: {  	_ =	swait.ge [sflag:s24], $0x1  }
0xab: {  	[sflag:s24] =	ssyncset.done $0x0  }
0xac: {  	s25 =	simm.s32 $0x1B8E;
	[sflag:s24] =	ssyncadd.s32 $0xFFFFFFFF  }
0xad: {  	s26 =	simm.s32 $execute0_lowered;
	[smem:$0x3FD2] =	sst s25  }
0xae: {  	s8 =	sshll.u32 s26, $0x1;
	_ =	strace $0x80000046;
	[dreg:$0x1] =	wrdreg $0xFFFFFFFF  }
0xaf: {  	s28 =	simm.s32 $_size_execute0_lowered;
	s7 =	sadd.s32 s7, s8;
	[dreg:$0x0] =	wrdreg $0x0  }
0xb0: {  	s8 =	sshll.u32 s28, $0x1;
	[dreg:$0x2] =	wrdreg s7  }
0xb1: {  	[dreg:$0x3] =	wrdreg s8  }
0xb2: {  	[dreg:$0x4] =	wrdreg $0xC0  }
0xb3: {  	_ =	task [dreg:s11], $0x5FFFF  }
0xb4: {  	[dreg:$0x1] =	wrdreg $0xFFFFFFFF  }
0xb5: {  	[dreg:$0x0] =	wrdreg $0x60  }
0xb6: {  	[dreg:$0x2] =	wrdreg s16  }
0xb7: {  	[dreg:$0x3] =	wrdreg s4  }
0xb8: {  	[dreg:$0x4] =	wrdreg s5  }
0xb9: {  	[dreg:$0x5] =	wrdreg s17  }
0xba: {  	[dreg:$0x6] =	wrdreg s18  }
0xbb: {  	[dreg:$0x7] =	wrdreg $0x9  }
0xbc: {  	_ =	task.clear_ibuf [dreg:s11], $0x8FFFF;
	_ =	strace $0x90000046  }
0xbd: {  	s29 =	simm.s32 $0x9;
	_ =	strace $0x80000048  }
0xbe: {  	_ =	swait.ge [sflag:s29], $0x1  }
0xbf: {  	[sflag:s29] =	ssyncadd.s32 $0xFFFFFFFF  }
0xc0: {  	_ =	strace $0x90000048  }
0xc1: {  	_ =	sfence  }
0xc2: {  	s30 =	sld [smem:$0x0];
	_ =	sdelay $0x2  }
0xc3: {  	s31 =	sshll.u32 s1, $0xD;
	s1 =	sshrl.u32 s1, $0x2  }
0xc4: {  	s3 =	sand.u32 $0x4000, s31;
	s1 =	sadd.s32 s1, s30  }
0xc5: {  	s0 =	sor.u32 s3, s0;
	s1 =	sshll.u32 s1, $0x11  }
0xc6: {  	s0 =	sor.u32 s1, s0  }
0xc7: {  	s0 =	sadd.s32 $0x8F2B, s0  }
0xc8: {  	[sflag:s0] =	ssyncadd.remote.s32 $0x1  }
0xc9: {  	_ =	sfence.sel $0xFFFF  }
0xca: {  	[dreg:$0x0] =	wrdreg $0xFFFFFFFF;
	(pc) =	sbr.abs _section_cstart, $3  }
0xcb: {  	[dreg:$0x1] =	wrdreg $0xFFFFFFFF  }
0xcc: {  	_ =	task.clear_ibuf [dreg:s11], $0x2FFFF;
	_ =	strace $0x9FFFFFFF  }
0xcd: {  	(tm) =	ssettm $0x7FFFFFFF  }
tec
execute0_lowered:
.L_overlay_start_1:
0x0: {  	(tag) =	ssettag $0x1  }
0x1: {  	s1 =	rddreg [dreg:$0x0]  }
0x2: {  	s2 =	rddreg [dreg:$0x1]  }
0x3: {  	s0 =	srdreg.scid;
	s5 =	rddreg [dreg:$0x3]  }
0x4: {  	s3 =	stileid.u32;
	s6 =	rddreg [dreg:$0x4];
	s7 =	simm.s32 $0x0  }
0x5: {  	s19 =	simm.s32 $0xA;
	s0 =	sand.u32 $0x1, s0;
	s3 =	sshll.u32 s3, $0x1  }
0x6: {  	s20 =	simm.s32 $0x400;
	s28 =	simm.s32 $0x8;
	s3 =	sor.u32 s0, s3  }
0x7: {  	s29 =	simm.s32 $0x9;
	s0 =	ssub.s32 $0x2, s0;
	s3 =	smul.u32 $0x578, s3  }
0x8: {  	s30 =	simm.s32 $0x0;
	[smem:$0x7FF] =	sst s7;
	s9 =	sshrl.u32 s0, $0x1  }
0x9: {  	_ =	strace $0x80000047;
	s0 =	ssub.s32 s0, s9;
	s8 =	sshrl.u32 s3, $0x5  }
0xa: {  	s3 =	sadd.s32 $0x578, s3;
	s18 =	smax.u32 s0, $0x1;
	s4 =	smin.u32 s8, $0x190  }
0xb: {  	s3 =	sshrl.u32 s3, $0x5;
	s23 =	smax.u32 s8, $0x190;
	s10 =	sand.u32 $0x1, s4  }
0xc: {  	s9 =	smin.u32 s3, $0x190;
	s21 =	sshll.u32 s4, $0x7;
	s13 =	sadd.s32 $0xFFFFFE70, s23  }
0xd: {  	s24 =	smax.u32 s3, $0x190;
	s12 =	sand.u32 $0x1, s23;
	p1 =	sle.u32 s3, s23  }
0xe: {  	s23 =	simm.s32 $0x4;
	s11 =	sshll.u32 s10, $0xA;
	s10 =	sadd.s32 $0x1, s10  }
0xf: {  	s22 =	sadd.s32 s1, s21;
	s14 =	sadd.s32 $0xFFFFFE70, s24;
	s25 =	sshll.u32 s12, $0xA  }
0x10: {  	s15 =	sshll.u32 s13, $0x7;
	s26 =	sadd.s32 $0x1, s12;
	p0 =	sge.u32 s8, s9  }
.Ltmp0:
0x11: {  	s21 =	simm.s32 $0x2000;
	[dreg:$0x7] =	wrdreg s10;
	(pc) =	sbr.rel .LBB2_1-.Ltmp0, $4  }
0x12: {  	s24 =	simm.s32 $0x5;
	s11 =	sor.u32 $0x10000, s11;
	[dreg:$0x8] =	wrdreg s22  }
0x13: {  	[dreg:$0xa] =	wrdreg s26;
	s31 =	sand.u32 $0x1FFFFF80, s15;
	s22 =	simm.s32 $0x3  }
0x14: {  	s26 =	simm.s32 $0x7;
	[dreg:$0x6] =	wrdreg s11;
	s11 =	sor.u32 $0x10000, s25  }
0x15: {  	s17 =	sadd.s32 s2, s31;
	s25 =	simm.s32 $0x6;
	[dreg:$0x9] =	wrdreg s11  }
.LBB2_15:
0x16: {  	_ =	swait.ge [sflag:s22], $0x2000  }
0x17: {  	[sflag:s22] =	ssyncset.done $0x0  }
0x18: {  	[sflag:s22] =	ssyncadd.s32 $0xFFFFE000  }
0x19: {  	_ =	swait.ge [sflag:s23], $0x2000  }
0x1a: {  	[sflag:s23] =	ssyncset.done $0x0  }
0x1b: {  	[sflag:s23] =	ssyncadd.s32 $0xFFFFE000  }
0x1c: {  	_ =	swait.ge [sflag:s24], $0x2000  }
0x1d: {  	[sflag:s24] =	ssyncset.done $0x0  }
0x1e: {  	[sflag:s24] =	ssyncadd.s32 $0xFFFFE000  }
0x1f: {  	_ =	swait.ge [sflag:s25], $0x2000  }
0x20: {  	[sflag:s25] =	ssyncset.done $0x0  }
0x21: {  	[sflag:s25] =	ssyncadd.s32 $0xFFFFE000  }
0x22: {  	_ =	swait.ge [sflag:s26], $0x2000  }
0x23: {  	[sflag:s26] =	ssyncset.done $0x0  }
0x24: {  	s30 =	sadd.s32 $0x1, s30;
	[sflag:s26] =	ssyncadd.s32 $0xFFFFE000  }
0x25: {  	p2 =	sne.s32 s30, s18;
	_ =	swait.ge [sflag:s28], $0x2000  }
.Ltmp1:
0x26: {  	[sflag:s28] =	ssyncset.done $0x0;
	(pc) =	sbr.rel @!p2 .LBB2_16-.Ltmp1, $4  }
0x27: {  	[sflag:s28] =	ssyncadd.s32 $0xFFFFE000  }
0x28: {  	_ =	swait.ge [sflag:s29], $0x2000  }
0x29: {  	[sflag:s29] =	ssyncset.done $0x0  }
0x2a: {  	[sflag:s29] =	ssyncadd.s32 $0xFFFFE000  }
.LBB2_1:
.Ltmp2:
0x2b: {  	s0 =	rddreg [dreg:$0x2];
	(pc) =	sbr.rel @p0 .LBB2_8-.Ltmp2, $4  }
0x2c: {  	[tilespmem:s7], [sflag:$0xA] =	stream.linear.gather [hbm4b:s0+s7], $0x10000, $0x38;
	[tilespmem:$0x1E800] =	vst v63  }
0x2d: {  	_ =	swait.ge [sflag:s19], $0x10000  }
0x2e: {  	[sflag:s19] =	ssyncset.done $0x0  }
0x2f: {  	s31 =	simm.s32 $0x0;
	[sflag:s19] =	ssyncadd.s32 $0xFFFF0000  }
0x30: {  	s0 =	rddreg [dreg:$0x6]  }
0x31: {  	s3 =	rddreg [dreg:$0x7]  }
0x32: {  	s31 =	simm.s32 $0x0;
	s8 =	rddreg [dreg:$0x8]  }
0x33: {  	[tilespmem:s0], [sflag:s3] =	stream.linear.gather [hbm4b:s8+s31], $0x400, $0x38;
	[tilespmem:$0x1E800] =	vst v63  }
0x34: {  	s8 =	smov.u32 s4  }
.LBB2_4:
0x35: {  	s0 =	smov.u32 s8;
	s8 =	sadd.s32 $0x1, s8  }
0x36: {  	p2 =	sge.u32 s8, s9  }
0x37: {  	s11 =	sand.u32 $0x1, s0;
	s3 =	sand.u32 @!p2 $0x1, s8  }
0x38: {  	s12 =	sshll.u32 @!p2 s8, $0x7;
	s15 =	simm.s32 @!p2 $0x0;
	s10 =	sshll.u32 @!p2 s3, $0xA  }
0x39: {  	s3 =	sadd.s32 @!p2 $0x1, s3;
	s12 =	sadd.s32 @!p2 s1, s12;
	s10 =	sor.u32 @!p2 $0x10000, s10  }
0x3a: {  	[tilespmem:s10], [sflag:s3] =	stream.linear.gather @!p2 [hbm4b:s12+s15], $0x400, $0x38;
	[tilespmem:$0x1E800] =	vst v63  }
0x3b: {  	s15 =	sadd.s32 $0x1, s11  }
0x3c: {  	s16 =	sshll.u32 s11, $0xA;
	_ =	swait.ge [sflag:s15], $0x400  }
0x3d: {  	s10 =	sor.u32 $0x10000, s16;
	[sflag:s15] =	ssyncset.done $0x0  }
0x3e: {  	s0 =	sshll.u32 s0, $0x10;
	s3 =	simm.s32 $0x0;
	v0 =	vmov s10;
	[sflag:s15] =	ssyncadd.s32 $0xFFFFFC00  }
.LBB2_5:
0x3f: {  	s10 =	smulhi.u32 $0x92492493, s31;
	s11 =	sshra.s32 s31, $0x1F  }
0x40: {  	s11 =	smul.u32 $0x92492493, s11  }
0x41: {  	s10 =	ssub.s32 s10, s31  }
0x42: {  	s15 =	sshll.u32 s3, $0x7;
	s10 =	sadd.s32 s11, s10  }
0x43: {  	s11 =	sand.u32 $0x3FFFFF80, s15;
	s10 =	sadd.s32 s31, s10  }
0x44: {  	v1 =	vld.idx.msk [tilespmem:v0+s11+$0x0 ss:$0x1], $0xffff;
	s12 =	sshrl.u32 s10, $0x1F;
	s10 =	sshra.s32 s10, $0x2  }
0x45: {  	v2 =	vld.idx.msk [tilespmem:v0+s11+$0x10 ss:$0x1], $0xffff;
	s10 =	sadd.s32 s12, s10  }
0x46: {  	v3 =	vld.idx.msk [tilespmem:v0+s11+$0x20 ss:$0x1], $0xffff;
	s10 =	smul.u32 $0x7, s10  }
0x47: {  	v4 =	vld.idx.msk [tilespmem:v0+s11+$0x30 ss:$0x1], $0xffff  }
0x48: {  	v5 =	vld.idx.msk [tilespmem:v0+s11+$0x40 ss:$0x1], $0xffff;
	s10 =	ssub.s32 s31, s10  }
0x49: {  	v6 =	vld.idx.msk [tilespmem:v0+s11+$0x50 ss:$0x1], $0xffff;
	p3 =	slt.s32 s10, $0x0;
	s12 =	sadd.s32 $0x7, s10  }
0x4a: {  	v7 =	vld.idx.msk [tilespmem:v0+s11+$0x60 ss:$0x1], $0xffff;
	s10 =	smov.u32 @p3 s12;
	p3 =	slt.s32 s31, $0x7  }
0x4b: {  	v8 =	vld.idx.msk [tilespmem:v0+s11+$0x70 ss:$0x1], $0xffff;
	s11 =	sadd.s32 @!p3 $0x3, s10  }
0x4c: {  	_ =	swait.ge @!p3 [sflag:s11], $0x2000  }
0x4d: {  	[sflag:s11] =	ssyncset.done @!p3 $0x0  }
0x4e: {  	s12 =	simm.s32 $0x1C00;
	[sflag:s11] =	ssyncadd.s32 @!p3 $0xFFFFE000  }
0x4f: {  	v9 =	vld.idx.msk [tilespmem:v1+s12+$0xFFFFE400], $0xffff;
	_ =	sdelay $0x1  }
0x50: {  	s16 =	sshll.u32 s10, $0xF  }
0x51: {  	s15 =	sshra.s32 s16, $0x2  }
0x52: {  	s11 =	sadd.s32 $0x10A00, s15  }
0x53: {  	[tilespmem:s11+$0xFFFFFE00] =	vst v9  }
0x54: {  	v9 =	vld.idx.msk [tilespmem:v2+s12+$0xFFFFE400], $0xffff;
	_ =	sdelay $0x4  }
0x55: {  	[tilespmem:s11+$0xFFFFFE10] =	vst v9  }
0x56: {  	v9 =	vld.idx.msk [tilespmem:v3+s12+$0xFFFFE400], $0xffff;
	_ =	sdelay $0x4  }
0x57: {  	[tilespmem:s11+$0xFFFFFE20] =	vst v9  }
0x58: {  	v9 =	vld.idx.msk [tilespmem:v4+s12+$0xFFFFE400], $0xffff;
	_ =	sdelay $0x4  }
0x59: {  	[tilespmem:s11+$0xFFFFFE30] =	vst v9  }
0x5a: {  	v9 =	vld.idx.msk [tilespmem:v5+s12+$0xFFFFE400], $0xffff;
	_ =	sdelay $0x4  }
0x5b: {  	[tilespmem:s11+$0xFFFFFE40] =	vst v9  }
0x5c: {  	v9 =	vld.idx.msk [tilespmem:v6+s12+$0xFFFFE400], $0xffff;
	_ =	sdelay $0x4  }
0x5d: {  	[tilespmem:s11+$0xFFFFFE50] =	vst v9  }
0x5e: {  	v9 =	vld.idx.msk [tilespmem:v7+s12+$0xFFFFE400], $0xffff;
	_ =	sdelay $0x4  }
0x5f: {  	[tilespmem:s11+$0xFFFFFE60] =	vst v9  }
0x60: {  	v9 =	vld.idx.msk [tilespmem:v8+s12+$0xFFFFE400], $0xffff;
	_ =	sdelay $0x4  }
0x61: {  	[tilespmem:s11+$0xFFFFFE70] =	vst v9  }
0x62: {  	v9 =	vld.idx.msk [tilespmem:v1+s12+$0xFFFFE800], $0xffff;
	_ =	sdelay $0x4  }
0x63: {  	[tilespmem:s11+$0xFFFFFE80] =	vst v9  }
0x64: {  	v9 =	vld.idx.msk [tilespmem:v2+s12+$0xFFFFE800], $0xffff;
	_ =	sdelay $0x4  }
0x65: {  	[tilespmem:s11+$0xFFFFFE90] =	vst v9  }
0x66: {  	v9 =	vld.idx.msk [tilespmem:v3+s12+$0xFFFFE800], $0xffff;
	_ =	sdelay $0x4  }
0x67: {  	[tilespmem:s11+$0xFFFFFEA0] =	vst v9  }
0x68: {  	v9 =	vld.idx.msk [tilespmem:v4+s12+$0xFFFFE800], $0xffff;
	_ =	sdelay $0x4  }
0x69: {  	[tilespmem:s11+$0xFFFFFEB0] =	vst v9  }
0x6a: {  	v9 =	vld.idx.msk [tilespmem:v5+s12+$0xFFFFE800], $0xffff;
	_ =	sdelay $0x4  }
0x6b: {  	[tilespmem:s11+$0xFFFFFEC0] =	vst v9  }
0x6c: {  	v9 =	vld.idx.msk [tilespmem:v6+s12+$0xFFFFE800], $0xffff;
	_ =	sdelay $0x4  }
0x6d: {  	[tilespmem:s11+$0xFFFFFED0] =	vst v9  }
0x6e: {  	v9 =	vld.idx.msk [tilespmem:v7+s12+$0xFFFFE800], $0xffff;
	_ =	sdelay $0x4  }
0x6f: {  	[tilespmem:s11+$0xFFFFFEE0] =	vst v9  }
0x70: {  	v9 =	vld.idx.msk [tilespmem:v8+s12+$0xFFFFE800], $0xffff;
	_ =	sdelay $0x4  }
0x71: {  	[tilespmem:s11+$0xFFFFFEF0] =	vst v9  }
0x72: {  	v9 =	vld.idx.msk [tilespmem:v1+s12+$0xFFFFEC00], $0xffff;
	_ =	sdelay $0x4  }
0x73: {  	[tilespmem:s11+$0xFFFFFF00] =	vst v9  }
0x74: {  	v9 =	vld.idx.msk [tilespmem:v2+s12+$0xFFFFEC00], $0xffff;
	_ =	sdelay $0x4  }
0x75: {  	[tilespmem:s11+$0xFFFFFF10] =	vst v9  }
0x76: {  	v9 =	vld.idx.msk [tilespmem:v3+s12+$0xFFFFEC00], $0xffff;
	_ =	sdelay $0x4  }
0x77: {  	[tilespmem:s11+$0xFFFFFF20] =	vst v9  }
0x78: {  	v9 =	vld.idx.msk [tilespmem:v4+s12+$0xFFFFEC00], $0xffff;
	_ =	sdelay $0x4  }
0x79: {  	[tilespmem:s11+$0xFFFFFF30] =	vst v9  }
0x7a: {  	v9 =	vld.idx.msk [tilespmem:v5+s12+$0xFFFFEC00], $0xffff;
	_ =	sdelay $0x4  }
0x7b: {  	[tilespmem:s11+$0xFFFFFF40] =	vst v9  }
0x7c: {  	v9 =	vld.idx.msk [tilespmem:v6+s12+$0xFFFFEC00], $0xffff;
	_ =	sdelay $0x4  }
0x7d: {  	[tilespmem:s11+$0xFFFFFF50] =	vst v9  }
0x7e: {  	v9 =	vld.idx.msk [tilespmem:v7+s12+$0xFFFFEC00], $0xffff;
	_ =	sdelay $0x4  }
0x7f: {  	[tilespmem:s11+$0xFFFFFF60] =	vst v9  }
0x80: {  	v9 =	vld.idx.msk [tilespmem:v8+s12+$0xFFFFEC00], $0xffff;
	_ =	sdelay $0x4  }
0x81: {  	[tilespmem:s11+$0xFFFFFF70] =	vst v9  }
0x82: {  	v9 =	vld.idx.msk [tilespmem:v1+s12+$0xFFFFF000], $0xffff;
	_ =	sdelay $0x4  }
0x83: {  	[tilespmem:s11+$0xFFFFFF80] =	vst v9  }
0x84: {  	v9 =	vld.idx.msk [tilespmem:v2+s12+$0xFFFFF000], $0xffff;
	_ =	sdelay $0x4  }
0x85: {  	[tilespmem:s11+$0xFFFFFF90] =	vst v9  }
0x86: {  	v9 =	vld.idx.msk [tilespmem:v3+s12+$0xFFFFF000], $0xffff;
	_ =	sdelay $0x4  }
0x87: {  	[tilespmem:s11+$0xFFFFFFA0] =	vst v9  }
0x88: {  	v9 =	vld.idx.msk [tilespmem:v4+s12+$0xFFFFF000], $0xffff;
	_ =	sdelay $0x4  }
0x89: {  	[tilespmem:s11+$0xFFFFFFB0] =	vst v9  }
0x8a: {  	v9 =	vld.idx.msk [tilespmem:v5+s12+$0xFFFFF000], $0xffff;
	_ =	sdelay $0x4  }
0x8b: {  	[tilespmem:s11+$0xFFFFFFC0] =	vst v9  }
0x8c: {  	v9 =	vld.idx.msk [tilespmem:v6+s12+$0xFFFFF000], $0xffff;
	_ =	sdelay $0x4  }
0x8d: {  	[tilespmem:s11+$0xFFFFFFD0] =	vst v9  }
0x8e: {  	v9 =	vld.idx.msk [tilespmem:v7+s12+$0xFFFFF000], $0xffff;
	_ =	sdelay $0x4  }
0x8f: {  	[tilespmem:s11+$0xFFFFFFE0] =	vst v9  }
0x90: {  	v9 =	vld.idx.msk [tilespmem:v8+s12+$0xFFFFF000], $0xffff;
	_ =	sdelay $0x4  }
0x91: {  	[tilespmem:s11+$0xFFFFFFF0] =	vst v9  }
0x92: {  	v9 =	vld.idx.msk [tilespmem:v1+s12+$0xFFFFF400], $0xffff;
	_ =	sdelay $0x4  }
0x93: {  	[tilespmem:s11+$0x0] =	vst v9  }
0x94: {  	v9 =	vld.idx.msk [tilespmem:v2+s12+$0xFFFFF400], $0xffff;
	_ =	sdelay $0x4  }
0x95: {  	[tilespmem:s11+$0x10] =	vst v9  }
0x96: {  	v9 =	vld.idx.msk [tilespmem:v3+s12+$0xFFFFF400], $0xffff;
	_ =	sdelay $0x4  }
0x97: {  	[tilespmem:s11+$0x20] =	vst v9  }
0x98: {  	v9 =	vld.idx.msk [tilespmem:v4+s12+$0xFFFFF400], $0xffff;
	_ =	sdelay $0x4  }
0x99: {  	[tilespmem:s11+$0x30] =	vst v9  }
0x9a: {  	v9 =	vld.idx.msk [tilespmem:v5+s12+$0xFFFFF400], $0xffff;
	_ =	sdelay $0x4  }
0x9b: {  	[tilespmem:s11+$0x40] =	vst v9  }
0x9c: {  	v9 =	vld.idx.msk [tilespmem:v6+s12+$0xFFFFF400], $0xffff;
	_ =	sdelay $0x4  }
0x9d: {  	[tilespmem:s11+$0x50] =	vst v9  }
0x9e: {  	v9 =	vld.idx.msk [tilespmem:v7+s12+$0xFFFFF400], $0xffff;
	_ =	sdelay $0x4  }
0x9f: {  	[tilespmem:s11+$0x60] =	vst v9  }
0xa0: {  	v9 =	vld.idx.msk [tilespmem:v8+s12+$0xFFFFF400], $0xffff;
	_ =	sdelay $0x4  }
0xa1: {  	[tilespmem:s11+$0x70] =	vst v9  }
0xa2: {  	v9 =	vld.idx.msk [tilespmem:v1+s12+$0xFFFFF800], $0xffff;
	_ =	sdelay $0x4  }
0xa3: {  	[tilespmem:s11+$0x80] =	vst v9  }
0xa4: {  	v9 =	vld.idx.msk [tilespmem:v2+s12+$0xFFFFF800], $0xffff;
	_ =	sdelay $0x4  }
0xa5: {  	[tilespmem:s11+$0x90] =	vst v9  }
0xa6: {  	v9 =	vld.idx.msk [tilespmem:v3+s12+$0xFFFFF800], $0xffff;
	_ =	sdelay $0x4  }
0xa7: {  	[tilespmem:s11+$0xA0] =	vst v9  }
0xa8: {  	v9 =	vld.idx.msk [tilespmem:v4+s12+$0xFFFFF800], $0xffff;
	_ =	sdelay $0x4  }
0xa9: {  	[tilespmem:s11+$0xB0] =	vst v9  }
0xaa: {  	v9 =	vld.idx.msk [tilespmem:v5+s12+$0xFFFFF800], $0xffff;
	_ =	sdelay $0x4  }
0xab: {  	[tilespmem:s11+$0xC0] =	vst v9  }
0xac: {  	v9 =	vld.idx.msk [tilespmem:v6+s12+$0xFFFFF800], $0xffff;
	_ =	sdelay $0x4  }
0xad: {  	[tilespmem:s11+$0xD0] =	vst v9  }
0xae: {  	v9 =	vld.idx.msk [tilespmem:v7+s12+$0xFFFFF800], $0xffff;
	_ =	sdelay $0x4  }
0xaf: {  	[tilespmem:s11+$0xE0] =	vst v9  }
0xb0: {  	v9 =	vld.idx.msk [tilespmem:v8+s12+$0xFFFFF800], $0xffff;
	_ =	sdelay $0x4  }
0xb1: {  	[tilespmem:s11+$0xF0] =	vst v9  }
0xb2: {  	v9 =	vld.idx.msk [tilespmem:v1+s12+$0xFFFFFC00], $0xffff;
	_ =	sdelay $0x4  }
0xb3: {  	[tilespmem:s11+$0x100] =	vst v9  }
0xb4: {  	v9 =	vld.idx.msk [tilespmem:v2+s12+$0xFFFFFC00], $0xffff;
	_ =	sdelay $0x4  }
0xb5: {  	[tilespmem:s11+$0x110] =	vst v9  }
0xb6: {  	v9 =	vld.idx.msk [tilespmem:v3+s12+$0xFFFFFC00], $0xffff;
	_ =	sdelay $0x4  }
0xb7: {  	[tilespmem:s11+$0x120] =	vst v9  }
0xb8: {  	v9 =	vld.idx.msk [tilespmem:v4+s12+$0xFFFFFC00], $0xffff;
	_ =	sdelay $0x4  }
0xb9: {  	[tilespmem:s11+$0x130] =	vst v9  }
0xba: {  	v9 =	vld.idx.msk [tilespmem:v5+s12+$0xFFFFFC00], $0xffff;
	_ =	sdelay $0x4  }
0xbb: {  	[tilespmem:s11+$0x140] =	vst v9  }
0xbc: {  	v9 =	vld.idx.msk [tilespmem:v6+s12+$0xFFFFFC00], $0xffff;
	_ =	sdelay $0x4  }
0xbd: {  	[tilespmem:s11+$0x150] =	vst v9  }
0xbe: {  	v9 =	vld.idx.msk [tilespmem:v7+s12+$0xFFFFFC00], $0xffff;
	_ =	sdelay $0x4  }
0xbf: {  	[tilespmem:s11+$0x160] =	vst v9  }
0xc0: {  	v9 =	vld.idx.msk [tilespmem:v8+s12+$0xFFFFFC00], $0xffff;
	_ =	sdelay $0x4  }
0xc1: {  	[tilespmem:s11+$0x170] =	vst v9  }
0xc2: {  	v9 =	vld.idx.msk [tilespmem:v1+s12+$0x0], $0xffff;
	_ =	sdelay $0x4  }
0xc3: {  	[tilespmem:s11+$0x180] =	vst v9  }
0xc4: {  	v9 =	vld.idx.msk [tilespmem:v2+s12+$0x0], $0xffff;
	_ =	sdelay $0x4  }
0xc5: {  	[tilespmem:s11+$0x190] =	vst v9  }
0xc6: {  	v9 =	vld.idx.msk [tilespmem:v3+s12+$0x0], $0xffff;
	_ =	sdelay $0x4  }
0xc7: {  	[tilespmem:s11+$0x1A0] =	vst v9  }
0xc8: {  	v9 =	vld.idx.msk [tilespmem:v4+s12+$0x0], $0xffff;
	_ =	sdelay $0x4  }
0xc9: {  	[tilespmem:s11+$0x1B0] =	vst v9  }
0xca: {  	v9 =	vld.idx.msk [tilespmem:v5+s12+$0x0], $0xffff;
	_ =	sdelay $0x4  }
0xcb: {  	[tilespmem:s11+$0x1C0] =	vst v9  }
0xcc: {  	v9 =	vld.idx.msk [tilespmem:v6+s12+$0x0], $0xffff;
	_ =	sdelay $0x4  }
0xcd: {  	[tilespmem:s11+$0x1D0] =	vst v9  }
0xce: {  	v9 =	vld.idx.msk [tilespmem:v7+s12+$0x0], $0xffff;
	_ =	sdelay $0x4  }
0xcf: {  	[tilespmem:s11+$0x1E0] =	vst v9  }
0xd0: {  	v9 =	vld.idx.msk [tilespmem:v8+s12+$0x0], $0xffff;
	_ =	sdelay $0x4  }
0xd1: {  	s16 =	simm.s32 $0x3C00;
	s12 =	sadd.s32 $0x10800, s15;
	s15 =	simm.s32 $0x0;
	[tilespmem:s11+$0x1F0] =	vst v9  }
.LBB2_6:
0xd2: {  	v9 =	vld.idx.msk [tilespmem:v1+s16+$0xFFFFE400], $0xffff;
	s15 =	sadd.s32 $0x8, s15  }
0xd3: {  	p3 =	slt.u32 s15, $0x38;
	_ =	sdelay $0x3  }
0xd4: {  	s11 =	sadd.s32 $0x400, s11  }
0xd5: {  	[tilespmem:s11+$0xFFFFFE00] =	vst v9  }
0xd6: {  	v9 =	vld.idx.msk [tilespmem:v2+s16+$0xFFFFE400], $0xffff;
	_ =	sdelay $0x5  }
0xd7: {  	[tilespmem:s11+$0xFFFFFE10] =	vst v9  }
0xd8: {  	v9 =	vld.idx.msk [tilespmem:v3+s16+$0xFFFFE400], $0xffff;
	_ =	sdelay $0x5  }
0xd9: {  	[tilespmem:s11+$0xFFFFFE20] =	vst v9  }
0xda: {  	v9 =	vld.idx.msk [tilespmem:v4+s16+$0xFFFFE400], $0xffff;
	_ =	sdelay $0x5  }
0xdb: {  	[tilespmem:s11+$0xFFFFFE30] =	vst v9  }
0xdc: {  	v9 =	vld.idx.msk [tilespmem:v5+s16+$0xFFFFE400], $0xffff;
	_ =	sdelay $0x5  }
0xdd: {  	[tilespmem:s11+$0xFFFFFE40] =	vst v9  }
0xde: {  	v9 =	vld.idx.msk [tilespmem:v6+s16+$0xFFFFE400], $0xffff;
	_ =	sdelay $0x5  }
0xdf: {  	[tilespmem:s11+$0xFFFFFE50] =	vst v9  }
0xe0: {  	v9 =	vld.idx.msk [tilespmem:v7+s16+$0xFFFFE400], $0xffff;
	_ =	sdelay $0x5  }
0xe1: {  	[tilespmem:s11+$0xFFFFFE60] =	vst v9  }
0xe2: {  	v9 =	vld.idx.msk [tilespmem:v8+s16+$0xFFFFE400], $0xffff;
	_ =	sdelay $0x5  }
0xe3: {  	[tilespmem:s11+$0xFFFFFE70] =	vst v9  }
0xe4: {  	v9 =	vld.idx.msk [tilespmem:v1+s16+$0xFFFFE800], $0xffff;
	_ =	sdelay $0x5  }
0xe5: {  	[tilespmem:s11+$0xFFFFFE80] =	vst v9  }
0xe6: {  	v9 =	vld.idx.msk [tilespmem:v2+s16+$0xFFFFE800], $0xffff;
	_ =	sdelay $0x5  }
0xe7: {  	[tilespmem:s11+$0xFFFFFE90] =	vst v9  }
0xe8: {  	v9 =	vld.idx.msk [tilespmem:v3+s16+$0xFFFFE800], $0xffff;
	_ =	sdelay $0x5  }
0xe9: {  	[tilespmem:s11+$0xFFFFFEA0] =	vst v9  }
0xea: {  	v9 =	vld.idx.msk [tilespmem:v4+s16+$0xFFFFE800], $0xffff;
	_ =	sdelay $0x5  }
0xeb: {  	[tilespmem:s11+$0xFFFFFEB0] =	vst v9  }
0xec: {  	v9 =	vld.idx.msk [tilespmem:v5+s16+$0xFFFFE800], $0xffff;
	_ =	sdelay $0x5  }
0xed: {  	[tilespmem:s11+$0xFFFFFEC0] =	vst v9  }
0xee: {  	v9 =	vld.idx.msk [tilespmem:v6+s16+$0xFFFFE800], $0xffff;
	_ =	sdelay $0x5  }
0xef: {  	[tilespmem:s11+$0xFFFFFED0] =	vst v9  }
0xf0: {  	v9 =	vld.idx.msk [tilespmem:v7+s16+$0xFFFFE800], $0xffff;
	_ =	sdelay $0x5  }
0xf1: {  	[tilespmem:s11+$0xFFFFFEE0] =	vst v9  }
0xf2: {  	v9 =	vld.idx.msk [tilespmem:v8+s16+$0xFFFFE800], $0xffff;
	_ =	sdelay $0x5  }
0xf3: {  	[tilespmem:s11+$0xFFFFFEF0] =	vst v9  }
0xf4: {  	v9 =	vld.idx.msk [tilespmem:v1+s16+$0xFFFFEC00], $0xffff;
	_ =	sdelay $0x5  }
0xf5: {  	[tilespmem:s11+$0xFFFFFF00] =	vst v9  }
0xf6: {  	v9 =	vld.idx.msk [tilespmem:v2+s16+$0xFFFFEC00], $0xffff;
	_ =	sdelay $0x5  }
0xf7: {  	[tilespmem:s11+$0xFFFFFF10] =	vst v9  }
0xf8: {  	v9 =	vld.idx.msk [tilespmem:v3+s16+$0xFFFFEC00], $0xffff;
	_ =	sdelay $0x5  }
0xf9: {  	[tilespmem:s11+$0xFFFFFF20] =	vst v9  }
0xfa: {  	v9 =	vld.idx.msk [tilespmem:v4+s16+$0xFFFFEC00], $0xffff;
	_ =	sdelay $0x5  }
0xfb: {  	[tilespmem:s11+$0xFFFFFF30] =	vst v9  }
0xfc: {  	v9 =	vld.idx.msk [tilespmem:v5+s16+$0xFFFFEC00], $0xffff;
	_ =	sdelay $0x5  }
0xfd: {  	[tilespmem:s11+$0xFFFFFF40] =	vst v9  }
0xfe: {  	v9 =	vld.idx.msk [tilespmem:v6+s16+$0xFFFFEC00], $0xffff;
	_ =	sdelay $0x5  }
0xff: {  	[tilespmem:s11+$0xFFFFFF50] =	vst v9  }
0x100: {  	v9 =	vld.idx.msk [tilespmem:v7+s16+$0xFFFFEC00], $0xffff;
	_ =	sdelay $0x5  }
0x101: {  	[tilespmem:s11+$0xFFFFFF60] =	vst v9  }
0x102: {  	v9 =	vld.idx.msk [tilespmem:v8+s16+$0xFFFFEC00], $0xffff;
	_ =	sdelay $0x5  }
0x103: {  	[tilespmem:s11+$0xFFFFFF70] =	vst v9  }
0x104: {  	v9 =	vld.idx.msk [tilespmem:v1+s16+$0xFFFFF000], $0xffff;
	_ =	sdelay $0x5  }
0x105: {  	[tilespmem:s11+$0xFFFFFF80] =	vst v9  }
0x106: {  	v9 =	vld.idx.msk [tilespmem:v2+s16+$0xFFFFF000], $0xffff;
	_ =	sdelay $0x5  }
0x107: {  	[tilespmem:s11+$0xFFFFFF90] =	vst v9  }
0x108: {  	v9 =	vld.idx.msk [tilespmem:v3+s16+$0xFFFFF000], $0xffff;
	_ =	sdelay $0x5  }
0x109: {  	[tilespmem:s11+$0xFFFFFFA0] =	vst v9  }
0x10a: {  	v9 =	vld.idx.msk [tilespmem:v4+s16+$0xFFFFF000], $0xffff;
	_ =	sdelay $0x5  }
0x10b: {  	[tilespmem:s11+$0xFFFFFFB0] =	vst v9  }
0x10c: {  	v9 =	vld.idx.msk [tilespmem:v5+s16+$0xFFFFF000], $0xffff;
	_ =	sdelay $0x5  }
0x10d: {  	[tilespmem:s11+$0xFFFFFFC0] =	vst v9  }
0x10e: {  	v9 =	vld.idx.msk [tilespmem:v6+s16+$0xFFFFF000], $0xffff;
	_ =	sdelay $0x5  }
0x10f: {  	[tilespmem:s11+$0xFFFFFFD0] =	vst v9  }
0x110: {  	v9 =	vld.idx.msk [tilespmem:v7+s16+$0xFFFFF000], $0xffff;
	_ =	sdelay $0x5  }
0x111: {  	[tilespmem:s11+$0xFFFFFFE0] =	vst v9  }
0x112: {  	v9 =	vld.idx.msk [tilespmem:v8+s16+$0xFFFFF000], $0xffff;
	_ =	sdelay $0x5  }
0x113: {  	[tilespmem:s11+$0xFFFFFFF0] =	vst v9  }
0x114: {  	v9 =	vld.idx.msk [tilespmem:v1+s16+$0xFFFFF400], $0xffff;
	_ =	sdelay $0x5  }
0x115: {  	[tilespmem:s11+$0x0] =	vst v9  }
0x116: {  	v9 =	vld.idx.msk [tilespmem:v2+s16+$0xFFFFF400], $0xffff;
	_ =	sdelay $0x5  }
0x117: {  	[tilespmem:s11+$0x10] =	vst v9  }
0x118: {  	v9 =	vld.idx.msk [tilespmem:v3+s16+$0xFFFFF400], $0xffff;
	_ =	sdelay $0x5  }
0x119: {  	[tilespmem:s11+$0x20] =	vst v9  }
0x11a: {  	v9 =	vld.idx.msk [tilespmem:v4+s16+$0xFFFFF400], $0xffff;
	_ =	sdelay $0x5  }
0x11b: {  	[tilespmem:s11+$0x30] =	vst v9  }
0x11c: {  	v9 =	vld.idx.msk [tilespmem:v5+s16+$0xFFFFF400], $0xffff;
	_ =	sdelay $0x5  }
0x11d: {  	[tilespmem:s11+$0x40] =	vst v9  }
0x11e: {  	v9 =	vld.idx.msk [tilespmem:v6+s16+$0xFFFFF400], $0xffff;
	_ =	sdelay $0x5  }
0x11f: {  	[tilespmem:s11+$0x50] =	vst v9  }
0x120: {  	v9 =	vld.idx.msk [tilespmem:v7+s16+$0xFFFFF400], $0xffff;
	_ =	sdelay $0x5  }
0x121: {  	[tilespmem:s11+$0x60] =	vst v9  }
0x122: {  	v9 =	vld.idx.msk [tilespmem:v8+s16+$0xFFFFF400], $0xffff;
	_ =	sdelay $0x5  }
0x123: {  	[tilespmem:s11+$0x70] =	vst v9  }
0x124: {  	v9 =	vld.idx.msk [tilespmem:v1+s16+$0xFFFFF800], $0xffff;
	_ =	sdelay $0x5  }
0x125: {  	[tilespmem:s11+$0x80] =	vst v9  }
0x126: {  	v9 =	vld.idx.msk [tilespmem:v2+s16+$0xFFFFF800], $0xffff;
	_ =	sdelay $0x5  }
0x127: {  	[tilespmem:s11+$0x90] =	vst v9  }
0x128: {  	v9 =	vld.idx.msk [tilespmem:v3+s16+$0xFFFFF800], $0xffff;
	_ =	sdelay $0x5  }
0x129: {  	[tilespmem:s11+$0xA0] =	vst v9  }
0x12a: {  	v9 =	vld.idx.msk [tilespmem:v4+s16+$0xFFFFF800], $0xffff;
	_ =	sdelay $0x5  }
0x12b: {  	[tilespmem:s11+$0xB0] =	vst v9  }
0x12c: {  	v9 =	vld.idx.msk [tilespmem:v5+s16+$0xFFFFF800], $0xffff;
	_ =	sdelay $0x5  }
0x12d: {  	[tilespmem:s11+$0xC0] =	vst v9  }
0x12e: {  	v9 =	vld.idx.msk [tilespmem:v6+s16+$0xFFFFF800], $0xffff;
	_ =	sdelay $0x5  }
0x12f: {  	[tilespmem:s11+$0xD0] =	vst v9  }
0x130: {  	v9 =	vld.idx.msk [tilespmem:v7+s16+$0xFFFFF800], $0xffff;
	_ =	sdelay $0x5  }
0x131: {  	[tilespmem:s11+$0xE0] =	vst v9  }
0x132: {  	v9 =	vld.idx.msk [tilespmem:v8+s16+$0xFFFFF800], $0xffff;
	_ =	sdelay $0x5  }
0x133: {  	[tilespmem:s11+$0xF0] =	vst v9  }
0x134: {  	v9 =	vld.idx.msk [tilespmem:v1+s16+$0xFFFFFC00], $0xffff;
	_ =	sdelay $0x5  }
0x135: {  	[tilespmem:s11+$0x100] =	vst v9  }
0x136: {  	v9 =	vld.idx.msk [tilespmem:v2+s16+$0xFFFFFC00], $0xffff;
	_ =	sdelay $0x5  }
0x137: {  	[tilespmem:s11+$0x110] =	vst v9  }
0x138: {  	v9 =	vld.idx.msk [tilespmem:v3+s16+$0xFFFFFC00], $0xffff;
	_ =	sdelay $0x5  }
0x139: {  	[tilespmem:s11+$0x120] =	vst v9  }
0x13a: {  	v9 =	vld.idx.msk [tilespmem:v4+s16+$0xFFFFFC00], $0xffff;
	_ =	sdelay $0x5  }
0x13b: {  	[tilespmem:s11+$0x130] =	vst v9  }
0x13c: {  	v9 =	vld.idx.msk [tilespmem:v5+s16+$0xFFFFFC00], $0xffff;
	_ =	sdelay $0x5  }
0x13d: {  	[tilespmem:s11+$0x140] =	vst v9  }
0x13e: {  	v9 =	vld.idx.msk [tilespmem:v6+s16+$0xFFFFFC00], $0xffff;
	_ =	sdelay $0x5  }
0x13f: {  	[tilespmem:s11+$0x150] =	vst v9  }
0x140: {  	v9 =	vld.idx.msk [tilespmem:v7+s16+$0xFFFFFC00], $0xffff;
	_ =	sdelay $0x5  }
0x141: {  	[tilespmem:s11+$0x160] =	vst v9  }
0x142: {  	v9 =	vld.idx.msk [tilespmem:v8+s16+$0xFFFFFC00], $0xffff;
	_ =	sdelay $0x5  }
0x143: {  	[tilespmem:s11+$0x170] =	vst v9  }
0x144: {  	v9 =	vld.idx.msk [tilespmem:v1+s16+$0x0], $0xffff;
	_ =	sdelay $0x5  }
0x145: {  	[tilespmem:s11+$0x180] =	vst v9  }
0x146: {  	v9 =	vld.idx.msk [tilespmem:v2+s16+$0x0], $0xffff;
	_ =	sdelay $0x5  }
0x147: {  	[tilespmem:s11+$0x190] =	vst v9  }
0x148: {  	v9 =	vld.idx.msk [tilespmem:v3+s16+$0x0], $0xffff;
	_ =	sdelay $0x5  }
0x149: {  	[tilespmem:s11+$0x1A0] =	vst v9  }
0x14a: {  	v9 =	vld.idx.msk [tilespmem:v4+s16+$0x0], $0xffff;
	_ =	sdelay $0x5  }
0x14b: {  	[tilespmem:s11+$0x1B0] =	vst v9  }
0x14c: {  	v9 =	vld.idx.msk [tilespmem:v5+s16+$0x0], $0xffff;
	_ =	sdelay $0x5  }
0x14d: {  	[tilespmem:s11+$0x1C0] =	vst v9  }
0x14e: {  	v9 =	vld.idx.msk [tilespmem:v6+s16+$0x0], $0xffff;
	_ =	sdelay $0x5  }
0x14f: {  	[tilespmem:s11+$0x1D0] =	vst v9  }
0x150: {  	v9 =	vld.idx.msk [tilespmem:v7+s16+$0x0], $0xffff;
	_ =	sdelay $0x5  }
0x151: {  	[tilespmem:s11+$0x1E0] =	vst v9  }
0x152: {  	v9 =	vld.idx.msk [tilespmem:v8+s16+$0x0], $0xffff;
	_ =	sdelay $0x1  }
.Ltmp3:
0x153: {  	(pc) =	sbr.rel @p3 .LBB2_6-.Ltmp3, $2  }
0x154: {  	_ =	sdelay $0x2  }
0x155: {  	s16 =	sadd.s32 $0x2000, s16;
	[tilespmem:s11+$0x1F0] =	vst v9  }
0x156: {  	s11 =	sshll.u32 s3, $0xA;
	s3 =	sadd.s32 $0x1, s3  }
0x157: {  	p3 =	seq.s32 s3, $0x8  }
.Ltmp4:
0x158: {  	_ = 	snop;
	(pc) =	sbr.rel @!p3 .LBB2_5-.Ltmp4, $4  }
0x159: {  	s11 =	sadd.s32 s0, s11  }
0x15a: {  	s11 =	sshrl.u32 s11, $0x3  }
0x15b: {  	s10 =	sadd.s32 $0x3, s10;
	s31 =	sadd.s32 $0x1, s31;
	s11 =	sadd.s32 s5, s11  }
0x15c: {  	[hbm4b:s11+s20] =	stream.strided.scatter [tilespmem:s12], [sflag:s10], $0x2000, s21, s20, $0x38;
	[tilespmem:$0x1E800] =	vst v63  }
.Ltmp5:
0x15d: {  	(pc) =	sbr.rel @!p2 .LBB2_4-.Ltmp5, $1  }
0x15e: {  	_ =	sdelay $0x3  }
.LBB2_8:
.Ltmp6:
0x15f: {  	(pc) =	sbr.rel @p1 .LBB2_15-.Ltmp6, $1  }
0x160: {  	_ =	sdelay $0x3  }
0x161: {  	s0 =	rddreg [dreg:$0x9]  }
0x162: {  	s3 =	rddreg [dreg:$0xa];
	s8 =	smov.u32 s13  }
0x163: {  	[tilespmem:s0], [sflag:s3] =	stream.linear.gather [hbm4b:s17+s7], $0x400, $0x38;
	[tilespmem:$0x1E800] =	vst v63  }
.LBB2_11:
0x164: {  	s0 =	smov.u32 s8;
	s8 =	sadd.s32 $0x1, s8  }
0x165: {  	p2 =	sge.u32 s8, s14  }
0x166: {  	s11 =	sand.u32 $0x1, s0;
	s3 =	sand.u32 @!p2 $0x1, s8  }
0x167: {  	s12 =	sshll.u32 @!p2 s8, $0x7;
	s15 =	simm.s32 @!p2 $0x0;
	s10 =	sshll.u32 @!p2 s3, $0xA  }
0x168: {  	s3 =	sadd.s32 @!p2 $0x1, s3;
	s12 =	sadd.s32 @!p2 s2, s12;
	s10 =	sor.u32 @!p2 $0x10000, s10  }
0x169: {  	[tilespmem:s10], [sflag:s3] =	stream.linear.gather @!p2 [hbm4b:s12+s15], $0x400, $0x38;
	[tilespmem:$0x1E800] =	vst v63  }
0x16a: {  	s15 =	sadd.s32 $0x1, s11  }
0x16b: {  	s16 =	sshll.u32 s11, $0xA;
	_ =	swait.ge [sflag:s15], $0x400  }
0x16c: {  	s10 =	sor.u32 $0x10000, s16;
	[sflag:s15] =	ssyncset.done $0x0  }
0x16d: {  	s0 =	sshll.u32 s0, $0x10;
	s3 =	simm.s32 $0x0;
	v0 =	vmov s10;
	[sflag:s15] =	ssyncadd.s32 $0xFFFFFC00  }
.LBB2_12:
0x16e: {  	s10 =	smulhi.u32 $0x92492493, s31;
	s11 =	sshra.s32 s31, $0x1F  }
0x16f: {  	s11 =	smul.u32 $0x92492493, s11  }
0x170: {  	s10 =	ssub.s32 s10, s31  }
0x171: {  	s15 =	sshll.u32 s3, $0x7;
	s10 =	sadd.s32 s11, s10  }
0x172: {  	s11 =	sand.u32 $0x3FFFFF80, s15;
	s10 =	sadd.s32 s31, s10  }
0x173: {  	v1 =	vld.idx.msk [tilespmem:v0+s11+$0x0 ss:$0x1], $0xffff;
	s12 =	sshrl.u32 s10, $0x1F;
	s10 =	sshra.s32 s10, $0x2  }
0x174: {  	v2 =	vld.idx.msk [tilespmem:v0+s11+$0x10 ss:$0x1], $0xffff;
	s10 =	sadd.s32 s12, s10  }
0x175: {  	v3 =	vld.idx.msk [tilespmem:v0+s11+$0x20 ss:$0x1], $0xffff;
	s10 =	smul.u32 $0x7, s10  }
0x176: {  	v4 =	vld.idx.msk [tilespmem:v0+s11+$0x30 ss:$0x1], $0xffff  }
0x177: {  	v5 =	vld.idx.msk [tilespmem:v0+s11+$0x40 ss:$0x1], $0xffff;
	s10 =	ssub.s32 s31, s10  }
0x178: {  	v6 =	vld.idx.msk [tilespmem:v0+s11+$0x50 ss:$0x1], $0xffff;
	p3 =	slt.s32 s10, $0x0;
	s12 =	sadd.s32 $0x7, s10  }
0x179: {  	v7 =	vld.idx.msk [tilespmem:v0+s11+$0x60 ss:$0x1], $0xffff;
	s10 =	smov.u32 @p3 s12;
	p3 =	slt.s32 s31, $0x7  }
0x17a: {  	v8 =	vld.idx.msk [tilespmem:v0+s11+$0x70 ss:$0x1], $0xffff;
	s11 =	sadd.s32 @!p3 $0x3, s10  }
0x17b: {  	_ =	swait.ge @!p3 [sflag:s11], $0x2000  }
0x17c: {  	[sflag:s11] =	ssyncset.done @!p3 $0x0  }
0x17d: {  	s12 =	simm.s32 $0x1C00;
	[sflag:s11] =	ssyncadd.s32 @!p3 $0xFFFFE000  }
0x17e: {  	v9 =	vld.idx.msk [tilespmem:v1+s12+$0xFFFFE400], $0xffff;
	_ =	sdelay $0x1  }
0x17f: {  	s16 =	sshll.u32 s10, $0xF  }
0x180: {  	s15 =	sshra.s32 s16, $0x2  }
0x181: {  	s11 =	sadd.s32 $0x10A00, s15  }
0x182: {  	[tilespmem:s11+$0xFFFFFE00] =	vst v9  }
0x183: {  	v9 =	vld.idx.msk [tilespmem:v2+s12+$0xFFFFE400], $0xffff;
	_ =	sdelay $0x4  }
0x184: {  	[tilespmem:s11+$0xFFFFFE10] =	vst v9  }
0x185: {  	v9 =	vld.idx.msk [tilespmem:v3+s12+$0xFFFFE400], $0xffff;
	_ =	sdelay $0x4  }
0x186: {  	[tilespmem:s11+$0xFFFFFE20] =	vst v9  }
0x187: {  	v9 =	vld.idx.msk [tilespmem:v4+s12+$0xFFFFE400], $0xffff;
	_ =	sdelay $0x4  }
0x188: {  	[tilespmem:s11+$0xFFFFFE30] =	vst v9  }
0x189: {  	v9 =	vld.idx.msk [tilespmem:v5+s12+$0xFFFFE400], $0xffff;
	_ =	sdelay $0x4  }
0x18a: {  	[tilespmem:s11+$0xFFFFFE40] =	vst v9  }
0x18b: {  	v9 =	vld.idx.msk [tilespmem:v6+s12+$0xFFFFE400], $0xffff;
	_ =	sdelay $0x4  }
0x18c: {  	[tilespmem:s11+$0xFFFFFE50] =	vst v9  }
0x18d: {  	v9 =	vld.idx.msk [tilespmem:v7+s12+$0xFFFFE400], $0xffff;
	_ =	sdelay $0x4  }
0x18e: {  	[tilespmem:s11+$0xFFFFFE60] =	vst v9  }
0x18f: {  	v9 =	vld.idx.msk [tilespmem:v8+s12+$0xFFFFE400], $0xffff;
	_ =	sdelay $0x4  }
0x190: {  	[tilespmem:s11+$0xFFFFFE70] =	vst v9  }
0x191: {  	v9 =	vld.idx.msk [tilespmem:v1+s12+$0xFFFFE800], $0xffff;
	_ =	sdelay $0x4  }
0x192: {  	[tilespmem:s11+$0xFFFFFE80] =	vst v9  }
0x193: {  	v9 =	vld.idx.msk [tilespmem:v2+s12+$0xFFFFE800], $0xffff;
	_ =	sdelay $0x4  }
0x194: {  	[tilespmem:s11+$0xFFFFFE90] =	vst v9  }
0x195: {  	v9 =	vld.idx.msk [tilespmem:v3+s12+$0xFFFFE800], $0xffff;
	_ =	sdelay $0x4  }
0x196: {  	[tilespmem:s11+$0xFFFFFEA0] =	vst v9  }
0x197: {  	v9 =	vld.idx.msk [tilespmem:v4+s12+$0xFFFFE800], $0xffff;
	_ =	sdelay $0x4  }
0x198: {  	[tilespmem:s11+$0xFFFFFEB0] =	vst v9  }
0x199: {  	v9 =	vld.idx.msk [tilespmem:v5+s12+$0xFFFFE800], $0xffff;
	_ =	sdelay $0x4  }
0x19a: {  	[tilespmem:s11+$0xFFFFFEC0] =	vst v9  }
0x19b: {  	v9 =	vld.idx.msk [tilespmem:v6+s12+$0xFFFFE800], $0xffff;
	_ =	sdelay $0x4  }
0x19c: {  	[tilespmem:s11+$0xFFFFFED0] =	vst v9  }
0x19d: {  	v9 =	vld.idx.msk [tilespmem:v7+s12+$0xFFFFE800], $0xffff;
	_ =	sdelay $0x4  }
0x19e: {  	[tilespmem:s11+$0xFFFFFEE0] =	vst v9  }
0x19f: {  	v9 =	vld.idx.msk [tilespmem:v8+s12+$0xFFFFE800], $0xffff;
	_ =	sdelay $0x4  }
0x1a0: {  	[tilespmem:s11+$0xFFFFFEF0] =	vst v9  }
0x1a1: {  	v9 =	vld.idx.msk [tilespmem:v1+s12+$0xFFFFEC00], $0xffff;
	_ =	sdelay $0x4  }
0x1a2: {  	[tilespmem:s11+$0xFFFFFF00] =	vst v9  }
0x1a3: {  	v9 =	vld.idx.msk [tilespmem:v2+s12+$0xFFFFEC00], $0xffff;
	_ =	sdelay $0x4  }
0x1a4: {  	[tilespmem:s11+$0xFFFFFF10] =	vst v9  }
0x1a5: {  	v9 =	vld.idx.msk [tilespmem:v3+s12+$0xFFFFEC00], $0xffff;
	_ =	sdelay $0x4  }
0x1a6: {  	[tilespmem:s11+$0xFFFFFF20] =	vst v9  }
0x1a7: {  	v9 =	vld.idx.msk [tilespmem:v4+s12+$0xFFFFEC00], $0xffff;
	_ =	sdelay $0x4  }
0x1a8: {  	[tilespmem:s11+$0xFFFFFF30] =	vst v9  }
0x1a9: {  	v9 =	vld.idx.msk [tilespmem:v5+s12+$0xFFFFEC00], $0xffff;
	_ =	sdelay $0x4  }
0x1aa: {  	[tilespmem:s11+$0xFFFFFF40] =	vst v9  }
0x1ab: {  	v9 =	vld.idx.msk [tilespmem:v6+s12+$0xFFFFEC00], $0xffff;
	_ =	sdelay $0x4  }
0x1ac: {  	[tilespmem:s11+$0xFFFFFF50] =	vst v9  }
0x1ad: {  	v9 =	vld.idx.msk [tilespmem:v7+s12+$0xFFFFEC00], $0xffff;
	_ =	sdelay $0x4  }
0x1ae: {  	[tilespmem:s11+$0xFFFFFF60] =	vst v9  }
0x1af: {  	v9 =	vld.idx.msk [tilespmem:v8+s12+$0xFFFFEC00], $0xffff;
	_ =	sdelay $0x4  }
0x1b0: {  	[tilespmem:s11+$0xFFFFFF70] =	vst v9  }
0x1b1: {  	v9 =	vld.idx.msk [tilespmem:v1+s12+$0xFFFFF000], $0xffff;
	_ =	sdelay $0x4  }
0x1b2: {  	[tilespmem:s11+$0xFFFFFF80] =	vst v9  }
0x1b3: {  	v9 =	vld.idx.msk [tilespmem:v2+s12+$0xFFFFF000], $0xffff;
	_ =	sdelay $0x4  }
0x1b4: {  	[tilespmem:s11+$0xFFFFFF90] =	vst v9  }
0x1b5: {  	v9 =	vld.idx.msk [tilespmem:v3+s12+$0xFFFFF000], $0xffff;
	_ =	sdelay $0x4  }
0x1b6: {  	[tilespmem:s11+$0xFFFFFFA0] =	vst v9  }
0x1b7: {  	v9 =	vld.idx.msk [tilespmem:v4+s12+$0xFFFFF000], $0xffff;
	_ =	sdelay $0x4  }
0x1b8: {  	[tilespmem:s11+$0xFFFFFFB0] =	vst v9  }
0x1b9: {  	v9 =	vld.idx.msk [tilespmem:v5+s12+$0xFFFFF000], $0xffff;
	_ =	sdelay $0x4  }
0x1ba: {  	[tilespmem:s11+$0xFFFFFFC0] =	vst v9  }
0x1bb: {  	v9 =	vld.idx.msk [tilespmem:v6+s12+$0xFFFFF000], $0xffff;
	_ =	sdelay $0x4  }
0x1bc: {  	[tilespmem:s11+$0xFFFFFFD0] =	vst v9  }
0x1bd: {  	v9 =	vld.idx.msk [tilespmem:v7+s12+$0xFFFFF000], $0xffff;
	_ =	sdelay $0x4  }
0x1be: {  	[tilespmem:s11+$0xFFFFFFE0] =	vst v9  }
0x1bf: {  	v9 =	vld.idx.msk [tilespmem:v8+s12+$0xFFFFF000], $0xffff;
	_ =	sdelay $0x4  }
0x1c0: {  	[tilespmem:s11+$0xFFFFFFF0] =	vst v9  }
0x1c1: {  	v9 =	vld.idx.msk [tilespmem:v1+s12+$0xFFFFF400], $0xffff;
	_ =	sdelay $0x4  }
0x1c2: {  	[tilespmem:s11+$0x0] =	vst v9  }
0x1c3: {  	v9 =	vld.idx.msk [tilespmem:v2+s12+$0xFFFFF400], $0xffff;
	_ =	sdelay $0x4  }
0x1c4: {  	[tilespmem:s11+$0x10] =	vst v9  }
0x1c5: {  	v9 =	vld.idx.msk [tilespmem:v3+s12+$0xFFFFF400], $0xffff;
	_ =	sdelay $0x4  }
0x1c6: {  	[tilespmem:s11+$0x20] =	vst v9  }
0x1c7: {  	v9 =	vld.idx.msk [tilespmem:v4+s12+$0xFFFFF400], $0xffff;
	_ =	sdelay $0x4  }
0x1c8: {  	[tilespmem:s11+$0x30] =	vst v9  }
0x1c9: {  	v9 =	vld.idx.msk [tilespmem:v5+s12+$0xFFFFF400], $0xffff;
	_ =	sdelay $0x4  }
0x1ca: {  	[tilespmem:s11+$0x40] =	vst v9  }
0x1cb: {  	v9 =	vld.idx.msk [tilespmem:v6+s12+$0xFFFFF400], $0xffff;
	_ =	sdelay $0x4  }
0x1cc: {  	[tilespmem:s11+$0x50] =	vst v9  }
0x1cd: {  	v9 =	vld.idx.msk [tilespmem:v7+s12+$0xFFFFF400], $0xffff;
	_ =	sdelay $0x4  }
0x1ce: {  	[tilespmem:s11+$0x60] =	vst v9  }
0x1cf: {  	v9 =	vld.idx.msk [tilespmem:v8+s12+$0xFFFFF400], $0xffff;
	_ =	sdelay $0x4  }
0x1d0: {  	[tilespmem:s11+$0x70] =	vst v9  }
0x1d1: {  	v9 =	vld.idx.msk [tilespmem:v1+s12+$0xFFFFF800], $0xffff;
	_ =	sdelay $0x4  }
0x1d2: {  	[tilespmem:s11+$0x80] =	vst v9  }
0x1d3: {  	v9 =	vld.idx.msk [tilespmem:v2+s12+$0xFFFFF800], $0xffff;
	_ =	sdelay $0x4  }
0x1d4: {  	[tilespmem:s11+$0x90] =	vst v9  }
0x1d5: {  	v9 =	vld.idx.msk [tilespmem:v3+s12+$0xFFFFF800], $0xffff;
	_ =	sdelay $0x4  }
0x1d6: {  	[tilespmem:s11+$0xA0] =	vst v9  }
0x1d7: {  	v9 =	vld.idx.msk [tilespmem:v4+s12+$0xFFFFF800], $0xffff;
	_ =	sdelay $0x4  }
0x1d8: {  	[tilespmem:s11+$0xB0] =	vst v9  }
0x1d9: {  	v9 =	vld.idx.msk [tilespmem:v5+s12+$0xFFFFF800], $0xffff;
	_ =	sdelay $0x4  }
0x1da: {  	[tilespmem:s11+$0xC0] =	vst v9  }
0x1db: {  	v9 =	vld.idx.msk [tilespmem:v6+s12+$0xFFFFF800], $0xffff;
	_ =	sdelay $0x4  }
0x1dc: {  	[tilespmem:s11+$0xD0] =	vst v9  }
0x1dd: {  	v9 =	vld.idx.msk [tilespmem:v7+s12+$0xFFFFF800], $0xffff;
	_ =	sdelay $0x4  }
0x1de: {  	[tilespmem:s11+$0xE0] =	vst v9  }
0x1df: {  	v9 =	vld.idx.msk [tilespmem:v8+s12+$0xFFFFF800], $0xffff;
	_ =	sdelay $0x4  }
0x1e0: {  	[tilespmem:s11+$0xF0] =	vst v9  }
0x1e1: {  	v9 =	vld.idx.msk [tilespmem:v1+s12+$0xFFFFFC00], $0xffff;
	_ =	sdelay $0x4  }
0x1e2: {  	[tilespmem:s11+$0x100] =	vst v9  }
0x1e3: {  	v9 =	vld.idx.msk [tilespmem:v2+s12+$0xFFFFFC00], $0xffff;
	_ =	sdelay $0x4  }
0x1e4: {  	[tilespmem:s11+$0x110] =	vst v9  }
0x1e5: {  	v9 =	vld.idx.msk [tilespmem:v3+s12+$0xFFFFFC00], $0xffff;
	_ =	sdelay $0x4  }
0x1e6: {  	[tilespmem:s11+$0x120] =	vst v9  }
0x1e7: {  	v9 =	vld.idx.msk [tilespmem:v4+s12+$0xFFFFFC00], $0xffff;
	_ =	sdelay $0x4  }
0x1e8: {  	[tilespmem:s11+$0x130] =	vst v9  }
0x1e9: {  	v9 =	vld.idx.msk [tilespmem:v5+s12+$0xFFFFFC00], $0xffff;
	_ =	sdelay $0x4  }
0x1ea: {  	[tilespmem:s11+$0x140] =	vst v9  }
0x1eb: {  	v9 =	vld.idx.msk [tilespmem:v6+s12+$0xFFFFFC00], $0xffff;
	_ =	sdelay $0x4  }
0x1ec: {  	[tilespmem:s11+$0x150] =	vst v9  }
0x1ed: {  	v9 =	vld.idx.msk [tilespmem:v7+s12+$0xFFFFFC00], $0xffff;
	_ =	sdelay $0x4  }
0x1ee: {  	[tilespmem:s11+$0x160] =	vst v9  }
0x1ef: {  	v9 =	vld.idx.msk [tilespmem:v8+s12+$0xFFFFFC00], $0xffff;
	_ =	sdelay $0x4  }
0x1f0: {  	[tilespmem:s11+$0x170] =	vst v9  }
0x1f1: {  	v9 =	vld.idx.msk [tilespmem:v1+s12+$0x0], $0xffff;
	_ =	sdelay $0x4  }
0x1f2: {  	[tilespmem:s11+$0x180] =	vst v9  }
0x1f3: {  	v9 =	vld.idx.msk [tilespmem:v2+s12+$0x0], $0xffff;
	_ =	sdelay $0x4  }
0x1f4: {  	[tilespmem:s11+$0x190] =	vst v9  }
0x1f5: {  	v9 =	vld.idx.msk [tilespmem:v3+s12+$0x0], $0xffff;
	_ =	sdelay $0x4  }
0x1f6: {  	[tilespmem:s11+$0x1A0] =	vst v9  }
0x1f7: {  	v9 =	vld.idx.msk [tilespmem:v4+s12+$0x0], $0xffff;
	_ =	sdelay $0x4  }
0x1f8: {  	[tilespmem:s11+$0x1B0] =	vst v9  }
0x1f9: {  	v9 =	vld.idx.msk [tilespmem:v5+s12+$0x0], $0xffff;
	_ =	sdelay $0x4  }
0x1fa: {  	[tilespmem:s11+$0x1C0] =	vst v9  }
0x1fb: {  	v9 =	vld.idx.msk [tilespmem:v6+s12+$0x0], $0xffff;
	_ =	sdelay $0x4  }
0x1fc: {  	[tilespmem:s11+$0x1D0] =	vst v9  }
0x1fd: {  	v9 =	vld.idx.msk [tilespmem:v7+s12+$0x0], $0xffff;
	_ =	sdelay $0x4  }
0x1fe: {  	[tilespmem:s11+$0x1E0] =	vst v9  }
0x1ff: {  	v9 =	vld.idx.msk [tilespmem:v8+s12+$0x0], $0xffff;
	_ =	sdelay $0x4  }
0x200: {  	s16 =	simm.s32 $0x3C00;
	s12 =	sadd.s32 $0x10800, s15;
	s15 =	simm.s32 $0x0;
	[tilespmem:s11+$0x1F0] =	vst v9  }
.LBB2_13:
0x201: {  	v9 =	vld.idx.msk [tilespmem:v1+s16+$0xFFFFE400], $0xffff;
	s15 =	sadd.s32 $0x8, s15  }
0x202: {  	p3 =	slt.u32 s15, $0x38;
	_ =	sdelay $0x3  }
0x203: {  	s11 =	sadd.s32 $0x400, s11  }
0x204: {  	[tilespmem:s11+$0xFFFFFE00] =	vst v9  }
0x205: {  	v9 =	vld.idx.msk [tilespmem:v2+s16+$0xFFFFE400], $0xffff;
	_ =	sdelay $0x5  }
0x206: {  	[tilespmem:s11+$0xFFFFFE10] =	vst v9  }
0x207: {  	v9 =	vld.idx.msk [tilespmem:v3+s16+$0xFFFFE400], $0xffff;
	_ =	sdelay $0x5  }
0x208: {  	[tilespmem:s11+$0xFFFFFE20] =	vst v9  }
0x209: {  	v9 =	vld.idx.msk [tilespmem:v4+s16+$0xFFFFE400], $0xffff;
	_ =	sdelay $0x5  }
0x20a: {  	[tilespmem:s11+$0xFFFFFE30] =	vst v9  }
0x20b: {  	v9 =	vld.idx.msk [tilespmem:v5+s16+$0xFFFFE400], $0xffff;
	_ =	sdelay $0x5  }
0x20c: {  	[tilespmem:s11+$0xFFFFFE40] =	vst v9  }
0x20d: {  	v9 =	vld.idx.msk [tilespmem:v6+s16+$0xFFFFE400], $0xffff;
	_ =	sdelay $0x5  }
0x20e: {  	[tilespmem:s11+$0xFFFFFE50] =	vst v9  }
0x20f: {  	v9 =	vld.idx.msk [tilespmem:v7+s16+$0xFFFFE400], $0xffff;
	_ =	sdelay $0x5  }
0x210: {  	[tilespmem:s11+$0xFFFFFE60] =	vst v9  }
0x211: {  	v9 =	vld.idx.msk [tilespmem:v8+s16+$0xFFFFE400], $0xffff;
	_ =	sdelay $0x5  }
0x212: {  	[tilespmem:s11+$0xFFFFFE70] =	vst v9  }
0x213: {  	v9 =	vld.idx.msk [tilespmem:v1+s16+$0xFFFFE800], $0xffff;
	_ =	sdelay $0x5  }
0x214: {  	[tilespmem:s11+$0xFFFFFE80] =	vst v9  }
0x215: {  	v9 =	vld.idx.msk [tilespmem:v2+s16+$0xFFFFE800], $0xffff;
	_ =	sdelay $0x5  }
0x216: {  	[tilespmem:s11+$0xFFFFFE90] =	vst v9  }
0x217: {  	v9 =	vld.idx.msk [tilespmem:v3+s16+$0xFFFFE800], $0xffff;
	_ =	sdelay $0x5  }
0x218: {  	[tilespmem:s11+$0xFFFFFEA0] =	vst v9  }
0x219: {  	v9 =	vld.idx.msk [tilespmem:v4+s16+$0xFFFFE800], $0xffff;
	_ =	sdelay $0x5  }
0x21a: {  	[tilespmem:s11+$0xFFFFFEB0] =	vst v9  }
0x21b: {  	v9 =	vld.idx.msk [tilespmem:v5+s16+$0xFFFFE800], $0xffff;
	_ =	sdelay $0x5  }
0x21c: {  	[tilespmem:s11+$0xFFFFFEC0] =	vst v9  }
0x21d: {  	v9 =	vld.idx.msk [tilespmem:v6+s16+$0xFFFFE800], $0xffff;
	_ =	sdelay $0x5  }
0x21e: {  	[tilespmem:s11+$0xFFFFFED0] =	vst v9  }
0x21f: {  	v9 =	vld.idx.msk [tilespmem:v7+s16+$0xFFFFE800], $0xffff;
	_ =	sdelay $0x5  }
0x220: {  	[tilespmem:s11+$0xFFFFFEE0] =	vst v9  }
0x221: {  	v9 =	vld.idx.msk [tilespmem:v8+s16+$0xFFFFE800], $0xffff;
	_ =	sdelay $0x5  }
0x222: {  	[tilespmem:s11+$0xFFFFFEF0] =	vst v9  }
0x223: {  	v9 =	vld.idx.msk [tilespmem:v1+s16+$0xFFFFEC00], $0xffff;
	_ =	sdelay $0x5  }
0x224: {  	[tilespmem:s11+$0xFFFFFF00] =	vst v9  }
0x225: {  	v9 =	vld.idx.msk [tilespmem:v2+s16+$0xFFFFEC00], $0xffff;
	_ =	sdelay $0x5  }
0x226: {  	[tilespmem:s11+$0xFFFFFF10] =	vst v9  }
0x227: {  	v9 =	vld.idx.msk [tilespmem:v3+s16+$0xFFFFEC00], $0xffff;
	_ =	sdelay $0x5  }
0x228: {  	[tilespmem:s11+$0xFFFFFF20] =	vst v9  }
0x229: {  	v9 =	vld.idx.msk [tilespmem:v4+s16+$0xFFFFEC00], $0xffff;
	_ =	sdelay $0x5  }
0x22a: {  	[tilespmem:s11+$0xFFFFFF30] =	vst v9  }
0x22b: {  	v9 =	vld.idx.msk [tilespmem:v5+s16+$0xFFFFEC00], $0xffff;
	_ =	sdelay $0x5  }
0x22c: {  	[tilespmem:s11+$0xFFFFFF40] =	vst v9  }
0x22d: {  	v9 =	vld.idx.msk [tilespmem:v6+s16+$0xFFFFEC00], $0xffff;
	_ =	sdelay $0x5  }
0x22e: {  	[tilespmem:s11+$0xFFFFFF50] =	vst v9  }
0x22f: {  	v9 =	vld.idx.msk [tilespmem:v7+s16+$0xFFFFEC00], $0xffff;
	_ =	sdelay $0x5  }
0x230: {  	[tilespmem:s11+$0xFFFFFF60] =	vst v9  }
0x231: {  	v9 =	vld.idx.msk [tilespmem:v8+s16+$0xFFFFEC00], $0xffff;
	_ =	sdelay $0x5  }
0x232: {  	[tilespmem:s11+$0xFFFFFF70] =	vst v9  }
0x233: {  	v9 =	vld.idx.msk [tilespmem:v1+s16+$0xFFFFF000], $0xffff;
	_ =	sdelay $0x5  }
0x234: {  	[tilespmem:s11+$0xFFFFFF80] =	vst v9  }
0x235: {  	v9 =	vld.idx.msk [tilespmem:v2+s16+$0xFFFFF000], $0xffff;
	_ =	sdelay $0x5  }
0x236: {  	[tilespmem:s11+$0xFFFFFF90] =	vst v9  }
0x237: {  	v9 =	vld.idx.msk [tilespmem:v3+s16+$0xFFFFF000], $0xffff;
	_ =	sdelay $0x5  }
0x238: {  	[tilespmem:s11+$0xFFFFFFA0] =	vst v9  }
0x239: {  	v9 =	vld.idx.msk [tilespmem:v4+s16+$0xFFFFF000], $0xffff;
	_ =	sdelay $0x5  }
0x23a: {  	[tilespmem:s11+$0xFFFFFFB0] =	vst v9  }
0x23b: {  	v9 =	vld.idx.msk [tilespmem:v5+s16+$0xFFFFF000], $0xffff;
	_ =	sdelay $0x5  }
0x23c: {  	[tilespmem:s11+$0xFFFFFFC0] =	vst v9  }
0x23d: {  	v9 =	vld.idx.msk [tilespmem:v6+s16+$0xFFFFF000], $0xffff;
	_ =	sdelay $0x5  }
0x23e: {  	[tilespmem:s11+$0xFFFFFFD0] =	vst v9  }
0x23f: {  	v9 =	vld.idx.msk [tilespmem:v7+s16+$0xFFFFF000], $0xffff;
	_ =	sdelay $0x5  }
0x240: {  	[tilespmem:s11+$0xFFFFFFE0] =	vst v9  }
0x241: {  	v9 =	vld.idx.msk [tilespmem:v8+s16+$0xFFFFF000], $0xffff;
	_ =	sdelay $0x5  }
0x242: {  	[tilespmem:s11+$0xFFFFFFF0] =	vst v9  }
0x243: {  	v9 =	vld.idx.msk [tilespmem:v1+s16+$0xFFFFF400], $0xffff;
	_ =	sdelay $0x5  }
0x244: {  	[tilespmem:s11+$0x0] =	vst v9  }
0x245: {  	v9 =	vld.idx.msk [tilespmem:v2+s16+$0xFFFFF400], $0xffff;
	_ =	sdelay $0x5  }
0x246: {  	[tilespmem:s11+$0x10] =	vst v9  }
0x247: {  	v9 =	vld.idx.msk [tilespmem:v3+s16+$0xFFFFF400], $0xffff;
	_ =	sdelay $0x5  }
0x248: {  	[tilespmem:s11+$0x20] =	vst v9  }
0x249: {  	v9 =	vld.idx.msk [tilespmem:v4+s16+$0xFFFFF400], $0xffff;
	_ =	sdelay $0x5  }
0x24a: {  	[tilespmem:s11+$0x30] =	vst v9  }
0x24b: {  	v9 =	vld.idx.msk [tilespmem:v5+s16+$0xFFFFF400], $0xffff;
	_ =	sdelay $0x5  }
0x24c: {  	[tilespmem:s11+$0x40] =	vst v9  }
0x24d: {  	v9 =	vld.idx.msk [tilespmem:v6+s16+$0xFFFFF400], $0xffff;
	_ =	sdelay $0x5  }
0x24e: {  	[tilespmem:s11+$0x50] =	vst v9  }
0x24f: {  	v9 =	vld.idx.msk [tilespmem:v7+s16+$0xFFFFF400], $0xffff;
	_ =	sdelay $0x5  }
0x250: {  	[tilespmem:s11+$0x60] =	vst v9  }
0x251: {  	v9 =	vld.idx.msk [tilespmem:v8+s16+$0xFFFFF400], $0xffff;
	_ =	sdelay $0x5  }
0x252: {  	[tilespmem:s11+$0x70] =	vst v9  }
0x253: {  	v9 =	vld.idx.msk [tilespmem:v1+s16+$0xFFFFF800], $0xffff;
	_ =	sdelay $0x5  }
0x254: {  	[tilespmem:s11+$0x80] =	vst v9  }
0x255: {  	v9 =	vld.idx.msk [tilespmem:v2+s16+$0xFFFFF800], $0xffff;
	_ =	sdelay $0x5  }
0x256: {  	[tilespmem:s11+$0x90] =	vst v9  }
0x257: {  	v9 =	vld.idx.msk [tilespmem:v3+s16+$0xFFFFF800], $0xffff;
	_ =	sdelay $0x5  }
0x258: {  	[tilespmem:s11+$0xA0] =	vst v9  }
0x259: {  	v9 =	vld.idx.msk [tilespmem:v4+s16+$0xFFFFF800], $0xffff;
	_ =	sdelay $0x5  }
0x25a: {  	[tilespmem:s11+$0xB0] =	vst v9  }
0x25b: {  	v9 =	vld.idx.msk [tilespmem:v5+s16+$0xFFFFF800], $0xffff;
	_ =	sdelay $0x5  }
0x25c: {  	[tilespmem:s11+$0xC0] =	vst v9  }
0x25d: {  	v9 =	vld.idx.msk [tilespmem:v6+s16+$0xFFFFF800], $0xffff;
	_ =	sdelay $0x5  }
0x25e: {  	[tilespmem:s11+$0xD0] =	vst v9  }
0x25f: {  	v9 =	vld.idx.msk [tilespmem:v7+s16+$0xFFFFF800], $0xffff;
	_ =	sdelay $0x5  }
0x260: {  	[tilespmem:s11+$0xE0] =	vst v9  }
0x261: {  	v9 =	vld.idx.msk [tilespmem:v8+s16+$0xFFFFF800], $0xffff;
	_ =	sdelay $0x5  }
0x262: {  	[tilespmem:s11+$0xF0] =	vst v9  }
0x263: {  	v9 =	vld.idx.msk [tilespmem:v1+s16+$0xFFFFFC00], $0xffff;
	_ =	sdelay $0x5  }
0x264: {  	[tilespmem:s11+$0x100] =	vst v9  }
0x265: {  	v9 =	vld.idx.msk [tilespmem:v2+s16+$0xFFFFFC00], $0xffff;
	_ =	sdelay $0x5  }
0x266: {  	[tilespmem:s11+$0x110] =	vst v9  }
0x267: {  	v9 =	vld.idx.msk [tilespmem:v3+s16+$0xFFFFFC00], $0xffff;
	_ =	sdelay $0x5  }
0x268: {  	[tilespmem:s11+$0x120] =	vst v9  }
0x269: {  	v9 =	vld.idx.msk [tilespmem:v4+s16+$0xFFFFFC00], $0xffff;
	_ =	sdelay $0x5  }
0x26a: {  	[tilespmem:s11+$0x130] =	vst v9  }
0x26b: {  	v9 =	vld.idx.msk [tilespmem:v5+s16+$0xFFFFFC00], $0xffff;
	_ =	sdelay $0x5  }
0x26c: {  	[tilespmem:s11+$0x140] =	vst v9  }
0x26d: {  	v9 =	vld.idx.msk [tilespmem:v6+s16+$0xFFFFFC00], $0xffff;
	_ =	sdelay $0x5  }
0x26e: {  	[tilespmem:s11+$0x150] =	vst v9  }
0x26f: {  	v9 =	vld.idx.msk [tilespmem:v7+s16+$0xFFFFFC00], $0xffff;
	_ =	sdelay $0x5  }
0x270: {  	[tilespmem:s11+$0x160] =	vst v9  }
0x271: {  	v9 =	vld.idx.msk [tilespmem:v8+s16+$0xFFFFFC00], $0xffff;
	_ =	sdelay $0x5  }
0x272: {  	[tilespmem:s11+$0x170] =	vst v9  }
0x273: {  	v9 =	vld.idx.msk [tilespmem:v1+s16+$0x0], $0xffff;
	_ =	sdelay $0x5  }
0x274: {  	[tilespmem:s11+$0x180] =	vst v9  }
0x275: {  	v9 =	vld.idx.msk [tilespmem:v2+s16+$0x0], $0xffff;
	_ =	sdelay $0x5  }
0x276: {  	[tilespmem:s11+$0x190] =	vst v9  }
0x277: {  	v9 =	vld.idx.msk [tilespmem:v3+s16+$0x0], $0xffff;
	_ =	sdelay $0x5  }
0x278: {  	[tilespmem:s11+$0x1A0] =	vst v9  }
0x279: {  	v9 =	vld.idx.msk [tilespmem:v4+s16+$0x0], $0xffff;
	_ =	sdelay $0x5  }
0x27a: {  	[tilespmem:s11+$0x1B0] =	vst v9  }
0x27b: {  	v9 =	vld.idx.msk [tilespmem:v5+s16+$0x0], $0xffff;
	_ =	sdelay $0x5  }
0x27c: {  	[tilespmem:s11+$0x1C0] =	vst v9  }
0x27d: {  	v9 =	vld.idx.msk [tilespmem:v6+s16+$0x0], $0xffff;
	_ =	sdelay $0x5  }
0x27e: {  	[tilespmem:s11+$0x1D0] =	vst v9  }
0x27f: {  	v9 =	vld.idx.msk [tilespmem:v7+s16+$0x0], $0xffff;
	_ =	sdelay $0x5  }
0x280: {  	[tilespmem:s11+$0x1E0] =	vst v9  }
0x281: {  	v9 =	vld.idx.msk [tilespmem:v8+s16+$0x0], $0xffff;
	_ =	sdelay $0x1  }
.Ltmp7:
0x282: {  	(pc) =	sbr.rel @p3 .LBB2_13-.Ltmp7, $2  }
0x283: {  	_ =	sdelay $0x2  }
0x284: {  	s16 =	sadd.s32 $0x2000, s16;
	[tilespmem:s11+$0x1F0] =	vst v9  }
0x285: {  	s11 =	sshll.u32 s3, $0xA;
	s3 =	sadd.s32 $0x1, s3  }
0x286: {  	p3 =	seq.s32 s3, $0x8  }
.Ltmp8:
0x287: {  	_ = 	snop;
	(pc) =	sbr.rel @!p3 .LBB2_12-.Ltmp8, $4  }
0x288: {  	s11 =	sadd.s32 s0, s11  }
0x289: {  	s11 =	sshrl.u32 s11, $0x3  }
0x28a: {  	s10 =	sadd.s32 $0x3, s10;
	s31 =	sadd.s32 $0x1, s31;
	s11 =	sadd.s32 s6, s11  }
0x28b: {  	[hbm4b:s11+s20] =	stream.strided.scatter [tilespmem:s12], [sflag:s10], $0x2000, s21, s20, $0x38;
	[tilespmem:$0x1E800] =	vst v63  }
.Ltmp9:
0x28c: {  	(pc) =	sbr.rel @!p2 .LBB2_11-.Ltmp9, $4  }
.Ltmp10:
0x28d: {  	(pc) =	sbr.rel @p2 .LBB2_15-.Ltmp10, $4  }
0x28e: {  	_ = 	snop  }
0x28f: {  	_ = 	snop  }
0x290: {  	_ = 	snop  }
0x291: {  	_ = 	snop  }
.LBB2_16:
0x292: {  	_ =	sfence.sel $0x180000  }
0x293: {  	[bflag:$0x0] =	sbarrier.arrive $0xFFFF  }
0x294: {  	_ =	strace $0x90000047  }
0x295: {  	s0 =	stileid.u32;
	[bflag:$0x2] =	sbarrier.arrive $0xFFFF  }
0x296: {  	p0 =	sne.s32 s0, $0x0;
	s0 =	rddreg [dreg:$0x5]  }
0x297: {  	s0 =	sadd.s32 @!p0 $0x100000, s0  }
0x298: {  	[sflag:s0] =	ssyncadd.tile.s32 @!p0 $0x1;
	_ =	shalt  }
.Lfunc_end2:
_tile_overlayer_lowered:
.L_overlay_start_2:
0x299: {  	(tag) =	ssettag $0x2  }
0x29a: {  	s0 =	rddreg [dreg:$0x0];
	s2 =	stileid.u32  }
0x29b: {  	s1 =	rddreg [dreg:$0x1];
	p0 =	sne.s32 s2, $0x0  }
0x29c: {  	s3 =	rddreg [dreg:$0x2];
	[bflag:$0x3] =	sbarrier.arrive $0xFFFF;
	s2 =	simm.s32 @!p0 $0x1C0A  }
0x29d: {  	[timem:s3], [sflag:s2] =	dma.local @!p0 [hbm:s0], s1  }
0x29e: {  	s0 =	simm.s32 @!p0 $0xA  }
0x29f: {  	_ =	swait.ge @!p0 [sflag:s0], s1  }
0x2a0: {  	s1 =	ssub.s32 @!p0 $0x0, s1;
	[sflag:s0] =	ssyncset.done @!p0 $0x0  }
0x2a1: {  	[sflag:s0] =	ssyncadd.s32 @!p0 s1  }
0x2a2: {  	[bflag:$0x3] =	sbarrier.arrive $0xFFFF  }
0x2a3: {  	_ =	shalt  }

</sc_bundles>
